<compile_context>
chip_gen: v7x
topology: tpu7x:2x2x1
jax: 0.10.2.dev20260603
libtpu: 0.0.44.dev20260713+nightly
codegen_flags: <defaults>
</compile_context>

<pallas_src>
import functools

import jax
import jax.numpy as jnp
import numpy as np
from jax import lax
from jax.experimental import pallas as pl
from jax.experimental.pallas import tpu as pltpu
from jax.experimental.pallas import tpu_sc as plsc

_N_FILTER = 8
_S_SUB = 5
_D_IN = 128
_K_STEP = 3
_TAO = 0.05
_N_NODES = 100000
_N_SUB = 50000

_N_PAD = 50176
_BS = 512
_GRID = _N_PAD // _BS

_N_SLICE = 2
_N_HALF = _N_PAD // _N_SLICE
_GRID_H = _N_HALF // _BS

_NW = 32
_N_FLAT = _S_SUB * _N_HALF
_ROWS_W = _N_FLAT // _NW
_CHUNK = 392
_NCH_W = _ROWS_W // _CHUNK

_PAIR = (
    (None, 0, 1, 2, 3),
    (0, None, 4, 5, 6),
    (1, 4, None, 7, 8),
    (2, 5, 7, None, 9),
    (3, 6, 8, 9, None),
)

def _rb(x):
    return x.astype(jnp.bfloat16).astype(jnp.float32)


def _sc_gather(table, idx_nat, perm):
    mesh = plsc.VectorSubcoreMesh(core_axis_name="c", subcore_axis_name="s")

    @functools.partial(
        pl.kernel,
        mesh=mesh,
        out_type=jax.ShapeDtypeStruct((_N_FLAT, _D_IN), jnp.float32),
        scratch_types=[
            pltpu.VMEM((_CHUNK,), jnp.int32),
            pltpu.VMEM((_CHUNK,), jnp.int32),
            pltpu.VMEM((_CHUNK,), jnp.int32),
            pltpu.VMEM((_CHUNK,), jnp.int32),
            pltpu.VMEM((_CHUNK, _D_IN), jnp.float32),
            pltpu.VMEM((_CHUNK, _D_IN), jnp.float32),
            pltpu.SemaphoreType.DMA,
            pltpu.SemaphoreType.DMA,
            pltpu.SemaphoreType.DMA,
            pltpu.SemaphoreType.DMA,
            pltpu.SemaphoreType.DMA,
        ],
    )
    def gk(table_hbm, idx_hbm, perm_hbm, out_hbm,
           pva, pvb, ixa, ixb, rwa, rwb, g0, g1, o0, o1, ip):
        wid = lax.axis_index("s") * 2 + lax.axis_index("c")
        base = wid * _ROWS_W
        bufs = ((pva, ixa, rwa, g0, o0), (pvb, ixb, rwb, g1, o1))

        def stage_idx(pv, ix, off):
            pltpu.sync_copy(perm_hbm.at[pl.ds(off, _CHUNK)], pv)
            pltpu.async_copy(idx_hbm.at[pv], ix, ip).wait()

        for b in range(2):
            pv, ix, rw, g, _o = bufs[b]
            stage_idx(pv, ix, base + b * _CHUNK)
            pltpu.async_copy(table_hbm.at[ix], rw, g)

        def body(j, carry):
            for b in range(2):
                pv, ix, rw, g, o = bufs[b]
                off = base + (2 * j + b) * _CHUNK
                pltpu.make_async_copy(table_hbm.at[ix], rw, g).wait()
                pltpu.async_copy(rw, out_hbm.at[pl.ds(off, _CHUNK)], o)

                @pl.when(j < _NCH_W // 2 - 1)
                def _():
                    pltpu.make_async_copy(
                        rw, out_hbm.at[pl.ds(off, _CHUNK)], o).wait()
                    stage_idx(pv, ix, off + 2 * _CHUNK)
                    pltpu.async_copy(table_hbm.at[ix], rw, g)
            return carry

        lax.fori_loop(0, _NCH_W // 2, body, 0)
        for b in range(2):
            pv, ix, rw, g, o = bufs[b]
            pltpu.make_async_copy(
                rw,
                out_hbm.at[pl.ds(base + (_NCH_W - 2 + b) * _CHUNK, _CHUNK)],
                o).wait()

    return gk(table, idx_nat, perm)


def _tc_body(g_ref, adj_ref, val_ref, ah_ref, fh_ref, out_ref, fhh_scr,
             fhh16_scr, fhsq_scr):
    @pl.when(pl.program_id(0) == 0)
    def _():
        sig = 1.0 / (1.0 + jnp.exp(-ah_ref[...]))
        sig = _rb(sig)
        for d in range(_S_SUB):
            for b in range(_N_FILTER):
                r = d * _N_FILTER + b
                fhh_scr[0, r:r + 1, :] = fh_ref[b, d:d + 1, :]
        for h in range(1, _K_STEP):
            for d in range(_S_SUB):
                acc = None
                for c in range(_S_SUB):
                    if c == d:
                        continue
                    k = _PAIR[d][c]
                    term = sig[:, k:k + 1] * _rb(fhh_scr[h - 1, c * 8:(c + 1) * 8, :])
                    acc = term if acc is None else acc + term
                fhh_scr[h, d * 8:(d + 1) * 8, :] = acc
        ones_col = jnp.ones((_D_IN, 1), jnp.bfloat16)
        for h in range(_K_STEP):
            w = fhh_scr[h]
            fhh16_scr[h, :, :] = w.astype(jnp.bfloat16)
            fhsq_scr[h, :, :] = lax.dot_general(
                (w * w).astype(jnp.bfloat16), ones_col, (((1,), (0,)), ((), ())),
                preferred_element_type=jnp.float32)

    valf = (val_ref[...] < _N_NODES).astype(jnp.float32)
    F = [g_ref[c] * valf[:, c:c + 1] for c in range(_S_SUB)]

    ones_row16 = jnp.ones((1, _D_IN), jnp.bfloat16)
    adjb = _rb(adj_ref[...])
    T = [None] * _S_SUB
    for h in range(_K_STEP):
        if h > 0:
            Fb = [_rb(f) for f in F]
            newF = []
            for r in range(_S_SUB):
                acc = adjb[:, r * 5:r * 5 + 1] * Fb[0]
                for c in range(1, _S_SUB):
                    acc = acc + adjb[:, r * 5 + c:r * 5 + c + 1] * Fb[c]
                newF.append(acc)
            F = newF
        w16 = fhh16_scr[h]
        q = fhsq_scr[h]
        for c in range(_S_SUB):
            Mt = lax.dot_general(w16, F[c].astype(jnp.bfloat16),
                                 (((1,), (1,)), ((), ())),
                                 preferred_element_type=jnp.float32)
            fsqt = lax.dot_general(ones_row16, (F[c] * F[c]).astype(jnp.bfloat16),
                                   (((1,), (1,)), ((), ())),
                                   preferred_element_type=jnp.float32)
            e = jnp.exp(-(fsqt + q - 2.0 * Mt) / _D_IN / _TAO)
            T[c] = e if h == 0 else T[c] + e

    out = T[0][0:_N_FILTER, :]
    neg = jnp.float32(-1.0)
    blocked = [jnp.full((_N_FILTER, _BS), d == 0, jnp.bool_) for d in range(_S_SUB)]
    for i in range(1, _S_SUB):
        v = [jnp.where(blocked[d], neg, T[i][d * 8:(d + 1) * 8, :])
             for d in range(_S_SUB)]
        m = v[0]
        for d in range(1, _S_SUB):
            m = jnp.maximum(m, v[d])
        out = out + m
        found = jnp.zeros((_N_FILTER, _BS), jnp.bool_)
        for d in range(_S_SUB):
            hit = (v[d] == m) & jnp.logical_not(found)
            blocked[d] = blocked[d] | hit
            found = found | hit
    out_ref[...] = out


def _tc_compute(g3, adjs2d, idx2d, adjs_hidden, features_hidden, n_out, blk0):
    return pl.pallas_call(
        _tc_body,
        grid=(g3.shape[1] // _BS,),
        in_specs=[
            pl.BlockSpec((_S_SUB, _BS, _D_IN), lambda i: (0, i, 0)),
            pl.BlockSpec((_BS, _S_SUB * _S_SUB), lambda i: (blk0 + i, 0)),
            pl.BlockSpec((_BS, _S_SUB), lambda i: (blk0 + i, 0)),
            pl.BlockSpec((_N_FILTER, 10), lambda i: (0, 0)),
            pl.BlockSpec((_N_FILTER, _S_SUB, _D_IN), lambda i: (0, 0, 0)),
        ],
        out_specs=pl.BlockSpec((_N_FILTER, _BS), lambda i: (0, i)),
        out_shape=jax.ShapeDtypeStruct((_N_FILTER, n_out), jnp.float32),
        scratch_shapes=[
            pltpu.VMEM((_K_STEP, 40, _D_IN), jnp.float32),
            pltpu.VMEM((_K_STEP, 40, _D_IN), jnp.bfloat16),
            pltpu.VMEM((_K_STEP, 40, 1), jnp.float32),
        ],
        compiler_params=pltpu.CompilerParams(
            dimension_semantics=("arbitrary",)),
    )(g3, adjs2d, idx2d, adjs_hidden, features_hidden)


def kernel(adjs, feature, idxs, adjs_hidden, features_hidden):
    idx32 = idxs.astype(jnp.int32)
    idx_nat = jnp.minimum(idx32, _N_NODES - 1).reshape(-1)
    adjs2d = adjs.reshape(_N_SUB, _S_SUB * _S_SUB)
    r = np.arange(_N_FLAT, dtype=np.int64)
    a_loc = r % _N_HALF
    c_loc = r // _N_HALF
    outs = []
    for k in range(_N_SLICE):
        a = a_loc + k * _N_HALF
        perm = jnp.asarray(
            np.where(a < _N_SUB, a * _S_SUB + c_loc, 0).astype(np.int32))
        g_flat = _sc_gather(feature, idx_nat, perm)
        g3 = g_flat.reshape(_S_SUB, _N_HALF, _D_IN)
        n_out = min(_N_HALF, _N_SUB - k * _N_HALF)
        outs.append(_tc_compute(g3, adjs2d, idx32, adjs_hidden,
                                features_hidden, n_out,
                                k * (_N_HALF // _BS)))
    if _N_SLICE == 1:
        return outs[0].T
    return jnp.concatenate(outs, axis=1).T

# --- scband reference (transcript-rebuilt; emitter-appended) ---
"""Pipeline reference for scband-kc-layer-73813307949286 (READ-ONLY COPY).

The authoritative reference and input builder live on the scoring server;
editing this copy changes nothing except your own understanding.
"""

import jax, jax.numpy as jnp
import numpy as np

N_FILTER = 8
S_SUB = 5
D_IN = 128
K_STEP = 3
TAO = 0.05
N_NODES = 100000
N_SUB = 50000


def setup_inputs(seed: int = 0) -> dict:
    key = jax.random.key(seed)
    k1, k2, k3, k4, k5 = jax.random.split(key, 5)
    adjs = jax.random.uniform(k1, (N_SUB, S_SUB, S_SUB), dtype=jnp.float32)
    feature = jax.random.normal(k2, (N_NODES, D_IN), dtype=jnp.float32)
    idxs = jax.random.randint(k3, (N_SUB, S_SUB), 0, N_NODES + 1, dtype=jnp.int64) if jax.config.jax_enable_x64 else jax.random.randint(k3, (N_SUB, S_SUB), 0, N_NODES + 1)
    adjs_hidden = jax.random.uniform(k4, (N_FILTER, S_SUB * (S_SUB - 1) // 2), minval=-1.0, maxval=1.0, dtype=jnp.float32)
    features_hidden = jax.random.uniform(k5, (N_FILTER, S_SUB, D_IN), minval=-1.0, maxval=1.0, dtype=jnp.float32)
    return {"adjs": adjs, "feature": feature, "idxs": idxs, "adjs_hidden": adjs_hidden, "features_hidden": features_hidden}


def _forward(adjs, feature, adjs_hidden, features_hidden, idxs):
    iu0, iu1 = jnp.triu_indices(S_SUB, k=1)
    sig = jax.nn.sigmoid(adjs_hidden)
    A = jnp.zeros((N_FILTER, S_SUB, S_SUB), dtype=jnp.float32)
    A = A.at[:, iu0, iu1].set(sig)
    A = A.at[:, iu1, iu0].set(sig)
    feat = jnp.concatenate([feature, jnp.zeros((1, feature.shape[1]), dtype=feature.dtype)], axis=0)
    features = feat[idxs]  # [n_sub, s_sub, d] gather
    fh = features_hidden
    total = jnp.zeros((N_SUB, N_FILTER, S_SUB, S_SUB), dtype=jnp.float32)
    for hop in range(K_STEP):
        if hop != 0:
            features = adjs @ features
            fh = A @ fh
        f_sq = jnp.einsum('ace,bde->abcd', features * features, jnp.ones_like(fh))
        fh_sq = jnp.einsum('ace,bde->abcd', jnp.ones_like(features), fh * fh)
        ffh = jnp.einsum('ace,bde->abcd', features, fh)
        total = total + jnp.exp(-(f_sq + fh_sq - 2.0 * ffh) / D_IN / TAO)
    similarity = total
    mask = jnp.zeros_like(total).at[:, :, 0, 0].set(1.0)
    similarity = similarity.at[:, :, :, 0].set(-1.0)
    for i in range(1, S_SUB):
        idx = jnp.argmax(similarity[:, :, i, :], axis=2)  # [n_sub, n_filter]
        oh = jax.nn.one_hot(idx, S_SUB, dtype=jnp.float32)
        mask = mask.at[:, :, i, :].set(oh)  # scatter-overwrite ones at argmax
        similarity = jnp.where(oh[:, :, None, :] > 0, -1.0, similarity)  # block chosen column for all rows
    out = jnp.sum(total * mask, axis=(2, 3))
    return out


def reference(adjs, feature, idxs, adjs_hidden, features_hidden):
    return _forward(adjs, feature, adjs_hidden, features_hidden, idxs)

if __name__ == "__main__":
    import jax
    _d = setup_inputs()
    print(jax.jit(kernel)(*tuple(_d.values())))

</pallas_src>

<mosaic_0001>
#map = affine_map<(d0, d1) -> (0, 0)>
#map1 = affine_map<(d0, d1) -> (0)>
module attributes {stable_mosaic.version = 14 : i64} {
  func.func @gk(%arg0: i32, %arg1: i32, %arg2: memref<100000x128xf32, #tpu.memory_space<hbm>>, %arg3: memref<250000xi32, #tpu.memory_space<hbm>>, %arg4: memref<125440xi32, #tpu.memory_space<hbm>>, %arg5: memref<125440x128xf32, #tpu.memory_space<hbm>>, %arg6: memref<392xi32, #tpu.memory_space<vmem>>, %arg7: memref<392xi32, #tpu.memory_space<vmem>>, %arg8: memref<392xi32, #tpu.memory_space<vmem>>, %arg9: memref<392xi32, #tpu.memory_space<vmem>>, %arg10: memref<392x128xf32, #tpu.memory_space<vmem>>, %arg11: memref<392x128xf32, #tpu.memory_space<vmem>>, %arg12: memref<!tpu.dma_semaphore, #tpu.memory_space<semaphore_mem>>, %arg13: memref<!tpu.dma_semaphore, #tpu.memory_space<semaphore_mem>>, %arg14: memref<!tpu.dma_semaphore, #tpu.memory_space<semaphore_mem>>, %arg15: memref<!tpu.dma_semaphore, #tpu.memory_space<semaphore_mem>>, %arg16: memref<!tpu.dma_semaphore, #tpu.memory_space<semaphore_mem>>) attributes {dimension_semantics = [#tpu.dimension_semantics<core_parallel>, #tpu.dimension_semantics<subcore_parallel>], iteration_bounds = array<i64: 2, 16>, scalar_prefetch = 0 : i64, scratch_operands = 11 : i64, tpu.core_type = #tpu.core_type<sc_vector_subcore>, window_params = [{transform_indices = #map}, {transform_indices = #map1}, {transform_indices = #map1}, {transform_indices = #map}]} {
    %mul3A = arith.constant 2 : i32
    %mul3A_0 = arith.muli %arg1, %mul3A : i32
    %add3A = arith.addi %mul3A_0, %arg0 : i32
    %mul3A_1 = arith.constant 3920 : i32
    %mul3A_2 = arith.muli %add3A, %mul3A_1 : i32
    %add3A_3 = arith.constant 0 : i32
    %add3A_4 = arith.addi %mul3A_2, %add3A_3 : i32
    "tpu.region"() ({
      %run_scoped3A = tpu.sem_alloc : memref<!tpu.dma_semaphore, #tpu.memory_space<semaphore_mem>>
      %dma_start3A_36 = tpu.memref_slice %arg4[%add3A_4] : memref<125440xi32, #tpu.memory_space<hbm>> -> memref<392xi32, #tpu.memory_space<hbm>>
      %dma_start3A_37 = tpu.memref_slice %arg4[%add3A_4] : memref<125440xi32, #tpu.memory_space<hbm>> -> memref<392xi32, #tpu.memory_space<hbm>>
      tpu.enqueue_dma source(%dma_start3A_37 : memref<392xi32, #tpu.memory_space<hbm>>) target(%arg6 : memref<392xi32, #tpu.memory_space<vmem>>) target_semaphore(%run_scoped3A : memref<!tpu.dma_semaphore, #tpu.memory_space<semaphore_mem>>)
      %dma_wait3A_38 = tpu.memref_slice %arg4[%add3A_4] : memref<125440xi32, #tpu.memory_space<hbm>> -> memref<392xi32, #tpu.memory_space<hbm>>
      %dma_wait3A_39 = tpu.memref_slice %arg4[%add3A_4] : memref<125440xi32, #tpu.memory_space<hbm>> -> memref<392xi32, #tpu.memory_space<hbm>>
      tpu.wait_dma2 semaphore(%run_scoped3A : memref<!tpu.dma_semaphore, #tpu.memory_space<semaphore_mem>>) src(%dma_wait3A_39 : memref<392xi32, #tpu.memory_space<hbm>>) dst(%arg6 : memref<392xi32, #tpu.memory_space<vmem>>)
      tpu.yield
    }) : () -> ()
    %dma_start3A = arith.constant 0 : i32
    %dma_start3A_5 = tpu.memref_slice %arg3[%dma_start3A] : memref<250000xi32, #tpu.memory_space<hbm>> -> memref<250000xi32, #tpu.memory_space<hbm>>
    tpu.enqueue_indirect_dma source(%dma_start3A_5 : memref<250000xi32, #tpu.memory_space<hbm>>) target(%arg8 : memref<392xi32, #tpu.memory_space<vmem>>) offsets(%arg6 : memref<392xi32, #tpu.memory_space<vmem>>) semaphore(%arg16 : memref<!tpu.dma_semaphore, #tpu.memory_space<semaphore_mem>>)
    %dma_wait3A = arith.constant 0 : i32
    %dma_wait3A_6 = tpu.memref_slice %arg3[%dma_wait3A] : memref<250000xi32, #tpu.memory_space<hbm>> -> memref<250000xi32, #tpu.memory_space<hbm>>
    tpu.wait_indirect_dma semaphore(%arg16 : memref<!tpu.dma_semaphore, #tpu.memory_space<semaphore_mem>>) src(%dma_wait3A_6 : memref<250000xi32, #tpu.memory_space<hbm>>) dst(%arg8 : memref<392xi32, #tpu.memory_space<vmem>>)
    %dma_start3A_7 = arith.constant 0 : i32
    %dma_start3A_8 = arith.constant 0 : i32
    %dma_start3A_9 = tpu.memref_slice %arg2[%dma_start3A_7, %dma_start3A_8] : memref<100000x128xf32, #tpu.memory_space<hbm>> -> memref<100000x128xf32, #tpu.memory_space<hbm>>
    tpu.enqueue_indirect_dma source(%dma_start3A_9 : memref<100000x128xf32, #tpu.memory_space<hbm>>) target(%arg10 : memref<392x128xf32, #tpu.memory_space<vmem>>) offsets(%arg8 : memref<392xi32, #tpu.memory_space<vmem>>) semaphore(%arg12 : memref<!tpu.dma_semaphore, #tpu.memory_space<semaphore_mem>>)
    %add3A_10 = arith.constant 392 : i32
    %add3A_11 = arith.addi %mul3A_2, %add3A_10 : i32
    "tpu.region"() ({
      %run_scoped3A = tpu.sem_alloc : memref<!tpu.dma_semaphore, #tpu.memory_space<semaphore_mem>>
      %dma_start3A_36 = tpu.memref_slice %arg4[%add3A_11] : memref<125440xi32, #tpu.memory_space<hbm>> -> memref<392xi32, #tpu.memory_space<hbm>>
      %dma_start3A_37 = tpu.memref_slice %arg4[%add3A_11] : memref<125440xi32, #tpu.memory_space<hbm>> -> memref<392xi32, #tpu.memory_space<hbm>>
      tpu.enqueue_dma source(%dma_start3A_37 : memref<392xi32, #tpu.memory_space<hbm>>) target(%arg7 : memref<392xi32, #tpu.memory_space<vmem>>) target_semaphore(%run_scoped3A : memref<!tpu.dma_semaphore, #tpu.memory_space<semaphore_mem>>)
      %dma_wait3A_38 = tpu.memref_slice %arg4[%add3A_11] : memref<125440xi32, #tpu.memory_space<hbm>> -> memref<392xi32, #tpu.memory_space<hbm>>
      %dma_wait3A_39 = tpu.memref_slice %arg4[%add3A_11] : memref<125440xi32, #tpu.memory_space<hbm>> -> memref<392xi32, #tpu.memory_space<hbm>>
      tpu.wait_dma2 semaphore(%run_scoped3A : memref<!tpu.dma_semaphore, #tpu.memory_space<semaphore_mem>>) src(%dma_wait3A_39 : memref<392xi32, #tpu.memory_space<hbm>>) dst(%arg7 : memref<392xi32, #tpu.memory_space<vmem>>)
      tpu.yield
    }) : () -> ()
    %dma_start3A_12 = arith.constant 0 : i32
    %dma_start3A_13 = tpu.memref_slice %arg3[%dma_start3A_12] : memref<250000xi32, #tpu.memory_space<hbm>> -> memref<250000xi32, #tpu.memory_space<hbm>>
    tpu.enqueue_indirect_dma source(%dma_start3A_13 : memref<250000xi32, #tpu.memory_space<hbm>>) target(%arg9 : memref<392xi32, #tpu.memory_space<vmem>>) offsets(%arg7 : memref<392xi32, #tpu.memory_space<vmem>>) semaphore(%arg16 : memref<!tpu.dma_semaphore, #tpu.memory_space<semaphore_mem>>)
    %dma_wait3A_14 = arith.constant 0 : i32
    %dma_wait3A_15 = tpu.memref_slice %arg3[%dma_wait3A_14] : memref<250000xi32, #tpu.memory_space<hbm>> -> memref<250000xi32, #tpu.memory_space<hbm>>
    tpu.wait_indirect_dma semaphore(%arg16 : memref<!tpu.dma_semaphore, #tpu.memory_space<semaphore_mem>>) src(%dma_wait3A_15 : memref<250000xi32, #tpu.memory_space<hbm>>) dst(%arg9 : memref<392xi32, #tpu.memory_space<vmem>>)
    %dma_start3A_16 = arith.constant 0 : i32
    %dma_start3A_17 = arith.constant 0 : i32
    %dma_start3A_18 = tpu.memref_slice %arg2[%dma_start3A_16, %dma_start3A_17] : memref<100000x128xf32, #tpu.memory_space<hbm>> -> memref<100000x128xf32, #tpu.memory_space<hbm>>
    tpu.enqueue_indirect_dma source(%dma_start3A_18 : memref<100000x128xf32, #tpu.memory_space<hbm>>) target(%arg11 : memref<392x128xf32, #tpu.memory_space<vmem>>) offsets(%arg9 : memref<392xi32, #tpu.memory_space<vmem>>) semaphore(%arg13 : memref<!tpu.dma_semaphore, #tpu.memory_space<semaphore_mem>>)
    %scan3A = arith.constant 0 : i32
    %scan3A_19 = arith.constant 0 : i32
    %scan3A_20 = arith.constant 5 : i32
    %scan3A_21 = arith.addi %scan3A_19, %scan3A_20 : i32
    %scan3A_22 = arith.constant 1 : i32
    scf.for %scan3A_36 = %scan3A_19 to %scan3A_21 step %scan3A_22  : i32 {
      %mul3A_37 = arith.constant 2 : i32
      %mul3A_38 = arith.muli %mul3A_37, %scan3A_36 : i32
      %add3A_39 = arith.constant 0 : i32
      %add3A_40 = arith.addi %mul3A_38, %add3A_39 : i32
      %mul3A_41 = arith.constant 392 : i32
      %mul3A_42 = arith.muli %add3A_40, %mul3A_41 : i32
      %add3A_43 = arith.addi %mul3A_2, %mul3A_42 : i32
      %dma_wait3A_44 = arith.constant 0 : i32
      %dma_wait3A_45 = arith.constant 0 : i32
      %dma_wait3A_46 = tpu.memref_slice %arg2[%dma_wait3A_44, %dma_wait3A_45] : memref<100000x128xf32, #tpu.memory_space<hbm>> -> memref<100000x128xf32, #tpu.memory_space<hbm>>
      tpu.wait_indirect_dma semaphore(%arg12 : memref<!tpu.dma_semaphore, #tpu.memory_space<semaphore_mem>>) src(%dma_wait3A_46 : memref<100000x128xf32, #tpu.memory_space<hbm>>) dst(%arg10 : memref<392x128xf32, #tpu.memory_space<vmem>>)
      %dma_start3A_47 = arith.constant 0 : i32
      %dma_start3A_48 = tpu.memref_slice %arg5[%add3A_43, %dma_start3A_47] : memref<125440x128xf32, #tpu.memory_space<hbm>> -> memref<392x128xf32, #tpu.memory_space<hbm>>
      %dma_start3A_49 = arith.constant 0 : i32
      %dma_start3A_50 = tpu.memref_slice %arg5[%add3A_43, %dma_start3A_49] : memref<125440x128xf32, #tpu.memory_space<hbm>> -> memref<392x128xf32, #tpu.memory_space<hbm>>
      tpu.enqueue_dma source(%arg10 : memref<392x128xf32, #tpu.memory_space<vmem>>) target(%dma_start3A_50 : memref<392x128xf32, #tpu.memory_space<hbm>>) target_semaphore(%arg14 : memref<!tpu.dma_semaphore, #tpu.memory_space<semaphore_mem>>)
      %lt3A = arith.constant 4 : i32
      %lt3A_51 = arith.cmpi slt, %scan3A_36, %lt3A : i32
      %convert_element_type3A = arith.extui %lt3A_51 : i1 to i32
      %cond3A = arith.constant 0 : i32
      %cond3A_52 = arith.cmpi ne, %convert_element_type3A, %cond3A : i32
      scf.if %cond3A_52 {
        %dma_wait3A_72 = arith.constant 0 : i32
        %dma_wait3A_73 = tpu.memref_slice %arg5[%add3A_43, %dma_wait3A_72] : memref<125440x128xf32, #tpu.memory_space<hbm>> -> memref<392x128xf32, #tpu.memory_space<hbm>>
        %dma_wait3A_74 = arith.constant 0 : i32
        %dma_wait3A_75 = tpu.memref_slice %arg5[%add3A_43, %dma_wait3A_74] : memref<125440x128xf32, #tpu.memory_space<hbm>> -> memref<392x128xf32, #tpu.memory_space<hbm>>
        tpu.wait_dma2 semaphore(%arg14 : memref<!tpu.dma_semaphore, #tpu.memory_space<semaphore_mem>>) src(%arg10 : memref<392x128xf32, #tpu.memory_space<vmem>>) dst(%dma_wait3A_75 : memref<392x128xf32, #tpu.memory_space<hbm>>)
        %add3A_76 = arith.constant 784 : i32
        %add3A_77 = arith.addi %add3A_43, %add3A_76 : i32
        "tpu.region"() ({
          %run_scoped3A = tpu.sem_alloc : memref<!tpu.dma_semaphore, #tpu.memory_space<semaphore_mem>>
          %dma_start3A_85 = tpu.memref_slice %arg4[%add3A_77] : memref<125440xi32, #tpu.memory_space<hbm>> -> memref<392xi32, #tpu.memory_space<hbm>>
          %dma_start3A_86 = tpu.memref_slice %arg4[%add3A_77] : memref<125440xi32, #tpu.memory_space<hbm>> -> memref<392xi32, #tpu.memory_space<hbm>>
          tpu.enqueue_dma source(%dma_start3A_86 : memref<392xi32, #tpu.memory_space<hbm>>) target(%arg6 : memref<392xi32, #tpu.memory_space<vmem>>) target_semaphore(%run_scoped3A : memref<!tpu.dma_semaphore, #tpu.memory_space<semaphore_mem>>)
          %dma_wait3A_87 = tpu.memref_slice %arg4[%add3A_77] : memref<125440xi32, #tpu.memory_space<hbm>> -> memref<392xi32, #tpu.memory_space<hbm>>
          %dma_wait3A_88 = tpu.memref_slice %arg4[%add3A_77] : memref<125440xi32, #tpu.memory_space<hbm>> -> memref<392xi32, #tpu.memory_space<hbm>>
          tpu.wait_dma2 semaphore(%run_scoped3A : memref<!tpu.dma_semaphore, #tpu.memory_space<semaphore_mem>>) src(%dma_wait3A_88 : memref<392xi32, #tpu.memory_space<hbm>>) dst(%arg6 : memref<392xi32, #tpu.memory_space<vmem>>)
          tpu.yield
        }) : () -> ()
        %dma_start3A_78 = arith.constant 0 : i32
        %dma_start3A_79 = tpu.memref_slice %arg3[%dma_start3A_78] : memref<250000xi32, #tpu.memory_space<hbm>> -> memref<250000xi32, #tpu.memory_space<hbm>>
        tpu.enqueue_indirect_dma source(%dma_start3A_79 : memref<250000xi32, #tpu.memory_space<hbm>>) target(%arg8 : memref<392xi32, #tpu.memory_space<vmem>>) offsets(%arg6 : memref<392xi32, #tpu.memory_space<vmem>>) semaphore(%arg16 : memref<!tpu.dma_semaphore, #tpu.memory_space<semaphore_mem>>)
        %dma_wait3A_80 = arith.constant 0 : i32
        %dma_wait3A_81 = tpu.memref_slice %arg3[%dma_wait3A_80] : memref<250000xi32, #tpu.memory_space<hbm>> -> memref<250000xi32, #tpu.memory_space<hbm>>
        tpu.wait_indirect_dma semaphore(%arg16 : memref<!tpu.dma_semaphore, #tpu.memory_space<semaphore_mem>>) src(%dma_wait3A_81 : memref<250000xi32, #tpu.memory_space<hbm>>) dst(%arg8 : memref<392xi32, #tpu.memory_space<vmem>>)
        %dma_start3A_82 = arith.constant 0 : i32
        %dma_start3A_83 = arith.constant 0 : i32
        %dma_start3A_84 = tpu.memref_slice %arg2[%dma_start3A_82, %dma_start3A_83] : memref<100000x128xf32, #tpu.memory_space<hbm>> -> memref<100000x128xf32, #tpu.memory_space<hbm>>
        tpu.enqueue_indirect_dma source(%dma_start3A_84 : memref<100000x128xf32, #tpu.memory_space<hbm>>) target(%arg10 : memref<392x128xf32, #tpu.memory_space<vmem>>) offsets(%arg8 : memref<392xi32, #tpu.memory_space<vmem>>) semaphore(%arg12 : memref<!tpu.dma_semaphore, #tpu.memory_space<semaphore_mem>>)
      } else {
      }
      %mul3A_53 = arith.constant 2 : i32
      %mul3A_54 = arith.muli %mul3A_53, %scan3A_36 : i32
      %add3A_55 = arith.constant 1 : i32
      %add3A_56 = arith.addi %mul3A_54, %add3A_55 : i32
      %mul3A_57 = arith.constant 392 : i32
      %mul3A_58 = arith.muli %add3A_56, %mul3A_57 : i32
      %add3A_59 = arith.addi %mul3A_2, %mul3A_58 : i32
      %dma_wait3A_60 = arith.constant 0 : i32
      %dma_wait3A_61 = arith.constant 0 : i32
      %dma_wait3A_62 = tpu.memref_slice %arg2[%dma_wait3A_60, %dma_wait3A_61] : memref<100000x128xf32, #tpu.memory_space<hbm>> -> memref<100000x128xf32, #tpu.memory_space<hbm>>
      tpu.wait_indirect_dma semaphore(%arg13 : memref<!tpu.dma_semaphore, #tpu.memory_space<semaphore_mem>>) src(%dma_wait3A_62 : memref<100000x128xf32, #tpu.memory_space<hbm>>) dst(%arg11 : memref<392x128xf32, #tpu.memory_space<vmem>>)
      %dma_start3A_63 = arith.constant 0 : i32
      %dma_start3A_64 = tpu.memref_slice %arg5[%add3A_59, %dma_start3A_63] : memref<125440x128xf32, #tpu.memory_space<hbm>> -> memref<392x128xf32, #tpu.memory_space<hbm>>
      %dma_start3A_65 = arith.constant 0 : i32
      %dma_start3A_66 = tpu.memref_slice %arg5[%add3A_59, %dma_start3A_65] : memref<125440x128xf32, #tpu.memory_space<hbm>> -> memref<392x128xf32, #tpu.memory_space<hbm>>
      tpu.enqueue_dma source(%arg11 : memref<392x128xf32, #tpu.memory_space<vmem>>) target(%dma_start3A_66 : memref<392x128xf32, #tpu.memory_space<hbm>>) target_semaphore(%arg15 : memref<!tpu.dma_semaphore, #tpu.memory_space<semaphore_mem>>)
      %lt3A_67 = arith.constant 4 : i32
      %lt3A_68 = arith.cmpi slt, %scan3A_36, %lt3A_67 : i32
      %convert_element_type3A_69 = arith.extui %lt3A_68 : i1 to i32
      %cond3A_70 = arith.constant 0 : i32
      %cond3A_71 = arith.cmpi ne, %convert_element_type3A_69, %cond3A_70 : i32
      scf.if %cond3A_71 {
        %dma_wait3A_72 = arith.constant 0 : i32
        %dma_wait3A_73 = tpu.memref_slice %arg5[%add3A_59, %dma_wait3A_72] : memref<125440x128xf32, #tpu.memory_space<hbm>> -> memref<392x128xf32, #tpu.memory_space<hbm>>
        %dma_wait3A_74 = arith.constant 0 : i32
        %dma_wait3A_75 = tpu.memref_slice %arg5[%add3A_59, %dma_wait3A_74] : memref<125440x128xf32, #tpu.memory_space<hbm>> -> memref<392x128xf32, #tpu.memory_space<hbm>>
        tpu.wait_dma2 semaphore(%arg15 : memref<!tpu.dma_semaphore, #tpu.memory_space<semaphore_mem>>) src(%arg11 : memref<392x128xf32, #tpu.memory_space<vmem>>) dst(%dma_wait3A_75 : memref<392x128xf32, #tpu.memory_space<hbm>>)
        %add3A_76 = arith.constant 784 : i32
        %add3A_77 = arith.addi %add3A_59, %add3A_76 : i32
        "tpu.region"() ({
          %run_scoped3A = tpu.sem_alloc : memref<!tpu.dma_semaphore, #tpu.memory_space<semaphore_mem>>
          %dma_start3A_85 = tpu.memref_slice %arg4[%add3A_77] : memref<125440xi32, #tpu.memory_space<hbm>> -> memref<392xi32, #tpu.memory_space<hbm>>
          %dma_start3A_86 = tpu.memref_slice %arg4[%add3A_77] : memref<125440xi32, #tpu.memory_space<hbm>> -> memref<392xi32, #tpu.memory_space<hbm>>
          tpu.enqueue_dma source(%dma_start3A_86 : memref<392xi32, #tpu.memory_space<hbm>>) target(%arg7 : memref<392xi32, #tpu.memory_space<vmem>>) target_semaphore(%run_scoped3A : memref<!tpu.dma_semaphore, #tpu.memory_space<semaphore_mem>>)
          %dma_wait3A_87 = tpu.memref_slice %arg4[%add3A_77] : memref<125440xi32, #tpu.memory_space<hbm>> -> memref<392xi32, #tpu.memory_space<hbm>>
          %dma_wait3A_88 = tpu.memref_slice %arg4[%add3A_77] : memref<125440xi32, #tpu.memory_space<hbm>> -> memref<392xi32, #tpu.memory_space<hbm>>
          tpu.wait_dma2 semaphore(%run_scoped3A : memref<!tpu.dma_semaphore, #tpu.memory_space<semaphore_mem>>) src(%dma_wait3A_88 : memref<392xi32, #tpu.memory_space<hbm>>) dst(%arg7 : memref<392xi32, #tpu.memory_space<vmem>>)
          tpu.yield
        }) : () -> ()
        %dma_start3A_78 = arith.constant 0 : i32
        %dma_start3A_79 = tpu.memref_slice %arg3[%dma_start3A_78] : memref<250000xi32, #tpu.memory_space<hbm>> -> memref<250000xi32, #tpu.memory_space<hbm>>
        tpu.enqueue_indirect_dma source(%dma_start3A_79 : memref<250000xi32, #tpu.memory_space<hbm>>) target(%arg9 : memref<392xi32, #tpu.memory_space<vmem>>) offsets(%arg7 : memref<392xi32, #tpu.memory_space<vmem>>) semaphore(%arg16 : memref<!tpu.dma_semaphore, #tpu.memory_space<semaphore_mem>>)
        %dma_wait3A_80 = arith.constant 0 : i32
        %dma_wait3A_81 = tpu.memref_slice %arg3[%dma_wait3A_80] : memref<250000xi32, #tpu.memory_space<hbm>> -> memref<250000xi32, #tpu.memory_space<hbm>>
        tpu.wait_indirect_dma semaphore(%arg16 : memref<!tpu.dma_semaphore, #tpu.memory_space<semaphore_mem>>) src(%dma_wait3A_81 : memref<250000xi32, #tpu.memory_space<hbm>>) dst(%arg9 : memref<392xi32, #tpu.memory_space<vmem>>)
        %dma_start3A_82 = arith.constant 0 : i32
        %dma_start3A_83 = arith.constant 0 : i32
        %dma_start3A_84 = tpu.memref_slice %arg2[%dma_start3A_82, %dma_start3A_83] : memref<100000x128xf32, #tpu.memory_space<hbm>> -> memref<100000x128xf32, #tpu.memory_space<hbm>>
        tpu.enqueue_indirect_dma source(%dma_start3A_84 : memref<100000x128xf32, #tpu.memory_space<hbm>>) target(%arg11 : memref<392x128xf32, #tpu.memory_space<vmem>>) offsets(%arg9 : memref<392xi32, #tpu.memory_space<vmem>>) semaphore(%arg13 : memref<!tpu.dma_semaphore, #tpu.memory_space<semaphore_mem>>)
      } else {
      }
    }
    %scan3A_23 = arith.constant 5 : i32
    %add3A_24 = arith.constant 3136 : i32
    %add3A_25 = arith.addi %mul3A_2, %add3A_24 : i32
    %dma_wait3A_26 = arith.constant 0 : i32
    %dma_wait3A_27 = tpu.memref_slice %arg5[%add3A_25, %dma_wait3A_26] : memref<125440x128xf32, #tpu.memory_space<hbm>> -> memref<392x128xf32, #tpu.memory_space<hbm>>
    %dma_wait3A_28 = arith.constant 0 : i32
    %dma_wait3A_29 = tpu.memref_slice %arg5[%add3A_25, %dma_wait3A_28] : memref<125440x128xf32, #tpu.memory_space<hbm>> -> memref<392x128xf32, #tpu.memory_space<hbm>>
    tpu.wait_dma2 semaphore(%arg14 : memref<!tpu.dma_semaphore, #tpu.memory_space<semaphore_mem>>) src(%arg10 : memref<392x128xf32, #tpu.memory_space<vmem>>) dst(%dma_wait3A_29 : memref<392x128xf32, #tpu.memory_space<hbm>>)
    %add3A_30 = arith.constant 3528 : i32
    %add3A_31 = arith.addi %mul3A_2, %add3A_30 : i32
    %dma_wait3A_32 = arith.constant 0 : i32
    %dma_wait3A_33 = tpu.memref_slice %arg5[%add3A_31, %dma_wait3A_32] : memref<125440x128xf32, #tpu.memory_space<hbm>> -> memref<392x128xf32, #tpu.memory_space<hbm>>
    %dma_wait3A_34 = arith.constant 0 : i32
    %dma_wait3A_35 = tpu.memref_slice %arg5[%add3A_31, %dma_wait3A_34] : memref<125440x128xf32, #tpu.memory_space<hbm>> -> memref<392x128xf32, #tpu.memory_space<hbm>>
    tpu.wait_dma2 semaphore(%arg15 : memref<!tpu.dma_semaphore, #tpu.memory_space<semaphore_mem>>) src(%arg11 : memref<392x128xf32, #tpu.memory_space<vmem>>) dst(%dma_wait3A_35 : memref<392x128xf32, #tpu.memory_space<hbm>>)
    return
  }
}

#map = affine_map<(d0, d1) -> (0, 0)>
#map1 = affine_map<(d0, d1) -> (0)>
module attributes {stable_mosaic.version = 14 : i64} {
  func.func @gk(%arg0: i32, %arg1: i32, %arg2: memref<100000x128xf32, #tpu.memory_space<hbm>>, %arg3: memref<250000xi32, #tpu.memory_space<hbm>>, %arg4: memref<125440xi32, #tpu.memory_space<hbm>>, %arg5: memref<125440x128xf32, #tpu.memory_space<hbm>>, %arg6: memref<392xi32, #tpu.memory_space<vmem>>, %arg7: memref<392xi32, #tpu.memory_space<vmem>>, %arg8: memref<392xi32, #tpu.memory_space<vmem>>, %arg9: memref<392xi32, #tpu.memory_space<vmem>>, %arg10: memref<392x128xf32, #tpu.memory_space<vmem>>, %arg11: memref<392x128xf32, #tpu.memory_space<vmem>>, %arg12: memref<!tpu.dma_semaphore, #tpu.memory_space<semaphore_mem>>, %arg13: memref<!tpu.dma_semaphore, #tpu.memory_space<semaphore_mem>>, %arg14: memref<!tpu.dma_semaphore, #tpu.memory_space<semaphore_mem>>, %arg15: memref<!tpu.dma_semaphore, #tpu.memory_space<semaphore_mem>>, %arg16: memref<!tpu.dma_semaphore, #tpu.memory_space<semaphore_mem>>) attributes {dimension_semantics = [#tpu.dimension_semantics<core_parallel>, #tpu.dimension_semantics<subcore_parallel>], iteration_bounds = array<i64: 2, 16>, scalar_prefetch = 0 : i64, scratch_operands = 11 : i64, tpu.core_type = #tpu.core_type<sc_vector_subcore>, window_params = [{transform_indices = #map}, {transform_indices = #map1}, {transform_indices = #map1}, {transform_indices = #map}]} {
    %mul3A = arith.constant 2 : i32
    %mul3A_0 = arith.muli %arg1, %mul3A : i32
    %add3A = arith.addi %mul3A_0, %arg0 : i32
    %mul3A_1 = arith.constant 3920 : i32
    %mul3A_2 = arith.muli %add3A, %mul3A_1 : i32
    %add3A_3 = arith.constant 0 : i32
    %add3A_4 = arith.addi %mul3A_2, %add3A_3 : i32
    "tpu.region"() ({
      %run_scoped3A = tpu.sem_alloc : memref<!tpu.dma_semaphore, #tpu.memory_space<semaphore_mem>>
      %dma_start3A_36 = tpu.memref_slice %arg4[%add3A_4] : memref<125440xi32, #tpu.memory_space<hbm>> -> memref<392xi32, #tpu.memory_space<hbm>>
      %dma_start3A_37 = tpu.memref_slice %arg4[%add3A_4] : memref<125440xi32, #tpu.memory_space<hbm>> -> memref<392xi32, #tpu.memory_space<hbm>>
      tpu.enqueue_dma source(%dma_start3A_37 : memref<392xi32, #tpu.memory_space<hbm>>) target(%arg6 : memref<392xi32, #tpu.memory_space<vmem>>) target_semaphore(%run_scoped3A : memref<!tpu.dma_semaphore, #tpu.memory_space<semaphore_mem>>)
      %dma_wait3A_38 = tpu.memref_slice %arg4[%add3A_4] : memref<125440xi32, #tpu.memory_space<hbm>> -> memref<392xi32, #tpu.memory_space<hbm>>
      %dma_wait3A_39 = tpu.memref_slice %arg4[%add3A_4] : memref<125440xi32, #tpu.memory_space<hbm>> -> memref<392xi32, #tpu.memory_space<hbm>>
      tpu.wait_dma2 semaphore(%run_scoped3A : memref<!tpu.dma_semaphore, #tpu.memory_space<semaphore_mem>>) src(%dma_wait3A_39 : memref<392xi32, #tpu.memory_space<hbm>>) dst(%arg6 : memref<392xi32, #tpu.memory_space<vmem>>)
      tpu.yield
    }) : () -> ()
    %dma_start3A = arith.constant 0 : i32
    %dma_start3A_5 = tpu.memref_slice %arg3[%dma_start3A] : memref<250000xi32, #tpu.memory_space<hbm>> -> memref<250000xi32, #tpu.memory_space<hbm>>
    tpu.enqueue_indirect_dma source(%dma_start3A_5 : memref<250000xi32, #tpu.memory_space<hbm>>) target(%arg8 : memref<392xi32, #tpu.memory_space<vmem>>) offsets(%arg6 : memref<392xi32, #tpu.memory_space<vmem>>) semaphore(%arg16 : memref<!tpu.dma_semaphore, #tpu.memory_space<semaphore_mem>>)
    %dma_wait3A = arith.constant 0 : i32
    %dma_wait3A_6 = tpu.memref_slice %arg3[%dma_wait3A] : memref<250000xi32, #tpu.memory_space<hbm>> -> memref<250000xi32, #tpu.memory_space<hbm>>
    tpu.wait_indirect_dma semaphore(%arg16 : memref<!tpu.dma_semaphore, #tpu.memory_space<semaphore_mem>>) src(%dma_wait3A_6 : memref<250000xi32, #tpu.memory_space<hbm>>) dst(%arg8 : memref<392xi32, #tpu.memory_space<vmem>>)
    %dma_start3A_7 = arith.constant 0 : i32
    %dma_start3A_8 = arith.constant 0 : i32
    %dma_start3A_9 = tpu.memref_slice %arg2[%dma_start3A_7, %dma_start3A_8] : memref<100000x128xf32, #tpu.memory_space<hbm>> -> memref<100000x128xf32, #tpu.memory_space<hbm>>
    tpu.enqueue_indirect_dma source(%dma_start3A_9 : memref<100000x128xf32, #tpu.memory_space<hbm>>) target(%arg10 : memref<392x128xf32, #tpu.memory_space<vmem>>) offsets(%arg8 : memref<392xi32, #tpu.memory_space<vmem>>) semaphore(%arg12 : memref<!tpu.dma_semaphore, #tpu.memory_space<semaphore_mem>>)
    %add3A_10 = arith.constant 392 : i32
    %add3A_11 = arith.addi %mul3A_2, %add3A_10 : i32
    "tpu.region"() ({
      %run_scoped3A = tpu.sem_alloc : memref<!tpu.dma_semaphore, #tpu.memory_space<semaphore_mem>>
      %dma_start3A_36 = tpu.memref_slice %arg4[%add3A_11] : memref<125440xi32, #tpu.memory_space<hbm>> -> memref<392xi32, #tpu.memory_space<hbm>>
      %dma_start3A_37 = tpu.memref_slice %arg4[%add3A_11] : memref<125440xi32, #tpu.memory_space<hbm>> -> memref<392xi32, #tpu.memory_space<hbm>>
      tpu.enqueue_dma source(%dma_start3A_37 : memref<392xi32, #tpu.memory_space<hbm>>) target(%arg7 : memref<392xi32, #tpu.memory_space<vmem>>) target_semaphore(%run_scoped3A : memref<!tpu.dma_semaphore, #tpu.memory_space<semaphore_mem>>)
      %dma_wait3A_38 = tpu.memref_slice %arg4[%add3A_11] : memref<125440xi32, #tpu.memory_space<hbm>> -> memref<392xi32, #tpu.memory_space<hbm>>
      %dma_wait3A_39 = tpu.memref_slice %arg4[%add3A_11] : memref<125440xi32, #tpu.memory_space<hbm>> -> memref<392xi32, #tpu.memory_space<hbm>>
      tpu.wait_dma2 semaphore(%run_scoped3A : memref<!tpu.dma_semaphore, #tpu.memory_space<semaphore_mem>>) src(%dma_wait3A_39 : memref<392xi32, #tpu.memory_space<hbm>>) dst(%arg7 : memref<392xi32, #tpu.memory_space<vmem>>)
      tpu.yield
    }) : () -> ()
    %dma_start3A_12 = arith.constant 0 : i32
    %dma_start3A_13 = tpu.memref_slice %arg3[%dma_start3A_12] : memref<250000xi32, #tpu.memory_space<hbm>> -> memref<250000xi32, #tpu.memory_space<hbm>>
    tpu.enqueue_indirect_dma source(%dma_start3A_13 : memref<250000xi32, #tpu.memory_space<hbm>>) target(%arg9 : memref<392xi32, #tpu.memory_space<vmem>>) offsets(%arg7 : memref<392xi32, #tpu.memory_space<vmem>>) semaphore(%arg16 : memref<!tpu.dma_semaphore, #tpu.memory_space<semaphore_mem>>)
    %dma_wait3A_14 = arith.constant 0 : i32
    %dma_wait3A_15 = tpu.memref_slice %arg3[%dma_wait3A_14] : memref<250000xi32, #tpu.memory_space<hbm>> -> memref<250000xi32, #tpu.memory_space<hbm>>
    tpu.wait_indirect_dma semaphore(%arg16 : memref<!tpu.dma_semaphore, #tpu.memory_space<semaphore_mem>>) src(%dma_wait3A_15 : memref<250000xi32, #tpu.memory_space<hbm>>) dst(%arg9 : memref<392xi32, #tpu.memory_space<vmem>>)
    %dma_start3A_16 = arith.constant 0 : i32
    %dma_start3A_17 = arith.constant 0 : i32
    %dma_start3A_18 = tpu.memref_slice %arg2[%dma_start3A_16, %dma_start3A_17] : memref<100000x128xf32, #tpu.memory_space<hbm>> -> memref<100000x128xf32, #tpu.memory_space<hbm>>
    tpu.enqueue_indirect_dma source(%dma_start3A_18 : memref<100000x128xf32, #tpu.memory_space<hbm>>) target(%arg11 : memref<392x128xf32, #tpu.memory_space<vmem>>) offsets(%arg9 : memref<392xi32, #tpu.memory_space<vmem>>) semaphore(%arg13 : memref<!tpu.dma_semaphore, #tpu.memory_space<semaphore_mem>>)
    %scan3A = arith.constant 0 : i32
    %scan3A_19 = arith.constant 0 : i32
    %scan3A_20 = arith.constant 5 : i32
    %scan3A_21 = arith.addi %scan3A_19, %scan3A_20 : i32
    %scan3A_22 = arith.constant 1 : i32
    scf.for %scan3A_36 = %scan3A_19 to %scan3A_21 step %scan3A_22  : i32 {
      %mul3A_37 = arith.constant 2 : i32
      %mul3A_38 = arith.muli %mul3A_37, %scan3A_36 : i32
      %add3A_39 = arith.constant 0 : i32
      %add3A_40 = arith.addi %mul3A_38, %add3A_39 : i32
      %mul3A_41 = arith.constant 392 : i32
      %mul3A_42 = arith.muli %add3A_40, %mul3A_41 : i32
      %add3A_43 = arith.addi %mul3A_2, %mul3A_42 : i32
      %dma_wait3A_44 = arith.constant 0 : i32
      %dma_wait3A_45 = arith.constant 0 : i32
      %dma_wait3A_46 = tpu.memref_slice %arg2[%dma_wait3A_44, %dma_wait3A_45] : memref<100000x128xf32, #tpu.memory_space<hbm>> -> memref<100000x128xf32, #tpu.memory_space<hbm>>
      tpu.wait_indirect_dma semaphore(%arg12 : memref<!tpu.dma_semaphore, #tpu.memory_space<semaphore_mem>>) src(%dma_wait3A_46 : memref<100000x128xf32, #tpu.memory_space<hbm>>) dst(%arg10 : memref<392x128xf32, #tpu.memory_space<vmem>>)
      %dma_start3A_47 = arith.constant 0 : i32
      %dma_start3A_48 = tpu.memref_slice %arg5[%add3A_43, %dma_start3A_47] : memref<125440x128xf32, #tpu.memory_space<hbm>> -> memref<392x128xf32, #tpu.memory_space<hbm>>
      %dma_start3A_49 = arith.constant 0 : i32
      %dma_start3A_50 = tpu.memref_slice %arg5[%add3A_43, %dma_start3A_49] : memref<125440x128xf32, #tpu.memory_space<hbm>> -> memref<392x128xf32, #tpu.memory_space<hbm>>
      tpu.enqueue_dma source(%arg10 : memref<392x128xf32, #tpu.memory_space<vmem>>) target(%dma_start3A_50 : memref<392x128xf32, #tpu.memory_space<hbm>>) target_semaphore(%arg14 : memref<!tpu.dma_semaphore, #tpu.memory_space<semaphore_mem>>)
      %lt3A = arith.constant 4 : i32
      %lt3A_51 = arith.cmpi slt, %scan3A_36, %lt3A : i32
      %convert_element_type3A = arith.extui %lt3A_51 : i1 to i32
      %cond3A = arith.constant 0 : i32
      %cond3A_52 = arith.cmpi ne, %convert_element_type3A, %cond3A : i32
      scf.if %cond3A_52 {
        %dma_wait3A_72 = arith.constant 0 : i32
        %dma_wait3A_73 = tpu.memref_slice %arg5[%add3A_43, %dma_wait3A_72] : memref<125440x128xf32, #tpu.memory_space<hbm>> -> memref<392x128xf32, #tpu.memory_space<hbm>>
        %dma_wait3A_74 = arith.constant 0 : i32
        %dma_wait3A_75 = tpu.memref_slice %arg5[%add3A_43, %dma_wait3A_74] : memref<125440x128xf32, #tpu.memory_space<hbm>> -> memref<392x128xf32, #tpu.memory_space<hbm>>
        tpu.wait_dma2 semaphore(%arg14 : memref<!tpu.dma_semaphore, #tpu.memory_space<semaphore_mem>>) src(%arg10 : memref<392x128xf32, #tpu.memory_space<vmem>>) dst(%dma_wait3A_75 : memref<392x128xf32, #tpu.memory_space<hbm>>)
        %add3A_76 = arith.constant 784 : i32
        %add3A_77 = arith.addi %add3A_43, %add3A_76 : i32
        "tpu.region"() ({
          %run_scoped3A = tpu.sem_alloc : memref<!tpu.dma_semaphore, #tpu.memory_space<semaphore_mem>>
          %dma_start3A_85 = tpu.memref_slice %arg4[%add3A_77] : memref<125440xi32, #tpu.memory_space<hbm>> -> memref<392xi32, #tpu.memory_space<hbm>>
          %dma_start3A_86 = tpu.memref_slice %arg4[%add3A_77] : memref<125440xi32, #tpu.memory_space<hbm>> -> memref<392xi32, #tpu.memory_space<hbm>>
          tpu.enqueue_dma source(%dma_start3A_86 : memref<392xi32, #tpu.memory_space<hbm>>) target(%arg6 : memref<392xi32, #tpu.memory_space<vmem>>) target_semaphore(%run_scoped3A : memref<!tpu.dma_semaphore, #tpu.memory_space<semaphore_mem>>)
          %dma_wait3A_87 = tpu.memref_slice %arg4[%add3A_77] : memref<125440xi32, #tpu.memory_space<hbm>> -> memref<392xi32, #tpu.memory_space<hbm>>
          %dma_wait3A_88 = tpu.memref_slice %arg4[%add3A_77] : memref<125440xi32, #tpu.memory_space<hbm>> -> memref<392xi32, #tpu.memory_space<hbm>>
          tpu.wait_dma2 semaphore(%run_scoped3A : memref<!tpu.dma_semaphore, #tpu.memory_space<semaphore_mem>>) src(%dma_wait3A_88 : memref<392xi32, #tpu.memory_space<hbm>>) dst(%arg6 : memref<392xi32, #tpu.memory_space<vmem>>)
          tpu.yield
        }) : () -> ()
        %dma_start3A_78 = arith.constant 0 : i32
        %dma_start3A_79 = tpu.memref_slice %arg3[%dma_start3A_78] : memref<250000xi32, #tpu.memory_space<hbm>> -> memref<250000xi32, #tpu.memory_space<hbm>>
        tpu.enqueue_indirect_dma source(%dma_start3A_79 : memref<250000xi32, #tpu.memory_space<hbm>>) target(%arg8 : memref<392xi32, #tpu.memory_space<vmem>>) offsets(%arg6 : memref<392xi32, #tpu.memory_space<vmem>>) semaphore(%arg16 : memref<!tpu.dma_semaphore, #tpu.memory_space<semaphore_mem>>)
        %dma_wait3A_80 = arith.constant 0 : i32
        %dma_wait3A_81 = tpu.memref_slice %arg3[%dma_wait3A_80] : memref<250000xi32, #tpu.memory_space<hbm>> -> memref<250000xi32, #tpu.memory_space<hbm>>
        tpu.wait_indirect_dma semaphore(%arg16 : memref<!tpu.dma_semaphore, #tpu.memory_space<semaphore_mem>>) src(%dma_wait3A_81 : memref<250000xi32, #tpu.memory_space<hbm>>) dst(%arg8 : memref<392xi32, #tpu.memory_space<vmem>>)
        %dma_start3A_82 = arith.constant 0 : i32
        %dma_start3A_83 = arith.constant 0 : i32
        %dma_start3A_84 = tpu.memref_slice %arg2[%dma_start3A_82, %dma_start3A_83] : memref<100000x128xf32, #tpu.memory_space<hbm>> -> memref<100000x128xf32, #tpu.memory_space<hbm>>
        tpu.enqueue_indirect_dma source(%dma_start3A_84 : memref<100000x128xf32, #tpu.memory_space<hbm>>) target(%arg10 : memref<392x128xf32, #tpu.memory_space<vmem>>) offsets(%arg8 : memref<392xi32, #tpu.memory_space<vmem>>) semaphore(%arg12 : memref<!tpu.dma_semaphore, #tpu.memory_space<semaphore_mem>>)
      } else {
      }
      %mul3A_53 = arith.constant 2 : i32
      %mul3A_54 = arith.muli %mul3A_53, %scan3A_36 : i32
      %add3A_55 = arith.constant 1 : i32
      %add3A_56 = arith.addi %mul3A_54, %add3A_55 : i32
      %mul3A_57 = arith.constant 392 : i32
      %mul3A_58 = arith.muli %add3A_56, %mul3A_57 : i32
      %add3A_59 = arith.addi %mul3A_2, %mul3A_58 : i32
      %dma_wait3A_60 = arith.constant 0 : i32
      %dma_wait3A_61 = arith.constant 0 : i32
      %dma_wait3A_62 = tpu.memref_slice %arg2[%dma_wait3A_60, %dma_wait3A_61] : memref<100000x128xf32, #tpu.memory_space<hbm>> -> memref<100000x128xf32, #tpu.memory_space<hbm>>
      tpu.wait_indirect_dma semaphore(%arg13 : memref<!tpu.dma_semaphore, #tpu.memory_space<semaphore_mem>>) src(%dma_wait3A_62 : memref<100000x128xf32, #tpu.memory_space<hbm>>) dst(%arg11 : memref<392x128xf32, #tpu.memory_space<vmem>>)
      %dma_start3A_63 = arith.constant 0 : i32
      %dma_start3A_64 = tpu.memref_slice %arg5[%add3A_59, %dma_start3A_63] : memref<125440x128xf32, #tpu.memory_space<hbm>> -> memref<392x128xf32, #tpu.memory_space<hbm>>
      %dma_start3A_65 = arith.constant 0 : i32
      %dma_start3A_66 = tpu.memref_slice %arg5[%add3A_59, %dma_start3A_65] : memref<125440x128xf32, #tpu.memory_space<hbm>> -> memref<392x128xf32, #tpu.memory_space<hbm>>
      tpu.enqueue_dma source(%arg11 : memref<392x128xf32, #tpu.memory_space<vmem>>) target(%dma_start3A_66 : memref<392x128xf32, #tpu.memory_space<hbm>>) target_semaphore(%arg15 : memref<!tpu.dma_semaphore, #tpu.memory_space<semaphore_mem>>)
      %lt3A_67 = arith.constant 4 : i32
      %lt3A_68 = arith.cmpi slt, %scan3A_36, %lt3A_67 : i32
      %convert_element_type3A_69 = arith.extui %lt3A_68 : i1 to i32
      %cond3A_70 = arith.constant 0 : i32
      %cond3A_71 = arith.cmpi ne, %convert_element_type3A_69, %cond3A_70 : i32
      scf.if %cond3A_71 {
        %dma_wait3A_72 = arith.constant 0 : i32
        %dma_wait3A_73 = tpu.memref_slice %arg5[%add3A_59, %dma_wait3A_72] : memref<125440x128xf32, #tpu.memory_space<hbm>> -> memref<392x128xf32, #tpu.memory_space<hbm>>
        %dma_wait3A_74 = arith.constant 0 : i32
        %dma_wait3A_75 = tpu.memref_slice %arg5[%add3A_59, %dma_wait3A_74] : memref<125440x128xf32, #tpu.memory_space<hbm>> -> memref<392x128xf32, #tpu.memory_space<hbm>>
        tpu.wait_dma2 semaphore(%arg15 : memref<!tpu.dma_semaphore, #tpu.memory_space<semaphore_mem>>) src(%arg11 : memref<392x128xf32, #tpu.memory_space<vmem>>) dst(%dma_wait3A_75 : memref<392x128xf32, #tpu.memory_space<hbm>>)
        %add3A_76 = arith.constant 784 : i32
        %add3A_77 = arith.addi %add3A_59, %add3A_76 : i32
        "tpu.region"() ({
          %run_scoped3A = tpu.sem_alloc : memref<!tpu.dma_semaphore, #tpu.memory_space<semaphore_mem>>
          %dma_start3A_85 = tpu.memref_slice %arg4[%add3A_77] : memref<125440xi32, #tpu.memory_space<hbm>> -> memref<392xi32, #tpu.memory_space<hbm>>
          %dma_start3A_86 = tpu.memref_slice %arg4[%add3A_77] : memref<125440xi32, #tpu.memory_space<hbm>> -> memref<392xi32, #tpu.memory_space<hbm>>
          tpu.enqueue_dma source(%dma_start3A_86 : memref<392xi32, #tpu.memory_space<hbm>>) target(%arg7 : memref<392xi32, #tpu.memory_space<vmem>>) target_semaphore(%run_scoped3A : memref<!tpu.dma_semaphore, #tpu.memory_space<semaphore_mem>>)
          %dma_wait3A_87 = tpu.memref_slice %arg4[%add3A_77] : memref<125440xi32, #tpu.memory_space<hbm>> -> memref<392xi32, #tpu.memory_space<hbm>>
          %dma_wait3A_88 = tpu.memref_slice %arg4[%add3A_77] : memref<125440xi32, #tpu.memory_space<hbm>> -> memref<392xi32, #tpu.memory_space<hbm>>
          tpu.wait_dma2 semaphore(%run_scoped3A : memref<!tpu.dma_semaphore, #tpu.memory_space<semaphore_mem>>) src(%dma_wait3A_88 : memref<392xi32, #tpu.memory_space<hbm>>) dst(%arg7 : memref<392xi32, #tpu.memory_space<vmem>>)
          tpu.yield
        }) : () -> ()
        %dma_start3A_78 = arith.constant 0 : i32
        %dma_start3A_79 = tpu.memref_slice %arg3[%dma_start3A_78] : memref<250000xi32, #tpu.memory_space<hbm>> -> memref<250000xi32, #tpu.memory_space<hbm>>
        tpu.enqueue_indirect_dma source(%dma_start3A_79 : memref<250000xi32, #tpu.memory_space<hbm>>) target(%arg9 : memref<392xi32, #tpu.memory_space<vmem>>) offsets(%arg7 : memref<392xi32, #tpu.memory_space<vmem>>) semaphore(%arg16 : memref<!tpu.dma_semaphore, #tpu.memory_space<semaphore_mem>>)
        %dma_wait3A_80 = arith.constant 0 : i32
        %dma_wait3A_81 = tpu.memref_slice %arg3[%dma_wait3A_80] : memref<250000xi32, #tpu.memory_space<hbm>> -> memref<250000xi32, #tpu.memory_space<hbm>>
        tpu.wait_indirect_dma semaphore(%arg16 : memref<!tpu.dma_semaphore, #tpu.memory_space<semaphore_mem>>) src(%dma_wait3A_81 : memref<250000xi32, #tpu.memory_space<hbm>>) dst(%arg9 : memref<392xi32, #tpu.memory_space<vmem>>)
        %dma_start3A_82 = arith.constant 0 : i32
        %dma_start3A_83 = arith.constant 0 : i32
        %dma_start3A_84 = tpu.memref_slice %arg2[%dma_start3A_82, %dma_start3A_83] : memref<100000x128xf32, #tpu.memory_space<hbm>> -> memref<100000x128xf32, #tpu.memory_space<hbm>>
        tpu.enqueue_indirect_dma source(%dma_start3A_84 : memref<100000x128xf32, #tpu.memory_space<hbm>>) target(%arg11 : memref<392x128xf32, #tpu.memory_space<vmem>>) offsets(%arg9 : memref<392xi32, #tpu.memory_space<vmem>>) semaphore(%arg13 : memref<!tpu.dma_semaphore, #tpu.memory_space<semaphore_mem>>)
      } else {
      }
    }
    %scan3A_23 = arith.constant 5 : i32
    %add3A_24 = arith.constant 3136 : i32
    %add3A_25 = arith.addi %mul3A_2, %add3A_24 : i32
    %dma_wait3A_26 = arith.constant 0 : i32
    %dma_wait3A_27 = tpu.memref_slice %arg5[%add3A_25, %dma_wait3A_26] : memref<125440x128xf32, #tpu.memory_space<hbm>> -> memref<392x128xf32, #tpu.memory_space<hbm>>
    %dma_wait3A_28 = arith.constant 0 : i32
    %dma_wait3A_29 = tpu.memref_slice %arg5[%add3A_25, %dma_wait3A_28] : memref<125440x128xf32, #tpu.memory_space<hbm>> -> memref<392x128xf32, #tpu.memory_space<hbm>>
    tpu.wait_dma2 semaphore(%arg14 : memref<!tpu.dma_semaphore, #tpu.memory_space<semaphore_mem>>) src(%arg10 : memref<392x128xf32, #tpu.memory_space<vmem>>) dst(%dma_wait3A_29 : memref<392x128xf32, #tpu.memory_space<hbm>>)
    %add3A_30 = arith.constant 3528 : i32
    %add3A_31 = arith.addi %mul3A_2, %add3A_30 : i32
    %dma_wait3A_32 = arith.constant 0 : i32
    %dma_wait3A_33 = tpu.memref_slice %arg5[%add3A_31, %dma_wait3A_32] : memref<125440x128xf32, #tpu.memory_space<hbm>> -> memref<392x128xf32, #tpu.memory_space<hbm>>
    %dma_wait3A_34 = arith.constant 0 : i32
    %dma_wait3A_35 = tpu.memref_slice %arg5[%add3A_31, %dma_wait3A_34] : memref<125440x128xf32, #tpu.memory_space<hbm>> -> memref<392x128xf32, #tpu.memory_space<hbm>>
    tpu.wait_dma2 semaphore(%arg15 : memref<!tpu.dma_semaphore, #tpu.memory_space<semaphore_mem>>) src(%arg11 : memref<392x128xf32, #tpu.memory_space<vmem>>) dst(%dma_wait3A_35 : memref<392x128xf32, #tpu.memory_space<hbm>>)
    return
  }
}

module attributes {stable_mosaic.version = 14 : i64} {
  func.func @_tc_body(%arg0: i32, %arg1: memref<5x512x128xf32, #tpu.memory_space<vmem>>, %arg2: memref<512x25xf32, #tpu.memory_space<vmem>>, %arg3: memref<512x5xi32, #tpu.memory_space<vmem>>, %arg4: memref<8x10xf32, #tpu.memory_space<vmem>>, %arg5: memref<8x5x128xf32, #tpu.memory_space<vmem>>, %arg6: memref<8x512xf32, #tpu.memory_space<vmem>>, %arg7: memref<3x40x128xf32, #tpu.memory_space<vmem>>, %arg8: memref<3x40x128xbf16, #tpu.memory_space<vmem>>, %arg9: memref<3x40x1xf32, #tpu.memory_space<vmem>>) attributes {dimension_semantics = [#tpu.dimension_semantics<arbitrary>], iteration_bounds = array<i64: 49>, scalar_prefetch = 0 : i64, scratch_operands = 3 : i64, tpu.core_type = #tpu.core_type<tc>, window_params = [{transform_indices = @transform_0, window_bounds = array<i64: 5, 512, 128>}, {transform_indices = @transform_1, window_bounds = array<i64: 512, 25>}, {transform_indices = @transform_2, window_bounds = array<i64: 512, 5>}, {pipeline_mode = #tpu.pipeline_mode<synchronous>, transform_indices = @transform_3, window_bounds = array<i64: 8, 10>}, {pipeline_mode = #tpu.pipeline_mode<synchronous>, transform_indices = @transform_4, window_bounds = array<i64: 8, 5, 128>}, {transform_indices = @transform_5, window_bounds = array<i64: 8, 512>}]} {
    %eq3A = arith.constant 0 : i32
    %eq3A_0 = arith.cmpi eq, %arg0, %eq3A : i32
    %convert_element_type3A = arith.extui %eq3A_0 : i1 to i32
    %cond3A = arith.constant 0 : i32
    %cond3A_1 = arith.cmpi ne, %convert_element_type3A, %cond3A : i32
    scf.if %cond3A_1 {
      %get3A_856 = arith.constant 0 : index
      %get3A_857 = arith.constant 0 : index
      %get3A_858 = vector.load %arg4[%get3A_856, %get3A_857] : memref<8x10xf32, #tpu.memory_space<vmem>>, vector<8x10xf32>
      %neg3A_859 = arith.constant 0.000000e+00 : f32
      %neg3A_860 = vector.broadcast %neg3A_859 : f32 to vector<8x10xf32>
      %neg3A_861 = arith.subf %neg3A_860, %get3A_858 : vector<8x10xf32>
      %exp3A_862 = math.exp %neg3A_861 : vector<8x10xf32>
      %add3A_863 = arith.constant 1.000000e+00 : f32
      %add3A_864 = vector.broadcast %add3A_863 : f32 to vector<8x10xf32>
      %add3A_865 = arith.addf %add3A_864, %exp3A_862 : vector<8x10xf32>
      %div3A_866 = arith.constant 1.000000e+00 : f32
      %div3A_867 = vector.broadcast %div3A_866 : f32 to vector<8x10xf32>
      %div3A_868 = arith.divf %div3A_867, %add3A_865 : vector<8x10xf32>
      %convert_element_type3A_869 = arith.truncf %div3A_868 : vector<8x10xf32> to vector<8x10xbf16>
      %convert_element_type3A_870 = arith.extf %convert_element_type3A_869 : vector<8x10xbf16> to vector<8x10xf32>
      %get3A_871 = arith.constant 0 : index
      %get3A_872 = arith.constant 0 : index
      %get3A_873 = arith.constant 0 : index
      %get3A_874 = vector.load %arg5[%get3A_871, %get3A_872, %get3A_873] : memref<8x5x128xf32, #tpu.memory_space<vmem>>, vector<1x1x128xf32>
      %get3A_875 = vector.shape_cast %get3A_874 : vector<1x1x128xf32> to vector<1x128xf32>
      %swap3A_876 = arith.constant 0 : index
      %swap3A_877 = arith.constant 0 : index
      %swap3A_878 = arith.constant 0 : index
      %swap3A_879 = vector.load %arg7[%swap3A_876, %swap3A_877, %swap3A_878] : memref<3x40x128xf32, #tpu.memory_space<vmem>>, vector<1x1x128xf32>
      %swap3A_880 = vector.shape_cast %swap3A_879 : vector<1x1x128xf32> to vector<1x128xf32>
      %swap3A_881 = vector.shape_cast %get3A_875 : vector<1x128xf32> to vector<1x1x128xf32>
      tpu.vector_store %arg7[%swap3A_876, %swap3A_877, %swap3A_878], %swap3A_881 {strides = array<i32>} : memref<3x40x128xf32, #tpu.memory_space<vmem>>, vector<1x1x128xf32>,
      %get3A_882 = arith.constant 1 : index
      %get3A_883 = arith.constant 0 : index
      %get3A_884 = arith.constant 0 : index
      %get3A_885 = vector.load %arg5[%get3A_882, %get3A_883, %get3A_884] : memref<8x5x128xf32, #tpu.memory_space<vmem>>, vector<1x1x128xf32>
      %get3A_886 = vector.shape_cast %get3A_885 : vector<1x1x128xf32> to vector<1x128xf32>
      %swap3A_887 = arith.constant 0 : index
      %swap3A_888 = arith.constant 1 : index
      %swap3A_889 = arith.constant 0 : index
      %swap3A_890 = vector.load %arg7[%swap3A_887, %swap3A_888, %swap3A_889] : memref<3x40x128xf32, #tpu.memory_space<vmem>>, vector<1x1x128xf32>
      %swap3A_891 = vector.shape_cast %swap3A_890 : vector<1x1x128xf32> to vector<1x128xf32>
      %swap3A_892 = vector.shape_cast %get3A_886 : vector<1x128xf32> to vector<1x1x128xf32>
      tpu.vector_store %arg7[%swap3A_887, %swap3A_888, %swap3A_889], %swap3A_892 {strides = array<i32>} : memref<3x40x128xf32, #tpu.memory_space<vmem>>, vector<1x1x128xf32>,
      %get3A_893 = arith.constant 2 : index
      %get3A_894 = arith.constant 0 : index
      %get3A_895 = arith.constant 0 : index
      %get3A_896 = vector.load %arg5[%get3A_893, %get3A_894, %get3A_895] : memref<8x5x128xf32, #tpu.memory_space<vmem>>, vector<1x1x128xf32>
      %get3A_897 = vector.shape_cast %get3A_896 : vector<1x1x128xf32> to vector<1x128xf32>
      %swap3A_898 = arith.constant 0 : index
      %swap3A_899 = arith.constant 2 : index
      %swap3A_900 = arith.constant 0 : index
      %swap3A_901 = vector.load %arg7[%swap3A_898, %swap3A_899, %swap3A_900] : memref<3x40x128xf32, #tpu.memory_space<vmem>>, vector<1x1x128xf32>
      %swap3A_902 = vector.shape_cast %swap3A_901 : vector<1x1x128xf32> to vector<1x128xf32>
      %swap3A_903 = vector.shape_cast %get3A_897 : vector<1x128xf32> to vector<1x1x128xf32>
      tpu.vector_store %arg7[%swap3A_898, %swap3A_899, %swap3A_900], %swap3A_903 {strides = array<i32>} : memref<3x40x128xf32, #tpu.memory_space<vmem>>, vector<1x1x128xf32>,
      %get3A_904 = arith.constant 3 : index
      %get3A_905 = arith.constant 0 : index
      %get3A_906 = arith.constant 0 : index
      %get3A_907 = vector.load %arg5[%get3A_904, %get3A_905, %get3A_906] : memref<8x5x128xf32, #tpu.memory_space<vmem>>, vector<1x1x128xf32>
      %get3A_908 = vector.shape_cast %get3A_907 : vector<1x1x128xf32> to vector<1x128xf32>
      %swap3A_909 = arith.constant 0 : index
      %swap3A_910 = arith.constant 3 : index
      %swap3A_911 = arith.constant 0 : index
      %swap3A_912 = vector.load %arg7[%swap3A_909, %swap3A_910, %swap3A_911] : memref<3x40x128xf32, #tpu.memory_space<vmem>>, vector<1x1x128xf32>
      %swap3A_913 = vector.shape_cast %swap3A_912 : vector<1x1x128xf32> to vector<1x128xf32>
      %swap3A_914 = vector.shape_cast %get3A_908 : vector<1x128xf32> to vector<1x1x128xf32>
      tpu.vector_store %arg7[%swap3A_909, %swap3A_910, %swap3A_911], %swap3A_914 {strides = array<i32>} : memref<3x40x128xf32, #tpu.memory_space<vmem>>, vector<1x1x128xf32>,
      %get3A_915 = arith.constant 4 : index
      %get3A_916 = arith.constant 0 : index
      %get3A_917 = arith.constant 0 : index
      %get3A_918 = vector.load %arg5[%get3A_915, %get3A_916, %get3A_917] : memref<8x5x128xf32, #tpu.memory_space<vmem>>, vector<1x1x128xf32>
      %get3A_919 = vector.shape_cast %get3A_918 : vector<1x1x128xf32> to vector<1x128xf32>
      %swap3A_920 = arith.constant 0 : index
      %swap3A_921 = arith.constant 4 : index
      %swap3A_922 = arith.constant 0 : index
      %swap3A_923 = vector.load %arg7[%swap3A_920, %swap3A_921, %swap3A_922] : memref<3x40x128xf32, #tpu.memory_space<vmem>>, vector<1x1x128xf32>
      %swap3A_924 = vector.shape_cast %swap3A_923 : vector<1x1x128xf32> to vector<1x128xf32>
      %swap3A_925 = vector.shape_cast %get3A_919 : vector<1x128xf32> to vector<1x1x128xf32>
      tpu.vector_store %arg7[%swap3A_920, %swap3A_921, %swap3A_922], %swap3A_925 {strides = array<i32>} : memref<3x40x128xf32, #tpu.memory_space<vmem>>, vector<1x1x128xf32>,
      %get3A_926 = arith.constant 5 : index
      %get3A_927 = arith.constant 0 : index
      %get3A_928 = arith.constant 0 : index
      %get3A_929 = vector.load %arg5[%get3A_926, %get3A_927, %get3A_928] : memref<8x5x128xf32, #tpu.memory_space<vmem>>, vector<1x1x128xf32>
      %get3A_930 = vector.shape_cast %get3A_929 : vector<1x1x128xf32> to vector<1x128xf32>
      %swap3A_931 = arith.constant 0 : index
      %swap3A_932 = arith.constant 5 : index
      %swap3A_933 = arith.constant 0 : index
      %swap3A_934 = vector.load %arg7[%swap3A_931, %swap3A_932, %swap3A_933] : memref<3x40x128xf32, #tpu.memory_space<vmem>>, vector<1x1x128xf32>
      %swap3A_935 = vector.shape_cast %swap3A_934 : vector<1x1x128xf32> to vector<1x128xf32>
      %swap3A_936 = vector.shape_cast %get3A_930 : vector<1x128xf32> to vector<1x1x128xf32>
      tpu.vector_store %arg7[%swap3A_931, %swap3A_932, %swap3A_933], %swap3A_936 {strides = array<i32>} : memref<3x40x128xf32, #tpu.memory_space<vmem>>, vector<1x1x128xf32>,
      %get3A_937 = arith.constant 6 : index
      %get3A_938 = arith.constant 0 : index
      %get3A_939 = arith.constant 0 : index
      %get3A_940 = vector.load %arg5[%get3A_937, %get3A_938, %get3A_939] : memref<8x5x128xf32, #tpu.memory_space<vmem>>, vector<1x1x128xf32>
      %get3A_941 = vector.shape_cast %get3A_940 : vector<1x1x128xf32> to vector<1x128xf32>
      %swap3A_942 = arith.constant 0 : index
      %swap3A_943 = arith.constant 6 : index
      %swap3A_944 = arith.constant 0 : index
      %swap3A_945 = vector.load %arg7[%swap3A_942, %swap3A_943, %swap3A_944] : memref<3x40x128xf32, #tpu.memory_space<vmem>>, vector<1x1x128xf32>
      %swap3A_946 = vector.shape_cast %swap3A_945 : vector<1x1x128xf32> to vector<1x128xf32>
      %swap3A_947 = vector.shape_cast %get3A_941 : vector<1x128xf32> to vector<1x1x128xf32>
      tpu.vector_store %arg7[%swap3A_942, %swap3A_943, %swap3A_944], %swap3A_947 {strides = array<i32>} : memref<3x40x128xf32, #tpu.memory_space<vmem>>, vector<1x1x128xf32>,
      %get3A_948 = arith.constant 7 : index
      %get3A_949 = arith.constant 0 : index
      %get3A_950 = arith.constant 0 : index
      %get3A_951 = vector.load %arg5[%get3A_948, %get3A_949, %get3A_950] : memref<8x5x128xf32, #tpu.memory_space<vmem>>, vector<1x1x128xf32>
      %get3A_952 = vector.shape_cast %get3A_951 : vector<1x1x128xf32> to vector<1x128xf32>
      %swap3A_953 = arith.constant 0 : index
      %swap3A_954 = arith.constant 7 : index
      %swap3A_955 = arith.constant 0 : index
      %swap3A_956 = vector.load %arg7[%swap3A_953, %swap3A_954, %swap3A_955] : memref<3x40x128xf32, #tpu.memory_space<vmem>>, vector<1x1x128xf32>
      %swap3A_957 = vector.shape_cast %swap3A_956 : vector<1x1x128xf32> to vector<1x128xf32>
      %swap3A_958 = vector.shape_cast %get3A_952 : vector<1x128xf32> to vector<1x1x128xf32>
      tpu.vector_store %arg7[%swap3A_953, %swap3A_954, %swap3A_955], %swap3A_958 {strides = array<i32>} : memref<3x40x128xf32, #tpu.memory_space<vmem>>, vector<1x1x128xf32>,
      %get3A_959 = arith.constant 0 : index
      %get3A_960 = arith.constant 1 : index
      %get3A_961 = arith.constant 0 : index
      %get3A_962 = vector.load %arg5[%get3A_959, %get3A_960, %get3A_961] : memref<8x5x128xf32, #tpu.memory_space<vmem>>, vector<1x1x128xf32>
      %get3A_963 = vector.shape_cast %get3A_962 : vector<1x1x128xf32> to vector<1x128xf32>
      %swap3A_964 = arith.constant 0 : index
      %swap3A_965 = arith.constant 8 : index
      %swap3A_966 = arith.constant 0 : index
      %swap3A_967 = vector.load %arg7[%swap3A_964, %swap3A_965, %swap3A_966] : memref<3x40x128xf32, #tpu.memory_space<vmem>>, vector<1x1x128xf32>
      %swap3A_968 = vector.shape_cast %swap3A_967 : vector<1x1x128xf32> to vector<1x128xf32>
      %swap3A_969 = vector.shape_cast %get3A_963 : vector<1x128xf32> to vector<1x1x128xf32>
      tpu.vector_store %arg7[%swap3A_964, %swap3A_965, %swap3A_966], %swap3A_969 {strides = array<i32>} : memref<3x40x128xf32, #tpu.memory_space<vmem>>, vector<1x1x128xf32>,
      %get3A_970 = arith.constant 1 : index
      %get3A_971 = arith.constant 1 : index
      %get3A_972 = arith.constant 0 : index
      %get3A_973 = vector.load %arg5[%get3A_970, %get3A_971, %get3A_972] : memref<8x5x128xf32, #tpu.memory_space<vmem>>, vector<1x1x128xf32>
      %get3A_974 = vector.shape_cast %get3A_973 : vector<1x1x128xf32> to vector<1x128xf32>
      %swap3A_975 = arith.constant 0 : index
      %swap3A_976 = arith.constant 9 : index
      %swap3A_977 = arith.constant 0 : index
      %swap3A_978 = vector.load %arg7[%swap3A_975, %swap3A_976, %swap3A_977] : memref<3x40x128xf32, #tpu.memory_space<vmem>>, vector<1x1x128xf32>
      %swap3A_979 = vector.shape_cast %swap3A_978 : vector<1x1x128xf32> to vector<1x128xf32>
      %swap3A_980 = vector.shape_cast %get3A_974 : vector<1x128xf32> to vector<1x1x128xf32>
      tpu.vector_store %arg7[%swap3A_975, %swap3A_976, %swap3A_977], %swap3A_980 {strides = array<i32>} : memref<3x40x128xf32, #tpu.memory_space<vmem>>, vector<1x1x128xf32>,
      %get3A_981 = arith.constant 2 : index
      %get3A_982 = arith.constant 1 : index
      %get3A_983 = arith.constant 0 : index
      %get3A_984 = vector.load %arg5[%get3A_981, %get3A_982, %get3A_983] : memref<8x5x128xf32, #tpu.memory_space<vmem>>, vector<1x1x128xf32>
      %get3A_985 = vector.shape_cast %get3A_984 : vector<1x1x128xf32> to vector<1x128xf32>
      %swap3A_986 = arith.constant 0 : index
      %swap3A_987 = arith.constant 10 : index
      %swap3A_988 = arith.constant 0 : index
      %swap3A_989 = vector.load %arg7[%swap3A_986, %swap3A_987, %swap3A_988] : memref<3x40x128xf32, #tpu.memory_space<vmem>>, vector<1x1x128xf32>
      %swap3A_990 = vector.shape_cast %swap3A_989 : vector<1x1x128xf32> to vector<1x128xf32>
      %swap3A_991 = vector.shape_cast %get3A_985 : vector<1x128xf32> to vector<1x1x128xf32>
      tpu.vector_store %arg7[%swap3A_986, %swap3A_987, %swap3A_988], %swap3A_991 {strides = array<i32>} : memref<3x40x128xf32, #tpu.memory_space<vmem>>, vector<1x1x128xf32>,
      %get3A_992 = arith.constant 3 : index
      %get3A_993 = arith.constant 1 : index
      %get3A_994 = arith.constant 0 : index
      %get3A_995 = vector.load %arg5[%get3A_992, %get3A_993, %get3A_994] : memref<8x5x128xf32, #tpu.memory_space<vmem>>, vector<1x1x128xf32>
      %get3A_996 = vector.shape_cast %get3A_995 : vector<1x1x128xf32> to vector<1x128xf32>
      %swap3A_997 = arith.constant 0 : index
      %swap3A_998 = arith.constant 11 : index
      %swap3A_999 = arith.constant 0 : index
      %swap3A_1000 = vector.load %arg7[%swap3A_997, %swap3A_998, %swap3A_999] : memref<3x40x128xf32, #tpu.memory_space<vmem>>, vector<1x1x128xf32>
      %swap3A_1001 = vector.shape_cast %swap3A_1000 : vector<1x1x128xf32> to vector<1x128xf32>
      %swap3A_1002 = vector.shape_cast %get3A_996 : vector<1x128xf32> to vector<1x1x128xf32>
      tpu.vector_store %arg7[%swap3A_997, %swap3A_998, %swap3A_999], %swap3A_1002 {strides = array<i32>} : memref<3x40x128xf32, #tpu.memory_space<vmem>>, vector<1x1x128xf32>,
      %get3A_1003 = arith.constant 4 : index
      %get3A_1004 = arith.constant 1 : index
      %get3A_1005 = arith.constant 0 : index
      %get3A_1006 = vector.load %arg5[%get3A_1003, %get3A_1004, %get3A_1005] : memref<8x5x128xf32, #tpu.memory_space<vmem>>, vector<1x1x128xf32>
      %get3A_1007 = vector.shape_cast %get3A_1006 : vector<1x1x128xf32> to vector<1x128xf32>
      %swap3A_1008 = arith.constant 0 : index
      %swap3A_1009 = arith.constant 12 : index
      %swap3A_1010 = arith.constant 0 : index
      %swap3A_1011 = vector.load %arg7[%swap3A_1008, %swap3A_1009, %swap3A_1010] : memref<3x40x128xf32, #tpu.memory_space<vmem>>, vector<1x1x128xf32>
      %swap3A_1012 = vector.shape_cast %swap3A_1011 : vector<1x1x128xf32> to vector<1x128xf32>
      %swap3A_1013 = vector.shape_cast %get3A_1007 : vector<1x128xf32> to vector<1x1x128xf32>
      tpu.vector_store %arg7[%swap3A_1008, %swap3A_1009, %swap3A_1010], %swap3A_1013 {strides = array<i32>} : memref<3x40x128xf32, #tpu.memory_space<vmem>>, vector<1x1x128xf32>,
      %get3A_1014 = arith.constant 5 : index
      %get3A_1015 = arith.constant 1 : index
      %get3A_1016 = arith.constant 0 : index
      %get3A_1017 = vector.load %arg5[%get3A_1014, %get3A_1015, %get3A_1016] : memref<8x5x128xf32, #tpu.memory_space<vmem>>, vector<1x1x128xf32>
      %get3A_1018 = vector.shape_cast %get3A_1017 : vector<1x1x128xf32> to vector<1x128xf32>
      %swap3A_1019 = arith.constant 0 : index
      %swap3A_1020 = arith.constant 13 : index
      %swap3A_1021 = arith.constant 0 : index
      %swap3A_1022 = vector.load %arg7[%swap3A_1019, %swap3A_1020, %swap3A_1021] : memref<3x40x128xf32, #tpu.memory_space<vmem>>, vector<1x1x128xf32>
      %swap3A_1023 = vector.shape_cast %swap3A_1022 : vector<1x1x128xf32> to vector<1x128xf32>
      %swap3A_1024 = vector.shape_cast %get3A_1018 : vector<1x128xf32> to vector<1x1x128xf32>
      tpu.vector_store %arg7[%swap3A_1019, %swap3A_1020, %swap3A_1021], %swap3A_1024 {strides = array<i32>} : memref<3x40x128xf32, #tpu.memory_space<vmem>>, vector<1x1x128xf32>,
      %get3A_1025 = arith.constant 6 : index
      %get3A_1026 = arith.constant 1 : index
      %get3A_1027 = arith.constant 0 : index
      %get3A_1028 = vector.load %arg5[%get3A_1025, %get3A_1026, %get3A_1027] : memref<8x5x128xf32, #tpu.memory_space<vmem>>, vector<1x1x128xf32>
      %get3A_1029 = vector.shape_cast %get3A_1028 : vector<1x1x128xf32> to vector<1x128xf32>
      %swap3A_1030 = arith.constant 0 : index
      %swap3A_1031 = arith.constant 14 : index
      %swap3A_1032 = arith.constant 0 : index
      %swap3A_1033 = vector.load %arg7[%swap3A_1030, %swap3A_1031, %swap3A_1032] : memref<3x40x128xf32, #tpu.memory_space<vmem>>, vector<1x1x128xf32>
      %swap3A_1034 = vector.shape_cast %swap3A_1033 : vector<1x1x128xf32> to vector<1x128xf32>
      %swap3A_1035 = vector.shape_cast %get3A_1029 : vector<1x128xf32> to vector<1x1x128xf32>
      tpu.vector_store %arg7[%swap3A_1030, %swap3A_1031, %swap3A_1032], %swap3A_1035 {strides = array<i32>} : memref<3x40x128xf32, #tpu.memory_space<vmem>>, vector<1x1x128xf32>,
      %get3A_1036 = arith.constant 7 : index
      %get3A_1037 = arith.constant 1 : index
      %get3A_1038 = arith.constant 0 : index
      %get3A_1039 = vector.load %arg5[%get3A_1036, %get3A_1037, %get3A_1038] : memref<8x5x128xf32, #tpu.memory_space<vmem>>, vector<1x1x128xf32>
      %get3A_1040 = vector.shape_cast %get3A_1039 : vector<1x1x128xf32> to vector<1x128xf32>
      %swap3A_1041 = arith.constant 0 : index
      %swap3A_1042 = arith.constant 15 : index
      %swap3A_1043 = arith.constant 0 : index
      %swap3A_1044 = vector.load %arg7[%swap3A_1041, %swap3A_1042, %swap3A_1043] : memref<3x40x128xf32, #tpu.memory_space<vmem>>, vector<1x1x128xf32>
      %swap3A_1045 = vector.shape_cast %swap3A_1044 : vector<1x1x128xf32> to vector<1x128xf32>
      %swap3A_1046 = vector.shape_cast %get3A_1040 : vector<1x128xf32> to vector<1x1x128xf32>
      tpu.vector_store %arg7[%swap3A_1041, %swap3A_1042, %swap3A_1043], %swap3A_1046 {strides = array<i32>} : memref<3x40x128xf32, #tpu.memory_space<vmem>>, vector<1x1x128xf32>,
      %get3A_1047 = arith.constant 0 : index
      %get3A_1048 = arith.constant 2 : index
      %get3A_1049 = arith.constant 0 : index
      %get3A_1050 = vector.load %arg5[%get3A_1047, %get3A_1048, %get3A_1049] : memref<8x5x128xf32, #tpu.memory_space<vmem>>, vector<1x1x128xf32>
      %get3A_1051 = vector.shape_cast %get3A_1050 : vector<1x1x128xf32> to vector<1x128xf32>
      %swap3A_1052 = arith.constant 0 : index
      %swap3A_1053 = arith.constant 16 : index
      %swap3A_1054 = arith.constant 0 : index
      %swap3A_1055 = vector.load %arg7[%swap3A_1052, %swap3A_1053, %swap3A_1054] : memref<3x40x128xf32, #tpu.memory_space<vmem>>, vector<1x1x128xf32>
      %swap3A_1056 = vector.shape_cast %swap3A_1055 : vector<1x1x128xf32> to vector<1x128xf32>
      %swap3A_1057 = vector.shape_cast %get3A_1051 : vector<1x128xf32> to vector<1x1x128xf32>
      tpu.vector_store %arg7[%swap3A_1052, %swap3A_1053, %swap3A_1054], %swap3A_1057 {strides = array<i32>} : memref<3x40x128xf32, #tpu.memory_space<vmem>>, vector<1x1x128xf32>,
      %get3A_1058 = arith.constant 1 : index
      %get3A_1059 = arith.constant 2 : index
      %get3A_1060 = arith.constant 0 : index
      %get3A_1061 = vector.load %arg5[%get3A_1058, %get3A_1059, %get3A_1060] : memref<8x5x128xf32, #tpu.memory_space<vmem>>, vector<1x1x128xf32>
      %get3A_1062 = vector.shape_cast %get3A_1061 : vector<1x1x128xf32> to vector<1x128xf32>
      %swap3A_1063 = arith.constant 0 : index
      %swap3A_1064 = arith.constant 17 : index
      %swap3A_1065 = arith.constant 0 : index
      %swap3A_1066 = vector.load %arg7[%swap3A_1063, %swap3A_1064, %swap3A_1065] : memref<3x40x128xf32, #tpu.memory_space<vmem>>, vector<1x1x128xf32>
      %swap3A_1067 = vector.shape_cast %swap3A_1066 : vector<1x1x128xf32> to vector<1x128xf32>
      %swap3A_1068 = vector.shape_cast %get3A_1062 : vector<1x128xf32> to vector<1x1x128xf32>
      tpu.vector_store %arg7[%swap3A_1063, %swap3A_1064, %swap3A_1065], %swap3A_1068 {strides = array<i32>} : memref<3x40x128xf32, #tpu.memory_space<vmem>>, vector<1x1x128xf32>,
      %get3A_1069 = arith.constant 2 : index
      %get3A_1070 = arith.constant 2 : index
      %get3A_1071 = arith.constant 0 : index
      %get3A_1072 = vector.load %arg5[%get3A_1069, %get3A_1070, %get3A_1071] : memref<8x5x128xf32, #tpu.memory_space<vmem>>, vector<1x1x128xf32>
      %get3A_1073 = vector.shape_cast %get3A_1072 : vector<1x1x128xf32> to vector<1x128xf32>
      %swap3A_1074 = arith.constant 0 : index
      %swap3A_1075 = arith.constant 18 : index
      %swap3A_1076 = arith.constant 0 : index
      %swap3A_1077 = vector.load %arg7[%swap3A_1074, %swap3A_1075, %swap3A_1076] : memref<3x40x128xf32, #tpu.memory_space<vmem>>, vector<1x1x128xf32>
      %swap3A_1078 = vector.shape_cast %swap3A_1077 : vector<1x1x128xf32> to vector<1x128xf32>
      %swap3A_1079 = vector.shape_cast %get3A_1073 : vector<1x128xf32> to vector<1x1x128xf32>
      tpu.vector_store %arg7[%swap3A_1074, %swap3A_1075, %swap3A_1076], %swap3A_1079 {strides = array<i32>} : memref<3x40x128xf32, #tpu.memory_space<vmem>>, vector<1x1x128xf32>,
      %get3A_1080 = arith.constant 3 : index
      %get3A_1081 = arith.constant 2 : index
      %get3A_1082 = arith.constant 0 : index
      %get3A_1083 = vector.load %arg5[%get3A_1080, %get3A_1081, %get3A_1082] : memref<8x5x128xf32, #tpu.memory_space<vmem>>, vector<1x1x128xf32>
      %get3A_1084 = vector.shape_cast %get3A_1083 : vector<1x1x128xf32> to vector<1x128xf32>
      %swap3A_1085 = arith.constant 0 : index
      %swap3A_1086 = arith.constant 19 : index
      %swap3A_1087 = arith.constant 0 : index
      %swap3A_1088 = vector.load %arg7[%swap3A_1085, %swap3A_1086, %swap3A_1087] : memref<3x40x128xf32, #tpu.memory_space<vmem>>, vector<1x1x128xf32>
      %swap3A_1089 = vector.shape_cast %swap3A_1088 : vector<1x1x128xf32> to vector<1x128xf32>
      %swap3A_1090 = vector.shape_cast %get3A_1084 : vector<1x128xf32> to vector<1x1x128xf32>
      tpu.vector_store %arg7[%swap3A_1085, %swap3A_1086, %swap3A_1087], %swap3A_1090 {strides = array<i32>} : memref<3x40x128xf32, #tpu.memory_space<vmem>>, vector<1x1x128xf32>,
      %get3A_1091 = arith.constant 4 : index
      %get3A_1092 = arith.constant 2 : index
      %get3A_1093 = arith.constant 0 : index
      %get3A_1094 = vector.load %arg5[%get3A_1091, %get3A_1092, %get3A_1093] : memref<8x5x128xf32, #tpu.memory_space<vmem>>, vector<1x1x128xf32>
      %get3A_1095 = vector.shape_cast %get3A_1094 : vector<1x1x128xf32> to vector<1x128xf32>
      %swap3A_1096 = arith.constant 0 : index
      %swap3A_1097 = arith.constant 20 : index
      %swap3A_1098 = arith.constant 0 : index
      %swap3A_1099 = vector.load %arg7[%swap3A_1096, %swap3A_1097, %swap3A_1098] : memref<3x40x128xf32, #tpu.memory_space<vmem>>, vector<1x1x128xf32>
      %swap3A_1100 = vector.shape_cast %swap3A_1099 : vector<1x1x128xf32> to vector<1x128xf32>
      %swap3A_1101 = vector.shape_cast %get3A_1095 : vector<1x128xf32> to vector<1x1x128xf32>
      tpu.vector_store %arg7[%swap3A_1096, %swap3A_1097, %swap3A_1098], %swap3A_1101 {strides = array<i32>} : memref<3x40x128xf32, #tpu.memory_space<vmem>>, vector<1x1x128xf32>,
      %get3A_1102 = arith.constant 5 : index
      %get3A_1103 = arith.constant 2 : index
      %get3A_1104 = arith.constant 0 : index
      %get3A_1105 = vector.load %arg5[%get3A_1102, %get3A_1103, %get3A_1104] : memref<8x5x128xf32, #tpu.memory_space<vmem>>, vector<1x1x128xf32>
      %get3A_1106 = vector.shape_cast %get3A_1105 : vector<1x1x128xf32> to vector<1x128xf32>
      %swap3A_1107 = arith.constant 0 : index
      %swap3A_1108 = arith.constant 21 : index
      %swap3A_1109 = arith.constant 0 : index
      %swap3A_1110 = vector.load %arg7[%swap3A_1107, %swap3A_1108, %swap3A_1109] : memref<3x40x128xf32, #tpu.memory_space<vmem>>, vector<1x1x128xf32>
      %swap3A_1111 = vector.shape_cast %swap3A_1110 : vector<1x1x128xf32> to vector<1x128xf32>
      %swap3A_1112 = vector.shape_cast %get3A_1106 : vector<1x128xf32> to vector<1x1x128xf32>
      tpu.vector_store %arg7[%swap3A_1107, %swap3A_1108, %swap3A_1109], %swap3A_1112 {strides = array<i32>} : memref<3x40x128xf32, #tpu.memory_space<vmem>>, vector<1x1x128xf32>,
      %get3A_1113 = arith.constant 6 : index
      %get3A_1114 = arith.constant 2 : index
      %get3A_1115 = arith.constant 0 : index
      %get3A_1116 = vector.load %arg5[%get3A_1113, %get3A_1114, %get3A_1115] : memref<8x5x128xf32, #tpu.memory_space<vmem>>, vector<1x1x128xf32>
      %get3A_1117 = vector.shape_cast %get3A_1116 : vector<1x1x128xf32> to vector<1x128xf32>
      %swap3A_1118 = arith.constant 0 : index
      %swap3A_1119 = arith.constant 22 : index
      %swap3A_1120 = arith.constant 0 : index
      %swap3A_1121 = vector.load %arg7[%swap3A_1118, %swap3A_1119, %swap3A_1120] : memref<3x40x128xf32, #tpu.memory_space<vmem>>, vector<1x1x128xf32>
      %swap3A_1122 = vector.shape_cast %swap3A_1121 : vector<1x1x128xf32> to vector<1x128xf32>
      %swap3A_1123 = vector.shape_cast %get3A_1117 : vector<1x128xf32> to vector<1x1x128xf32>
      tpu.vector_store %arg7[%swap3A_1118, %swap3A_1119, %swap3A_1120], %swap3A_1123 {strides = array<i32>} : memref<3x40x128xf32, #tpu.memory_space<vmem>>, vector<1x1x128xf32>,
      %get3A_1124 = arith.constant 7 : index
      %get3A_1125 = arith.constant 2 : index
      %get3A_1126 = arith.constant 0 : index
      %get3A_1127 = vector.load %arg5[%get3A_1124, %get3A_1125, %get3A_1126] : memref<8x5x128xf32, #tpu.memory_space<vmem>>, vector<1x1x128xf32>
      %get3A_1128 = vector.shape_cast %get3A_1127 : vector<1x1x128xf32> to vector<1x128xf32>
      %swap3A_1129 = arith.constant 0 : index
      %swap3A_1130 = arith.constant 23 : index
      %swap3A_1131 = arith.constant 0 : index
      %swap3A_1132 = vector.load %arg7[%swap3A_1129, %swap3A_1130, %swap3A_1131] : memref<3x40x128xf32, #tpu.memory_space<vmem>>, vector<1x1x128xf32>
      %swap3A_1133 = vector.shape_cast %swap3A_1132 : vector<1x1x128xf32> to vector<1x128xf32>
      %swap3A_1134 = vector.shape_cast %get3A_1128 : vector<1x128xf32> to vector<1x1x128xf32>
      tpu.vector_store %arg7[%swap3A_1129, %swap3A_1130, %swap3A_1131], %swap3A_1134 {strides = array<i32>} : memref<3x40x128xf32, #tpu.memory_space<vmem>>, vector<1x1x128xf32>,
      %get3A_1135 = arith.constant 0 : index
      %get3A_1136 = arith.constant 3 : index
      %get3A_1137 = arith.constant 0 : index
      %get3A_1138 = vector.load %arg5[%get3A_1135, %get3A_1136, %get3A_1137] : memref<8x5x128xf32, #tpu.memory_space<vmem>>, vector<1x1x128xf32>
      %get3A_1139 = vector.shape_cast %get3A_1138 : vector<1x1x128xf32> to vector<1x128xf32>
      %swap3A_1140 = arith.constant 0 : index
      %swap3A_1141 = arith.constant 24 : index
      %swap3A_1142 = arith.constant 0 : index
      %swap3A_1143 = vector.load %arg7[%swap3A_1140, %swap3A_1141, %swap3A_1142] : memref<3x40x128xf32, #tpu.memory_space<vmem>>, vector<1x1x128xf32>
      %swap3A_1144 = vector.shape_cast %swap3A_1143 : vector<1x1x128xf32> to vector<1x128xf32>
      %swap3A_1145 = vector.shape_cast %get3A_1139 : vector<1x128xf32> to vector<1x1x128xf32>
      tpu.vector_store %arg7[%swap3A_1140, %swap3A_1141, %swap3A_1142], %swap3A_1145 {strides = array<i32>} : memref<3x40x128xf32, #tpu.memory_space<vmem>>, vector<1x1x128xf32>,
      %get3A_1146 = arith.constant 1 : index
      %get3A_1147 = arith.constant 3 : index
      %get3A_1148 = arith.constant 0 : index
      %get3A_1149 = vector.load %arg5[%get3A_1146, %get3A_1147, %get3A_1148] : memref<8x5x128xf32, #tpu.memory_space<vmem>>, vector<1x1x128xf32>
      %get3A_1150 = vector.shape_cast %get3A_1149 : vector<1x1x128xf32> to vector<1x128xf32>
      %swap3A_1151 = arith.constant 0 : index
      %swap3A_1152 = arith.constant 25 : index
      %swap3A_1153 = arith.constant 0 : index
      %swap3A_1154 = vector.load %arg7[%swap3A_1151, %swap3A_1152, %swap3A_1153] : memref<3x40x128xf32, #tpu.memory_space<vmem>>, vector<1x1x128xf32>
      %swap3A_1155 = vector.shape_cast %swap3A_1154 : vector<1x1x128xf32> to vector<1x128xf32>
      %swap3A_1156 = vector.shape_cast %get3A_1150 : vector<1x128xf32> to vector<1x1x128xf32>
      tpu.vector_store %arg7[%swap3A_1151, %swap3A_1152, %swap3A_1153], %swap3A_1156 {strides = array<i32>} : memref<3x40x128xf32, #tpu.memory_space<vmem>>, vector<1x1x128xf32>,
      %get3A_1157 = arith.constant 2 : index
      %get3A_1158 = arith.constant 3 : index
      %get3A_1159 = arith.constant 0 : index
      %get3A_1160 = vector.load %arg5[%get3A_1157, %get3A_1158, %get3A_1159] : memref<8x5x128xf32, #tpu.memory_space<vmem>>, vector<1x1x128xf32>
      %get3A_1161 = vector.shape_cast %get3A_1160 : vector<1x1x128xf32> to vector<1x128xf32>
      %swap3A_1162 = arith.constant 0 : index
      %swap3A_1163 = arith.constant 26 : index
      %swap3A_1164 = arith.constant 0 : index
      %swap3A_1165 = vector.load %arg7[%swap3A_1162, %swap3A_1163, %swap3A_1164] : memref<3x40x128xf32, #tpu.memory_space<vmem>>, vector<1x1x128xf32>
      %swap3A_1166 = vector.shape_cast %swap3A_1165 : vector<1x1x128xf32> to vector<1x128xf32>
      %swap3A_1167 = vector.shape_cast %get3A_1161 : vector<1x128xf32> to vector<1x1x128xf32>
      tpu.vector_store %arg7[%swap3A_1162, %swap3A_1163, %swap3A_1164], %swap3A_1167 {strides = array<i32>} : memref<3x40x128xf32, #tpu.memory_space<vmem>>, vector<1x1x128xf32>,
      %get3A_1168 = arith.constant 3 : index
      %get3A_1169 = arith.constant 3 : index
      %get3A_1170 = arith.constant 0 : index
      %get3A_1171 = vector.load %arg5[%get3A_1168, %get3A_1169, %get3A_1170] : memref<8x5x128xf32, #tpu.memory_space<vmem>>, vector<1x1x128xf32>
      %get3A_1172 = vector.shape_cast %get3A_1171 : vector<1x1x128xf32> to vector<1x128xf32>
      %swap3A_1173 = arith.constant 0 : index
      %swap3A_1174 = arith.constant 27 : index
      %swap3A_1175 = arith.constant 0 : index
      %swap3A_1176 = vector.load %arg7[%swap3A_1173, %swap3A_1174, %swap3A_1175] : memref<3x40x128xf32, #tpu.memory_space<vmem>>, vector<1x1x128xf32>
      %swap3A_1177 = vector.shape_cast %swap3A_1176 : vector<1x1x128xf32> to vector<1x128xf32>
      %swap3A_1178 = vector.shape_cast %get3A_1172 : vector<1x128xf32> to vector<1x1x128xf32>
      tpu.vector_store %arg7[%swap3A_1173, %swap3A_1174, %swap3A_1175], %swap3A_1178 {strides = array<i32>} : memref<3x40x128xf32, #tpu.memory_space<vmem>>, vector<1x1x128xf32>,
      %get3A_1179 = arith.constant 4 : index
      %get3A_1180 = arith.constant 3 : index
      %get3A_1181 = arith.constant 0 : index
      %get3A_1182 = vector.load %arg5[%get3A_1179, %get3A_1180, %get3A_1181] : memref<8x5x128xf32, #tpu.memory_space<vmem>>, vector<1x1x128xf32>
      %get3A_1183 = vector.shape_cast %get3A_1182 : vector<1x1x128xf32> to vector<1x128xf32>
      %swap3A_1184 = arith.constant 0 : index
      %swap3A_1185 = arith.constant 28 : index
      %swap3A_1186 = arith.constant 0 : index
      %swap3A_1187 = vector.load %arg7[%swap3A_1184, %swap3A_1185, %swap3A_1186] : memref<3x40x128xf32, #tpu.memory_space<vmem>>, vector<1x1x128xf32>
      %swap3A_1188 = vector.shape_cast %swap3A_1187 : vector<1x1x128xf32> to vector<1x128xf32>
      %swap3A_1189 = vector.shape_cast %get3A_1183 : vector<1x128xf32> to vector<1x1x128xf32>
      tpu.vector_store %arg7[%swap3A_1184, %swap3A_1185, %swap3A_1186], %swap3A_1189 {strides = array<i32>} : memref<3x40x128xf32, #tpu.memory_space<vmem>>, vector<1x1x128xf32>,
      %get3A_1190 = arith.constant 5 : index
      %get3A_1191 = arith.constant 3 : index
      %get3A_1192 = arith.constant 0 : index
      %get3A_1193 = vector.load %arg5[%get3A_1190, %get3A_1191, %get3A_1192] : memref<8x5x128xf32, #tpu.memory_space<vmem>>, vector<1x1x128xf32>
      %get3A_1194 = vector.shape_cast %get3A_1193 : vector<1x1x128xf32> to vector<1x128xf32>
      %swap3A_1195 = arith.constant 0 : index
      %swap3A_1196 = arith.constant 29 : index
      %swap3A_1197 = arith.constant 0 : index
      %swap3A_1198 = vector.load %arg7[%swap3A_1195, %swap3A_1196, %swap3A_1197] : memref<3x40x128xf32, #tpu.memory_space<vmem>>, vector<1x1x128xf32>
      %swap3A_1199 = vector.shape_cast %swap3A_1198 : vector<1x1x128xf32> to vector<1x128xf32>
      %swap3A_1200 = vector.shape_cast %get3A_1194 : vector<1x128xf32> to vector<1x1x128xf32>
      tpu.vector_store %arg7[%swap3A_1195, %swap3A_1196, %swap3A_1197], %swap3A_1200 {strides = array<i32>} : memref<3x40x128xf32, #tpu.memory_space<vmem>>, vector<1x1x128xf32>,
      %get3A_1201 = arith.constant 6 : index
      %get3A_1202 = arith.constant 3 : index
      %get3A_1203 = arith.constant 0 : index
      %get3A_1204 = vector.load %arg5[%get3A_1201, %get3A_1202, %get3A_1203] : memref<8x5x128xf32, #tpu.memory_space<vmem>>, vector<1x1x128xf32>
      %get3A_1205 = vector.shape_cast %get3A_1204 : vector<1x1x128xf32> to vector<1x128xf32>
      %swap3A_1206 = arith.constant 0 : index
      %swap3A_1207 = arith.constant 30 : index
      %swap3A_1208 = arith.constant 0 : index
      %swap3A_1209 = vector.load %arg7[%swap3A_1206, %swap3A_1207, %swap3A_1208] : memref<3x40x128xf32, #tpu.memory_space<vmem>>, vector<1x1x128xf32>
      %swap3A_1210 = vector.shape_cast %swap3A_1209 : vector<1x1x128xf32> to vector<1x128xf32>
      %swap3A_1211 = vector.shape_cast %get3A_1205 : vector<1x128xf32> to vector<1x1x128xf32>
      tpu.vector_store %arg7[%swap3A_1206, %swap3A_1207, %swap3A_1208], %swap3A_1211 {strides = array<i32>} : memref<3x40x128xf32, #tpu.memory_space<vmem>>, vector<1x1x128xf32>,
      %get3A_1212 = arith.constant 7 : index
      %get3A_1213 = arith.constant 3 : index
      %get3A_1214 = arith.constant 0 : index
      %get3A_1215 = vector.load %arg5[%get3A_1212, %get3A_1213, %get3A_1214] : memref<8x5x128xf32, #tpu.memory_space<vmem>>, vector<1x1x128xf32>
      %get3A_1216 = vector.shape_cast %get3A_1215 : vector<1x1x128xf32> to vector<1x128xf32>
      %swap3A_1217 = arith.constant 0 : index
      %swap3A_1218 = arith.constant 31 : index
      %swap3A_1219 = arith.constant 0 : index
      %swap3A_1220 = vector.load %arg7[%swap3A_1217, %swap3A_1218, %swap3A_1219] : memref<3x40x128xf32, #tpu.memory_space<vmem>>, vector<1x1x128xf32>
      %swap3A_1221 = vector.shape_cast %swap3A_1220 : vector<1x1x128xf32> to vector<1x128xf32>
      %swap3A_1222 = vector.shape_cast %get3A_1216 : vector<1x128xf32> to vector<1x1x128xf32>
      tpu.vector_store %arg7[%swap3A_1217, %swap3A_1218, %swap3A_1219], %swap3A_1222 {strides = array<i32>} : memref<3x40x128xf32, #tpu.memory_space<vmem>>, vector<1x1x128xf32>,
      %get3A_1223 = arith.constant 0 : index
      %get3A_1224 = arith.constant 4 : index
      %get3A_1225 = arith.constant 0 : index
      %get3A_1226 = vector.load %arg5[%get3A_1223, %get3A_1224, %get3A_1225] : memref<8x5x128xf32, #tpu.memory_space<vmem>>, vector<1x1x128xf32>
      %get3A_1227 = vector.shape_cast %get3A_1226 : vector<1x1x128xf32> to vector<1x128xf32>
      %swap3A_1228 = arith.constant 0 : index
      %swap3A_1229 = arith.constant 32 : index
      %swap3A_1230 = arith.constant 0 : index
      %swap3A_1231 = vector.load %arg7[%swap3A_1228, %swap3A_1229, %swap3A_1230] : memref<3x40x128xf32, #tpu.memory_space<vmem>>, vector<1x1x128xf32>
      %swap3A_1232 = vector.shape_cast %swap3A_1231 : vector<1x1x128xf32> to vector<1x128xf32>
      %swap3A_1233 = vector.shape_cast %get3A_1227 : vector<1x128xf32> to vector<1x1x128xf32>
      tpu.vector_store %arg7[%swap3A_1228, %swap3A_1229, %swap3A_1230], %swap3A_1233 {strides = array<i32>} : memref<3x40x128xf32, #tpu.memory_space<vmem>>, vector<1x1x128xf32>,
      %get3A_1234 = arith.constant 1 : index
      %get3A_1235 = arith.constant 4 : index
      %get3A_1236 = arith.constant 0 : index
      %get3A_1237 = vector.load %arg5[%get3A_1234, %get3A_1235, %get3A_1236] : memref<8x5x128xf32, #tpu.memory_space<vmem>>, vector<1x1x128xf32>
      %get3A_1238 = vector.shape_cast %get3A_1237 : vector<1x1x128xf32> to vector<1x128xf32>
      %swap3A_1239 = arith.constant 0 : index
      %swap3A_1240 = arith.constant 33 : index
      %swap3A_1241 = arith.constant 0 : index
      %swap3A_1242 = vector.load %arg7[%swap3A_1239, %swap3A_1240, %swap3A_1241] : memref<3x40x128xf32, #tpu.memory_space<vmem>>, vector<1x1x128xf32>
      %swap3A_1243 = vector.shape_cast %swap3A_1242 : vector<1x1x128xf32> to vector<1x128xf32>
      %swap3A_1244 = vector.shape_cast %get3A_1238 : vector<1x128xf32> to vector<1x1x128xf32>
      tpu.vector_store %arg7[%swap3A_1239, %swap3A_1240, %swap3A_1241], %swap3A_1244 {strides = array<i32>} : memref<3x40x128xf32, #tpu.memory_space<vmem>>, vector<1x1x128xf32>,
      %get3A_1245 = arith.constant 2 : index
      %get3A_1246 = arith.constant 4 : index
      %get3A_1247 = arith.constant 0 : index
      %get3A_1248 = vector.load %arg5[%get3A_1245, %get3A_1246, %get3A_1247] : memref<8x5x128xf32, #tpu.memory_space<vmem>>, vector<1x1x128xf32>
      %get3A_1249 = vector.shape_cast %get3A_1248 : vector<1x1x128xf32> to vector<1x128xf32>
      %swap3A_1250 = arith.constant 0 : index
      %swap3A_1251 = arith.constant 34 : index
      %swap3A_1252 = arith.constant 0 : index
      %swap3A_1253 = vector.load %arg7[%swap3A_1250, %swap3A_1251, %swap3A_1252] : memref<3x40x128xf32, #tpu.memory_space<vmem>>, vector<1x1x128xf32>
      %swap3A_1254 = vector.shape_cast %swap3A_1253 : vector<1x1x128xf32> to vector<1x128xf32>
      %swap3A_1255 = vector.shape_cast %get3A_1249 : vector<1x128xf32> to vector<1x1x128xf32>
      tpu.vector_store %arg7[%swap3A_1250, %swap3A_1251, %swap3A_1252], %swap3A_1255 {strides = array<i32>} : memref<3x40x128xf32, #tpu.memory_space<vmem>>, vector<1x1x128xf32>,
      %get3A_1256 = arith.constant 3 : index
      %get3A_1257 = arith.constant 4 : index
      %get3A_1258 = arith.constant 0 : index
      %get3A_1259 = vector.load %arg5[%get3A_1256, %get3A_1257, %get3A_1258] : memref<8x5x128xf32, #tpu.memory_space<vmem>>, vector<1x1x128xf32>
      %get3A_1260 = vector.shape_cast %get3A_1259 : vector<1x1x128xf32> to vector<1x128xf32>
      %swap3A_1261 = arith.constant 0 : index
      %swap3A_1262 = arith.constant 35 : index
      %swap3A_1263 = arith.constant 0 : index
      %swap3A_1264 = vector.load %arg7[%swap3A_1261, %swap3A_1262, %swap3A_1263] : memref<3x40x128xf32, #tpu.memory_space<vmem>>, vector<1x1x128xf32>
      %swap3A_1265 = vector.shape_cast %swap3A_1264 : vector<1x1x128xf32> to vector<1x128xf32>
      %swap3A_1266 = vector.shape_cast %get3A_1260 : vector<1x128xf32> to vector<1x1x128xf32>
      tpu.vector_store %arg7[%swap3A_1261, %swap3A_1262, %swap3A_1263], %swap3A_1266 {strides = array<i32>} : memref<3x40x128xf32, #tpu.memory_space<vmem>>, vector<1x1x128xf32>,
      %get3A_1267 = arith.constant 4 : index
      %get3A_1268 = arith.constant 4 : index
      %get3A_1269 = arith.constant 0 : index
      %get3A_1270 = vector.load %arg5[%get3A_1267, %get3A_1268, %get3A_1269] : memref<8x5x128xf32, #tpu.memory_space<vmem>>, vector<1x1x128xf32>
      %get3A_1271 = vector.shape_cast %get3A_1270 : vector<1x1x128xf32> to vector<1x128xf32>
      %swap3A_1272 = arith.constant 0 : index
      %swap3A_1273 = arith.constant 36 : index
      %swap3A_1274 = arith.constant 0 : index
      %swap3A_1275 = vector.load %arg7[%swap3A_1272, %swap3A_1273, %swap3A_1274] : memref<3x40x128xf32, #tpu.memory_space<vmem>>, vector<1x1x128xf32>
      %swap3A_1276 = vector.shape_cast %swap3A_1275 : vector<1x1x128xf32> to vector<1x128xf32>
      %swap3A_1277 = vector.shape_cast %get3A_1271 : vector<1x128xf32> to vector<1x1x128xf32>
      tpu.vector_store %arg7[%swap3A_1272, %swap3A_1273, %swap3A_1274], %swap3A_1277 {strides = array<i32>} : memref<3x40x128xf32, #tpu.memory_space<vmem>>, vector<1x1x128xf32>,
      %get3A_1278 = arith.constant 5 : index
      %get3A_1279 = arith.constant 4 : index
      %get3A_1280 = arith.constant 0 : index
      %get3A_1281 = vector.load %arg5[%get3A_1278, %get3A_1279, %get3A_1280] : memref<8x5x128xf32, #tpu.memory_space<vmem>>, vector<1x1x128xf32>
      %get3A_1282 = vector.shape_cast %get3A_1281 : vector<1x1x128xf32> to vector<1x128xf32>
      %swap3A_1283 = arith.constant 0 : index
      %swap3A_1284 = arith.constant 37 : index
      %swap3A_1285 = arith.constant 0 : index
      %swap3A_1286 = vector.load %arg7[%swap3A_1283, %swap3A_1284, %swap3A_1285] : memref<3x40x128xf32, #tpu.memory_space<vmem>>, vector<1x1x128xf32>
      %swap3A_1287 = vector.shape_cast %swap3A_1286 : vector<1x1x128xf32> to vector<1x128xf32>
      %swap3A_1288 = vector.shape_cast %get3A_1282 : vector<1x128xf32> to vector<1x1x128xf32>
      tpu.vector_store %arg7[%swap3A_1283, %swap3A_1284, %swap3A_1285], %swap3A_1288 {strides = array<i32>} : memref<3x40x128xf32, #tpu.memory_space<vmem>>, vector<1x1x128xf32>,
      %get3A_1289 = arith.constant 6 : index
      %get3A_1290 = arith.constant 4 : index
      %get3A_1291 = arith.constant 0 : index
      %get3A_1292 = vector.load %arg5[%get3A_1289, %get3A_1290, %get3A_1291] : memref<8x5x128xf32, #tpu.memory_space<vmem>>, vector<1x1x128xf32>
      %get3A_1293 = vector.shape_cast %get3A_1292 : vector<1x1x128xf32> to vector<1x128xf32>
      %swap3A_1294 = arith.constant 0 : index
      %swap3A_1295 = arith.constant 38 : index
      %swap3A_1296 = arith.constant 0 : index
      %swap3A_1297 = vector.load %arg7[%swap3A_1294, %swap3A_1295, %swap3A_1296] : memref<3x40x128xf32, #tpu.memory_space<vmem>>, vector<1x1x128xf32>
      %swap3A_1298 = vector.shape_cast %swap3A_1297 : vector<1x1x128xf32> to vector<1x128xf32>
      %swap3A_1299 = vector.shape_cast %get3A_1293 : vector<1x128xf32> to vector<1x1x128xf32>
      tpu.vector_store %arg7[%swap3A_1294, %swap3A_1295, %swap3A_1296], %swap3A_1299 {strides = array<i32>} : memref<3x40x128xf32, #tpu.memory_space<vmem>>, vector<1x1x128xf32>,
      %get3A_1300 = arith.constant 7 : index
      %get3A_1301 = arith.constant 4 : index
      %get3A_1302 = arith.constant 0 : index
      %get3A_1303 = vector.load %arg5[%get3A_1300, %get3A_1301, %get3A_1302] : memref<8x5x128xf32, #tpu.memory_space<vmem>>, vector<1x1x128xf32>
      %get3A_1304 = vector.shape_cast %get3A_1303 : vector<1x1x128xf32> to vector<1x128xf32>
      %swap3A_1305 = arith.constant 0 : index
      %swap3A_1306 = arith.constant 39 : index
      %swap3A_1307 = arith.constant 0 : index
      %swap3A_1308 = vector.load %arg7[%swap3A_1305, %swap3A_1306, %swap3A_1307] : memref<3x40x128xf32, #tpu.memory_space<vmem>>, vector<1x1x128xf32>
      %swap3A_1309 = vector.shape_cast %swap3A_1308 : vector<1x1x128xf32> to vector<1x128xf32>
      %swap3A_1310 = vector.shape_cast %get3A_1304 : vector<1x128xf32> to vector<1x1x128xf32>
      tpu.vector_store %arg7[%swap3A_1305, %swap3A_1306, %swap3A_1307], %swap3A_1310 {strides = array<i32>} : memref<3x40x128xf32, #tpu.memory_space<vmem>>, vector<1x1x128xf32>,
      %slice3A_1311 = vector.extract_strided_slice %convert_element_type3A_870 {offsets = [0, 0], sizes = [8, 1], strides = [1, 1]} : vector<8x10xf32> to vector<8x1xf32>
      %get3A_1312 = arith.constant 0 : index
      %get3A_1313 = arith.constant 8 : index
      %get3A_1314 = arith.constant 0 : index
      %get3A_1315 = vector.load %arg7[%get3A_1312, %get3A_1313, %get3A_1314] : memref<3x40x128xf32, #tpu.memory_space<vmem>>, vector<1x8x128xf32>
      %get3A_1316 = vector.shape_cast %get3A_1315 : vector<1x8x128xf32> to vector<8x128xf32>
      %convert_element_type3A_1317 = arith.truncf %get3A_1316 : vector<8x128xf32> to vector<8x128xbf16>
      %convert_element_type3A_1318 = arith.extf %convert_element_type3A_1317 : vector<8x128xbf16> to vector<8x128xf32>
      %mul3A_1319 = vector.broadcast %slice3A_1311 : vector<8x1xf32> to vector<8x128xf32>
      %mul3A_1320 = arith.mulf %mul3A_1319, %convert_element_type3A_1318 : vector<8x128xf32>
      %slice3A_1321 = vector.extract_strided_slice %convert_element_type3A_870 {offsets = [0, 1], sizes = [8, 1], strides = [1, 1]} : vector<8x10xf32> to vector<8x1xf32>
      %get3A_1322 = arith.constant 0 : index
      %get3A_1323 = arith.constant 16 : index
      %get3A_1324 = arith.constant 0 : index
      %get3A_1325 = vector.load %arg7[%get3A_1322, %get3A_1323, %get3A_1324] : memref<3x40x128xf32, #tpu.memory_space<vmem>>, vector<1x8x128xf32>
      %get3A_1326 = vector.shape_cast %get3A_1325 : vector<1x8x128xf32> to vector<8x128xf32>
      %convert_element_type3A_1327 = arith.truncf %get3A_1326 : vector<8x128xf32> to vector<8x128xbf16>
      %convert_element_type3A_1328 = arith.extf %convert_element_type3A_1327 : vector<8x128xbf16> to vector<8x128xf32>
      %mul3A_1329 = vector.broadcast %slice3A_1321 : vector<8x1xf32> to vector<8x128xf32>
      %mul3A_1330 = arith.mulf %mul3A_1329, %convert_element_type3A_1328 : vector<8x128xf32>
      %add3A_1331 = arith.addf %mul3A_1320, %mul3A_1330 : vector<8x128xf32>
      %slice3A_1332 = vector.extract_strided_slice %convert_element_type3A_870 {offsets = [0, 2], sizes = [8, 1], strides = [1, 1]} : vector<8x10xf32> to vector<8x1xf32>
      %get3A_1333 = arith.constant 0 : index
      %get3A_1334 = arith.constant 24 : index
      %get3A_1335 = arith.constant 0 : index
      %get3A_1336 = vector.load %arg7[%get3A_1333, %get3A_1334, %get3A_1335] : memref<3x40x128xf32, #tpu.memory_space<vmem>>, vector<1x8x128xf32>
      %get3A_1337 = vector.shape_cast %get3A_1336 : vector<1x8x128xf32> to vector<8x128xf32>
      %convert_element_type3A_1338 = arith.truncf %get3A_1337 : vector<8x128xf32> to vector<8x128xbf16>
      %convert_element_type3A_1339 = arith.extf %convert_element_type3A_1338 : vector<8x128xbf16> to vector<8x128xf32>
      %mul3A_1340 = vector.broadcast %slice3A_1332 : vector<8x1xf32> to vector<8x128xf32>
      %mul3A_1341 = arith.mulf %mul3A_1340, %convert_element_type3A_1339 : vector<8x128xf32>
      %add3A_1342 = arith.addf %add3A_1331, %mul3A_1341 : vector<8x128xf32>
      %slice3A_1343 = vector.extract_strided_slice %convert_element_type3A_870 {offsets = [0, 3], sizes = [8, 1], strides = [1, 1]} : vector<8x10xf32> to vector<8x1xf32>
      %get3A_1344 = arith.constant 0 : index
      %get3A_1345 = arith.constant 32 : index
      %get3A_1346 = arith.constant 0 : index
      %get3A_1347 = vector.load %arg7[%get3A_1344, %get3A_1345, %get3A_1346] : memref<3x40x128xf32, #tpu.memory_space<vmem>>, vector<1x8x128xf32>
      %get3A_1348 = vector.shape_cast %get3A_1347 : vector<1x8x128xf32> to vector<8x128xf32>
      %convert_element_type3A_1349 = arith.truncf %get3A_1348 : vector<8x128xf32> to vector<8x128xbf16>
      %convert_element_type3A_1350 = arith.extf %convert_element_type3A_1349 : vector<8x128xbf16> to vector<8x128xf32>
      %mul3A_1351 = vector.broadcast %slice3A_1343 : vector<8x1xf32> to vector<8x128xf32>
      %mul3A_1352 = arith.mulf %mul3A_1351, %convert_element_type3A_1350 : vector<8x128xf32>
      %add3A_1353 = arith.addf %add3A_1342, %mul3A_1352 : vector<8x128xf32>
      %swap3A_1354 = arith.constant 1 : index
      %swap3A_1355 = arith.constant 0 : index
      %swap3A_1356 = arith.constant 0 : index
      %swap3A_1357 = vector.load %arg7[%swap3A_1354, %swap3A_1355, %swap3A_1356] : memref<3x40x128xf32, #tpu.memory_space<vmem>>, vector<1x8x128xf32>
      %swap3A_1358 = vector.shape_cast %swap3A_1357 : vector<1x8x128xf32> to vector<8x128xf32>
      %swap3A_1359 = vector.shape_cast %add3A_1353 : vector<8x128xf32> to vector<1x8x128xf32>
      tpu.vector_store %arg7[%swap3A_1354, %swap3A_1355, %swap3A_1356], %swap3A_1359 {strides = array<i32>} : memref<3x40x128xf32, #tpu.memory_space<vmem>>, vector<1x8x128xf32>,
      %slice3A_1360 = vector.extract_strided_slice %convert_element_type3A_870 {offsets = [0, 0], sizes = [8, 1], strides = [1, 1]} : vector<8x10xf32> to vector<8x1xf32>
      %get3A_1361 = arith.constant 0 : index
      %get3A_1362 = arith.constant 0 : index
      %get3A_1363 = arith.constant 0 : index
      %get3A_1364 = vector.load %arg7[%get3A_1361, %get3A_1362, %get3A_1363] : memref<3x40x128xf32, #tpu.memory_space<vmem>>, vector<1x8x128xf32>
      %get3A_1365 = vector.shape_cast %get3A_1364 : vector<1x8x128xf32> to vector<8x128xf32>
      %convert_element_type3A_1366 = arith.truncf %get3A_1365 : vector<8x128xf32> to vector<8x128xbf16>
      %convert_element_type3A_1367 = arith.extf %convert_element_type3A_1366 : vector<8x128xbf16> to vector<8x128xf32>
      %mul3A_1368 = vector.broadcast %slice3A_1360 : vector<8x1xf32> to vector<8x128xf32>
      %mul3A_1369 = arith.mulf %mul3A_1368, %convert_element_type3A_1367 : vector<8x128xf32>
      %slice3A_1370 = vector.extract_strided_slice %convert_element_type3A_870 {offsets = [0, 4], sizes = [8, 1], strides = [1, 1]} : vector<8x10xf32> to vector<8x1xf32>
      %get3A_1371 = arith.constant 0 : index
      %get3A_1372 = arith.constant 16 : index
      %get3A_1373 = arith.constant 0 : index
      %get3A_1374 = vector.load %arg7[%get3A_1371, %get3A_1372, %get3A_1373] : memref<3x40x128xf32, #tpu.memory_space<vmem>>, vector<1x8x128xf32>
      %get3A_1375 = vector.shape_cast %get3A_1374 : vector<1x8x128xf32> to vector<8x128xf32>
      %convert_element_type3A_1376 = arith.truncf %get3A_1375 : vector<8x128xf32> to vector<8x128xbf16>
      %convert_element_type3A_1377 = arith.extf %convert_element_type3A_1376 : vector<8x128xbf16> to vector<8x128xf32>
      %mul3A_1378 = vector.broadcast %slice3A_1370 : vector<8x1xf32> to vector<8x128xf32>
      %mul3A_1379 = arith.mulf %mul3A_1378, %convert_element_type3A_1377 : vector<8x128xf32>
      %add3A_1380 = arith.addf %mul3A_1369, %mul3A_1379 : vector<8x128xf32>
      %slice3A_1381 = vector.extract_strided_slice %convert_element_type3A_870 {offsets = [0, 5], sizes = [8, 1], strides = [1, 1]} : vector<8x10xf32> to vector<8x1xf32>
      %get3A_1382 = arith.constant 0 : index
      %get3A_1383 = arith.constant 24 : index
      %get3A_1384 = arith.constant 0 : index
      %get3A_1385 = vector.load %arg7[%get3A_1382, %get3A_1383, %get3A_1384] : memref<3x40x128xf32, #tpu.memory_space<vmem>>, vector<1x8x128xf32>
      %get3A_1386 = vector.shape_cast %get3A_1385 : vector<1x8x128xf32> to vector<8x128xf32>
      %convert_element_type3A_1387 = arith.truncf %get3A_1386 : vector<8x128xf32> to vector<8x128xbf16>
      %convert_element_type3A_1388 = arith.extf %convert_element_type3A_1387 : vector<8x128xbf16> to vector<8x128xf32>
      %mul3A_1389 = vector.broadcast %slice3A_1381 : vector<8x1xf32> to vector<8x128xf32>
      %mul3A_1390 = arith.mulf %mul3A_1389, %convert_element_type3A_1388 : vector<8x128xf32>
      %add3A_1391 = arith.addf %add3A_1380, %mul3A_1390 : vector<8x128xf32>
      %slice3A_1392 = vector.extract_strided_slice %convert_element_type3A_870 {offsets = [0, 6], sizes = [8, 1], strides = [1, 1]} : vector<8x10xf32> to vector<8x1xf32>
      %get3A_1393 = arith.constant 0 : index
      %get3A_1394 = arith.constant 32 : index
      %get3A_1395 = arith.constant 0 : index
      %get3A_1396 = vector.load %arg7[%get3A_1393, %get3A_1394, %get3A_1395] : memref<3x40x128xf32, #tpu.memory_space<vmem>>, vector<1x8x128xf32>
      %get3A_1397 = vector.shape_cast %get3A_1396 : vector<1x8x128xf32> to vector<8x128xf32>
      %convert_element_type3A_1398 = arith.truncf %get3A_1397 : vector<8x128xf32> to vector<8x128xbf16>
      %convert_element_type3A_1399 = arith.extf %convert_element_type3A_1398 : vector<8x128xbf16> to vector<8x128xf32>
      %mul3A_1400 = vector.broadcast %slice3A_1392 : vector<8x1xf32> to vector<8x128xf32>
      %mul3A_1401 = arith.mulf %mul3A_1400, %convert_element_type3A_1399 : vector<8x128xf32>
      %add3A_1402 = arith.addf %add3A_1391, %mul3A_1401 : vector<8x128xf32>
      %swap3A_1403 = arith.constant 1 : index
      %swap3A_1404 = arith.constant 8 : index
      %swap3A_1405 = arith.constant 0 : index
      %swap3A_1406 = vector.load %arg7[%swap3A_1403, %swap3A_1404, %swap3A_1405] : memref<3x40x128xf32, #tpu.memory_space<vmem>>, vector<1x8x128xf32>
      %swap3A_1407 = vector.shape_cast %swap3A_1406 : vector<1x8x128xf32> to vector<8x128xf32>
      %swap3A_1408 = vector.shape_cast %add3A_1402 : vector<8x128xf32> to vector<1x8x128xf32>
      tpu.vector_store %arg7[%swap3A_1403, %swap3A_1404, %swap3A_1405], %swap3A_1408 {strides = array<i32>} : memref<3x40x128xf32, #tpu.memory_space<vmem>>, vector<1x8x128xf32>,
      %slice3A_1409 = vector.extract_strided_slice %convert_element_type3A_870 {offsets = [0, 1], sizes = [8, 1], strides = [1, 1]} : vector<8x10xf32> to vector<8x1xf32>
      %get3A_1410 = arith.constant 0 : index
      %get3A_1411 = arith.constant 0 : index
      %get3A_1412 = arith.constant 0 : index
      %get3A_1413 = vector.load %arg7[%get3A_1410, %get3A_1411, %get3A_1412] : memref<3x40x128xf32, #tpu.memory_space<vmem>>, vector<1x8x128xf32>
      %get3A_1414 = vector.shape_cast %get3A_1413 : vector<1x8x128xf32> to vector<8x128xf32>
      %convert_element_type3A_1415 = arith.truncf %get3A_1414 : vector<8x128xf32> to vector<8x128xbf16>
      %convert_element_type3A_1416 = arith.extf %convert_element_type3A_1415 : vector<8x128xbf16> to vector<8x128xf32>
      %mul3A_1417 = vector.broadcast %slice3A_1409 : vector<8x1xf32> to vector<8x128xf32>
      %mul3A_1418 = arith.mulf %mul3A_1417, %convert_element_type3A_1416 : vector<8x128xf32>
      %slice3A_1419 = vector.extract_strided_slice %convert_element_type3A_870 {offsets = [0, 4], sizes = [8, 1], strides = [1, 1]} : vector<8x10xf32> to vector<8x1xf32>
      %get3A_1420 = arith.constant 0 : index
      %get3A_1421 = arith.constant 8 : index
      %get3A_1422 = arith.constant 0 : index
      %get3A_1423 = vector.load %arg7[%get3A_1420, %get3A_1421, %get3A_1422] : memref<3x40x128xf32, #tpu.memory_space<vmem>>, vector<1x8x128xf32>
      %get3A_1424 = vector.shape_cast %get3A_1423 : vector<1x8x128xf32> to vector<8x128xf32>
      %convert_element_type3A_1425 = arith.truncf %get3A_1424 : vector<8x128xf32> to vector<8x128xbf16>
      %convert_element_type3A_1426 = arith.extf %convert_element_type3A_1425 : vector<8x128xbf16> to vector<8x128xf32>
      %mul3A_1427 = vector.broadcast %slice3A_1419 : vector<8x1xf32> to vector<8x128xf32>
      %mul3A_1428 = arith.mulf %mul3A_1427, %convert_element_type3A_1426 : vector<8x128xf32>
      %add3A_1429 = arith.addf %mul3A_1418, %mul3A_1428 : vector<8x128xf32>
      %slice3A_1430 = vector.extract_strided_slice %convert_element_type3A_870 {offsets = [0, 7], sizes = [8, 1], strides = [1, 1]} : vector<8x10xf32> to vector<8x1xf32>
      %get3A_1431 = arith.constant 0 : index
      %get3A_1432 = arith.constant 24 : index
      %get3A_1433 = arith.constant 0 : index
      %get3A_1434 = vector.load %arg7[%get3A_1431, %get3A_1432, %get3A_1433] : memref<3x40x128xf32, #tpu.memory_space<vmem>>, vector<1x8x128xf32>
      %get3A_1435 = vector.shape_cast %get3A_1434 : vector<1x8x128xf32> to vector<8x128xf32>
      %convert_element_type3A_1436 = arith.truncf %get3A_1435 : vector<8x128xf32> to vector<8x128xbf16>
      %convert_element_type3A_1437 = arith.extf %convert_element_type3A_1436 : vector<8x128xbf16> to vector<8x128xf32>
      %mul3A_1438 = vector.broadcast %slice3A_1430 : vector<8x1xf32> to vector<8x128xf32>
      %mul3A_1439 = arith.mulf %mul3A_1438, %convert_element_type3A_1437 : vector<8x128xf32>
      %add3A_1440 = arith.addf %add3A_1429, %mul3A_1439 : vector<8x128xf32>
      %slice3A_1441 = vector.extract_strided_slice %convert_element_type3A_870 {offsets = [0, 8], sizes = [8, 1], strides = [1, 1]} : vector<8x10xf32> to vector<8x1xf32>
      %get3A_1442 = arith.constant 0 : index
      %get3A_1443 = arith.constant 32 : index
      %get3A_1444 = arith.constant 0 : index
      %get3A_1445 = vector.load %arg7[%get3A_1442, %get3A_1443, %get3A_1444] : memref<3x40x128xf32, #tpu.memory_space<vmem>>, vector<1x8x128xf32>
      %get3A_1446 = vector.shape_cast %get3A_1445 : vector<1x8x128xf32> to vector<8x128xf32>
      %convert_element_type3A_1447 = arith.truncf %get3A_1446 : vector<8x128xf32> to vector<8x128xbf16>
      %convert_element_type3A_1448 = arith.extf %convert_element_type3A_1447 : vector<8x128xbf16> to vector<8x128xf32>
      %mul3A_1449 = vector.broadcast %slice3A_1441 : vector<8x1xf32> to vector<8x128xf32>
      %mul3A_1450 = arith.mulf %mul3A_1449, %convert_element_type3A_1448 : vector<8x128xf32>
      %add3A_1451 = arith.addf %add3A_1440, %mul3A_1450 : vector<8x128xf32>
      %swap3A_1452 = arith.constant 1 : index
      %swap3A_1453 = arith.constant 16 : index
      %swap3A_1454 = arith.constant 0 : index
      %swap3A_1455 = vector.load %arg7[%swap3A_1452, %swap3A_1453, %swap3A_1454] : memref<3x40x128xf32, #tpu.memory_space<vmem>>, vector<1x8x128xf32>
      %swap3A_1456 = vector.shape_cast %swap3A_1455 : vector<1x8x128xf32> to vector<8x128xf32>
      %swap3A_1457 = vector.shape_cast %add3A_1451 : vector<8x128xf32> to vector<1x8x128xf32>
      tpu.vector_store %arg7[%swap3A_1452, %swap3A_1453, %swap3A_1454], %swap3A_1457 {strides = array<i32>} : memref<3x40x128xf32, #tpu.memory_space<vmem>>, vector<1x8x128xf32>,
      %slice3A_1458 = vector.extract_strided_slice %convert_element_type3A_870 {offsets = [0, 2], sizes = [8, 1], strides = [1, 1]} : vector<8x10xf32> to vector<8x1xf32>
      %get3A_1459 = arith.constant 0 : index
      %get3A_1460 = arith.constant 0 : index
      %get3A_1461 = arith.constant 0 : index
      %get3A_1462 = vector.load %arg7[%get3A_1459, %get3A_1460, %get3A_1461] : memref<3x40x128xf32, #tpu.memory_space<vmem>>, vector<1x8x128xf32>
      %get3A_1463 = vector.shape_cast %get3A_1462 : vector<1x8x128xf32> to vector<8x128xf32>
      %convert_element_type3A_1464 = arith.truncf %get3A_1463 : vector<8x128xf32> to vector<8x128xbf16>
      %convert_element_type3A_1465 = arith.extf %convert_element_type3A_1464 : vector<8x128xbf16> to vector<8x128xf32>
      %mul3A_1466 = vector.broadcast %slice3A_1458 : vector<8x1xf32> to vector<8x128xf32>
      %mul3A_1467 = arith.mulf %mul3A_1466, %convert_element_type3A_1465 : vector<8x128xf32>
      %slice3A_1468 = vector.extract_strided_slice %convert_element_type3A_870 {offsets = [0, 5], sizes = [8, 1], strides = [1, 1]} : vector<8x10xf32> to vector<8x1xf32>
      %get3A_1469 = arith.constant 0 : index
      %get3A_1470 = arith.constant 8 : index
      %get3A_1471 = arith.constant 0 : index
      %get3A_1472 = vector.load %arg7[%get3A_1469, %get3A_1470, %get3A_1471] : memref<3x40x128xf32, #tpu.memory_space<vmem>>, vector<1x8x128xf32>
      %get3A_1473 = vector.shape_cast %get3A_1472 : vector<1x8x128xf32> to vector<8x128xf32>
      %convert_element_type3A_1474 = arith.truncf %get3A_1473 : vector<8x128xf32> to vector<8x128xbf16>
      %convert_element_type3A_1475 = arith.extf %convert_element_type3A_1474 : vector<8x128xbf16> to vector<8x128xf32>
      %mul3A_1476 = vector.broadcast %slice3A_1468 : vector<8x1xf32> to vector<8x128xf32>
      %mul3A_1477 = arith.mulf %mul3A_1476, %convert_element_type3A_1475 : vector<8x128xf32>
      %add3A_1478 = arith.addf %mul3A_1467, %mul3A_1477 : vector<8x128xf32>
      %slice3A_1479 = vector.extract_strided_slice %convert_element_type3A_870 {offsets = [0, 7], sizes = [8, 1], strides = [1, 1]} : vector<8x10xf32> to vector<8x1xf32>
      %get3A_1480 = arith.constant 0 : index
      %get3A_1481 = arith.constant 16 : index
      %get3A_1482 = arith.constant 0 : index
      %get3A_1483 = vector.load %arg7[%get3A_1480, %get3A_1481, %get3A_1482] : memref<3x40x128xf32, #tpu.memory_space<vmem>>, vector<1x8x128xf32>
      %get3A_1484 = vector.shape_cast %get3A_1483 : vector<1x8x128xf32> to vector<8x128xf32>
      %convert_element_type3A_1485 = arith.truncf %get3A_1484 : vector<8x128xf32> to vector<8x128xbf16>
      %convert_element_type3A_1486 = arith.extf %convert_element_type3A_1485 : vector<8x128xbf16> to vector<8x128xf32>
      %mul3A_1487 = vector.broadcast %slice3A_1479 : vector<8x1xf32> to vector<8x128xf32>
      %mul3A_1488 = arith.mulf %mul3A_1487, %convert_element_type3A_1486 : vector<8x128xf32>
      %add3A_1489 = arith.addf %add3A_1478, %mul3A_1488 : vector<8x128xf32>
      %slice3A_1490 = vector.extract_strided_slice %convert_element_type3A_870 {offsets = [0, 9], sizes = [8, 1], strides = [1, 1]} : vector<8x10xf32> to vector<8x1xf32>
      %get3A_1491 = arith.constant 0 : index
      %get3A_1492 = arith.constant 32 : index
      %get3A_1493 = arith.constant 0 : index
      %get3A_1494 = vector.load %arg7[%get3A_1491, %get3A_1492, %get3A_1493] : memref<3x40x128xf32, #tpu.memory_space<vmem>>, vector<1x8x128xf32>
      %get3A_1495 = vector.shape_cast %get3A_1494 : vector<1x8x128xf32> to vector<8x128xf32>
      %convert_element_type3A_1496 = arith.truncf %get3A_1495 : vector<8x128xf32> to vector<8x128xbf16>
      %convert_element_type3A_1497 = arith.extf %convert_element_type3A_1496 : vector<8x128xbf16> to vector<8x128xf32>
      %mul3A_1498 = vector.broadcast %slice3A_1490 : vector<8x1xf32> to vector<8x128xf32>
      %mul3A_1499 = arith.mulf %mul3A_1498, %convert_element_type3A_1497 : vector<8x128xf32>
      %add3A_1500 = arith.addf %add3A_1489, %mul3A_1499 : vector<8x128xf32>
      %swap3A_1501 = arith.constant 1 : index
      %swap3A_1502 = arith.constant 24 : index
      %swap3A_1503 = arith.constant 0 : index
      %swap3A_1504 = vector.load %arg7[%swap3A_1501, %swap3A_1502, %swap3A_1503] : memref<3x40x128xf32, #tpu.memory_space<vmem>>, vector<1x8x128xf32>
      %swap3A_1505 = vector.shape_cast %swap3A_1504 : vector<1x8x128xf32> to vector<8x128xf32>
      %swap3A_1506 = vector.shape_cast %add3A_1500 : vector<8x128xf32> to vector<1x8x128xf32>
      tpu.vector_store %arg7[%swap3A_1501, %swap3A_1502, %swap3A_1503], %swap3A_1506 {strides = array<i32>} : memref<3x40x128xf32, #tpu.memory_space<vmem>>, vector<1x8x128xf32>,
      %slice3A_1507 = vector.extract_strided_slice %convert_element_type3A_870 {offsets = [0, 3], sizes = [8, 1], strides = [1, 1]} : vector<8x10xf32> to vector<8x1xf32>
      %get3A_1508 = arith.constant 0 : index
      %get3A_1509 = arith.constant 0 : index
      %get3A_1510 = arith.constant 0 : index
      %get3A_1511 = vector.load %arg7[%get3A_1508, %get3A_1509, %get3A_1510] : memref<3x40x128xf32, #tpu.memory_space<vmem>>, vector<1x8x128xf32>
      %get3A_1512 = vector.shape_cast %get3A_1511 : vector<1x8x128xf32> to vector<8x128xf32>
      %convert_element_type3A_1513 = arith.truncf %get3A_1512 : vector<8x128xf32> to vector<8x128xbf16>
      %convert_element_type3A_1514 = arith.extf %convert_element_type3A_1513 : vector<8x128xbf16> to vector<8x128xf32>
      %mul3A_1515 = vector.broadcast %slice3A_1507 : vector<8x1xf32> to vector<8x128xf32>
      %mul3A_1516 = arith.mulf %mul3A_1515, %convert_element_type3A_1514 : vector<8x128xf32>
      %slice3A_1517 = vector.extract_strided_slice %convert_element_type3A_870 {offsets = [0, 6], sizes = [8, 1], strides = [1, 1]} : vector<8x10xf32> to vector<8x1xf32>
      %get3A_1518 = arith.constant 0 : index
      %get3A_1519 = arith.constant 8 : index
      %get3A_1520 = arith.constant 0 : index
      %get3A_1521 = vector.load %arg7[%get3A_1518, %get3A_1519, %get3A_1520] : memref<3x40x128xf32, #tpu.memory_space<vmem>>, vector<1x8x128xf32>
      %get3A_1522 = vector.shape_cast %get3A_1521 : vector<1x8x128xf32> to vector<8x128xf32>
      %convert_element_type3A_1523 = arith.truncf %get3A_1522 : vector<8x128xf32> to vector<8x128xbf16>
      %convert_element_type3A_1524 = arith.extf %convert_element_type3A_1523 : vector<8x128xbf16> to vector<8x128xf32>
      %mul3A_1525 = vector.broadcast %slice3A_1517 : vector<8x1xf32> to vector<8x128xf32>
      %mul3A_1526 = arith.mulf %mul3A_1525, %convert_element_type3A_1524 : vector<8x128xf32>
      %add3A_1527 = arith.addf %mul3A_1516, %mul3A_1526 : vector<8x128xf32>
      %slice3A_1528 = vector.extract_strided_slice %convert_element_type3A_870 {offsets = [0, 8], sizes = [8, 1], strides = [1, 1]} : vector<8x10xf32> to vector<8x1xf32>
      %get3A_1529 = arith.constant 0 : index
      %get3A_1530 = arith.constant 16 : index
      %get3A_1531 = arith.constant 0 : index
      %get3A_1532 = vector.load %arg7[%get3A_1529, %get3A_1530, %get3A_1531] : memref<3x40x128xf32, #tpu.memory_space<vmem>>, vector<1x8x128xf32>
      %get3A_1533 = vector.shape_cast %get3A_1532 : vector<1x8x128xf32> to vector<8x128xf32>
      %convert_element_type3A_1534 = arith.truncf %get3A_1533 : vector<8x128xf32> to vector<8x128xbf16>
      %convert_element_type3A_1535 = arith.extf %convert_element_type3A_1534 : vector<8x128xbf16> to vector<8x128xf32>
      %mul3A_1536 = vector.broadcast %slice3A_1528 : vector<8x1xf32> to vector<8x128xf32>
      %mul3A_1537 = arith.mulf %mul3A_1536, %convert_element_type3A_1535 : vector<8x128xf32>
      %add3A_1538 = arith.addf %add3A_1527, %mul3A_1537 : vector<8x128xf32>
      %slice3A_1539 = vector.extract_strided_slice %convert_element_type3A_870 {offsets = [0, 9], sizes = [8, 1], strides = [1, 1]} : vector<8x10xf32> to vector<8x1xf32>
      %get3A_1540 = arith.constant 0 : index
      %get3A_1541 = arith.constant 24 : index
      %get3A_1542 = arith.constant 0 : index
      %get3A_1543 = vector.load %arg7[%get3A_1540, %get3A_1541, %get3A_1542] : memref<3x40x128xf32, #tpu.memory_space<vmem>>, vector<1x8x128xf32>
      %get3A_1544 = vector.shape_cast %get3A_1543 : vector<1x8x128xf32> to vector<8x128xf32>
      %convert_element_type3A_1545 = arith.truncf %get3A_1544 : vector<8x128xf32> to vector<8x128xbf16>
      %convert_element_type3A_1546 = arith.extf %convert_element_type3A_1545 : vector<8x128xbf16> to vector<8x128xf32>
      %mul3A_1547 = vector.broadcast %slice3A_1539 : vector<8x1xf32> to vector<8x128xf32>
      %mul3A_1548 = arith.mulf %mul3A_1547, %convert_element_type3A_1546 : vector<8x128xf32>
      %add3A_1549 = arith.addf %add3A_1538, %mul3A_1548 : vector<8x128xf32>
      %swap3A_1550 = arith.constant 1 : index
      %swap3A_1551 = arith.constant 32 : index
      %swap3A_1552 = arith.constant 0 : index
      %swap3A_1553 = vector.load %arg7[%swap3A_1550, %swap3A_1551, %swap3A_1552] : memref<3x40x128xf32, #tpu.memory_space<vmem>>, vector<1x8x128xf32>
      %swap3A_1554 = vector.shape_cast %swap3A_1553 : vector<1x8x128xf32> to vector<8x128xf32>
      %swap3A_1555 = vector.shape_cast %add3A_1549 : vector<8x128xf32> to vector<1x8x128xf32>
      tpu.vector_store %arg7[%swap3A_1550, %swap3A_1551, %swap3A_1552], %swap3A_1555 {strides = array<i32>} : memref<3x40x128xf32, #tpu.memory_space<vmem>>, vector<1x8x128xf32>,
      %slice3A_1556 = vector.extract_strided_slice %convert_element_type3A_870 {offsets = [0, 0], sizes = [8, 1], strides = [1, 1]} : vector<8x10xf32> to vector<8x1xf32>
      %get3A_1557 = arith.constant 1 : index
      %get3A_1558 = arith.constant 8 : index
      %get3A_1559 = arith.constant 0 : index
      %get3A_1560 = vector.load %arg7[%get3A_1557, %get3A_1558, %get3A_1559] : memref<3x40x128xf32, #tpu.memory_space<vmem>>, vector<1x8x128xf32>
      %get3A_1561 = vector.shape_cast %get3A_1560 : vector<1x8x128xf32> to vector<8x128xf32>
      %convert_element_type3A_1562 = arith.truncf %get3A_1561 : vector<8x128xf32> to vector<8x128xbf16>
      %convert_element_type3A_1563 = arith.extf %convert_element_type3A_1562 : vector<8x128xbf16> to vector<8x128xf32>
      %mul3A_1564 = vector.broadcast %slice3A_1556 : vector<8x1xf32> to vector<8x128xf32>
      %mul3A_1565 = arith.mulf %mul3A_1564, %convert_element_type3A_1563 : vector<8x128xf32>
      %slice3A_1566 = vector.extract_strided_slice %convert_element_type3A_870 {offsets = [0, 1], sizes = [8, 1], strides = [1, 1]} : vector<8x10xf32> to vector<8x1xf32>
      %get3A_1567 = arith.constant 1 : index
      %get3A_1568 = arith.constant 16 : index
      %get3A_1569 = arith.constant 0 : index
      %get3A_1570 = vector.load %arg7[%get3A_1567, %get3A_1568, %get3A_1569] : memref<3x40x128xf32, #tpu.memory_space<vmem>>, vector<1x8x128xf32>
      %get3A_1571 = vector.shape_cast %get3A_1570 : vector<1x8x128xf32> to vector<8x128xf32>
      %convert_element_type3A_1572 = arith.truncf %get3A_1571 : vector<8x128xf32> to vector<8x128xbf16>
      %convert_element_type3A_1573 = arith.extf %convert_element_type3A_1572 : vector<8x128xbf16> to vector<8x128xf32>
      %mul3A_1574 = vector.broadcast %slice3A_1566 : vector<8x1xf32> to vector<8x128xf32>
      %mul3A_1575 = arith.mulf %mul3A_1574, %convert_element_type3A_1573 : vector<8x128xf32>
      %add3A_1576 = arith.addf %mul3A_1565, %mul3A_1575 : vector<8x128xf32>
      %slice3A_1577 = vector.extract_strided_slice %convert_element_type3A_870 {offsets = [0, 2], sizes = [8, 1], strides = [1, 1]} : vector<8x10xf32> to vector<8x1xf32>
      %get3A_1578 = arith.constant 1 : index
      %get3A_1579 = arith.constant 24 : index
      %get3A_1580 = arith.constant 0 : index
      %get3A_1581 = vector.load %arg7[%get3A_1578, %get3A_1579, %get3A_1580] : memref<3x40x128xf32, #tpu.memory_space<vmem>>, vector<1x8x128xf32>
      %get3A_1582 = vector.shape_cast %get3A_1581 : vector<1x8x128xf32> to vector<8x128xf32>
      %convert_element_type3A_1583 = arith.truncf %get3A_1582 : vector<8x128xf32> to vector<8x128xbf16>
      %convert_element_type3A_1584 = arith.extf %convert_element_type3A_1583 : vector<8x128xbf16> to vector<8x128xf32>
      %mul3A_1585 = vector.broadcast %slice3A_1577 : vector<8x1xf32> to vector<8x128xf32>
      %mul3A_1586 = arith.mulf %mul3A_1585, %convert_element_type3A_1584 : vector<8x128xf32>
      %add3A_1587 = arith.addf %add3A_1576, %mul3A_1586 : vector<8x128xf32>
      %slice3A_1588 = vector.extract_strided_slice %convert_element_type3A_870 {offsets = [0, 3], sizes = [8, 1], strides = [1, 1]} : vector<8x10xf32> to vector<8x1xf32>
      %get3A_1589 = arith.constant 1 : index
      %get3A_1590 = arith.constant 32 : index
      %get3A_1591 = arith.constant 0 : index
      %get3A_1592 = vector.load %arg7[%get3A_1589, %get3A_1590, %get3A_1591] : memref<3x40x128xf32, #tpu.memory_space<vmem>>, vector<1x8x128xf32>
      %get3A_1593 = vector.shape_cast %get3A_1592 : vector<1x8x128xf32> to vector<8x128xf32>
      %convert_element_type3A_1594 = arith.truncf %get3A_1593 : vector<8x128xf32> to vector<8x128xbf16>
      %convert_element_type3A_1595 = arith.extf %convert_element_type3A_1594 : vector<8x128xbf16> to vector<8x128xf32>
      %mul3A_1596 = vector.broadcast %slice3A_1588 : vector<8x1xf32> to vector<8x128xf32>
      %mul3A_1597 = arith.mulf %mul3A_1596, %convert_element_type3A_1595 : vector<8x128xf32>
      %add3A_1598 = arith.addf %add3A_1587, %mul3A_1597 : vector<8x128xf32>
      %swap3A_1599 = arith.constant 2 : index
      %swap3A_1600 = arith.constant 0 : index
      %swap3A_1601 = arith.constant 0 : index
      %swap3A_1602 = vector.load %arg7[%swap3A_1599, %swap3A_1600, %swap3A_1601] : memref<3x40x128xf32, #tpu.memory_space<vmem>>, vector<1x8x128xf32>
      %swap3A_1603 = vector.shape_cast %swap3A_1602 : vector<1x8x128xf32> to vector<8x128xf32>
      %swap3A_1604 = vector.shape_cast %add3A_1598 : vector<8x128xf32> to vector<1x8x128xf32>
      tpu.vector_store %arg7[%swap3A_1599, %swap3A_1600, %swap3A_1601], %swap3A_1604 {strides = array<i32>} : memref<3x40x128xf32, #tpu.memory_space<vmem>>, vector<1x8x128xf32>,
      %slice3A_1605 = vector.extract_strided_slice %convert_element_type3A_870 {offsets = [0, 0], sizes = [8, 1], strides = [1, 1]} : vector<8x10xf32> to vector<8x1xf32>
      %get3A_1606 = arith.constant 1 : index
      %get3A_1607 = arith.constant 0 : index
      %get3A_1608 = arith.constant 0 : index
      %get3A_1609 = vector.load %arg7[%get3A_1606, %get3A_1607, %get3A_1608] : memref<3x40x128xf32, #tpu.memory_space<vmem>>, vector<1x8x128xf32>
      %get3A_1610 = vector.shape_cast %get3A_1609 : vector<1x8x128xf32> to vector<8x128xf32>
      %convert_element_type3A_1611 = arith.truncf %get3A_1610 : vector<8x128xf32> to vector<8x128xbf16>
      %convert_element_type3A_1612 = arith.extf %convert_element_type3A_1611 : vector<8x128xbf16> to vector<8x128xf32>
      %mul3A_1613 = vector.broadcast %slice3A_1605 : vector<8x1xf32> to vector<8x128xf32>
      %mul3A_1614 = arith.mulf %mul3A_1613, %convert_element_type3A_1612 : vector<8x128xf32>
      %slice3A_1615 = vector.extract_strided_slice %convert_element_type3A_870 {offsets = [0, 4], sizes = [8, 1], strides = [1, 1]} : vector<8x10xf32> to vector<8x1xf32>
      %get3A_1616 = arith.constant 1 : index
      %get3A_1617 = arith.constant 16 : index
      %get3A_1618 = arith.constant 0 : index
      %get3A_1619 = vector.load %arg7[%get3A_1616, %get3A_1617, %get3A_1618] : memref<3x40x128xf32, #tpu.memory_space<vmem>>, vector<1x8x128xf32>
      %get3A_1620 = vector.shape_cast %get3A_1619 : vector<1x8x128xf32> to vector<8x128xf32>
      %convert_element_type3A_1621 = arith.truncf %get3A_1620 : vector<8x128xf32> to vector<8x128xbf16>
      %convert_element_type3A_1622 = arith.extf %convert_element_type3A_1621 : vector<8x128xbf16> to vector<8x128xf32>
      %mul3A_1623 = vector.broadcast %slice3A_1615 : vector<8x1xf32> to vector<8x128xf32>
      %mul3A_1624 = arith.mulf %mul3A_1623, %convert_element_type3A_1622 : vector<8x128xf32>
      %add3A_1625 = arith.addf %mul3A_1614, %mul3A_1624 : vector<8x128xf32>
      %slice3A_1626 = vector.extract_strided_slice %convert_element_type3A_870 {offsets = [0, 5], sizes = [8, 1], strides = [1, 1]} : vector<8x10xf32> to vector<8x1xf32>
      %get3A_1627 = arith.constant 1 : index
      %get3A_1628 = arith.constant 24 : index
      %get3A_1629 = arith.constant 0 : index
      %get3A_1630 = vector.load %arg7[%get3A_1627, %get3A_1628, %get3A_1629] : memref<3x40x128xf32, #tpu.memory_space<vmem>>, vector<1x8x128xf32>
      %get3A_1631 = vector.shape_cast %get3A_1630 : vector<1x8x128xf32> to vector<8x128xf32>
      %convert_element_type3A_1632 = arith.truncf %get3A_1631 : vector<8x128xf32> to vector<8x128xbf16>
      %convert_element_type3A_1633 = arith.extf %convert_element_type3A_1632 : vector<8x128xbf16> to vector<8x128xf32>
      %mul3A_1634 = vector.broadcast %slice3A_1626 : vector<8x1xf32> to vector<8x128xf32>
      %mul3A_1635 = arith.mulf %mul3A_1634, %convert_element_type3A_1633 : vector<8x128xf32>
      %add3A_1636 = arith.addf %add3A_1625, %mul3A_1635 : vector<8x128xf32>
      %slice3A_1637 = vector.extract_strided_slice %convert_element_type3A_870 {offsets = [0, 6], sizes = [8, 1], strides = [1, 1]} : vector<8x10xf32> to vector<8x1xf32>
      %get3A_1638 = arith.constant 1 : index
      %get3A_1639 = arith.constant 32 : index
      %get3A_1640 = arith.constant 0 : index
      %get3A_1641 = vector.load %arg7[%get3A_1638, %get3A_1639, %get3A_1640] : memref<3x40x128xf32, #tpu.memory_space<vmem>>, vector<1x8x128xf32>
      %get3A_1642 = vector.shape_cast %get3A_1641 : vector<1x8x128xf32> to vector<8x128xf32>
      %convert_element_type3A_1643 = arith.truncf %get3A_1642 : vector<8x128xf32> to vector<8x128xbf16>
      %convert_element_type3A_1644 = arith.extf %convert_element_type3A_1643 : vector<8x128xbf16> to vector<8x128xf32>
      %mul3A_1645 = vector.broadcast %slice3A_1637 : vector<8x1xf32> to vector<8x128xf32>
      %mul3A_1646 = arith.mulf %mul3A_1645, %convert_element_type3A_1644 : vector<8x128xf32>
      %add3A_1647 = arith.addf %add3A_1636, %mul3A_1646 : vector<8x128xf32>
      %swap3A_1648 = arith.constant 2 : index
      %swap3A_1649 = arith.constant 8 : index
      %swap3A_1650 = arith.constant 0 : index
      %swap3A_1651 = vector.load %arg7[%swap3A_1648, %swap3A_1649, %swap3A_1650] : memref<3x40x128xf32, #tpu.memory_space<vmem>>, vector<1x8x128xf32>
      %swap3A_1652 = vector.shape_cast %swap3A_1651 : vector<1x8x128xf32> to vector<8x128xf32>
      %swap3A_1653 = vector.shape_cast %add3A_1647 : vector<8x128xf32> to vector<1x8x128xf32>
      tpu.vector_store %arg7[%swap3A_1648, %swap3A_1649, %swap3A_1650], %swap3A_1653 {strides = array<i32>} : memref<3x40x128xf32, #tpu.memory_space<vmem>>, vector<1x8x128xf32>,
      %slice3A_1654 = vector.extract_strided_slice %convert_element_type3A_870 {offsets = [0, 1], sizes = [8, 1], strides = [1, 1]} : vector<8x10xf32> to vector<8x1xf32>
      %get3A_1655 = arith.constant 1 : index
      %get3A_1656 = arith.constant 0 : index
      %get3A_1657 = arith.constant 0 : index
      %get3A_1658 = vector.load %arg7[%get3A_1655, %get3A_1656, %get3A_1657] : memref<3x40x128xf32, #tpu.memory_space<vmem>>, vector<1x8x128xf32>
      %get3A_1659 = vector.shape_cast %get3A_1658 : vector<1x8x128xf32> to vector<8x128xf32>
      %convert_element_type3A_1660 = arith.truncf %get3A_1659 : vector<8x128xf32> to vector<8x128xbf16>
      %convert_element_type3A_1661 = arith.extf %convert_element_type3A_1660 : vector<8x128xbf16> to vector<8x128xf32>
      %mul3A_1662 = vector.broadcast %slice3A_1654 : vector<8x1xf32> to vector<8x128xf32>
      %mul3A_1663 = arith.mulf %mul3A_1662, %convert_element_type3A_1661 : vector<8x128xf32>
      %slice3A_1664 = vector.extract_strided_slice %convert_element_type3A_870 {offsets = [0, 4], sizes = [8, 1], strides = [1, 1]} : vector<8x10xf32> to vector<8x1xf32>
      %get3A_1665 = arith.constant 1 : index
      %get3A_1666 = arith.constant 8 : index
      %get3A_1667 = arith.constant 0 : index
      %get3A_1668 = vector.load %arg7[%get3A_1665, %get3A_1666, %get3A_1667] : memref<3x40x128xf32, #tpu.memory_space<vmem>>, vector<1x8x128xf32>
      %get3A_1669 = vector.shape_cast %get3A_1668 : vector<1x8x128xf32> to vector<8x128xf32>
      %convert_element_type3A_1670 = arith.truncf %get3A_1669 : vector<8x128xf32> to vector<8x128xbf16>
      %convert_element_type3A_1671 = arith.extf %convert_element_type3A_1670 : vector<8x128xbf16> to vector<8x128xf32>
      %mul3A_1672 = vector.broadcast %slice3A_1664 : vector<8x1xf32> to vector<8x128xf32>
      %mul3A_1673 = arith.mulf %mul3A_1672, %convert_element_type3A_1671 : vector<8x128xf32>
      %add3A_1674 = arith.addf %mul3A_1663, %mul3A_1673 : vector<8x128xf32>
      %slice3A_1675 = vector.extract_strided_slice %convert_element_type3A_870 {offsets = [0, 7], sizes = [8, 1], strides = [1, 1]} : vector<8x10xf32> to vector<8x1xf32>
      %get3A_1676 = arith.constant 1 : index
      %get3A_1677 = arith.constant 24 : index
      %get3A_1678 = arith.constant 0 : index
      %get3A_1679 = vector.load %arg7[%get3A_1676, %get3A_1677, %get3A_1678] : memref<3x40x128xf32, #tpu.memory_space<vmem>>, vector<1x8x128xf32>
      %get3A_1680 = vector.shape_cast %get3A_1679 : vector<1x8x128xf32> to vector<8x128xf32>
      %convert_element_type3A_1681 = arith.truncf %get3A_1680 : vector<8x128xf32> to vector<8x128xbf16>
      %convert_element_type3A_1682 = arith.extf %convert_element_type3A_1681 : vector<8x128xbf16> to vector<8x128xf32>
      %mul3A_1683 = vector.broadcast %slice3A_1675 : vector<8x1xf32> to vector<8x128xf32>
      %mul3A_1684 = arith.mulf %mul3A_1683, %convert_element_type3A_1682 : vector<8x128xf32>
      %add3A_1685 = arith.addf %add3A_1674, %mul3A_1684 : vector<8x128xf32>
      %slice3A_1686 = vector.extract_strided_slice %convert_element_type3A_870 {offsets = [0, 8], sizes = [8, 1], strides = [1, 1]} : vector<8x10xf32> to vector<8x1xf32>
      %get3A_1687 = arith.constant 1 : index
      %get3A_1688 = arith.constant 32 : index
      %get3A_1689 = arith.constant 0 : index
      %get3A_1690 = vector.load %arg7[%get3A_1687, %get3A_1688, %get3A_1689] : memref<3x40x128xf32, #tpu.memory_space<vmem>>, vector<1x8x128xf32>
      %get3A_1691 = vector.shape_cast %get3A_1690 : vector<1x8x128xf32> to vector<8x128xf32>
      %convert_element_type3A_1692 = arith.truncf %get3A_1691 : vector<8x128xf32> to vector<8x128xbf16>
      %convert_element_type3A_1693 = arith.extf %convert_element_type3A_1692 : vector<8x128xbf16> to vector<8x128xf32>
      %mul3A_1694 = vector.broadcast %slice3A_1686 : vector<8x1xf32> to vector<8x128xf32>
      %mul3A_1695 = arith.mulf %mul3A_1694, %convert_element_type3A_1693 : vector<8x128xf32>
      %add3A_1696 = arith.addf %add3A_1685, %mul3A_1695 : vector<8x128xf32>
      %swap3A_1697 = arith.constant 2 : index
      %swap3A_1698 = arith.constant 16 : index
      %swap3A_1699 = arith.constant 0 : index
      %swap3A_1700 = vector.load %arg7[%swap3A_1697, %swap3A_1698, %swap3A_1699] : memref<3x40x128xf32, #tpu.memory_space<vmem>>, vector<1x8x128xf32>
      %swap3A_1701 = vector.shape_cast %swap3A_1700 : vector<1x8x128xf32> to vector<8x128xf32>
      %swap3A_1702 = vector.shape_cast %add3A_1696 : vector<8x128xf32> to vector<1x8x128xf32>
      tpu.vector_store %arg7[%swap3A_1697, %swap3A_1698, %swap3A_1699], %swap3A_1702 {strides = array<i32>} : memref<3x40x128xf32, #tpu.memory_space<vmem>>, vector<1x8x128xf32>,
      %slice3A_1703 = vector.extract_strided_slice %convert_element_type3A_870 {offsets = [0, 2], sizes = [8, 1], strides = [1, 1]} : vector<8x10xf32> to vector<8x1xf32>
      %get3A_1704 = arith.constant 1 : index
      %get3A_1705 = arith.constant 0 : index
      %get3A_1706 = arith.constant 0 : index
      %get3A_1707 = vector.load %arg7[%get3A_1704, %get3A_1705, %get3A_1706] : memref<3x40x128xf32, #tpu.memory_space<vmem>>, vector<1x8x128xf32>
      %get3A_1708 = vector.shape_cast %get3A_1707 : vector<1x8x128xf32> to vector<8x128xf32>
      %convert_element_type3A_1709 = arith.truncf %get3A_1708 : vector<8x128xf32> to vector<8x128xbf16>
      %convert_element_type3A_1710 = arith.extf %convert_element_type3A_1709 : vector<8x128xbf16> to vector<8x128xf32>
      %mul3A_1711 = vector.broadcast %slice3A_1703 : vector<8x1xf32> to vector<8x128xf32>
      %mul3A_1712 = arith.mulf %mul3A_1711, %convert_element_type3A_1710 : vector<8x128xf32>
      %slice3A_1713 = vector.extract_strided_slice %convert_element_type3A_870 {offsets = [0, 5], sizes = [8, 1], strides = [1, 1]} : vector<8x10xf32> to vector<8x1xf32>
      %get3A_1714 = arith.constant 1 : index
      %get3A_1715 = arith.constant 8 : index
      %get3A_1716 = arith.constant 0 : index
      %get3A_1717 = vector.load %arg7[%get3A_1714, %get3A_1715, %get3A_1716] : memref<3x40x128xf32, #tpu.memory_space<vmem>>, vector<1x8x128xf32>
      %get3A_1718 = vector.shape_cast %get3A_1717 : vector<1x8x128xf32> to vector<8x128xf32>
      %convert_element_type3A_1719 = arith.truncf %get3A_1718 : vector<8x128xf32> to vector<8x128xbf16>
      %convert_element_type3A_1720 = arith.extf %convert_element_type3A_1719 : vector<8x128xbf16> to vector<8x128xf32>
      %mul3A_1721 = vector.broadcast %slice3A_1713 : vector<8x1xf32> to vector<8x128xf32>
      %mul3A_1722 = arith.mulf %mul3A_1721, %convert_element_type3A_1720 : vector<8x128xf32>
      %add3A_1723 = arith.addf %mul3A_1712, %mul3A_1722 : vector<8x128xf32>
      %slice3A_1724 = vector.extract_strided_slice %convert_element_type3A_870 {offsets = [0, 7], sizes = [8, 1], strides = [1, 1]} : vector<8x10xf32> to vector<8x1xf32>
      %get3A_1725 = arith.constant 1 : index
      %get3A_1726 = arith.constant 16 : index
      %get3A_1727 = arith.constant 0 : index
      %get3A_1728 = vector.load %arg7[%get3A_1725, %get3A_1726, %get3A_1727] : memref<3x40x128xf32, #tpu.memory_space<vmem>>, vector<1x8x128xf32>
      %get3A_1729 = vector.shape_cast %get3A_1728 : vector<1x8x128xf32> to vector<8x128xf32>
      %convert_element_type3A_1730 = arith.truncf %get3A_1729 : vector<8x128xf32> to vector<8x128xbf16>
      %convert_element_type3A_1731 = arith.extf %convert_element_type3A_1730 : vector<8x128xbf16> to vector<8x128xf32>
      %mul3A_1732 = vector.broadcast %slice3A_1724 : vector<8x1xf32> to vector<8x128xf32>
      %mul3A_1733 = arith.mulf %mul3A_1732, %convert_element_type3A_1731 : vector<8x128xf32>
      %add3A_1734 = arith.addf %add3A_1723, %mul3A_1733 : vector<8x128xf32>
      %slice3A_1735 = vector.extract_strided_slice %convert_element_type3A_870 {offsets = [0, 9], sizes = [8, 1], strides = [1, 1]} : vector<8x10xf32> to vector<8x1xf32>
      %get3A_1736 = arith.constant 1 : index
      %get3A_1737 = arith.constant 32 : index
      %get3A_1738 = arith.constant 0 : index
      %get3A_1739 = vector.load %arg7[%get3A_1736, %get3A_1737, %get3A_1738] : memref<3x40x128xf32, #tpu.memory_space<vmem>>, vector<1x8x128xf32>
      %get3A_1740 = vector.shape_cast %get3A_1739 : vector<1x8x128xf32> to vector<8x128xf32>
      %convert_element_type3A_1741 = arith.truncf %get3A_1740 : vector<8x128xf32> to vector<8x128xbf16>
      %convert_element_type3A_1742 = arith.extf %convert_element_type3A_1741 : vector<8x128xbf16> to vector<8x128xf32>
      %mul3A_1743 = vector.broadcast %slice3A_1735 : vector<8x1xf32> to vector<8x128xf32>
      %mul3A_1744 = arith.mulf %mul3A_1743, %convert_element_type3A_1742 : vector<8x128xf32>
      %add3A_1745 = arith.addf %add3A_1734, %mul3A_1744 : vector<8x128xf32>
      %swap3A_1746 = arith.constant 2 : index
      %swap3A_1747 = arith.constant 24 : index
      %swap3A_1748 = arith.constant 0 : index
      %swap3A_1749 = vector.load %arg7[%swap3A_1746, %swap3A_1747, %swap3A_1748] : memref<3x40x128xf32, #tpu.memory_space<vmem>>, vector<1x8x128xf32>
      %swap3A_1750 = vector.shape_cast %swap3A_1749 : vector<1x8x128xf32> to vector<8x128xf32>
      %swap3A_1751 = vector.shape_cast %add3A_1745 : vector<8x128xf32> to vector<1x8x128xf32>
      tpu.vector_store %arg7[%swap3A_1746, %swap3A_1747, %swap3A_1748], %swap3A_1751 {strides = array<i32>} : memref<3x40x128xf32, #tpu.memory_space<vmem>>, vector<1x8x128xf32>,
      %slice3A_1752 = vector.extract_strided_slice %convert_element_type3A_870 {offsets = [0, 3], sizes = [8, 1], strides = [1, 1]} : vector<8x10xf32> to vector<8x1xf32>
      %get3A_1753 = arith.constant 1 : index
      %get3A_1754 = arith.constant 0 : index
      %get3A_1755 = arith.constant 0 : index
      %get3A_1756 = vector.load %arg7[%get3A_1753, %get3A_1754, %get3A_1755] : memref<3x40x128xf32, #tpu.memory_space<vmem>>, vector<1x8x128xf32>
      %get3A_1757 = vector.shape_cast %get3A_1756 : vector<1x8x128xf32> to vector<8x128xf32>
      %convert_element_type3A_1758 = arith.truncf %get3A_1757 : vector<8x128xf32> to vector<8x128xbf16>
      %convert_element_type3A_1759 = arith.extf %convert_element_type3A_1758 : vector<8x128xbf16> to vector<8x128xf32>
      %mul3A_1760 = vector.broadcast %slice3A_1752 : vector<8x1xf32> to vector<8x128xf32>
      %mul3A_1761 = arith.mulf %mul3A_1760, %convert_element_type3A_1759 : vector<8x128xf32>
      %slice3A_1762 = vector.extract_strided_slice %convert_element_type3A_870 {offsets = [0, 6], sizes = [8, 1], strides = [1, 1]} : vector<8x10xf32> to vector<8x1xf32>
      %get3A_1763 = arith.constant 1 : index
      %get3A_1764 = arith.constant 8 : index
      %get3A_1765 = arith.constant 0 : index
      %get3A_1766 = vector.load %arg7[%get3A_1763, %get3A_1764, %get3A_1765] : memref<3x40x128xf32, #tpu.memory_space<vmem>>, vector<1x8x128xf32>
      %get3A_1767 = vector.shape_cast %get3A_1766 : vector<1x8x128xf32> to vector<8x128xf32>
      %convert_element_type3A_1768 = arith.truncf %get3A_1767 : vector<8x128xf32> to vector<8x128xbf16>
      %convert_element_type3A_1769 = arith.extf %convert_element_type3A_1768 : vector<8x128xbf16> to vector<8x128xf32>
      %mul3A_1770 = vector.broadcast %slice3A_1762 : vector<8x1xf32> to vector<8x128xf32>
      %mul3A_1771 = arith.mulf %mul3A_1770, %convert_element_type3A_1769 : vector<8x128xf32>
      %add3A_1772 = arith.addf %mul3A_1761, %mul3A_1771 : vector<8x128xf32>
      %slice3A_1773 = vector.extract_strided_slice %convert_element_type3A_870 {offsets = [0, 8], sizes = [8, 1], strides = [1, 1]} : vector<8x10xf32> to vector<8x1xf32>
      %get3A_1774 = arith.constant 1 : index
      %get3A_1775 = arith.constant 16 : index
      %get3A_1776 = arith.constant 0 : index
      %get3A_1777 = vector.load %arg7[%get3A_1774, %get3A_1775, %get3A_1776] : memref<3x40x128xf32, #tpu.memory_space<vmem>>, vector<1x8x128xf32>
      %get3A_1778 = vector.shape_cast %get3A_1777 : vector<1x8x128xf32> to vector<8x128xf32>
      %convert_element_type3A_1779 = arith.truncf %get3A_1778 : vector<8x128xf32> to vector<8x128xbf16>
      %convert_element_type3A_1780 = arith.extf %convert_element_type3A_1779 : vector<8x128xbf16> to vector<8x128xf32>
      %mul3A_1781 = vector.broadcast %slice3A_1773 : vector<8x1xf32> to vector<8x128xf32>
      %mul3A_1782 = arith.mulf %mul3A_1781, %convert_element_type3A_1780 : vector<8x128xf32>
      %add3A_1783 = arith.addf %add3A_1772, %mul3A_1782 : vector<8x128xf32>
      %slice3A_1784 = vector.extract_strided_slice %convert_element_type3A_870 {offsets = [0, 9], sizes = [8, 1], strides = [1, 1]} : vector<8x10xf32> to vector<8x1xf32>
      %get3A_1785 = arith.constant 1 : index
      %get3A_1786 = arith.constant 24 : index
      %get3A_1787 = arith.constant 0 : index
      %get3A_1788 = vector.load %arg7[%get3A_1785, %get3A_1786, %get3A_1787] : memref<3x40x128xf32, #tpu.memory_space<vmem>>, vector<1x8x128xf32>
      %get3A_1789 = vector.shape_cast %get3A_1788 : vector<1x8x128xf32> to vector<8x128xf32>
      %convert_element_type3A_1790 = arith.truncf %get3A_1789 : vector<8x128xf32> to vector<8x128xbf16>
      %convert_element_type3A_1791 = arith.extf %convert_element_type3A_1790 : vector<8x128xbf16> to vector<8x128xf32>
      %mul3A_1792 = vector.broadcast %slice3A_1784 : vector<8x1xf32> to vector<8x128xf32>
      %mul3A_1793 = arith.mulf %mul3A_1792, %convert_element_type3A_1791 : vector<8x128xf32>
      %add3A_1794 = arith.addf %add3A_1783, %mul3A_1793 : vector<8x128xf32>
      %swap3A_1795 = arith.constant 2 : index
      %swap3A_1796 = arith.constant 32 : index
      %swap3A_1797 = arith.constant 0 : index
      %swap3A_1798 = vector.load %arg7[%swap3A_1795, %swap3A_1796, %swap3A_1797] : memref<3x40x128xf32, #tpu.memory_space<vmem>>, vector<1x8x128xf32>
      %swap3A_1799 = vector.shape_cast %swap3A_1798 : vector<1x8x128xf32> to vector<8x128xf32>
      %swap3A_1800 = vector.shape_cast %add3A_1794 : vector<8x128xf32> to vector<1x8x128xf32>
      tpu.vector_store %arg7[%swap3A_1795, %swap3A_1796, %swap3A_1797], %swap3A_1800 {strides = array<i32>} : memref<3x40x128xf32, #tpu.memory_space<vmem>>, vector<1x8x128xf32>,
      %broadcast_in_dim3A_1801 = arith.constant 1.000000e+00 : bf16
      %broadcast_in_dim3A_1802 = vector.broadcast %broadcast_in_dim3A_1801 : bf16 to vector<128x1xbf16>
      %get3A_1803 = arith.constant 0 : index
      %get3A_1804 = arith.constant 0 : index
      %get3A_1805 = arith.constant 0 : index
      %get3A_1806 = vector.load %arg7[%get3A_1803, %get3A_1804, %get3A_1805] : memref<3x40x128xf32, #tpu.memory_space<vmem>>, vector<1x40x128xf32>
      %get3A_1807 = vector.shape_cast %get3A_1806 : vector<1x40x128xf32> to vector<40x128xf32>
      %convert_element_type3A_1808 = arith.truncf %get3A_1807 : vector<40x128xf32> to vector<40x128xbf16>
      %swap3A_1809 = arith.constant 0 : index
      %swap3A_1810 = arith.constant 0 : index
      %swap3A_1811 = arith.constant 0 : index
      %swap3A_1812 = vector.load %arg8[%swap3A_1809, %swap3A_1810, %swap3A_1811] : memref<3x40x128xbf16, #tpu.memory_space<vmem>>, vector<1x40x128xbf16>
      %swap3A_1813 = vector.shape_cast %swap3A_1812 : vector<1x40x128xbf16> to vector<40x128xbf16>
      %swap3A_1814 = vector.shape_cast %convert_element_type3A_1808 : vector<40x128xbf16> to vector<1x40x128xbf16>
      tpu.vector_store %arg8[%swap3A_1809, %swap3A_1810, %swap3A_1811], %swap3A_1814 {strides = array<i32>} : memref<3x40x128xbf16, #tpu.memory_space<vmem>>, vector<1x40x128xbf16>,
      %mul3A_1815 = arith.mulf %get3A_1807, %get3A_1807 : vector<40x128xf32>
      %convert_element_type3A_1816 = arith.truncf %mul3A_1815 : vector<40x128xf32> to vector<40x128xbf16>
      %dot_general3A_1817 = arith.constant dense<0.000000e+00> : vector<40x1xf32>
      %dot_general3A_1818 = tpu.matmul %convert_element_type3A_1816, %broadcast_in_dim3A_1802, %dot_general3A_1817 {dimension_numbers = #tpu.dot_dimension_numbers<[1], [0], [0], [1], [0, 0, 1, 1], [], []>, transpose_lhs_hint = false} : vector<40x128xbf16>, vector<128x1xbf16>, vector<40x1xf32> -> vector<40x1xf32>
      %swap3A_1819 = arith.constant 0 : index
      %swap3A_1820 = arith.constant 0 : index
      %swap3A_1821 = arith.constant 0 : index
      %swap3A_1822 = vector.load %arg9[%swap3A_1819, %swap3A_1820, %swap3A_1821] : memref<3x40x1xf32, #tpu.memory_space<vmem>>, vector<1x40x1xf32>
      %swap3A_1823 = vector.shape_cast %swap3A_1822 : vector<1x40x1xf32> to vector<40x1xf32>
      %swap3A_1824 = vector.shape_cast %dot_general3A_1818 : vector<40x1xf32> to vector<1x40x1xf32>
      tpu.vector_store %arg9[%swap3A_1819, %swap3A_1820, %swap3A_1821], %swap3A_1824 {strides = array<i32>} : memref<3x40x1xf32, #tpu.memory_space<vmem>>, vector<1x40x1xf32>,
      %get3A_1825 = arith.constant 1 : index
      %get3A_1826 = arith.constant 0 : index
      %get3A_1827 = arith.constant 0 : index
      %get3A_1828 = vector.load %arg7[%get3A_1825, %get3A_1826, %get3A_1827] : memref<3x40x128xf32, #tpu.memory_space<vmem>>, vector<1x40x128xf32>
      %get3A_1829 = vector.shape_cast %get3A_1828 : vector<1x40x128xf32> to vector<40x128xf32>
      %convert_element_type3A_1830 = arith.truncf %get3A_1829 : vector<40x128xf32> to vector<40x128xbf16>
      %swap3A_1831 = arith.constant 1 : index
      %swap3A_1832 = arith.constant 0 : index
      %swap3A_1833 = arith.constant 0 : index
      %swap3A_1834 = vector.load %arg8[%swap3A_1831, %swap3A_1832, %swap3A_1833] : memref<3x40x128xbf16, #tpu.memory_space<vmem>>, vector<1x40x128xbf16>
      %swap3A_1835 = vector.shape_cast %swap3A_1834 : vector<1x40x128xbf16> to vector<40x128xbf16>
      %swap3A_1836 = vector.shape_cast %convert_element_type3A_1830 : vector<40x128xbf16> to vector<1x40x128xbf16>
      tpu.vector_store %arg8[%swap3A_1831, %swap3A_1832, %swap3A_1833], %swap3A_1836 {strides = array<i32>} : memref<3x40x128xbf16, #tpu.memory_space<vmem>>, vector<1x40x128xbf16>,
      %mul3A_1837 = arith.mulf %get3A_1829, %get3A_1829 : vector<40x128xf32>
      %convert_element_type3A_1838 = arith.truncf %mul3A_1837 : vector<40x128xf32> to vector<40x128xbf16>
      %dot_general3A_1839 = arith.constant dense<0.000000e+00> : vector<40x1xf32>
      %dot_general3A_1840 = tpu.matmul %convert_element_type3A_1838, %broadcast_in_dim3A_1802, %dot_general3A_1839 {dimension_numbers = #tpu.dot_dimension_numbers<[1], [0], [0], [1], [0, 0, 1, 1], [], []>, transpose_lhs_hint = false} : vector<40x128xbf16>, vector<128x1xbf16>, vector<40x1xf32> -> vector<40x1xf32>
      %swap3A_1841 = arith.constant 1 : index
      %swap3A_1842 = arith.constant 0 : index
      %swap3A_1843 = arith.constant 0 : index
      %swap3A_1844 = vector.load %arg9[%swap3A_1841, %swap3A_1842, %swap3A_1843] : memref<3x40x1xf32, #tpu.memory_space<vmem>>, vector<1x40x1xf32>
      %swap3A_1845 = vector.shape_cast %swap3A_1844 : vector<1x40x1xf32> to vector<40x1xf32>
      %swap3A_1846 = vector.shape_cast %dot_general3A_1840 : vector<40x1xf32> to vector<1x40x1xf32>
      tpu.vector_store %arg9[%swap3A_1841, %swap3A_1842, %swap3A_1843], %swap3A_1846 {strides = array<i32>} : memref<3x40x1xf32, #tpu.memory_space<vmem>>, vector<1x40x1xf32>,
      %get3A_1847 = arith.constant 2 : index
      %get3A_1848 = arith.constant 0 : index
      %get3A_1849 = arith.constant 0 : index
      %get3A_1850 = vector.load %arg7[%get3A_1847, %get3A_1848, %get3A_1849] : memref<3x40x128xf32, #tpu.memory_space<vmem>>, vector<1x40x128xf32>
      %get3A_1851 = vector.shape_cast %get3A_1850 : vector<1x40x128xf32> to vector<40x128xf32>
      %convert_element_type3A_1852 = arith.truncf %get3A_1851 : vector<40x128xf32> to vector<40x128xbf16>
      %swap3A_1853 = arith.constant 2 : index
      %swap3A_1854 = arith.constant 0 : index
      %swap3A_1855 = arith.constant 0 : index
      %swap3A_1856 = vector.load %arg8[%swap3A_1853, %swap3A_1854, %swap3A_1855] : memref<3x40x128xbf16, #tpu.memory_space<vmem>>, vector<1x40x128xbf16>
      %swap3A_1857 = vector.shape_cast %swap3A_1856 : vector<1x40x128xbf16> to vector<40x128xbf16>
      %swap3A_1858 = vector.shape_cast %convert_element_type3A_1852 : vector<40x128xbf16> to vector<1x40x128xbf16>
      tpu.vector_store %arg8[%swap3A_1853, %swap3A_1854, %swap3A_1855], %swap3A_1858 {strides = array<i32>} : memref<3x40x128xbf16, #tpu.memory_space<vmem>>, vector<1x40x128xbf16>,
      %mul3A_1859 = arith.mulf %get3A_1851, %get3A_1851 : vector<40x128xf32>
      %convert_element_type3A_1860 = arith.truncf %mul3A_1859 : vector<40x128xf32> to vector<40x128xbf16>
      %dot_general3A_1861 = arith.constant dense<0.000000e+00> : vector<40x1xf32>
      %dot_general3A_1862 = tpu.matmul %convert_element_type3A_1860, %broadcast_in_dim3A_1802, %dot_general3A_1861 {dimension_numbers = #tpu.dot_dimension_numbers<[1], [0], [0], [1], [0, 0, 1, 1], [], []>, transpose_lhs_hint = false} : vector<40x128xbf16>, vector<128x1xbf16>, vector<40x1xf32> -> vector<40x1xf32>
      %swap3A_1863 = arith.constant 2 : index
      %swap3A_1864 = arith.constant 0 : index
      %swap3A_1865 = arith.constant 0 : index
      %swap3A_1866 = vector.load %arg9[%swap3A_1863, %swap3A_1864, %swap3A_1865] : memref<3x40x1xf32, #tpu.memory_space<vmem>>, vector<1x40x1xf32>
      %swap3A_1867 = vector.shape_cast %swap3A_1866 : vector<1x40x1xf32> to vector<40x1xf32>
      %swap3A_1868 = vector.shape_cast %dot_general3A_1862 : vector<40x1xf32> to vector<1x40x1xf32>
      tpu.vector_store %arg9[%swap3A_1863, %swap3A_1864, %swap3A_1865], %swap3A_1868 {strides = array<i32>} : memref<3x40x1xf32, #tpu.memory_space<vmem>>, vector<1x40x1xf32>,
    } else {
    }
    %get3A = arith.constant 0 : index
    %get3A_2 = arith.constant 0 : index
    %get3A_3 = vector.load %arg3[%get3A, %get3A_2] : memref<512x5xi32, #tpu.memory_space<vmem>>, vector<512x5xi32>
    %lt3A = arith.constant 100000 : i32
    %lt3A_4 = vector.broadcast %lt3A : i32 to vector<512x5xi32>
    %lt3A_5 = arith.cmpi slt, %get3A_3, %lt3A_4 : vector<512x5xi32>
    %convert_element_type3A_6 = arith.extui %lt3A_5 : vector<512x5xi1> to vector<512x5xi32>
    %convert_element_type3A_7 = arith.sitofp %convert_element_type3A_6 : vector<512x5xi32> to vector<512x5xf32>
    %get3A_8 = arith.constant 0 : index
    %get3A_9 = arith.constant 0 : index
    %get3A_10 = arith.constant 0 : index
    %get3A_11 = vector.load %arg1[%get3A_8, %get3A_9, %get3A_10] : memref<5x512x128xf32, #tpu.memory_space<vmem>>, vector<1x512x128xf32>
    %get3A_12 = vector.shape_cast %get3A_11 : vector<1x512x128xf32> to vector<512x128xf32>
    %slice3A = vector.extract_strided_slice %convert_element_type3A_7 {offsets = [0, 0], sizes = [512, 1], strides = [1, 1]} : vector<512x5xf32> to vector<512x1xf32>
    %mul3A = vector.broadcast %slice3A : vector<512x1xf32> to vector<512x128xf32>
    %mul3A_13 = arith.mulf %get3A_12, %mul3A : vector<512x128xf32>
    %get3A_14 = arith.constant 1 : index
    %get3A_15 = arith.constant 0 : index
    %get3A_16 = arith.constant 0 : index
    %get3A_17 = vector.load %arg1[%get3A_14, %get3A_15, %get3A_16] : memref<5x512x128xf32, #tpu.memory_space<vmem>>, vector<1x512x128xf32>
    %get3A_18 = vector.shape_cast %get3A_17 : vector<1x512x128xf32> to vector<512x128xf32>
    %slice3A_19 = vector.extract_strided_slice %convert_element_type3A_7 {offsets = [0, 1], sizes = [512, 1], strides = [1, 1]} : vector<512x5xf32> to vector<512x1xf32>
    %mul3A_20 = vector.broadcast %slice3A_19 : vector<512x1xf32> to vector<512x128xf32>
    %mul3A_21 = arith.mulf %get3A_18, %mul3A_20 : vector<512x128xf32>
    %get3A_22 = arith.constant 2 : index
    %get3A_23 = arith.constant 0 : index
    %get3A_24 = arith.constant 0 : index
    %get3A_25 = vector.load %arg1[%get3A_22, %get3A_23, %get3A_24] : memref<5x512x128xf32, #tpu.memory_space<vmem>>, vector<1x512x128xf32>
    %get3A_26 = vector.shape_cast %get3A_25 : vector<1x512x128xf32> to vector<512x128xf32>
    %slice3A_27 = vector.extract_strided_slice %convert_element_type3A_7 {offsets = [0, 2], sizes = [512, 1], strides = [1, 1]} : vector<512x5xf32> to vector<512x1xf32>
    %mul3A_28 = vector.broadcast %slice3A_27 : vector<512x1xf32> to vector<512x128xf32>
    %mul3A_29 = arith.mulf %get3A_26, %mul3A_28 : vector<512x128xf32>
    %get3A_30 = arith.constant 3 : index
    %get3A_31 = arith.constant 0 : index
    %get3A_32 = arith.constant 0 : index
    %get3A_33 = vector.load %arg1[%get3A_30, %get3A_31, %get3A_32] : memref<5x512x128xf32, #tpu.memory_space<vmem>>, vector<1x512x128xf32>
    %get3A_34 = vector.shape_cast %get3A_33 : vector<1x512x128xf32> to vector<512x128xf32>
    %slice3A_35 = vector.extract_strided_slice %convert_element_type3A_7 {offsets = [0, 3], sizes = [512, 1], strides = [1, 1]} : vector<512x5xf32> to vector<512x1xf32>
    %mul3A_36 = vector.broadcast %slice3A_35 : vector<512x1xf32> to vector<512x128xf32>
    %mul3A_37 = arith.mulf %get3A_34, %mul3A_36 : vector<512x128xf32>
    %get3A_38 = arith.constant 4 : index
    %get3A_39 = arith.constant 0 : index
    %get3A_40 = arith.constant 0 : index
    %get3A_41 = vector.load %arg1[%get3A_38, %get3A_39, %get3A_40] : memref<5x512x128xf32, #tpu.memory_space<vmem>>, vector<1x512x128xf32>
    %get3A_42 = vector.shape_cast %get3A_41 : vector<1x512x128xf32> to vector<512x128xf32>
    %slice3A_43 = vector.extract_strided_slice %convert_element_type3A_7 {offsets = [0, 4], sizes = [512, 1], strides = [1, 1]} : vector<512x5xf32> to vector<512x1xf32>
    %mul3A_44 = vector.broadcast %slice3A_43 : vector<512x1xf32> to vector<512x128xf32>
    %mul3A_45 = arith.mulf %get3A_42, %mul3A_44 : vector<512x128xf32>
    %broadcast_in_dim3A = arith.constant 1.000000e+00 : bf16
    %broadcast_in_dim3A_46 = vector.broadcast %broadcast_in_dim3A : bf16 to vector<1x128xbf16>
    %get3A_47 = arith.constant 0 : index
    %get3A_48 = arith.constant 0 : index
    %get3A_49 = vector.load %arg2[%get3A_47, %get3A_48] : memref<512x25xf32, #tpu.memory_space<vmem>>, vector<512x25xf32>
    %convert_element_type3A_50 = arith.truncf %get3A_49 : vector<512x25xf32> to vector<512x25xbf16>
    %convert_element_type3A_51 = arith.extf %convert_element_type3A_50 : vector<512x25xbf16> to vector<512x25xf32>
    %get3A_52 = arith.constant 0 : index
    %get3A_53 = arith.constant 0 : index
    %get3A_54 = arith.constant 0 : index
    %get3A_55 = vector.load %arg8[%get3A_52, %get3A_53, %get3A_54] : memref<3x40x128xbf16, #tpu.memory_space<vmem>>, vector<1x40x128xbf16>
    %get3A_56 = vector.shape_cast %get3A_55 : vector<1x40x128xbf16> to vector<40x128xbf16>
    %get3A_57 = arith.constant 0 : index
    %get3A_58 = arith.constant 0 : index
    %get3A_59 = arith.constant 0 : index
    %get3A_60 = vector.load %arg9[%get3A_57, %get3A_58, %get3A_59] : memref<3x40x1xf32, #tpu.memory_space<vmem>>, vector<1x40x1xf32>
    %get3A_61 = vector.shape_cast %get3A_60 : vector<1x40x1xf32> to vector<40x1xf32>
    %convert_element_type3A_62 = arith.truncf %mul3A_13 : vector<512x128xf32> to vector<512x128xbf16>
    %dot_general3A = arith.constant dense<0.000000e+00> : vector<40x512xf32>
    %dot_general3A_63 = tpu.matmul %get3A_56, %convert_element_type3A_62, %dot_general3A {dimension_numbers = #tpu.dot_dimension_numbers<[1], [1], [0], [0], [0, 0, 1, 0], [], []>, transpose_lhs_hint = false} : vector<40x128xbf16>, vector<512x128xbf16>, vector<40x512xf32> -> vector<40x512xf32>
    %mul3A_64 = arith.mulf %mul3A_13, %mul3A_13 : vector<512x128xf32>
    %convert_element_type3A_65 = arith.truncf %mul3A_64 : vector<512x128xf32> to vector<512x128xbf16>
    %dot_general3A_66 = arith.constant dense<0.000000e+00> : vector<1x512xf32>
    %dot_general3A_67 = tpu.matmul %broadcast_in_dim3A_46, %convert_element_type3A_65, %dot_general3A_66 {dimension_numbers = #tpu.dot_dimension_numbers<[1], [1], [0], [0], [0, 0, 1, 0], [], []>, transpose_lhs_hint = false} : vector<1x128xbf16>, vector<512x128xbf16>, vector<1x512xf32> -> vector<1x512xf32>
    %add3A = vector.broadcast %dot_general3A_67 : vector<1x512xf32> to vector<40x512xf32>
    %add3A_68 = vector.broadcast %get3A_61 : vector<40x1xf32> to vector<40x512xf32>
    %add3A_69 = arith.addf %add3A, %add3A_68 : vector<40x512xf32>
    %mul3A_70 = arith.constant 2.000000e+00 : f32
    %mul3A_71 = vector.broadcast %mul3A_70 : f32 to vector<40x512xf32>
    %mul3A_72 = arith.mulf %mul3A_71, %dot_general3A_63 : vector<40x512xf32>
    %sub3A = arith.subf %add3A_69, %mul3A_72 : vector<40x512xf32>
    %neg3A = arith.constant 0.000000e+00 : f32
    %neg3A_73 = vector.broadcast %neg3A : f32 to vector<40x512xf32>
    %neg3A_74 = arith.subf %neg3A_73, %sub3A : vector<40x512xf32>
    %div3A = arith.constant 1.280000e+02 : f32
    %div3A_75 = vector.broadcast %div3A : f32 to vector<40x512xf32>
    %div3A_76 = arith.divf %neg3A_74, %div3A_75 : vector<40x512xf32>
    %div3A_77 = arith.constant 5.000000e-02 : f32
    %div3A_78 = vector.broadcast %div3A_77 : f32 to vector<40x512xf32>
    %div3A_79 = arith.divf %div3A_76, %div3A_78 : vector<40x512xf32>
    %exp3A = math.exp %div3A_79 : vector<40x512xf32>
    %convert_element_type3A_80 = arith.truncf %mul3A_21 : vector<512x128xf32> to vector<512x128xbf16>
    %dot_general3A_81 = arith.constant dense<0.000000e+00> : vector<40x512xf32>
    %dot_general3A_82 = tpu.matmul %get3A_56, %convert_element_type3A_80, %dot_general3A_81 {dimension_numbers = #tpu.dot_dimension_numbers<[1], [1], [0], [0], [0, 0, 1, 0], [], []>, transpose_lhs_hint = false} : vector<40x128xbf16>, vector<512x128xbf16>, vector<40x512xf32> -> vector<40x512xf32>
    %mul3A_83 = arith.mulf %mul3A_21, %mul3A_21 : vector<512x128xf32>
    %convert_element_type3A_84 = arith.truncf %mul3A_83 : vector<512x128xf32> to vector<512x128xbf16>
    %dot_general3A_85 = arith.constant dense<0.000000e+00> : vector<1x512xf32>
    %dot_general3A_86 = tpu.matmul %broadcast_in_dim3A_46, %convert_element_type3A_84, %dot_general3A_85 {dimension_numbers = #tpu.dot_dimension_numbers<[1], [1], [0], [0], [0, 0, 1, 0], [], []>, transpose_lhs_hint = false} : vector<1x128xbf16>, vector<512x128xbf16>, vector<1x512xf32> -> vector<1x512xf32>
    %add3A_87 = vector.broadcast %dot_general3A_86 : vector<1x512xf32> to vector<40x512xf32>
    %add3A_88 = vector.broadcast %get3A_61 : vector<40x1xf32> to vector<40x512xf32>
    %add3A_89 = arith.addf %add3A_87, %add3A_88 : vector<40x512xf32>
    %mul3A_90 = arith.constant 2.000000e+00 : f32
    %mul3A_91 = vector.broadcast %mul3A_90 : f32 to vector<40x512xf32>
    %mul3A_92 = arith.mulf %mul3A_91, %dot_general3A_82 : vector<40x512xf32>
    %sub3A_93 = arith.subf %add3A_89, %mul3A_92 : vector<40x512xf32>
    %neg3A_94 = arith.constant 0.000000e+00 : f32
    %neg3A_95 = vector.broadcast %neg3A_94 : f32 to vector<40x512xf32>
    %neg3A_96 = arith.subf %neg3A_95, %sub3A_93 : vector<40x512xf32>
    %div3A_97 = arith.constant 1.280000e+02 : f32
    %div3A_98 = vector.broadcast %div3A_97 : f32 to vector<40x512xf32>
    %div3A_99 = arith.divf %neg3A_96, %div3A_98 : vector<40x512xf32>
    %div3A_100 = arith.constant 5.000000e-02 : f32
    %div3A_101 = vector.broadcast %div3A_100 : f32 to vector<40x512xf32>
    %div3A_102 = arith.divf %div3A_99, %div3A_101 : vector<40x512xf32>
    %exp3A_103 = math.exp %div3A_102 : vector<40x512xf32>
    %convert_element_type3A_104 = arith.truncf %mul3A_29 : vector<512x128xf32> to vector<512x128xbf16>
    %dot_general3A_105 = arith.constant dense<0.000000e+00> : vector<40x512xf32>
    %dot_general3A_106 = tpu.matmul %get3A_56, %convert_element_type3A_104, %dot_general3A_105 {dimension_numbers = #tpu.dot_dimension_numbers<[1], [1], [0], [0], [0, 0, 1, 0], [], []>, transpose_lhs_hint = false} : vector<40x128xbf16>, vector<512x128xbf16>, vector<40x512xf32> -> vector<40x512xf32>
    %mul3A_107 = arith.mulf %mul3A_29, %mul3A_29 : vector<512x128xf32>
    %convert_element_type3A_108 = arith.truncf %mul3A_107 : vector<512x128xf32> to vector<512x128xbf16>
    %dot_general3A_109 = arith.constant dense<0.000000e+00> : vector<1x512xf32>
    %dot_general3A_110 = tpu.matmul %broadcast_in_dim3A_46, %convert_element_type3A_108, %dot_general3A_109 {dimension_numbers = #tpu.dot_dimension_numbers<[1], [1], [0], [0], [0, 0, 1, 0], [], []>, transpose_lhs_hint = false} : vector<1x128xbf16>, vector<512x128xbf16>, vector<1x512xf32> -> vector<1x512xf32>
    %add3A_111 = vector.broadcast %dot_general3A_110 : vector<1x512xf32> to vector<40x512xf32>
    %add3A_112 = vector.broadcast %get3A_61 : vector<40x1xf32> to vector<40x512xf32>
    %add3A_113 = arith.addf %add3A_111, %add3A_112 : vector<40x512xf32>
    %mul3A_114 = arith.constant 2.000000e+00 : f32
    %mul3A_115 = vector.broadcast %mul3A_114 : f32 to vector<40x512xf32>
    %mul3A_116 = arith.mulf %mul3A_115, %dot_general3A_106 : vector<40x512xf32>
    %sub3A_117 = arith.subf %add3A_113, %mul3A_116 : vector<40x512xf32>
    %neg3A_118 = arith.constant 0.000000e+00 : f32
    %neg3A_119 = vector.broadcast %neg3A_118 : f32 to vector<40x512xf32>
    %neg3A_120 = arith.subf %neg3A_119, %sub3A_117 : vector<40x512xf32>
    %div3A_121 = arith.constant 1.280000e+02 : f32
    %div3A_122 = vector.broadcast %div3A_121 : f32 to vector<40x512xf32>
    %div3A_123 = arith.divf %neg3A_120, %div3A_122 : vector<40x512xf32>
    %div3A_124 = arith.constant 5.000000e-02 : f32
    %div3A_125 = vector.broadcast %div3A_124 : f32 to vector<40x512xf32>
    %div3A_126 = arith.divf %div3A_123, %div3A_125 : vector<40x512xf32>
    %exp3A_127 = math.exp %div3A_126 : vector<40x512xf32>
    %convert_element_type3A_128 = arith.truncf %mul3A_37 : vector<512x128xf32> to vector<512x128xbf16>
    %dot_general3A_129 = arith.constant dense<0.000000e+00> : vector<40x512xf32>
    %dot_general3A_130 = tpu.matmul %get3A_56, %convert_element_type3A_128, %dot_general3A_129 {dimension_numbers = #tpu.dot_dimension_numbers<[1], [1], [0], [0], [0, 0, 1, 0], [], []>, transpose_lhs_hint = false} : vector<40x128xbf16>, vector<512x128xbf16>, vector<40x512xf32> -> vector<40x512xf32>
    %mul3A_131 = arith.mulf %mul3A_37, %mul3A_37 : vector<512x128xf32>
    %convert_element_type3A_132 = arith.truncf %mul3A_131 : vector<512x128xf32> to vector<512x128xbf16>
    %dot_general3A_133 = arith.constant dense<0.000000e+00> : vector<1x512xf32>
    %dot_general3A_134 = tpu.matmul %broadcast_in_dim3A_46, %convert_element_type3A_132, %dot_general3A_133 {dimension_numbers = #tpu.dot_dimension_numbers<[1], [1], [0], [0], [0, 0, 1, 0], [], []>, transpose_lhs_hint = false} : vector<1x128xbf16>, vector<512x128xbf16>, vector<1x512xf32> -> vector<1x512xf32>
    %add3A_135 = vector.broadcast %dot_general3A_134 : vector<1x512xf32> to vector<40x512xf32>
    %add3A_136 = vector.broadcast %get3A_61 : vector<40x1xf32> to vector<40x512xf32>
    %add3A_137 = arith.addf %add3A_135, %add3A_136 : vector<40x512xf32>
    %mul3A_138 = arith.constant 2.000000e+00 : f32
    %mul3A_139 = vector.broadcast %mul3A_138 : f32 to vector<40x512xf32>
    %mul3A_140 = arith.mulf %mul3A_139, %dot_general3A_130 : vector<40x512xf32>
    %sub3A_141 = arith.subf %add3A_137, %mul3A_140 : vector<40x512xf32>
    %neg3A_142 = arith.constant 0.000000e+00 : f32
    %neg3A_143 = vector.broadcast %neg3A_142 : f32 to vector<40x512xf32>
    %neg3A_144 = arith.subf %neg3A_143, %sub3A_141 : vector<40x512xf32>
    %div3A_145 = arith.constant 1.280000e+02 : f32
    %div3A_146 = vector.broadcast %div3A_145 : f32 to vector<40x512xf32>
    %div3A_147 = arith.divf %neg3A_144, %div3A_146 : vector<40x512xf32>
    %div3A_148 = arith.constant 5.000000e-02 : f32
    %div3A_149 = vector.broadcast %div3A_148 : f32 to vector<40x512xf32>
    %div3A_150 = arith.divf %div3A_147, %div3A_149 : vector<40x512xf32>
    %exp3A_151 = math.exp %div3A_150 : vector<40x512xf32>
    %convert_element_type3A_152 = arith.truncf %mul3A_45 : vector<512x128xf32> to vector<512x128xbf16>
    %dot_general3A_153 = arith.constant dense<0.000000e+00> : vector<40x512xf32>
    %dot_general3A_154 = tpu.matmul %get3A_56, %convert_element_type3A_152, %dot_general3A_153 {dimension_numbers = #tpu.dot_dimension_numbers<[1], [1], [0], [0], [0, 0, 1, 0], [], []>, transpose_lhs_hint = false} : vector<40x128xbf16>, vector<512x128xbf16>, vector<40x512xf32> -> vector<40x512xf32>
    %mul3A_155 = arith.mulf %mul3A_45, %mul3A_45 : vector<512x128xf32>
    %convert_element_type3A_156 = arith.truncf %mul3A_155 : vector<512x128xf32> to vector<512x128xbf16>
    %dot_general3A_157 = arith.constant dense<0.000000e+00> : vector<1x512xf32>
    %dot_general3A_158 = tpu.matmul %broadcast_in_dim3A_46, %convert_element_type3A_156, %dot_general3A_157 {dimension_numbers = #tpu.dot_dimension_numbers<[1], [1], [0], [0], [0, 0, 1, 0], [], []>, transpose_lhs_hint = false} : vector<1x128xbf16>, vector<512x128xbf16>, vector<1x512xf32> -> vector<1x512xf32>
    %add3A_159 = vector.broadcast %dot_general3A_158 : vector<1x512xf32> to vector<40x512xf32>
    %add3A_160 = vector.broadcast %get3A_61 : vector<40x1xf32> to vector<40x512xf32>
    %add3A_161 = arith.addf %add3A_159, %add3A_160 : vector<40x512xf32>
    %mul3A_162 = arith.constant 2.000000e+00 : f32
    %mul3A_163 = vector.broadcast %mul3A_162 : f32 to vector<40x512xf32>
    %mul3A_164 = arith.mulf %mul3A_163, %dot_general3A_154 : vector<40x512xf32>
    %sub3A_165 = arith.subf %add3A_161, %mul3A_164 : vector<40x512xf32>
    %neg3A_166 = arith.constant 0.000000e+00 : f32
    %neg3A_167 = vector.broadcast %neg3A_166 : f32 to vector<40x512xf32>
    %neg3A_168 = arith.subf %neg3A_167, %sub3A_165 : vector<40x512xf32>
    %div3A_169 = arith.constant 1.280000e+02 : f32
    %div3A_170 = vector.broadcast %div3A_169 : f32 to vector<40x512xf32>
    %div3A_171 = arith.divf %neg3A_168, %div3A_170 : vector<40x512xf32>
    %div3A_172 = arith.constant 5.000000e-02 : f32
    %div3A_173 = vector.broadcast %div3A_172 : f32 to vector<40x512xf32>
    %div3A_174 = arith.divf %div3A_171, %div3A_173 : vector<40x512xf32>
    %exp3A_175 = math.exp %div3A_174 : vector<40x512xf32>
    %convert_element_type3A_176 = arith.truncf %mul3A_13 : vector<512x128xf32> to vector<512x128xbf16>
    %convert_element_type3A_177 = arith.extf %convert_element_type3A_176 : vector<512x128xbf16> to vector<512x128xf32>
    %convert_element_type3A_178 = arith.truncf %mul3A_21 : vector<512x128xf32> to vector<512x128xbf16>
    %convert_element_type3A_179 = arith.extf %convert_element_type3A_178 : vector<512x128xbf16> to vector<512x128xf32>
    %convert_element_type3A_180 = arith.truncf %mul3A_29 : vector<512x128xf32> to vector<512x128xbf16>
    %convert_element_type3A_181 = arith.extf %convert_element_type3A_180 : vector<512x128xbf16> to vector<512x128xf32>
    %convert_element_type3A_182 = arith.truncf %mul3A_37 : vector<512x128xf32> to vector<512x128xbf16>
    %convert_element_type3A_183 = arith.extf %convert_element_type3A_182 : vector<512x128xbf16> to vector<512x128xf32>
    %convert_element_type3A_184 = arith.truncf %mul3A_45 : vector<512x128xf32> to vector<512x128xbf16>
    %convert_element_type3A_185 = arith.extf %convert_element_type3A_184 : vector<512x128xbf16> to vector<512x128xf32>
    %slice3A_186 = vector.extract_strided_slice %convert_element_type3A_51 {offsets = [0, 0], sizes = [512, 1], strides = [1, 1]} : vector<512x25xf32> to vector<512x1xf32>
    %mul3A_187 = vector.broadcast %slice3A_186 : vector<512x1xf32> to vector<512x128xf32>
    %mul3A_188 = arith.mulf %mul3A_187, %convert_element_type3A_177 : vector<512x128xf32>
    %slice3A_189 = vector.extract_strided_slice %convert_element_type3A_51 {offsets = [0, 1], sizes = [512, 1], strides = [1, 1]} : vector<512x25xf32> to vector<512x1xf32>
    %mul3A_190 = vector.broadcast %slice3A_189 : vector<512x1xf32> to vector<512x128xf32>
    %mul3A_191 = arith.mulf %mul3A_190, %convert_element_type3A_179 : vector<512x128xf32>
    %add3A_192 = arith.addf %mul3A_188, %mul3A_191 : vector<512x128xf32>
    %slice3A_193 = vector.extract_strided_slice %convert_element_type3A_51 {offsets = [0, 2], sizes = [512, 1], strides = [1, 1]} : vector<512x25xf32> to vector<512x1xf32>
    %mul3A_194 = vector.broadcast %slice3A_193 : vector<512x1xf32> to vector<512x128xf32>
    %mul3A_195 = arith.mulf %mul3A_194, %convert_element_type3A_181 : vector<512x128xf32>
    %add3A_196 = arith.addf %add3A_192, %mul3A_195 : vector<512x128xf32>
    %slice3A_197 = vector.extract_strided_slice %convert_element_type3A_51 {offsets = [0, 3], sizes = [512, 1], strides = [1, 1]} : vector<512x25xf32> to vector<512x1xf32>
    %mul3A_198 = vector.broadcast %slice3A_197 : vector<512x1xf32> to vector<512x128xf32>
    %mul3A_199 = arith.mulf %mul3A_198, %convert_element_type3A_183 : vector<512x128xf32>
    %add3A_200 = arith.addf %add3A_196, %mul3A_199 : vector<512x128xf32>
    %slice3A_201 = vector.extract_strided_slice %convert_element_type3A_51 {offsets = [0, 4], sizes = [512, 1], strides = [1, 1]} : vector<512x25xf32> to vector<512x1xf32>
    %mul3A_202 = vector.broadcast %slice3A_201 : vector<512x1xf32> to vector<512x128xf32>
    %mul3A_203 = arith.mulf %mul3A_202, %convert_element_type3A_185 : vector<512x128xf32>
    %add3A_204 = arith.addf %add3A_200, %mul3A_203 : vector<512x128xf32>
    %slice3A_205 = vector.extract_strided_slice %convert_element_type3A_51 {offsets = [0, 5], sizes = [512, 1], strides = [1, 1]} : vector<512x25xf32> to vector<512x1xf32>
    %mul3A_206 = vector.broadcast %slice3A_205 : vector<512x1xf32> to vector<512x128xf32>
    %mul3A_207 = arith.mulf %mul3A_206, %convert_element_type3A_177 : vector<512x128xf32>
    %slice3A_208 = vector.extract_strided_slice %convert_element_type3A_51 {offsets = [0, 6], sizes = [512, 1], strides = [1, 1]} : vector<512x25xf32> to vector<512x1xf32>
    %mul3A_209 = vector.broadcast %slice3A_208 : vector<512x1xf32> to vector<512x128xf32>
    %mul3A_210 = arith.mulf %mul3A_209, %convert_element_type3A_179 : vector<512x128xf32>
    %add3A_211 = arith.addf %mul3A_207, %mul3A_210 : vector<512x128xf32>
    %slice3A_212 = vector.extract_strided_slice %convert_element_type3A_51 {offsets = [0, 7], sizes = [512, 1], strides = [1, 1]} : vector<512x25xf32> to vector<512x1xf32>
    %mul3A_213 = vector.broadcast %slice3A_212 : vector<512x1xf32> to vector<512x128xf32>
    %mul3A_214 = arith.mulf %mul3A_213, %convert_element_type3A_181 : vector<512x128xf32>
    %add3A_215 = arith.addf %add3A_211, %mul3A_214 : vector<512x128xf32>
    %slice3A_216 = vector.extract_strided_slice %convert_element_type3A_51 {offsets = [0, 8], sizes = [512, 1], strides = [1, 1]} : vector<512x25xf32> to vector<512x1xf32>
    %mul3A_217 = vector.broadcast %slice3A_216 : vector<512x1xf32> to vector<512x128xf32>
    %mul3A_218 = arith.mulf %mul3A_217, %convert_element_type3A_183 : vector<512x128xf32>
    %add3A_219 = arith.addf %add3A_215, %mul3A_218 : vector<512x128xf32>
    %slice3A_220 = vector.extract_strided_slice %convert_element_type3A_51 {offsets = [0, 9], sizes = [512, 1], strides = [1, 1]} : vector<512x25xf32> to vector<512x1xf32>
    %mul3A_221 = vector.broadcast %slice3A_220 : vector<512x1xf32> to vector<512x128xf32>
    %mul3A_222 = arith.mulf %mul3A_221, %convert_element_type3A_185 : vector<512x128xf32>
    %add3A_223 = arith.addf %add3A_219, %mul3A_222 : vector<512x128xf32>
    %slice3A_224 = vector.extract_strided_slice %convert_element_type3A_51 {offsets = [0, 10], sizes = [512, 1], strides = [1, 1]} : vector<512x25xf32> to vector<512x1xf32>
    %mul3A_225 = vector.broadcast %slice3A_224 : vector<512x1xf32> to vector<512x128xf32>
    %mul3A_226 = arith.mulf %mul3A_225, %convert_element_type3A_177 : vector<512x128xf32>
    %slice3A_227 = vector.extract_strided_slice %convert_element_type3A_51 {offsets = [0, 11], sizes = [512, 1], strides = [1, 1]} : vector<512x25xf32> to vector<512x1xf32>
    %mul3A_228 = vector.broadcast %slice3A_227 : vector<512x1xf32> to vector<512x128xf32>
    %mul3A_229 = arith.mulf %mul3A_228, %convert_element_type3A_179 : vector<512x128xf32>
    %add3A_230 = arith.addf %mul3A_226, %mul3A_229 : vector<512x128xf32>
    %slice3A_231 = vector.extract_strided_slice %convert_element_type3A_51 {offsets = [0, 12], sizes = [512, 1], strides = [1, 1]} : vector<512x25xf32> to vector<512x1xf32>
    %mul3A_232 = vector.broadcast %slice3A_231 : vector<512x1xf32> to vector<512x128xf32>
    %mul3A_233 = arith.mulf %mul3A_232, %convert_element_type3A_181 : vector<512x128xf32>
    %add3A_234 = arith.addf %add3A_230, %mul3A_233 : vector<512x128xf32>
    %slice3A_235 = vector.extract_strided_slice %convert_element_type3A_51 {offsets = [0, 13], sizes = [512, 1], strides = [1, 1]} : vector<512x25xf32> to vector<512x1xf32>
    %mul3A_236 = vector.broadcast %slice3A_235 : vector<512x1xf32> to vector<512x128xf32>
    %mul3A_237 = arith.mulf %mul3A_236, %convert_element_type3A_183 : vector<512x128xf32>
    %add3A_238 = arith.addf %add3A_234, %mul3A_237 : vector<512x128xf32>
    %slice3A_239 = vector.extract_strided_slice %convert_element_type3A_51 {offsets = [0, 14], sizes = [512, 1], strides = [1, 1]} : vector<512x25xf32> to vector<512x1xf32>
    %mul3A_240 = vector.broadcast %slice3A_239 : vector<512x1xf32> to vector<512x128xf32>
    %mul3A_241 = arith.mulf %mul3A_240, %convert_element_type3A_185 : vector<512x128xf32>
    %add3A_242 = arith.addf %add3A_238, %mul3A_241 : vector<512x128xf32>
    %slice3A_243 = vector.extract_strided_slice %convert_element_type3A_51 {offsets = [0, 15], sizes = [512, 1], strides = [1, 1]} : vector<512x25xf32> to vector<512x1xf32>
    %mul3A_244 = vector.broadcast %slice3A_243 : vector<512x1xf32> to vector<512x128xf32>
    %mul3A_245 = arith.mulf %mul3A_244, %convert_element_type3A_177 : vector<512x128xf32>
    %slice3A_246 = vector.extract_strided_slice %convert_element_type3A_51 {offsets = [0, 16], sizes = [512, 1], strides = [1, 1]} : vector<512x25xf32> to vector<512x1xf32>
    %mul3A_247 = vector.broadcast %slice3A_246 : vector<512x1xf32> to vector<512x128xf32>
    %mul3A_248 = arith.mulf %mul3A_247, %convert_element_type3A_179 : vector<512x128xf32>
    %add3A_249 = arith.addf %mul3A_245, %mul3A_248 : vector<512x128xf32>
    %slice3A_250 = vector.extract_strided_slice %convert_element_type3A_51 {offsets = [0, 17], sizes = [512, 1], strides = [1, 1]} : vector<512x25xf32> to vector<512x1xf32>
    %mul3A_251 = vector.broadcast %slice3A_250 : vector<512x1xf32> to vector<512x128xf32>
    %mul3A_252 = arith.mulf %mul3A_251, %convert_element_type3A_181 : vector<512x128xf32>
    %add3A_253 = arith.addf %add3A_249, %mul3A_252 : vector<512x128xf32>
    %slice3A_254 = vector.extract_strided_slice %convert_element_type3A_51 {offsets = [0, 18], sizes = [512, 1], strides = [1, 1]} : vector<512x25xf32> to vector<512x1xf32>
    %mul3A_255 = vector.broadcast %slice3A_254 : vector<512x1xf32> to vector<512x128xf32>
    %mul3A_256 = arith.mulf %mul3A_255, %convert_element_type3A_183 : vector<512x128xf32>
    %add3A_257 = arith.addf %add3A_253, %mul3A_256 : vector<512x128xf32>
    %slice3A_258 = vector.extract_strided_slice %convert_element_type3A_51 {offsets = [0, 19], sizes = [512, 1], strides = [1, 1]} : vector<512x25xf32> to vector<512x1xf32>
    %mul3A_259 = vector.broadcast %slice3A_258 : vector<512x1xf32> to vector<512x128xf32>
    %mul3A_260 = arith.mulf %mul3A_259, %convert_element_type3A_185 : vector<512x128xf32>
    %add3A_261 = arith.addf %add3A_257, %mul3A_260 : vector<512x128xf32>
    %slice3A_262 = vector.extract_strided_slice %convert_element_type3A_51 {offsets = [0, 20], sizes = [512, 1], strides = [1, 1]} : vector<512x25xf32> to vector<512x1xf32>
    %mul3A_263 = vector.broadcast %slice3A_262 : vector<512x1xf32> to vector<512x128xf32>
    %mul3A_264 = arith.mulf %mul3A_263, %convert_element_type3A_177 : vector<512x128xf32>
    %slice3A_265 = vector.extract_strided_slice %convert_element_type3A_51 {offsets = [0, 21], sizes = [512, 1], strides = [1, 1]} : vector<512x25xf32> to vector<512x1xf32>
    %mul3A_266 = vector.broadcast %slice3A_265 : vector<512x1xf32> to vector<512x128xf32>
    %mul3A_267 = arith.mulf %mul3A_266, %convert_element_type3A_179 : vector<512x128xf32>
    %add3A_268 = arith.addf %mul3A_264, %mul3A_267 : vector<512x128xf32>
    %slice3A_269 = vector.extract_strided_slice %convert_element_type3A_51 {offsets = [0, 22], sizes = [512, 1], strides = [1, 1]} : vector<512x25xf32> to vector<512x1xf32>
    %mul3A_270 = vector.broadcast %slice3A_269 : vector<512x1xf32> to vector<512x128xf32>
    %mul3A_271 = arith.mulf %mul3A_270, %convert_element_type3A_181 : vector<512x128xf32>
    %add3A_272 = arith.addf %add3A_268, %mul3A_271 : vector<512x128xf32>
    %slice3A_273 = vector.extract_strided_slice %convert_element_type3A_51 {offsets = [0, 23], sizes = [512, 1], strides = [1, 1]} : vector<512x25xf32> to vector<512x1xf32>
    %mul3A_274 = vector.broadcast %slice3A_273 : vector<512x1xf32> to vector<512x128xf32>
    %mul3A_275 = arith.mulf %mul3A_274, %convert_element_type3A_183 : vector<512x128xf32>
    %add3A_276 = arith.addf %add3A_272, %mul3A_275 : vector<512x128xf32>
    %slice3A_277 = vector.extract_strided_slice %convert_element_type3A_51 {offsets = [0, 24], sizes = [512, 1], strides = [1, 1]} : vector<512x25xf32> to vector<512x1xf32>
    %mul3A_278 = vector.broadcast %slice3A_277 : vector<512x1xf32> to vector<512x128xf32>
    %mul3A_279 = arith.mulf %mul3A_278, %convert_element_type3A_185 : vector<512x128xf32>
    %add3A_280 = arith.addf %add3A_276, %mul3A_279 : vector<512x128xf32>
    %get3A_281 = arith.constant 1 : index
    %get3A_282 = arith.constant 0 : index
    %get3A_283 = arith.constant 0 : index
    %get3A_284 = vector.load %arg8[%get3A_281, %get3A_282, %get3A_283] : memref<3x40x128xbf16, #tpu.memory_space<vmem>>, vector<1x40x128xbf16>
    %get3A_285 = vector.shape_cast %get3A_284 : vector<1x40x128xbf16> to vector<40x128xbf16>
    %get3A_286 = arith.constant 1 : index
    %get3A_287 = arith.constant 0 : index
    %get3A_288 = arith.constant 0 : index
    %get3A_289 = vector.load %arg9[%get3A_286, %get3A_287, %get3A_288] : memref<3x40x1xf32, #tpu.memory_space<vmem>>, vector<1x40x1xf32>
    %get3A_290 = vector.shape_cast %get3A_289 : vector<1x40x1xf32> to vector<40x1xf32>
    %convert_element_type3A_291 = arith.truncf %add3A_204 : vector<512x128xf32> to vector<512x128xbf16>
    %dot_general3A_292 = arith.constant dense<0.000000e+00> : vector<40x512xf32>
    %dot_general3A_293 = tpu.matmul %get3A_285, %convert_element_type3A_291, %dot_general3A_292 {dimension_numbers = #tpu.dot_dimension_numbers<[1], [1], [0], [0], [0, 0, 1, 0], [], []>, transpose_lhs_hint = false} : vector<40x128xbf16>, vector<512x128xbf16>, vector<40x512xf32> -> vector<40x512xf32>
    %mul3A_294 = arith.mulf %add3A_204, %add3A_204 : vector<512x128xf32>
    %convert_element_type3A_295 = arith.truncf %mul3A_294 : vector<512x128xf32> to vector<512x128xbf16>
    %dot_general3A_296 = arith.constant dense<0.000000e+00> : vector<1x512xf32>
    %dot_general3A_297 = tpu.matmul %broadcast_in_dim3A_46, %convert_element_type3A_295, %dot_general3A_296 {dimension_numbers = #tpu.dot_dimension_numbers<[1], [1], [0], [0], [0, 0, 1, 0], [], []>, transpose_lhs_hint = false} : vector<1x128xbf16>, vector<512x128xbf16>, vector<1x512xf32> -> vector<1x512xf32>
    %add3A_298 = vector.broadcast %dot_general3A_297 : vector<1x512xf32> to vector<40x512xf32>
    %add3A_299 = vector.broadcast %get3A_290 : vector<40x1xf32> to vector<40x512xf32>
    %add3A_300 = arith.addf %add3A_298, %add3A_299 : vector<40x512xf32>
    %mul3A_301 = arith.constant 2.000000e+00 : f32
    %mul3A_302 = vector.broadcast %mul3A_301 : f32 to vector<40x512xf32>
    %mul3A_303 = arith.mulf %mul3A_302, %dot_general3A_293 : vector<40x512xf32>
    %sub3A_304 = arith.subf %add3A_300, %mul3A_303 : vector<40x512xf32>
    %neg3A_305 = arith.constant 0.000000e+00 : f32
    %neg3A_306 = vector.broadcast %neg3A_305 : f32 to vector<40x512xf32>
    %neg3A_307 = arith.subf %neg3A_306, %sub3A_304 : vector<40x512xf32>
    %div3A_308 = arith.constant 1.280000e+02 : f32
    %div3A_309 = vector.broadcast %div3A_308 : f32 to vector<40x512xf32>
    %div3A_310 = arith.divf %neg3A_307, %div3A_309 : vector<40x512xf32>
    %div3A_311 = arith.constant 5.000000e-02 : f32
    %div3A_312 = vector.broadcast %div3A_311 : f32 to vector<40x512xf32>
    %div3A_313 = arith.divf %div3A_310, %div3A_312 : vector<40x512xf32>
    %exp3A_314 = math.exp %div3A_313 : vector<40x512xf32>
    %add3A_315 = arith.addf %exp3A, %exp3A_314 : vector<40x512xf32>
    %convert_element_type3A_316 = arith.truncf %add3A_223 : vector<512x128xf32> to vector<512x128xbf16>
    %dot_general3A_317 = arith.constant dense<0.000000e+00> : vector<40x512xf32>
    %dot_general3A_318 = tpu.matmul %get3A_285, %convert_element_type3A_316, %dot_general3A_317 {dimension_numbers = #tpu.dot_dimension_numbers<[1], [1], [0], [0], [0, 0, 1, 0], [], []>, transpose_lhs_hint = false} : vector<40x128xbf16>, vector<512x128xbf16>, vector<40x512xf32> -> vector<40x512xf32>
    %mul3A_319 = arith.mulf %add3A_223, %add3A_223 : vector<512x128xf32>
    %convert_element_type3A_320 = arith.truncf %mul3A_319 : vector<512x128xf32> to vector<512x128xbf16>
    %dot_general3A_321 = arith.constant dense<0.000000e+00> : vector<1x512xf32>
    %dot_general3A_322 = tpu.matmul %broadcast_in_dim3A_46, %convert_element_type3A_320, %dot_general3A_321 {dimension_numbers = #tpu.dot_dimension_numbers<[1], [1], [0], [0], [0, 0, 1, 0], [], []>, transpose_lhs_hint = false} : vector<1x128xbf16>, vector<512x128xbf16>, vector<1x512xf32> -> vector<1x512xf32>
    %add3A_323 = vector.broadcast %dot_general3A_322 : vector<1x512xf32> to vector<40x512xf32>
    %add3A_324 = vector.broadcast %get3A_290 : vector<40x1xf32> to vector<40x512xf32>
    %add3A_325 = arith.addf %add3A_323, %add3A_324 : vector<40x512xf32>
    %mul3A_326 = arith.constant 2.000000e+00 : f32
    %mul3A_327 = vector.broadcast %mul3A_326 : f32 to vector<40x512xf32>
    %mul3A_328 = arith.mulf %mul3A_327, %dot_general3A_318 : vector<40x512xf32>
    %sub3A_329 = arith.subf %add3A_325, %mul3A_328 : vector<40x512xf32>
    %neg3A_330 = arith.constant 0.000000e+00 : f32
    %neg3A_331 = vector.broadcast %neg3A_330 : f32 to vector<40x512xf32>
    %neg3A_332 = arith.subf %neg3A_331, %sub3A_329 : vector<40x512xf32>
    %div3A_333 = arith.constant 1.280000e+02 : f32
    %div3A_334 = vector.broadcast %div3A_333 : f32 to vector<40x512xf32>
    %div3A_335 = arith.divf %neg3A_332, %div3A_334 : vector<40x512xf32>
    %div3A_336 = arith.constant 5.000000e-02 : f32
    %div3A_337 = vector.broadcast %div3A_336 : f32 to vector<40x512xf32>
    %div3A_338 = arith.divf %div3A_335, %div3A_337 : vector<40x512xf32>
    %exp3A_339 = math.exp %div3A_338 : vector<40x512xf32>
    %add3A_340 = arith.addf %exp3A_103, %exp3A_339 : vector<40x512xf32>
    %convert_element_type3A_341 = arith.truncf %add3A_242 : vector<512x128xf32> to vector<512x128xbf16>
    %dot_general3A_342 = arith.constant dense<0.000000e+00> : vector<40x512xf32>
    %dot_general3A_343 = tpu.matmul %get3A_285, %convert_element_type3A_341, %dot_general3A_342 {dimension_numbers = #tpu.dot_dimension_numbers<[1], [1], [0], [0], [0, 0, 1, 0], [], []>, transpose_lhs_hint = false} : vector<40x128xbf16>, vector<512x128xbf16>, vector<40x512xf32> -> vector<40x512xf32>
    %mul3A_344 = arith.mulf %add3A_242, %add3A_242 : vector<512x128xf32>
    %convert_element_type3A_345 = arith.truncf %mul3A_344 : vector<512x128xf32> to vector<512x128xbf16>
    %dot_general3A_346 = arith.constant dense<0.000000e+00> : vector<1x512xf32>
    %dot_general3A_347 = tpu.matmul %broadcast_in_dim3A_46, %convert_element_type3A_345, %dot_general3A_346 {dimension_numbers = #tpu.dot_dimension_numbers<[1], [1], [0], [0], [0, 0, 1, 0], [], []>, transpose_lhs_hint = false} : vector<1x128xbf16>, vector<512x128xbf16>, vector<1x512xf32> -> vector<1x512xf32>
    %add3A_348 = vector.broadcast %dot_general3A_347 : vector<1x512xf32> to vector<40x512xf32>
    %add3A_349 = vector.broadcast %get3A_290 : vector<40x1xf32> to vector<40x512xf32>
    %add3A_350 = arith.addf %add3A_348, %add3A_349 : vector<40x512xf32>
    %mul3A_351 = arith.constant 2.000000e+00 : f32
    %mul3A_352 = vector.broadcast %mul3A_351 : f32 to vector<40x512xf32>
    %mul3A_353 = arith.mulf %mul3A_352, %dot_general3A_343 : vector<40x512xf32>
    %sub3A_354 = arith.subf %add3A_350, %mul3A_353 : vector<40x512xf32>
    %neg3A_355 = arith.constant 0.000000e+00 : f32
    %neg3A_356 = vector.broadcast %neg3A_355 : f32 to vector<40x512xf32>
    %neg3A_357 = arith.subf %neg3A_356, %sub3A_354 : vector<40x512xf32>
    %div3A_358 = arith.constant 1.280000e+02 : f32
    %div3A_359 = vector.broadcast %div3A_358 : f32 to vector<40x512xf32>
    %div3A_360 = arith.divf %neg3A_357, %div3A_359 : vector<40x512xf32>
    %div3A_361 = arith.constant 5.000000e-02 : f32
    %div3A_362 = vector.broadcast %div3A_361 : f32 to vector<40x512xf32>
    %div3A_363 = arith.divf %div3A_360, %div3A_362 : vector<40x512xf32>
    %exp3A_364 = math.exp %div3A_363 : vector<40x512xf32>
    %add3A_365 = arith.addf %exp3A_127, %exp3A_364 : vector<40x512xf32>
    %convert_element_type3A_366 = arith.truncf %add3A_261 : vector<512x128xf32> to vector<512x128xbf16>
    %dot_general3A_367 = arith.constant dense<0.000000e+00> : vector<40x512xf32>
    %dot_general3A_368 = tpu.matmul %get3A_285, %convert_element_type3A_366, %dot_general3A_367 {dimension_numbers = #tpu.dot_dimension_numbers<[1], [1], [0], [0], [0, 0, 1, 0], [], []>, transpose_lhs_hint = false} : vector<40x128xbf16>, vector<512x128xbf16>, vector<40x512xf32> -> vector<40x512xf32>
    %mul3A_369 = arith.mulf %add3A_261, %add3A_261 : vector<512x128xf32>
    %convert_element_type3A_370 = arith.truncf %mul3A_369 : vector<512x128xf32> to vector<512x128xbf16>
    %dot_general3A_371 = arith.constant dense<0.000000e+00> : vector<1x512xf32>
    %dot_general3A_372 = tpu.matmul %broadcast_in_dim3A_46, %convert_element_type3A_370, %dot_general3A_371 {dimension_numbers = #tpu.dot_dimension_numbers<[1], [1], [0], [0], [0, 0, 1, 0], [], []>, transpose_lhs_hint = false} : vector<1x128xbf16>, vector<512x128xbf16>, vector<1x512xf32> -> vector<1x512xf32>
    %add3A_373 = vector.broadcast %dot_general3A_372 : vector<1x512xf32> to vector<40x512xf32>
    %add3A_374 = vector.broadcast %get3A_290 : vector<40x1xf32> to vector<40x512xf32>
    %add3A_375 = arith.addf %add3A_373, %add3A_374 : vector<40x512xf32>
    %mul3A_376 = arith.constant 2.000000e+00 : f32
    %mul3A_377 = vector.broadcast %mul3A_376 : f32 to vector<40x512xf32>
    %mul3A_378 = arith.mulf %mul3A_377, %dot_general3A_368 : vector<40x512xf32>
    %sub3A_379 = arith.subf %add3A_375, %mul3A_378 : vector<40x512xf32>
    %neg3A_380 = arith.constant 0.000000e+00 : f32
    %neg3A_381 = vector.broadcast %neg3A_380 : f32 to vector<40x512xf32>
    %neg3A_382 = arith.subf %neg3A_381, %sub3A_379 : vector<40x512xf32>
    %div3A_383 = arith.constant 1.280000e+02 : f32
    %div3A_384 = vector.broadcast %div3A_383 : f32 to vector<40x512xf32>
    %div3A_385 = arith.divf %neg3A_382, %div3A_384 : vector<40x512xf32>
    %div3A_386 = arith.constant 5.000000e-02 : f32
    %div3A_387 = vector.broadcast %div3A_386 : f32 to vector<40x512xf32>
    %div3A_388 = arith.divf %div3A_385, %div3A_387 : vector<40x512xf32>
    %exp3A_389 = math.exp %div3A_388 : vector<40x512xf32>
    %add3A_390 = arith.addf %exp3A_151, %exp3A_389 : vector<40x512xf32>
    %convert_element_type3A_391 = arith.truncf %add3A_280 : vector<512x128xf32> to vector<512x128xbf16>
    %dot_general3A_392 = arith.constant dense<0.000000e+00> : vector<40x512xf32>
    %dot_general3A_393 = tpu.matmul %get3A_285, %convert_element_type3A_391, %dot_general3A_392 {dimension_numbers = #tpu.dot_dimension_numbers<[1], [1], [0], [0], [0, 0, 1, 0], [], []>, transpose_lhs_hint = false} : vector<40x128xbf16>, vector<512x128xbf16>, vector<40x512xf32> -> vector<40x512xf32>
    %mul3A_394 = arith.mulf %add3A_280, %add3A_280 : vector<512x128xf32>
    %convert_element_type3A_395 = arith.truncf %mul3A_394 : vector<512x128xf32> to vector<512x128xbf16>
    %dot_general3A_396 = arith.constant dense<0.000000e+00> : vector<1x512xf32>
    %dot_general3A_397 = tpu.matmul %broadcast_in_dim3A_46, %convert_element_type3A_395, %dot_general3A_396 {dimension_numbers = #tpu.dot_dimension_numbers<[1], [1], [0], [0], [0, 0, 1, 0], [], []>, transpose_lhs_hint = false} : vector<1x128xbf16>, vector<512x128xbf16>, vector<1x512xf32> -> vector<1x512xf32>
    %add3A_398 = vector.broadcast %dot_general3A_397 : vector<1x512xf32> to vector<40x512xf32>
    %add3A_399 = vector.broadcast %get3A_290 : vector<40x1xf32> to vector<40x512xf32>
    %add3A_400 = arith.addf %add3A_398, %add3A_399 : vector<40x512xf32>
    %mul3A_401 = arith.constant 2.000000e+00 : f32
    %mul3A_402 = vector.broadcast %mul3A_401 : f32 to vector<40x512xf32>
    %mul3A_403 = arith.mulf %mul3A_402, %dot_general3A_393 : vector<40x512xf32>
    %sub3A_404 = arith.subf %add3A_400, %mul3A_403 : vector<40x512xf32>
    %neg3A_405 = arith.constant 0.000000e+00 : f32
    %neg3A_406 = vector.broadcast %neg3A_405 : f32 to vector<40x512xf32>
    %neg3A_407 = arith.subf %neg3A_406, %sub3A_404 : vector<40x512xf32>
    %div3A_408 = arith.constant 1.280000e+02 : f32
    %div3A_409 = vector.broadcast %div3A_408 : f32 to vector<40x512xf32>
    %div3A_410 = arith.divf %neg3A_407, %div3A_409 : vector<40x512xf32>
    %div3A_411 = arith.constant 5.000000e-02 : f32
    %div3A_412 = vector.broadcast %div3A_411 : f32 to vector<40x512xf32>
    %div3A_413 = arith.divf %div3A_410, %div3A_412 : vector<40x512xf32>
    %exp3A_414 = math.exp %div3A_413 : vector<40x512xf32>
    %add3A_415 = arith.addf %exp3A_175, %exp3A_414 : vector<40x512xf32>
    %convert_element_type3A_416 = arith.truncf %add3A_204 : vector<512x128xf32> to vector<512x128xbf16>
    %convert_element_type3A_417 = arith.extf %convert_element_type3A_416 : vector<512x128xbf16> to vector<512x128xf32>
    %convert_element_type3A_418 = arith.truncf %add3A_223 : vector<512x128xf32> to vector<512x128xbf16>
    %convert_element_type3A_419 = arith.extf %convert_element_type3A_418 : vector<512x128xbf16> to vector<512x128xf32>
    %convert_element_type3A_420 = arith.truncf %add3A_242 : vector<512x128xf32> to vector<512x128xbf16>
    %convert_element_type3A_421 = arith.extf %convert_element_type3A_420 : vector<512x128xbf16> to vector<512x128xf32>
    %convert_element_type3A_422 = arith.truncf %add3A_261 : vector<512x128xf32> to vector<512x128xbf16>
    %convert_element_type3A_423 = arith.extf %convert_element_type3A_422 : vector<512x128xbf16> to vector<512x128xf32>
    %convert_element_type3A_424 = arith.truncf %add3A_280 : vector<512x128xf32> to vector<512x128xbf16>
    %convert_element_type3A_425 = arith.extf %convert_element_type3A_424 : vector<512x128xbf16> to vector<512x128xf32>
    %slice3A_426 = vector.extract_strided_slice %convert_element_type3A_51 {offsets = [0, 0], sizes = [512, 1], strides = [1, 1]} : vector<512x25xf32> to vector<512x1xf32>
    %mul3A_427 = vector.broadcast %slice3A_426 : vector<512x1xf32> to vector<512x128xf32>
    %mul3A_428 = arith.mulf %mul3A_427, %convert_element_type3A_417 : vector<512x128xf32>
    %slice3A_429 = vector.extract_strided_slice %convert_element_type3A_51 {offsets = [0, 1], sizes = [512, 1], strides = [1, 1]} : vector<512x25xf32> to vector<512x1xf32>
    %mul3A_430 = vector.broadcast %slice3A_429 : vector<512x1xf32> to vector<512x128xf32>
    %mul3A_431 = arith.mulf %mul3A_430, %convert_element_type3A_419 : vector<512x128xf32>
    %add3A_432 = arith.addf %mul3A_428, %mul3A_431 : vector<512x128xf32>
    %slice3A_433 = vector.extract_strided_slice %convert_element_type3A_51 {offsets = [0, 2], sizes = [512, 1], strides = [1, 1]} : vector<512x25xf32> to vector<512x1xf32>
    %mul3A_434 = vector.broadcast %slice3A_433 : vector<512x1xf32> to vector<512x128xf32>
    %mul3A_435 = arith.mulf %mul3A_434, %convert_element_type3A_421 : vector<512x128xf32>
    %add3A_436 = arith.addf %add3A_432, %mul3A_435 : vector<512x128xf32>
    %slice3A_437 = vector.extract_strided_slice %convert_element_type3A_51 {offsets = [0, 3], sizes = [512, 1], strides = [1, 1]} : vector<512x25xf32> to vector<512x1xf32>
    %mul3A_438 = vector.broadcast %slice3A_437 : vector<512x1xf32> to vector<512x128xf32>
    %mul3A_439 = arith.mulf %mul3A_438, %convert_element_type3A_423 : vector<512x128xf32>
    %add3A_440 = arith.addf %add3A_436, %mul3A_439 : vector<512x128xf32>
    %slice3A_441 = vector.extract_strided_slice %convert_element_type3A_51 {offsets = [0, 4], sizes = [512, 1], strides = [1, 1]} : vector<512x25xf32> to vector<512x1xf32>
    %mul3A_442 = vector.broadcast %slice3A_441 : vector<512x1xf32> to vector<512x128xf32>
    %mul3A_443 = arith.mulf %mul3A_442, %convert_element_type3A_425 : vector<512x128xf32>
    %add3A_444 = arith.addf %add3A_440, %mul3A_443 : vector<512x128xf32>
    %slice3A_445 = vector.extract_strided_slice %convert_element_type3A_51 {offsets = [0, 5], sizes = [512, 1], strides = [1, 1]} : vector<512x25xf32> to vector<512x1xf32>
    %mul3A_446 = vector.broadcast %slice3A_445 : vector<512x1xf32> to vector<512x128xf32>
    %mul3A_447 = arith.mulf %mul3A_446, %convert_element_type3A_417 : vector<512x128xf32>
    %slice3A_448 = vector.extract_strided_slice %convert_element_type3A_51 {offsets = [0, 6], sizes = [512, 1], strides = [1, 1]} : vector<512x25xf32> to vector<512x1xf32>
    %mul3A_449 = vector.broadcast %slice3A_448 : vector<512x1xf32> to vector<512x128xf32>
    %mul3A_450 = arith.mulf %mul3A_449, %convert_element_type3A_419 : vector<512x128xf32>
    %add3A_451 = arith.addf %mul3A_447, %mul3A_450 : vector<512x128xf32>
    %slice3A_452 = vector.extract_strided_slice %convert_element_type3A_51 {offsets = [0, 7], sizes = [512, 1], strides = [1, 1]} : vector<512x25xf32> to vector<512x1xf32>
    %mul3A_453 = vector.broadcast %slice3A_452 : vector<512x1xf32> to vector<512x128xf32>
    %mul3A_454 = arith.mulf %mul3A_453, %convert_element_type3A_421 : vector<512x128xf32>
    %add3A_455 = arith.addf %add3A_451, %mul3A_454 : vector<512x128xf32>
    %slice3A_456 = vector.extract_strided_slice %convert_element_type3A_51 {offsets = [0, 8], sizes = [512, 1], strides = [1, 1]} : vector<512x25xf32> to vector<512x1xf32>
    %mul3A_457 = vector.broadcast %slice3A_456 : vector<512x1xf32> to vector<512x128xf32>
    %mul3A_458 = arith.mulf %mul3A_457, %convert_element_type3A_423 : vector<512x128xf32>
    %add3A_459 = arith.addf %add3A_455, %mul3A_458 : vector<512x128xf32>
    %slice3A_460 = vector.extract_strided_slice %convert_element_type3A_51 {offsets = [0, 9], sizes = [512, 1], strides = [1, 1]} : vector<512x25xf32> to vector<512x1xf32>
    %mul3A_461 = vector.broadcast %slice3A_460 : vector<512x1xf32> to vector<512x128xf32>
    %mul3A_462 = arith.mulf %mul3A_461, %convert_element_type3A_425 : vector<512x128xf32>
    %add3A_463 = arith.addf %add3A_459, %mul3A_462 : vector<512x128xf32>
    %slice3A_464 = vector.extract_strided_slice %convert_element_type3A_51 {offsets = [0, 10], sizes = [512, 1], strides = [1, 1]} : vector<512x25xf32> to vector<512x1xf32>
    %mul3A_465 = vector.broadcast %slice3A_464 : vector<512x1xf32> to vector<512x128xf32>
    %mul3A_466 = arith.mulf %mul3A_465, %convert_element_type3A_417 : vector<512x128xf32>
    %slice3A_467 = vector.extract_strided_slice %convert_element_type3A_51 {offsets = [0, 11], sizes = [512, 1], strides = [1, 1]} : vector<512x25xf32> to vector<512x1xf32>
    %mul3A_468 = vector.broadcast %slice3A_467 : vector<512x1xf32> to vector<512x128xf32>
    %mul3A_469 = arith.mulf %mul3A_468, %convert_element_type3A_419 : vector<512x128xf32>
    %add3A_470 = arith.addf %mul3A_466, %mul3A_469 : vector<512x128xf32>
    %slice3A_471 = vector.extract_strided_slice %convert_element_type3A_51 {offsets = [0, 12], sizes = [512, 1], strides = [1, 1]} : vector<512x25xf32> to vector<512x1xf32>
    %mul3A_472 = vector.broadcast %slice3A_471 : vector<512x1xf32> to vector<512x128xf32>
    %mul3A_473 = arith.mulf %mul3A_472, %convert_element_type3A_421 : vector<512x128xf32>
    %add3A_474 = arith.addf %add3A_470, %mul3A_473 : vector<512x128xf32>
    %slice3A_475 = vector.extract_strided_slice %convert_element_type3A_51 {offsets = [0, 13], sizes = [512, 1], strides = [1, 1]} : vector<512x25xf32> to vector<512x1xf32>
    %mul3A_476 = vector.broadcast %slice3A_475 : vector<512x1xf32> to vector<512x128xf32>
    %mul3A_477 = arith.mulf %mul3A_476, %convert_element_type3A_423 : vector<512x128xf32>
    %add3A_478 = arith.addf %add3A_474, %mul3A_477 : vector<512x128xf32>
    %slice3A_479 = vector.extract_strided_slice %convert_element_type3A_51 {offsets = [0, 14], sizes = [512, 1], strides = [1, 1]} : vector<512x25xf32> to vector<512x1xf32>
    %mul3A_480 = vector.broadcast %slice3A_479 : vector<512x1xf32> to vector<512x128xf32>
    %mul3A_481 = arith.mulf %mul3A_480, %convert_element_type3A_425 : vector<512x128xf32>
    %add3A_482 = arith.addf %add3A_478, %mul3A_481 : vector<512x128xf32>
    %slice3A_483 = vector.extract_strided_slice %convert_element_type3A_51 {offsets = [0, 15], sizes = [512, 1], strides = [1, 1]} : vector<512x25xf32> to vector<512x1xf32>
    %mul3A_484 = vector.broadcast %slice3A_483 : vector<512x1xf32> to vector<512x128xf32>
    %mul3A_485 = arith.mulf %mul3A_484, %convert_element_type3A_417 : vector<512x128xf32>
    %slice3A_486 = vector.extract_strided_slice %convert_element_type3A_51 {offsets = [0, 16], sizes = [512, 1], strides = [1, 1]} : vector<512x25xf32> to vector<512x1xf32>
    %mul3A_487 = vector.broadcast %slice3A_486 : vector<512x1xf32> to vector<512x128xf32>
    %mul3A_488 = arith.mulf %mul3A_487, %convert_element_type3A_419 : vector<512x128xf32>
    %add3A_489 = arith.addf %mul3A_485, %mul3A_488 : vector<512x128xf32>
    %slice3A_490 = vector.extract_strided_slice %convert_element_type3A_51 {offsets = [0, 17], sizes = [512, 1], strides = [1, 1]} : vector<512x25xf32> to vector<512x1xf32>
    %mul3A_491 = vector.broadcast %slice3A_490 : vector<512x1xf32> to vector<512x128xf32>
    %mul3A_492 = arith.mulf %mul3A_491, %convert_element_type3A_421 : vector<512x128xf32>
    %add3A_493 = arith.addf %add3A_489, %mul3A_492 : vector<512x128xf32>
    %slice3A_494 = vector.extract_strided_slice %convert_element_type3A_51 {offsets = [0, 18], sizes = [512, 1], strides = [1, 1]} : vector<512x25xf32> to vector<512x1xf32>
    %mul3A_495 = vector.broadcast %slice3A_494 : vector<512x1xf32> to vector<512x128xf32>
    %mul3A_496 = arith.mulf %mul3A_495, %convert_element_type3A_423 : vector<512x128xf32>
    %add3A_497 = arith.addf %add3A_493, %mul3A_496 : vector<512x128xf32>
    %slice3A_498 = vector.extract_strided_slice %convert_element_type3A_51 {offsets = [0, 19], sizes = [512, 1], strides = [1, 1]} : vector<512x25xf32> to vector<512x1xf32>
    %mul3A_499 = vector.broadcast %slice3A_498 : vector<512x1xf32> to vector<512x128xf32>
    %mul3A_500 = arith.mulf %mul3A_499, %convert_element_type3A_425 : vector<512x128xf32>
    %add3A_501 = arith.addf %add3A_497, %mul3A_500 : vector<512x128xf32>
    %slice3A_502 = vector.extract_strided_slice %convert_element_type3A_51 {offsets = [0, 20], sizes = [512, 1], strides = [1, 1]} : vector<512x25xf32> to vector<512x1xf32>
    %mul3A_503 = vector.broadcast %slice3A_502 : vector<512x1xf32> to vector<512x128xf32>
    %mul3A_504 = arith.mulf %mul3A_503, %convert_element_type3A_417 : vector<512x128xf32>
    %slice3A_505 = vector.extract_strided_slice %convert_element_type3A_51 {offsets = [0, 21], sizes = [512, 1], strides = [1, 1]} : vector<512x25xf32> to vector<512x1xf32>
    %mul3A_506 = vector.broadcast %slice3A_505 : vector<512x1xf32> to vector<512x128xf32>
    %mul3A_507 = arith.mulf %mul3A_506, %convert_element_type3A_419 : vector<512x128xf32>
    %add3A_508 = arith.addf %mul3A_504, %mul3A_507 : vector<512x128xf32>
    %slice3A_509 = vector.extract_strided_slice %convert_element_type3A_51 {offsets = [0, 22], sizes = [512, 1], strides = [1, 1]} : vector<512x25xf32> to vector<512x1xf32>
    %mul3A_510 = vector.broadcast %slice3A_509 : vector<512x1xf32> to vector<512x128xf32>
    %mul3A_511 = arith.mulf %mul3A_510, %convert_element_type3A_421 : vector<512x128xf32>
    %add3A_512 = arith.addf %add3A_508, %mul3A_511 : vector<512x128xf32>
    %slice3A_513 = vector.extract_strided_slice %convert_element_type3A_51 {offsets = [0, 23], sizes = [512, 1], strides = [1, 1]} : vector<512x25xf32> to vector<512x1xf32>
    %mul3A_514 = vector.broadcast %slice3A_513 : vector<512x1xf32> to vector<512x128xf32>
    %mul3A_515 = arith.mulf %mul3A_514, %convert_element_type3A_423 : vector<512x128xf32>
    %add3A_516 = arith.addf %add3A_512, %mul3A_515 : vector<512x128xf32>
    %slice3A_517 = vector.extract_strided_slice %convert_element_type3A_51 {offsets = [0, 24], sizes = [512, 1], strides = [1, 1]} : vector<512x25xf32> to vector<512x1xf32>
    %mul3A_518 = vector.broadcast %slice3A_517 : vector<512x1xf32> to vector<512x128xf32>
    %mul3A_519 = arith.mulf %mul3A_518, %convert_element_type3A_425 : vector<512x128xf32>
    %add3A_520 = arith.addf %add3A_516, %mul3A_519 : vector<512x128xf32>
    %get3A_521 = arith.constant 2 : index
    %get3A_522 = arith.constant 0 : index
    %get3A_523 = arith.constant 0 : index
    %get3A_524 = vector.load %arg8[%get3A_521, %get3A_522, %get3A_523] : memref<3x40x128xbf16, #tpu.memory_space<vmem>>, vector<1x40x128xbf16>
    %get3A_525 = vector.shape_cast %get3A_524 : vector<1x40x128xbf16> to vector<40x128xbf16>
    %get3A_526 = arith.constant 2 : index
    %get3A_527 = arith.constant 0 : index
    %get3A_528 = arith.constant 0 : index
    %get3A_529 = vector.load %arg9[%get3A_526, %get3A_527, %get3A_528] : memref<3x40x1xf32, #tpu.memory_space<vmem>>, vector<1x40x1xf32>
    %get3A_530 = vector.shape_cast %get3A_529 : vector<1x40x1xf32> to vector<40x1xf32>
    %convert_element_type3A_531 = arith.truncf %add3A_444 : vector<512x128xf32> to vector<512x128xbf16>
    %dot_general3A_532 = arith.constant dense<0.000000e+00> : vector<40x512xf32>
    %dot_general3A_533 = tpu.matmul %get3A_525, %convert_element_type3A_531, %dot_general3A_532 {dimension_numbers = #tpu.dot_dimension_numbers<[1], [1], [0], [0], [0, 0, 1, 0], [], []>, transpose_lhs_hint = false} : vector<40x128xbf16>, vector<512x128xbf16>, vector<40x512xf32> -> vector<40x512xf32>
    %mul3A_534 = arith.mulf %add3A_444, %add3A_444 : vector<512x128xf32>
    %convert_element_type3A_535 = arith.truncf %mul3A_534 : vector<512x128xf32> to vector<512x128xbf16>
    %dot_general3A_536 = arith.constant dense<0.000000e+00> : vector<1x512xf32>
    %dot_general3A_537 = tpu.matmul %broadcast_in_dim3A_46, %convert_element_type3A_535, %dot_general3A_536 {dimension_numbers = #tpu.dot_dimension_numbers<[1], [1], [0], [0], [0, 0, 1, 0], [], []>, transpose_lhs_hint = false} : vector<1x128xbf16>, vector<512x128xbf16>, vector<1x512xf32> -> vector<1x512xf32>
    %add3A_538 = vector.broadcast %dot_general3A_537 : vector<1x512xf32> to vector<40x512xf32>
    %add3A_539 = vector.broadcast %get3A_530 : vector<40x1xf32> to vector<40x512xf32>
    %add3A_540 = arith.addf %add3A_538, %add3A_539 : vector<40x512xf32>
    %mul3A_541 = arith.constant 2.000000e+00 : f32
    %mul3A_542 = vector.broadcast %mul3A_541 : f32 to vector<40x512xf32>
    %mul3A_543 = arith.mulf %mul3A_542, %dot_general3A_533 : vector<40x512xf32>
    %sub3A_544 = arith.subf %add3A_540, %mul3A_543 : vector<40x512xf32>
    %neg3A_545 = arith.constant 0.000000e+00 : f32
    %neg3A_546 = vector.broadcast %neg3A_545 : f32 to vector<40x512xf32>
    %neg3A_547 = arith.subf %neg3A_546, %sub3A_544 : vector<40x512xf32>
    %div3A_548 = arith.constant 1.280000e+02 : f32
    %div3A_549 = vector.broadcast %div3A_548 : f32 to vector<40x512xf32>
    %div3A_550 = arith.divf %neg3A_547, %div3A_549 : vector<40x512xf32>
    %div3A_551 = arith.constant 5.000000e-02 : f32
    %div3A_552 = vector.broadcast %div3A_551 : f32 to vector<40x512xf32>
    %div3A_553 = arith.divf %div3A_550, %div3A_552 : vector<40x512xf32>
    %exp3A_554 = math.exp %div3A_553 : vector<40x512xf32>
    %add3A_555 = arith.addf %add3A_315, %exp3A_554 : vector<40x512xf32>
    %convert_element_type3A_556 = arith.truncf %add3A_463 : vector<512x128xf32> to vector<512x128xbf16>
    %dot_general3A_557 = arith.constant dense<0.000000e+00> : vector<40x512xf32>
    %dot_general3A_558 = tpu.matmul %get3A_525, %convert_element_type3A_556, %dot_general3A_557 {dimension_numbers = #tpu.dot_dimension_numbers<[1], [1], [0], [0], [0, 0, 1, 0], [], []>, transpose_lhs_hint = false} : vector<40x128xbf16>, vector<512x128xbf16>, vector<40x512xf32> -> vector<40x512xf32>
    %mul3A_559 = arith.mulf %add3A_463, %add3A_463 : vector<512x128xf32>
    %convert_element_type3A_560 = arith.truncf %mul3A_559 : vector<512x128xf32> to vector<512x128xbf16>
    %dot_general3A_561 = arith.constant dense<0.000000e+00> : vector<1x512xf32>
    %dot_general3A_562 = tpu.matmul %broadcast_in_dim3A_46, %convert_element_type3A_560, %dot_general3A_561 {dimension_numbers = #tpu.dot_dimension_numbers<[1], [1], [0], [0], [0, 0, 1, 0], [], []>, transpose_lhs_hint = false} : vector<1x128xbf16>, vector<512x128xbf16>, vector<1x512xf32> -> vector<1x512xf32>
    %add3A_563 = vector.broadcast %dot_general3A_562 : vector<1x512xf32> to vector<40x512xf32>
    %add3A_564 = vector.broadcast %get3A_530 : vector<40x1xf32> to vector<40x512xf32>
    %add3A_565 = arith.addf %add3A_563, %add3A_564 : vector<40x512xf32>
    %mul3A_566 = arith.constant 2.000000e+00 : f32
    %mul3A_567 = vector.broadcast %mul3A_566 : f32 to vector<40x512xf32>
    %mul3A_568 = arith.mulf %mul3A_567, %dot_general3A_558 : vector<40x512xf32>
    %sub3A_569 = arith.subf %add3A_565, %mul3A_568 : vector<40x512xf32>
    %neg3A_570 = arith.constant 0.000000e+00 : f32
    %neg3A_571 = vector.broadcast %neg3A_570 : f32 to vector<40x512xf32>
    %neg3A_572 = arith.subf %neg3A_571, %sub3A_569 : vector<40x512xf32>
    %div3A_573 = arith.constant 1.280000e+02 : f32
    %div3A_574 = vector.broadcast %div3A_573 : f32 to vector<40x512xf32>
    %div3A_575 = arith.divf %neg3A_572, %div3A_574 : vector<40x512xf32>
    %div3A_576 = arith.constant 5.000000e-02 : f32
    %div3A_577 = vector.broadcast %div3A_576 : f32 to vector<40x512xf32>
    %div3A_578 = arith.divf %div3A_575, %div3A_577 : vector<40x512xf32>
    %exp3A_579 = math.exp %div3A_578 : vector<40x512xf32>
    %add3A_580 = arith.addf %add3A_340, %exp3A_579 : vector<40x512xf32>
    %convert_element_type3A_581 = arith.truncf %add3A_482 : vector<512x128xf32> to vector<512x128xbf16>
    %dot_general3A_582 = arith.constant dense<0.000000e+00> : vector<40x512xf32>
    %dot_general3A_583 = tpu.matmul %get3A_525, %convert_element_type3A_581, %dot_general3A_582 {dimension_numbers = #tpu.dot_dimension_numbers<[1], [1], [0], [0], [0, 0, 1, 0], [], []>, transpose_lhs_hint = false} : vector<40x128xbf16>, vector<512x128xbf16>, vector<40x512xf32> -> vector<40x512xf32>
    %mul3A_584 = arith.mulf %add3A_482, %add3A_482 : vector<512x128xf32>
    %convert_element_type3A_585 = arith.truncf %mul3A_584 : vector<512x128xf32> to vector<512x128xbf16>
    %dot_general3A_586 = arith.constant dense<0.000000e+00> : vector<1x512xf32>
    %dot_general3A_587 = tpu.matmul %broadcast_in_dim3A_46, %convert_element_type3A_585, %dot_general3A_586 {dimension_numbers = #tpu.dot_dimension_numbers<[1], [1], [0], [0], [0, 0, 1, 0], [], []>, transpose_lhs_hint = false} : vector<1x128xbf16>, vector<512x128xbf16>, vector<1x512xf32> -> vector<1x512xf32>
    %add3A_588 = vector.broadcast %dot_general3A_587 : vector<1x512xf32> to vector<40x512xf32>
    %add3A_589 = vector.broadcast %get3A_530 : vector<40x1xf32> to vector<40x512xf32>
    %add3A_590 = arith.addf %add3A_588, %add3A_589 : vector<40x512xf32>
    %mul3A_591 = arith.constant 2.000000e+00 : f32
    %mul3A_592 = vector.broadcast %mul3A_591 : f32 to vector<40x512xf32>
    %mul3A_593 = arith.mulf %mul3A_592, %dot_general3A_583 : vector<40x512xf32>
    %sub3A_594 = arith.subf %add3A_590, %mul3A_593 : vector<40x512xf32>
    %neg3A_595 = arith.constant 0.000000e+00 : f32
    %neg3A_596 = vector.broadcast %neg3A_595 : f32 to vector<40x512xf32>
    %neg3A_597 = arith.subf %neg3A_596, %sub3A_594 : vector<40x512xf32>
    %div3A_598 = arith.constant 1.280000e+02 : f32
    %div3A_599 = vector.broadcast %div3A_598 : f32 to vector<40x512xf32>
    %div3A_600 = arith.divf %neg3A_597, %div3A_599 : vector<40x512xf32>
    %div3A_601 = arith.constant 5.000000e-02 : f32
    %div3A_602 = vector.broadcast %div3A_601 : f32 to vector<40x512xf32>
    %div3A_603 = arith.divf %div3A_600, %div3A_602 : vector<40x512xf32>
    %exp3A_604 = math.exp %div3A_603 : vector<40x512xf32>
    %add3A_605 = arith.addf %add3A_365, %exp3A_604 : vector<40x512xf32>
    %convert_element_type3A_606 = arith.truncf %add3A_501 : vector<512x128xf32> to vector<512x128xbf16>
    %dot_general3A_607 = arith.constant dense<0.000000e+00> : vector<40x512xf32>
    %dot_general3A_608 = tpu.matmul %get3A_525, %convert_element_type3A_606, %dot_general3A_607 {dimension_numbers = #tpu.dot_dimension_numbers<[1], [1], [0], [0], [0, 0, 1, 0], [], []>, transpose_lhs_hint = false} : vector<40x128xbf16>, vector<512x128xbf16>, vector<40x512xf32> -> vector<40x512xf32>
    %mul3A_609 = arith.mulf %add3A_501, %add3A_501 : vector<512x128xf32>
    %convert_element_type3A_610 = arith.truncf %mul3A_609 : vector<512x128xf32> to vector<512x128xbf16>
    %dot_general3A_611 = arith.constant dense<0.000000e+00> : vector<1x512xf32>
    %dot_general3A_612 = tpu.matmul %broadcast_in_dim3A_46, %convert_element_type3A_610, %dot_general3A_611 {dimension_numbers = #tpu.dot_dimension_numbers<[1], [1], [0], [0], [0, 0, 1, 0], [], []>, transpose_lhs_hint = false} : vector<1x128xbf16>, vector<512x128xbf16>, vector<1x512xf32> -> vector<1x512xf32>
    %add3A_613 = vector.broadcast %dot_general3A_612 : vector<1x512xf32> to vector<40x512xf32>
    %add3A_614 = vector.broadcast %get3A_530 : vector<40x1xf32> to vector<40x512xf32>
    %add3A_615 = arith.addf %add3A_613, %add3A_614 : vector<40x512xf32>
    %mul3A_616 = arith.constant 2.000000e+00 : f32
    %mul3A_617 = vector.broadcast %mul3A_616 : f32 to vector<40x512xf32>
    %mul3A_618 = arith.mulf %mul3A_617, %dot_general3A_608 : vector<40x512xf32>
    %sub3A_619 = arith.subf %add3A_615, %mul3A_618 : vector<40x512xf32>
    %neg3A_620 = arith.constant 0.000000e+00 : f32
    %neg3A_621 = vector.broadcast %neg3A_620 : f32 to vector<40x512xf32>
    %neg3A_622 = arith.subf %neg3A_621, %sub3A_619 : vector<40x512xf32>
    %div3A_623 = arith.constant 1.280000e+02 : f32
    %div3A_624 = vector.broadcast %div3A_623 : f32 to vector<40x512xf32>
    %div3A_625 = arith.divf %neg3A_622, %div3A_624 : vector<40x512xf32>
    %div3A_626 = arith.constant 5.000000e-02 : f32
    %div3A_627 = vector.broadcast %div3A_626 : f32 to vector<40x512xf32>
    %div3A_628 = arith.divf %div3A_625, %div3A_627 : vector<40x512xf32>
    %exp3A_629 = math.exp %div3A_628 : vector<40x512xf32>
    %add3A_630 = arith.addf %add3A_390, %exp3A_629 : vector<40x512xf32>
    %convert_element_type3A_631 = arith.truncf %add3A_520 : vector<512x128xf32> to vector<512x128xbf16>
    %dot_general3A_632 = arith.constant dense<0.000000e+00> : vector<40x512xf32>
    %dot_general3A_633 = tpu.matmul %get3A_525, %convert_element_type3A_631, %dot_general3A_632 {dimension_numbers = #tpu.dot_dimension_numbers<[1], [1], [0], [0], [0, 0, 1, 0], [], []>, transpose_lhs_hint = false} : vector<40x128xbf16>, vector<512x128xbf16>, vector<40x512xf32> -> vector<40x512xf32>
    %mul3A_634 = arith.mulf %add3A_520, %add3A_520 : vector<512x128xf32>
    %convert_element_type3A_635 = arith.truncf %mul3A_634 : vector<512x128xf32> to vector<512x128xbf16>
    %dot_general3A_636 = arith.constant dense<0.000000e+00> : vector<1x512xf32>
    %dot_general3A_637 = tpu.matmul %broadcast_in_dim3A_46, %convert_element_type3A_635, %dot_general3A_636 {dimension_numbers = #tpu.dot_dimension_numbers<[1], [1], [0], [0], [0, 0, 1, 0], [], []>, transpose_lhs_hint = false} : vector<1x128xbf16>, vector<512x128xbf16>, vector<1x512xf32> -> vector<1x512xf32>
    %add3A_638 = vector.broadcast %dot_general3A_637 : vector<1x512xf32> to vector<40x512xf32>
    %add3A_639 = vector.broadcast %get3A_530 : vector<40x1xf32> to vector<40x512xf32>
    %add3A_640 = arith.addf %add3A_638, %add3A_639 : vector<40x512xf32>
    %mul3A_641 = arith.constant 2.000000e+00 : f32
    %mul3A_642 = vector.broadcast %mul3A_641 : f32 to vector<40x512xf32>
    %mul3A_643 = arith.mulf %mul3A_642, %dot_general3A_633 : vector<40x512xf32>
    %sub3A_644 = arith.subf %add3A_640, %mul3A_643 : vector<40x512xf32>
    %neg3A_645 = arith.constant 0.000000e+00 : f32
    %neg3A_646 = vector.broadcast %neg3A_645 : f32 to vector<40x512xf32>
    %neg3A_647 = arith.subf %neg3A_646, %sub3A_644 : vector<40x512xf32>
    %div3A_648 = arith.constant 1.280000e+02 : f32
    %div3A_649 = vector.broadcast %div3A_648 : f32 to vector<40x512xf32>
    %div3A_650 = arith.divf %neg3A_647, %div3A_649 : vector<40x512xf32>
    %div3A_651 = arith.constant 5.000000e-02 : f32
    %div3A_652 = vector.broadcast %div3A_651 : f32 to vector<40x512xf32>
    %div3A_653 = arith.divf %div3A_650, %div3A_652 : vector<40x512xf32>
    %exp3A_654 = math.exp %div3A_653 : vector<40x512xf32>
    %add3A_655 = arith.addf %add3A_415, %exp3A_654 : vector<40x512xf32>
    %slice3A_656 = vector.extract_strided_slice %add3A_555 {offsets = [0, 0], sizes = [8, 512], strides = [1, 1]} : vector<40x512xf32> to vector<8x512xf32>
    %broadcast_in_dim3A_657 = arith.constant true
    %broadcast_in_dim3A_658 = vector.broadcast %broadcast_in_dim3A_657 : i1 to vector<8x512xi1>
    %broadcast_in_dim3A_659 = arith.constant false
    %broadcast_in_dim3A_660 = vector.broadcast %broadcast_in_dim3A_659 : i1 to vector<8x512xi1>
    %broadcast_in_dim3A_661 = arith.constant false
    %broadcast_in_dim3A_662 = vector.broadcast %broadcast_in_dim3A_661 : i1 to vector<8x512xi1>
    %broadcast_in_dim3A_663 = arith.constant false
    %broadcast_in_dim3A_664 = vector.broadcast %broadcast_in_dim3A_663 : i1 to vector<8x512xi1>
    %broadcast_in_dim3A_665 = arith.constant false
    %broadcast_in_dim3A_666 = vector.broadcast %broadcast_in_dim3A_665 : i1 to vector<8x512xi1>
    %slice3A_667 = vector.extract_strided_slice %add3A_580 {offsets = [0, 0], sizes = [8, 512], strides = [1, 1]} : vector<40x512xf32> to vector<8x512xf32>
    %jit3A = arith.constant -1.000000e+00 : f32
    %broadcast_in_dim3A_668 = vector.broadcast %jit3A : f32 to vector<8x512xf32>
    %select_n3A = arith.select %broadcast_in_dim3A_658, %broadcast_in_dim3A_668, %slice3A_667 : vector<8x512xi1>, vector<8x512xf32>
    %slice3A_669 = vector.extract_strided_slice %add3A_580 {offsets = [8, 0], sizes = [8, 512], strides = [1, 1]} : vector<40x512xf32> to vector<8x512xf32>
    %jit3A_670 = arith.constant -1.000000e+00 : f32
    %broadcast_in_dim3A_671 = vector.broadcast %jit3A_670 : f32 to vector<8x512xf32>
    %select_n3A_672 = arith.select %broadcast_in_dim3A_660, %broadcast_in_dim3A_671, %slice3A_669 : vector<8x512xi1>, vector<8x512xf32>
    %slice3A_673 = vector.extract_strided_slice %add3A_580 {offsets = [16, 0], sizes = [8, 512], strides = [1, 1]} : vector<40x512xf32> to vector<8x512xf32>
    %jit3A_674 = arith.constant -1.000000e+00 : f32
    %broadcast_in_dim3A_675 = vector.broadcast %jit3A_674 : f32 to vector<8x512xf32>
    %select_n3A_676 = arith.select %broadcast_in_dim3A_662, %broadcast_in_dim3A_675, %slice3A_673 : vector<8x512xi1>, vector<8x512xf32>
    %slice3A_677 = vector.extract_strided_slice %add3A_580 {offsets = [24, 0], sizes = [8, 512], strides = [1, 1]} : vector<40x512xf32> to vector<8x512xf32>
    %jit3A_678 = arith.constant -1.000000e+00 : f32
    %broadcast_in_dim3A_679 = vector.broadcast %jit3A_678 : f32 to vector<8x512xf32>
    %select_n3A_680 = arith.select %broadcast_in_dim3A_664, %broadcast_in_dim3A_679, %slice3A_677 : vector<8x512xi1>, vector<8x512xf32>
    %slice3A_681 = vector.extract_strided_slice %add3A_580 {offsets = [32, 0], sizes = [8, 512], strides = [1, 1]} : vector<40x512xf32> to vector<8x512xf32>
    %jit3A_682 = arith.constant -1.000000e+00 : f32
    %broadcast_in_dim3A_683 = vector.broadcast %jit3A_682 : f32 to vector<8x512xf32>
    %select_n3A_684 = arith.select %broadcast_in_dim3A_666, %broadcast_in_dim3A_683, %slice3A_681 : vector<8x512xi1>, vector<8x512xf32>
    %max3A = arith.maximumf %select_n3A, %select_n3A_672 : vector<8x512xf32>
    %max3A_685 = arith.maximumf %max3A, %select_n3A_676 : vector<8x512xf32>
    %max3A_686 = arith.maximumf %max3A_685, %select_n3A_680 : vector<8x512xf32>
    %max3A_687 = arith.maximumf %max3A_686, %select_n3A_684 : vector<8x512xf32>
    %add3A_688 = arith.addf %slice3A_656, %max3A_687 : vector<8x512xf32>
    %broadcast_in_dim3A_689 = arith.constant false
    %broadcast_in_dim3A_690 = vector.broadcast %broadcast_in_dim3A_689 : i1 to vector<8x512xi1>
    %eq3A_691 = arith.cmpf oeq, %select_n3A, %max3A_687 : vector<8x512xf32>
    %not3A = arith.constant dense<true> : vector<8x512xi1>
    %not3A_692 = arith.xori %broadcast_in_dim3A_690, %not3A : vector<8x512xi1>
    %and3A = arith.andi %eq3A_691, %not3A_692 : vector<8x512xi1>
    %or3A = arith.ori %broadcast_in_dim3A_658, %and3A : vector<8x512xi1>
    %or3A_693 = arith.ori %broadcast_in_dim3A_690, %and3A : vector<8x512xi1>
    %eq3A_694 = arith.cmpf oeq, %select_n3A_672, %max3A_687 : vector<8x512xf32>
    %not3A_695 = arith.constant dense<true> : vector<8x512xi1>
    %not3A_696 = arith.xori %or3A_693, %not3A_695 : vector<8x512xi1>
    %and3A_697 = arith.andi %eq3A_694, %not3A_696 : vector<8x512xi1>
    %or3A_698 = arith.ori %broadcast_in_dim3A_660, %and3A_697 : vector<8x512xi1>
    %or3A_699 = arith.ori %or3A_693, %and3A_697 : vector<8x512xi1>
    %eq3A_700 = arith.cmpf oeq, %select_n3A_676, %max3A_687 : vector<8x512xf32>
    %not3A_701 = arith.constant dense<true> : vector<8x512xi1>
    %not3A_702 = arith.xori %or3A_699, %not3A_701 : vector<8x512xi1>
    %and3A_703 = arith.andi %eq3A_700, %not3A_702 : vector<8x512xi1>
    %or3A_704 = arith.ori %broadcast_in_dim3A_662, %and3A_703 : vector<8x512xi1>
    %or3A_705 = arith.ori %or3A_699, %and3A_703 : vector<8x512xi1>
    %eq3A_706 = arith.cmpf oeq, %select_n3A_680, %max3A_687 : vector<8x512xf32>
    %not3A_707 = arith.constant dense<true> : vector<8x512xi1>
    %not3A_708 = arith.xori %or3A_705, %not3A_707 : vector<8x512xi1>
    %and3A_709 = arith.andi %eq3A_706, %not3A_708 : vector<8x512xi1>
    %or3A_710 = arith.ori %broadcast_in_dim3A_664, %and3A_709 : vector<8x512xi1>
    %or3A_711 = arith.ori %or3A_705, %and3A_709 : vector<8x512xi1>
    %eq3A_712 = arith.cmpf oeq, %select_n3A_684, %max3A_687 : vector<8x512xf32>
    %not3A_713 = arith.constant dense<true> : vector<8x512xi1>
    %not3A_714 = arith.xori %or3A_711, %not3A_713 : vector<8x512xi1>
    %and3A_715 = arith.andi %eq3A_712, %not3A_714 : vector<8x512xi1>
    %or3A_716 = arith.ori %broadcast_in_dim3A_666, %and3A_715 : vector<8x512xi1>
    %slice3A_717 = vector.extract_strided_slice %add3A_605 {offsets = [0, 0], sizes = [8, 512], strides = [1, 1]} : vector<40x512xf32> to vector<8x512xf32>
    %jit3A_718 = arith.constant -1.000000e+00 : f32
    %broadcast_in_dim3A_719 = vector.broadcast %jit3A_718 : f32 to vector<8x512xf32>
    %select_n3A_720 = arith.select %or3A, %broadcast_in_dim3A_719, %slice3A_717 : vector<8x512xi1>, vector<8x512xf32>
    %slice3A_721 = vector.extract_strided_slice %add3A_605 {offsets = [8, 0], sizes = [8, 512], strides = [1, 1]} : vector<40x512xf32> to vector<8x512xf32>
    %jit3A_722 = arith.constant -1.000000e+00 : f32
    %broadcast_in_dim3A_723 = vector.broadcast %jit3A_722 : f32 to vector<8x512xf32>
    %select_n3A_724 = arith.select %or3A_698, %broadcast_in_dim3A_723, %slice3A_721 : vector<8x512xi1>, vector<8x512xf32>
    %slice3A_725 = vector.extract_strided_slice %add3A_605 {offsets = [16, 0], sizes = [8, 512], strides = [1, 1]} : vector<40x512xf32> to vector<8x512xf32>
    %jit3A_726 = arith.constant -1.000000e+00 : f32
    %broadcast_in_dim3A_727 = vector.broadcast %jit3A_726 : f32 to vector<8x512xf32>
    %select_n3A_728 = arith.select %or3A_704, %broadcast_in_dim3A_727, %slice3A_725 : vector<8x512xi1>, vector<8x512xf32>
    %slice3A_729 = vector.extract_strided_slice %add3A_605 {offsets = [24, 0], sizes = [8, 512], strides = [1, 1]} : vector<40x512xf32> to vector<8x512xf32>
    %jit3A_730 = arith.constant -1.000000e+00 : f32
    %broadcast_in_dim3A_731 = vector.broadcast %jit3A_730 : f32 to vector<8x512xf32>
    %select_n3A_732 = arith.select %or3A_710, %broadcast_in_dim3A_731, %slice3A_729 : vector<8x512xi1>, vector<8x512xf32>
    %slice3A_733 = vector.extract_strided_slice %add3A_605 {offsets = [32, 0], sizes = [8, 512], strides = [1, 1]} : vector<40x512xf32> to vector<8x512xf32>
    %jit3A_734 = arith.constant -1.000000e+00 : f32
    %broadcast_in_dim3A_735 = vector.broadcast %jit3A_734 : f32 to vector<8x512xf32>
    %select_n3A_736 = arith.select %or3A_716, %broadcast_in_dim3A_735, %slice3A_733 : vector<8x512xi1>, vector<8x512xf32>
    %max3A_737 = arith.maximumf %select_n3A_720, %select_n3A_724 : vector<8x512xf32>
    %max3A_738 = arith.maximumf %max3A_737, %select_n3A_728 : vector<8x512xf32>
    %max3A_739 = arith.maximumf %max3A_738, %select_n3A_732 : vector<8x512xf32>
    %max3A_740 = arith.maximumf %max3A_739, %select_n3A_736 : vector<8x512xf32>
    %add3A_741 = arith.addf %add3A_688, %max3A_740 : vector<8x512xf32>
    %broadcast_in_dim3A_742 = arith.constant false
    %broadcast_in_dim3A_743 = vector.broadcast %broadcast_in_dim3A_742 : i1 to vector<8x512xi1>
    %eq3A_744 = arith.cmpf oeq, %select_n3A_720, %max3A_740 : vector<8x512xf32>
    %not3A_745 = arith.constant dense<true> : vector<8x512xi1>
    %not3A_746 = arith.xori %broadcast_in_dim3A_743, %not3A_745 : vector<8x512xi1>
    %and3A_747 = arith.andi %eq3A_744, %not3A_746 : vector<8x512xi1>
    %or3A_748 = arith.ori %or3A, %and3A_747 : vector<8x512xi1>
    %or3A_749 = arith.ori %broadcast_in_dim3A_743, %and3A_747 : vector<8x512xi1>
    %eq3A_750 = arith.cmpf oeq, %select_n3A_724, %max3A_740 : vector<8x512xf32>
    %not3A_751 = arith.constant dense<true> : vector<8x512xi1>
    %not3A_752 = arith.xori %or3A_749, %not3A_751 : vector<8x512xi1>
    %and3A_753 = arith.andi %eq3A_750, %not3A_752 : vector<8x512xi1>
    %or3A_754 = arith.ori %or3A_698, %and3A_753 : vector<8x512xi1>
    %or3A_755 = arith.ori %or3A_749, %and3A_753 : vector<8x512xi1>
    %eq3A_756 = arith.cmpf oeq, %select_n3A_728, %max3A_740 : vector<8x512xf32>
    %not3A_757 = arith.constant dense<true> : vector<8x512xi1>
    %not3A_758 = arith.xori %or3A_755, %not3A_757 : vector<8x512xi1>
    %and3A_759 = arith.andi %eq3A_756, %not3A_758 : vector<8x512xi1>
    %or3A_760 = arith.ori %or3A_704, %and3A_759 : vector<8x512xi1>
    %or3A_761 = arith.ori %or3A_755, %and3A_759 : vector<8x512xi1>
    %eq3A_762 = arith.cmpf oeq, %select_n3A_732, %max3A_740 : vector<8x512xf32>
    %not3A_763 = arith.constant dense<true> : vector<8x512xi1>
    %not3A_764 = arith.xori %or3A_761, %not3A_763 : vector<8x512xi1>
    %and3A_765 = arith.andi %eq3A_762, %not3A_764 : vector<8x512xi1>
    %or3A_766 = arith.ori %or3A_710, %and3A_765 : vector<8x512xi1>
    %or3A_767 = arith.ori %or3A_761, %and3A_765 : vector<8x512xi1>
    %eq3A_768 = arith.cmpf oeq, %select_n3A_736, %max3A_740 : vector<8x512xf32>
    %not3A_769 = arith.constant dense<true> : vector<8x512xi1>
    %not3A_770 = arith.xori %or3A_767, %not3A_769 : vector<8x512xi1>
    %and3A_771 = arith.andi %eq3A_768, %not3A_770 : vector<8x512xi1>
    %or3A_772 = arith.ori %or3A_716, %and3A_771 : vector<8x512xi1>
    %slice3A_773 = vector.extract_strided_slice %add3A_630 {offsets = [0, 0], sizes = [8, 512], strides = [1, 1]} : vector<40x512xf32> to vector<8x512xf32>
    %jit3A_774 = arith.constant -1.000000e+00 : f32
    %broadcast_in_dim3A_775 = vector.broadcast %jit3A_774 : f32 to vector<8x512xf32>
    %select_n3A_776 = arith.select %or3A_748, %broadcast_in_dim3A_775, %slice3A_773 : vector<8x512xi1>, vector<8x512xf32>
    %slice3A_777 = vector.extract_strided_slice %add3A_630 {offsets = [8, 0], sizes = [8, 512], strides = [1, 1]} : vector<40x512xf32> to vector<8x512xf32>
    %jit3A_778 = arith.constant -1.000000e+00 : f32
    %broadcast_in_dim3A_779 = vector.broadcast %jit3A_778 : f32 to vector<8x512xf32>
    %select_n3A_780 = arith.select %or3A_754, %broadcast_in_dim3A_779, %slice3A_777 : vector<8x512xi1>, vector<8x512xf32>
    %slice3A_781 = vector.extract_strided_slice %add3A_630 {offsets = [16, 0], sizes = [8, 512], strides = [1, 1]} : vector<40x512xf32> to vector<8x512xf32>
    %jit3A_782 = arith.constant -1.000000e+00 : f32
    %broadcast_in_dim3A_783 = vector.broadcast %jit3A_782 : f32 to vector<8x512xf32>
    %select_n3A_784 = arith.select %or3A_760, %broadcast_in_dim3A_783, %slice3A_781 : vector<8x512xi1>, vector<8x512xf32>
    %slice3A_785 = vector.extract_strided_slice %add3A_630 {offsets = [24, 0], sizes = [8, 512], strides = [1, 1]} : vector<40x512xf32> to vector<8x512xf32>
    %jit3A_786 = arith.constant -1.000000e+00 : f32
    %broadcast_in_dim3A_787 = vector.broadcast %jit3A_786 : f32 to vector<8x512xf32>
    %select_n3A_788 = arith.select %or3A_766, %broadcast_in_dim3A_787, %slice3A_785 : vector<8x512xi1>, vector<8x512xf32>
    %slice3A_789 = vector.extract_strided_slice %add3A_630 {offsets = [32, 0], sizes = [8, 512], strides = [1, 1]} : vector<40x512xf32> to vector<8x512xf32>
    %jit3A_790 = arith.constant -1.000000e+00 : f32
    %broadcast_in_dim3A_791 = vector.broadcast %jit3A_790 : f32 to vector<8x512xf32>
    %select_n3A_792 = arith.select %or3A_772, %broadcast_in_dim3A_791, %slice3A_789 : vector<8x512xi1>, vector<8x512xf32>
    %max3A_793 = arith.maximumf %select_n3A_776, %select_n3A_780 : vector<8x512xf32>
    %max3A_794 = arith.maximumf %max3A_793, %select_n3A_784 : vector<8x512xf32>
    %max3A_795 = arith.maximumf %max3A_794, %select_n3A_788 : vector<8x512xf32>
    %max3A_796 = arith.maximumf %max3A_795, %select_n3A_792 : vector<8x512xf32>
    %add3A_797 = arith.addf %add3A_741, %max3A_796 : vector<8x512xf32>
    %broadcast_in_dim3A_798 = arith.constant false
    %broadcast_in_dim3A_799 = vector.broadcast %broadcast_in_dim3A_798 : i1 to vector<8x512xi1>
    %eq3A_800 = arith.cmpf oeq, %select_n3A_776, %max3A_796 : vector<8x512xf32>
    %not3A_801 = arith.constant dense<true> : vector<8x512xi1>
    %not3A_802 = arith.xori %broadcast_in_dim3A_799, %not3A_801 : vector<8x512xi1>
    %and3A_803 = arith.andi %eq3A_800, %not3A_802 : vector<8x512xi1>
    %or3A_804 = arith.ori %or3A_748, %and3A_803 : vector<8x512xi1>
    %or3A_805 = arith.ori %broadcast_in_dim3A_799, %and3A_803 : vector<8x512xi1>
    %eq3A_806 = arith.cmpf oeq, %select_n3A_780, %max3A_796 : vector<8x512xf32>
    %not3A_807 = arith.constant dense<true> : vector<8x512xi1>
    %not3A_808 = arith.xori %or3A_805, %not3A_807 : vector<8x512xi1>
    %and3A_809 = arith.andi %eq3A_806, %not3A_808 : vector<8x512xi1>
    %or3A_810 = arith.ori %or3A_754, %and3A_809 : vector<8x512xi1>
    %or3A_811 = arith.ori %or3A_805, %and3A_809 : vector<8x512xi1>
    %eq3A_812 = arith.cmpf oeq, %select_n3A_784, %max3A_796 : vector<8x512xf32>
    %not3A_813 = arith.constant dense<true> : vector<8x512xi1>
    %not3A_814 = arith.xori %or3A_811, %not3A_813 : vector<8x512xi1>
    %and3A_815 = arith.andi %eq3A_812, %not3A_814 : vector<8x512xi1>
    %or3A_816 = arith.ori %or3A_760, %and3A_815 : vector<8x512xi1>
    %or3A_817 = arith.ori %or3A_811, %and3A_815 : vector<8x512xi1>
    %eq3A_818 = arith.cmpf oeq, %select_n3A_788, %max3A_796 : vector<8x512xf32>
    %not3A_819 = arith.constant dense<true> : vector<8x512xi1>
    %not3A_820 = arith.xori %or3A_817, %not3A_819 : vector<8x512xi1>
    %and3A_821 = arith.andi %eq3A_818, %not3A_820 : vector<8x512xi1>
    %or3A_822 = arith.ori %or3A_766, %and3A_821 : vector<8x512xi1>
    %or3A_823 = arith.ori %or3A_817, %and3A_821 : vector<8x512xi1>
    %eq3A_824 = arith.cmpf oeq, %select_n3A_792, %max3A_796 : vector<8x512xf32>
    %not3A_825 = arith.constant dense<true> : vector<8x512xi1>
    %not3A_826 = arith.xori %or3A_823, %not3A_825 : vector<8x512xi1>
    %and3A_827 = arith.andi %eq3A_824, %not3A_826 : vector<8x512xi1>
    %or3A_828 = arith.ori %or3A_772, %and3A_827 : vector<8x512xi1>
    %slice3A_829 = vector.extract_strided_slice %add3A_655 {offsets = [0, 0], sizes = [8, 512], strides = [1, 1]} : vector<40x512xf32> to vector<8x512xf32>
    %jit3A_830 = arith.constant -1.000000e+00 : f32
    %broadcast_in_dim3A_831 = vector.broadcast %jit3A_830 : f32 to vector<8x512xf32>
    %select_n3A_832 = arith.select %or3A_804, %broadcast_in_dim3A_831, %slice3A_829 : vector<8x512xi1>, vector<8x512xf32>
    %slice3A_833 = vector.extract_strided_slice %add3A_655 {offsets = [8, 0], sizes = [8, 512], strides = [1, 1]} : vector<40x512xf32> to vector<8x512xf32>
    %jit3A_834 = arith.constant -1.000000e+00 : f32
    %broadcast_in_dim3A_835 = vector.broadcast %jit3A_834 : f32 to vector<8x512xf32>
    %select_n3A_836 = arith.select %or3A_810, %broadcast_in_dim3A_835, %slice3A_833 : vector<8x512xi1>, vector<8x512xf32>
    %slice3A_837 = vector.extract_strided_slice %add3A_655 {offsets = [16, 0], sizes = [8, 512], strides = [1, 1]} : vector<40x512xf32> to vector<8x512xf32>
    %jit3A_838 = arith.constant -1.000000e+00 : f32
    %broadcast_in_dim3A_839 = vector.broadcast %jit3A_838 : f32 to vector<8x512xf32>
    %select_n3A_840 = arith.select %or3A_816, %broadcast_in_dim3A_839, %slice3A_837 : vector<8x512xi1>, vector<8x512xf32>
    %slice3A_841 = vector.extract_strided_slice %add3A_655 {offsets = [24, 0], sizes = [8, 512], strides = [1, 1]} : vector<40x512xf32> to vector<8x512xf32>
    %jit3A_842 = arith.constant -1.000000e+00 : f32
    %broadcast_in_dim3A_843 = vector.broadcast %jit3A_842 : f32 to vector<8x512xf32>
    %select_n3A_844 = arith.select %or3A_822, %broadcast_in_dim3A_843, %slice3A_841 : vector<8x512xi1>, vector<8x512xf32>
    %slice3A_845 = vector.extract_strided_slice %add3A_655 {offsets = [32, 0], sizes = [8, 512], strides = [1, 1]} : vector<40x512xf32> to vector<8x512xf32>
    %jit3A_846 = arith.constant -1.000000e+00 : f32
    %broadcast_in_dim3A_847 = vector.broadcast %jit3A_846 : f32 to vector<8x512xf32>
    %select_n3A_848 = arith.select %or3A_828, %broadcast_in_dim3A_847, %slice3A_845 : vector<8x512xi1>, vector<8x512xf32>
    %max3A_849 = arith.maximumf %select_n3A_832, %select_n3A_836 : vector<8x512xf32>
    %max3A_850 = arith.maximumf %max3A_849, %select_n3A_840 : vector<8x512xf32>
    %max3A_851 = arith.maximumf %max3A_850, %select_n3A_844 : vector<8x512xf32>
    %max3A_852 = arith.maximumf %max3A_851, %select_n3A_848 : vector<8x512xf32>
    %add3A_853 = arith.addf %add3A_797, %max3A_852 : vector<8x512xf32>
    %swap3A = arith.constant 0 : index
    %swap3A_854 = arith.constant 0 : index
    %swap3A_855 = vector.load %arg6[%swap3A, %swap3A_854] : memref<8x512xf32, #tpu.memory_space<vmem>>, vector<8x512xf32>
    tpu.vector_store %arg6[%swap3A, %swap3A_854], %add3A_853 {strides = array<i32>} : memref<8x512xf32, #tpu.memory_space<vmem>>, vector<8x512xf32>,
    return
  }
  func.func @transform_0(%arg0: i32) -> (i32, i32, i32) {
    %c0_i32 = arith.constant 0 : i32
    %c0_i32_0 = arith.constant 0 : i32
    %c0_i32_1 = arith.constant 0 : i32
    return %c0_i32, %arg0, %c0_i32_0 : i32, i32, i32
  }
  func.func @transform_1(%arg0: i32) -> (i32, i32) {
    %add3A = arith.constant 49 : i32
    %add3A_0 = arith.addi %add3A, %arg0 : i32
    %c0_i32 = arith.constant 0 : i32
    %c0_i32_1 = arith.constant 0 : i32
    return %add3A_0, %c0_i32 : i32, i32
  }
  func.func @transform_2(%arg0: i32) -> (i32, i32) {
    %add3A = arith.constant 49 : i32
    %add3A_0 = arith.addi %add3A, %arg0 : i32
    %c0_i32 = arith.constant 0 : i32
    %c0_i32_1 = arith.constant 0 : i32
    return %add3A_0, %c0_i32 : i32, i32
  }
  func.func @transform_3(%arg0: i32) -> (i32, i32) {
    %c0_i32 = arith.constant 0 : i32
    %c0_i32_0 = arith.constant 0 : i32
    %c0_i32_1 = arith.constant 0 : i32
    return %c0_i32, %c0_i32_0 : i32, i32
  }
  func.func @transform_4(%arg0: i32) -> (i32, i32, i32) {
    %c0_i32 = arith.constant 0 : i32
    %c0_i32_0 = arith.constant 0 : i32
    %c0_i32_1 = arith.constant 0 : i32
    %c0_i32_2 = arith.constant 0 : i32
    return %c0_i32, %c0_i32_0, %c0_i32_1 : i32, i32, i32
  }
  func.func @transform_5(%arg0: i32) -> (i32, i32) {
    %c0_i32 = arith.constant 0 : i32
    %c0_i32_0 = arith.constant 0 : i32
    return %c0_i32, %arg0 : i32, i32
  }
}

module attributes {stable_mosaic.version = 14 : i64} {
  func.func @_tc_body(%arg0: i32, %arg1: memref<5x512x128xf32, #tpu.memory_space<vmem>>, %arg2: memref<512x25xf32, #tpu.memory_space<vmem>>, %arg3: memref<512x5xi32, #tpu.memory_space<vmem>>, %arg4: memref<8x10xf32, #tpu.memory_space<vmem>>, %arg5: memref<8x5x128xf32, #tpu.memory_space<vmem>>, %arg6: memref<8x512xf32, #tpu.memory_space<vmem>>, %arg7: memref<3x40x128xf32, #tpu.memory_space<vmem>>, %arg8: memref<3x40x128xbf16, #tpu.memory_space<vmem>>, %arg9: memref<3x40x1xf32, #tpu.memory_space<vmem>>) attributes {dimension_semantics = [#tpu.dimension_semantics<arbitrary>], iteration_bounds = array<i64: 49>, scalar_prefetch = 0 : i64, scratch_operands = 3 : i64, tpu.core_type = #tpu.core_type<tc>, window_params = [{transform_indices = @transform_0, window_bounds = array<i64: 5, 512, 128>}, {transform_indices = @transform_1, window_bounds = array<i64: 512, 25>}, {transform_indices = @transform_2, window_bounds = array<i64: 512, 5>}, {pipeline_mode = #tpu.pipeline_mode<synchronous>, transform_indices = @transform_3, window_bounds = array<i64: 8, 10>}, {pipeline_mode = #tpu.pipeline_mode<synchronous>, transform_indices = @transform_4, window_bounds = array<i64: 8, 5, 128>}, {transform_indices = @transform_5, window_bounds = array<i64: 8, 512>}]} {
    %eq3A = arith.constant 0 : i32
    %eq3A_0 = arith.cmpi eq, %arg0, %eq3A : i32
    %convert_element_type3A = arith.extui %eq3A_0 : i1 to i32
    %cond3A = arith.constant 0 : i32
    %cond3A_1 = arith.cmpi ne, %convert_element_type3A, %cond3A : i32
    scf.if %cond3A_1 {
      %get3A_856 = arith.constant 0 : index
      %get3A_857 = arith.constant 0 : index
      %get3A_858 = vector.load %arg4[%get3A_856, %get3A_857] : memref<8x10xf32, #tpu.memory_space<vmem>>, vector<8x10xf32>
      %neg3A_859 = arith.constant 0.000000e+00 : f32
      %neg3A_860 = vector.broadcast %neg3A_859 : f32 to vector<8x10xf32>
      %neg3A_861 = arith.subf %neg3A_860, %get3A_858 : vector<8x10xf32>
      %exp3A_862 = math.exp %neg3A_861 : vector<8x10xf32>
      %add3A_863 = arith.constant 1.000000e+00 : f32
      %add3A_864 = vector.broadcast %add3A_863 : f32 to vector<8x10xf32>
      %add3A_865 = arith.addf %add3A_864, %exp3A_862 : vector<8x10xf32>
      %div3A_866 = arith.constant 1.000000e+00 : f32
      %div3A_867 = vector.broadcast %div3A_866 : f32 to vector<8x10xf32>
      %div3A_868 = arith.divf %div3A_867, %add3A_865 : vector<8x10xf32>
      %convert_element_type3A_869 = arith.truncf %div3A_868 : vector<8x10xf32> to vector<8x10xbf16>
      %convert_element_type3A_870 = arith.extf %convert_element_type3A_869 : vector<8x10xbf16> to vector<8x10xf32>
      %get3A_871 = arith.constant 0 : index
      %get3A_872 = arith.constant 0 : index
      %get3A_873 = arith.constant 0 : index
      %get3A_874 = vector.load %arg5[%get3A_871, %get3A_872, %get3A_873] : memref<8x5x128xf32, #tpu.memory_space<vmem>>, vector<1x1x128xf32>
      %get3A_875 = vector.shape_cast %get3A_874 : vector<1x1x128xf32> to vector<1x128xf32>
      %swap3A_876 = arith.constant 0 : index
      %swap3A_877 = arith.constant 0 : index
      %swap3A_878 = arith.constant 0 : index
      %swap3A_879 = vector.load %arg7[%swap3A_876, %swap3A_877, %swap3A_878] : memref<3x40x128xf32, #tpu.memory_space<vmem>>, vector<1x1x128xf32>
      %swap3A_880 = vector.shape_cast %swap3A_879 : vector<1x1x128xf32> to vector<1x128xf32>
      %swap3A_881 = vector.shape_cast %get3A_875 : vector<1x128xf32> to vector<1x1x128xf32>
      tpu.vector_store %arg7[%swap3A_876, %swap3A_877, %swap3A_878], %swap3A_881 {strides = array<i32>} : memref<3x40x128xf32, #tpu.memory_space<vmem>>, vector<1x1x128xf32>,
      %get3A_882 = arith.constant 1 : index
      %get3A_883 = arith.constant 0 : index
      %get3A_884 = arith.constant 0 : index
      %get3A_885 = vector.load %arg5[%get3A_882, %get3A_883, %get3A_884] : memref<8x5x128xf32, #tpu.memory_space<vmem>>, vector<1x1x128xf32>
      %get3A_886 = vector.shape_cast %get3A_885 : vector<1x1x128xf32> to vector<1x128xf32>
      %swap3A_887 = arith.constant 0 : index
      %swap3A_888 = arith.constant 1 : index
      %swap3A_889 = arith.constant 0 : index
      %swap3A_890 = vector.load %arg7[%swap3A_887, %swap3A_888, %swap3A_889] : memref<3x40x128xf32, #tpu.memory_space<vmem>>, vector<1x1x128xf32>
      %swap3A_891 = vector.shape_cast %swap3A_890 : vector<1x1x128xf32> to vector<1x128xf32>
      %swap3A_892 = vector.shape_cast %get3A_886 : vector<1x128xf32> to vector<1x1x128xf32>
      tpu.vector_store %arg7[%swap3A_887, %swap3A_888, %swap3A_889], %swap3A_892 {strides = array<i32>} : memref<3x40x128xf32, #tpu.memory_space<vmem>>, vector<1x1x128xf32>,
      %get3A_893 = arith.constant 2 : index
      %get3A_894 = arith.constant 0 : index
      %get3A_895 = arith.constant 0 : index
      %get3A_896 = vector.load %arg5[%get3A_893, %get3A_894, %get3A_895] : memref<8x5x128xf32, #tpu.memory_space<vmem>>, vector<1x1x128xf32>
      %get3A_897 = vector.shape_cast %get3A_896 : vector<1x1x128xf32> to vector<1x128xf32>
      %swap3A_898 = arith.constant 0 : index
      %swap3A_899 = arith.constant 2 : index
      %swap3A_900 = arith.constant 0 : index
      %swap3A_901 = vector.load %arg7[%swap3A_898, %swap3A_899, %swap3A_900] : memref<3x40x128xf32, #tpu.memory_space<vmem>>, vector<1x1x128xf32>
      %swap3A_902 = vector.shape_cast %swap3A_901 : vector<1x1x128xf32> to vector<1x128xf32>
      %swap3A_903 = vector.shape_cast %get3A_897 : vector<1x128xf32> to vector<1x1x128xf32>
      tpu.vector_store %arg7[%swap3A_898, %swap3A_899, %swap3A_900], %swap3A_903 {strides = array<i32>} : memref<3x40x128xf32, #tpu.memory_space<vmem>>, vector<1x1x128xf32>,
      %get3A_904 = arith.constant 3 : index
      %get3A_905 = arith.constant 0 : index
      %get3A_906 = arith.constant 0 : index
      %get3A_907 = vector.load %arg5[%get3A_904, %get3A_905, %get3A_906] : memref<8x5x128xf32, #tpu.memory_space<vmem>>, vector<1x1x128xf32>
      %get3A_908 = vector.shape_cast %get3A_907 : vector<1x1x128xf32> to vector<1x128xf32>
      %swap3A_909 = arith.constant 0 : index
      %swap3A_910 = arith.constant 3 : index
      %swap3A_911 = arith.constant 0 : index
      %swap3A_912 = vector.load %arg7[%swap3A_909, %swap3A_910, %swap3A_911] : memref<3x40x128xf32, #tpu.memory_space<vmem>>, vector<1x1x128xf32>
      %swap3A_913 = vector.shape_cast %swap3A_912 : vector<1x1x128xf32> to vector<1x128xf32>
      %swap3A_914 = vector.shape_cast %get3A_908 : vector<1x128xf32> to vector<1x1x128xf32>
      tpu.vector_store %arg7[%swap3A_909, %swap3A_910, %swap3A_911], %swap3A_914 {strides = array<i32>} : memref<3x40x128xf32, #tpu.memory_space<vmem>>, vector<1x1x128xf32>,
      %get3A_915 = arith.constant 4 : index
      %get3A_916 = arith.constant 0 : index
      %get3A_917 = arith.constant 0 : index
      %get3A_918 = vector.load %arg5[%get3A_915, %get3A_916, %get3A_917] : memref<8x5x128xf32, #tpu.memory_space<vmem>>, vector<1x1x128xf32>
      %get3A_919 = vector.shape_cast %get3A_918 : vector<1x1x128xf32> to vector<1x128xf32>
      %swap3A_920 = arith.constant 0 : index
      %swap3A_921 = arith.constant 4 : index
      %swap3A_922 = arith.constant 0 : index
      %swap3A_923 = vector.load %arg7[%swap3A_920, %swap3A_921, %swap3A_922] : memref<3x40x128xf32, #tpu.memory_space<vmem>>, vector<1x1x128xf32>
      %swap3A_924 = vector.shape_cast %swap3A_923 : vector<1x1x128xf32> to vector<1x128xf32>
      %swap3A_925 = vector.shape_cast %get3A_919 : vector<1x128xf32> to vector<1x1x128xf32>
      tpu.vector_store %arg7[%swap3A_920, %swap3A_921, %swap3A_922], %swap3A_925 {strides = array<i32>} : memref<3x40x128xf32, #tpu.memory_space<vmem>>, vector<1x1x128xf32>,
      %get3A_926 = arith.constant 5 : index
      %get3A_927 = arith.constant 0 : index
      %get3A_928 = arith.constant 0 : index
      %get3A_929 = vector.load %arg5[%get3A_926, %get3A_927, %get3A_928] : memref<8x5x128xf32, #tpu.memory_space<vmem>>, vector<1x1x128xf32>
      %get3A_930 = vector.shape_cast %get3A_929 : vector<1x1x128xf32> to vector<1x128xf32>
      %swap3A_931 = arith.constant 0 : index
      %swap3A_932 = arith.constant 5 : index
      %swap3A_933 = arith.constant 0 : index
      %swap3A_934 = vector.load %arg7[%swap3A_931, %swap3A_932, %swap3A_933] : memref<3x40x128xf32, #tpu.memory_space<vmem>>, vector<1x1x128xf32>
      %swap3A_935 = vector.shape_cast %swap3A_934 : vector<1x1x128xf32> to vector<1x128xf32>
      %swap3A_936 = vector.shape_cast %get3A_930 : vector<1x128xf32> to vector<1x1x128xf32>
      tpu.vector_store %arg7[%swap3A_931, %swap3A_932, %swap3A_933], %swap3A_936 {strides = array<i32>} : memref<3x40x128xf32, #tpu.memory_space<vmem>>, vector<1x1x128xf32>,
      %get3A_937 = arith.constant 6 : index
      %get3A_938 = arith.constant 0 : index
      %get3A_939 = arith.constant 0 : index
      %get3A_940 = vector.load %arg5[%get3A_937, %get3A_938, %get3A_939] : memref<8x5x128xf32, #tpu.memory_space<vmem>>, vector<1x1x128xf32>
      %get3A_941 = vector.shape_cast %get3A_940 : vector<1x1x128xf32> to vector<1x128xf32>
      %swap3A_942 = arith.constant 0 : index
      %swap3A_943 = arith.constant 6 : index
      %swap3A_944 = arith.constant 0 : index
      %swap3A_945 = vector.load %arg7[%swap3A_942, %swap3A_943, %swap3A_944] : memref<3x40x128xf32, #tpu.memory_space<vmem>>, vector<1x1x128xf32>
      %swap3A_946 = vector.shape_cast %swap3A_945 : vector<1x1x128xf32> to vector<1x128xf32>
      %swap3A_947 = vector.shape_cast %get3A_941 : vector<1x128xf32> to vector<1x1x128xf32>
      tpu.vector_store %arg7[%swap3A_942, %swap3A_943, %swap3A_944], %swap3A_947 {strides = array<i32>} : memref<3x40x128xf32, #tpu.memory_space<vmem>>, vector<1x1x128xf32>,
      %get3A_948 = arith.constant 7 : index
      %get3A_949 = arith.constant 0 : index
      %get3A_950 = arith.constant 0 : index
      %get3A_951 = vector.load %arg5[%get3A_948, %get3A_949, %get3A_950] : memref<8x5x128xf32, #tpu.memory_space<vmem>>, vector<1x1x128xf32>
      %get3A_952 = vector.shape_cast %get3A_951 : vector<1x1x128xf32> to vector<1x128xf32>
      %swap3A_953 = arith.constant 0 : index
      %swap3A_954 = arith.constant 7 : index
      %swap3A_955 = arith.constant 0 : index
      %swap3A_956 = vector.load %arg7[%swap3A_953, %swap3A_954, %swap3A_955] : memref<3x40x128xf32, #tpu.memory_space<vmem>>, vector<1x1x128xf32>
      %swap3A_957 = vector.shape_cast %swap3A_956 : vector<1x1x128xf32> to vector<1x128xf32>
      %swap3A_958 = vector.shape_cast %get3A_952 : vector<1x128xf32> to vector<1x1x128xf32>
      tpu.vector_store %arg7[%swap3A_953, %swap3A_954, %swap3A_955], %swap3A_958 {strides = array<i32>} : memref<3x40x128xf32, #tpu.memory_space<vmem>>, vector<1x1x128xf32>,
      %get3A_959 = arith.constant 0 : index
      %get3A_960 = arith.constant 1 : index
      %get3A_961 = arith.constant 0 : index
      %get3A_962 = vector.load %arg5[%get3A_959, %get3A_960, %get3A_961] : memref<8x5x128xf32, #tpu.memory_space<vmem>>, vector<1x1x128xf32>
      %get3A_963 = vector.shape_cast %get3A_962 : vector<1x1x128xf32> to vector<1x128xf32>
      %swap3A_964 = arith.constant 0 : index
      %swap3A_965 = arith.constant 8 : index
      %swap3A_966 = arith.constant 0 : index
      %swap3A_967 = vector.load %arg7[%swap3A_964, %swap3A_965, %swap3A_966] : memref<3x40x128xf32, #tpu.memory_space<vmem>>, vector<1x1x128xf32>
      %swap3A_968 = vector.shape_cast %swap3A_967 : vector<1x1x128xf32> to vector<1x128xf32>
      %swap3A_969 = vector.shape_cast %get3A_963 : vector<1x128xf32> to vector<1x1x128xf32>
      tpu.vector_store %arg7[%swap3A_964, %swap3A_965, %swap3A_966], %swap3A_969 {strides = array<i32>} : memref<3x40x128xf32, #tpu.memory_space<vmem>>, vector<1x1x128xf32>,
      %get3A_970 = arith.constant 1 : index
      %get3A_971 = arith.constant 1 : index
      %get3A_972 = arith.constant 0 : index
      %get3A_973 = vector.load %arg5[%get3A_970, %get3A_971, %get3A_972] : memref<8x5x128xf32, #tpu.memory_space<vmem>>, vector<1x1x128xf32>
      %get3A_974 = vector.shape_cast %get3A_973 : vector<1x1x128xf32> to vector<1x128xf32>
      %swap3A_975 = arith.constant 0 : index
      %swap3A_976 = arith.constant 9 : index
      %swap3A_977 = arith.constant 0 : index
      %swap3A_978 = vector.load %arg7[%swap3A_975, %swap3A_976, %swap3A_977] : memref<3x40x128xf32, #tpu.memory_space<vmem>>, vector<1x1x128xf32>
      %swap3A_979 = vector.shape_cast %swap3A_978 : vector<1x1x128xf32> to vector<1x128xf32>
      %swap3A_980 = vector.shape_cast %get3A_974 : vector<1x128xf32> to vector<1x1x128xf32>
      tpu.vector_store %arg7[%swap3A_975, %swap3A_976, %swap3A_977], %swap3A_980 {strides = array<i32>} : memref<3x40x128xf32, #tpu.memory_space<vmem>>, vector<1x1x128xf32>,
      %get3A_981 = arith.constant 2 : index
      %get3A_982 = arith.constant 1 : index
      %get3A_983 = arith.constant 0 : index
      %get3A_984 = vector.load %arg5[%get3A_981, %get3A_982, %get3A_983] : memref<8x5x128xf32, #tpu.memory_space<vmem>>, vector<1x1x128xf32>
      %get3A_985 = vector.shape_cast %get3A_984 : vector<1x1x128xf32> to vector<1x128xf32>
      %swap3A_986 = arith.constant 0 : index
      %swap3A_987 = arith.constant 10 : index
      %swap3A_988 = arith.constant 0 : index
      %swap3A_989 = vector.load %arg7[%swap3A_986, %swap3A_987, %swap3A_988] : memref<3x40x128xf32, #tpu.memory_space<vmem>>, vector<1x1x128xf32>
      %swap3A_990 = vector.shape_cast %swap3A_989 : vector<1x1x128xf32> to vector<1x128xf32>
      %swap3A_991 = vector.shape_cast %get3A_985 : vector<1x128xf32> to vector<1x1x128xf32>
      tpu.vector_store %arg7[%swap3A_986, %swap3A_987, %swap3A_988], %swap3A_991 {strides = array<i32>} : memref<3x40x128xf32, #tpu.memory_space<vmem>>, vector<1x1x128xf32>,
      %get3A_992 = arith.constant 3 : index
      %get3A_993 = arith.constant 1 : index
      %get3A_994 = arith.constant 0 : index
      %get3A_995 = vector.load %arg5[%get3A_992, %get3A_993, %get3A_994] : memref<8x5x128xf32, #tpu.memory_space<vmem>>, vector<1x1x128xf32>
      %get3A_996 = vector.shape_cast %get3A_995 : vector<1x1x128xf32> to vector<1x128xf32>
      %swap3A_997 = arith.constant 0 : index
      %swap3A_998 = arith.constant 11 : index
      %swap3A_999 = arith.constant 0 : index
      %swap3A_1000 = vector.load %arg7[%swap3A_997, %swap3A_998, %swap3A_999] : memref<3x40x128xf32, #tpu.memory_space<vmem>>, vector<1x1x128xf32>
      %swap3A_1001 = vector.shape_cast %swap3A_1000 : vector<1x1x128xf32> to vector<1x128xf32>
      %swap3A_1002 = vector.shape_cast %get3A_996 : vector<1x128xf32> to vector<1x1x128xf32>
      tpu.vector_store %arg7[%swap3A_997, %swap3A_998, %swap3A_999], %swap3A_1002 {strides = array<i32>} : memref<3x40x128xf32, #tpu.memory_space<vmem>>, vector<1x1x128xf32>,
      %get3A_1003 = arith.constant 4 : index
      %get3A_1004 = arith.constant 1 : index
      %get3A_1005 = arith.constant 0 : index
      %get3A_1006 = vector.load %arg5[%get3A_1003, %get3A_1004, %get3A_1005] : memref<8x5x128xf32, #tpu.memory_space<vmem>>, vector<1x1x128xf32>
      %get3A_1007 = vector.shape_cast %get3A_1006 : vector<1x1x128xf32> to vector<1x128xf32>
      %swap3A_1008 = arith.constant 0 : index
      %swap3A_1009 = arith.constant 12 : index
      %swap3A_1010 = arith.constant 0 : index
      %swap3A_1011 = vector.load %arg7[%swap3A_1008, %swap3A_1009, %swap3A_1010] : memref<3x40x128xf32, #tpu.memory_space<vmem>>, vector<1x1x128xf32>
      %swap3A_1012 = vector.shape_cast %swap3A_1011 : vector<1x1x128xf32> to vector<1x128xf32>
      %swap3A_1013 = vector.shape_cast %get3A_1007 : vector<1x128xf32> to vector<1x1x128xf32>
      tpu.vector_store %arg7[%swap3A_1008, %swap3A_1009, %swap3A_1010], %swap3A_1013 {strides = array<i32>} : memref<3x40x128xf32, #tpu.memory_space<vmem>>, vector<1x1x128xf32>,
      %get3A_1014 = arith.constant 5 : index
      %get3A_1015 = arith.constant 1 : index
      %get3A_1016 = arith.constant 0 : index
      %get3A_1017 = vector.load %arg5[%get3A_1014, %get3A_1015, %get3A_1016] : memref<8x5x128xf32, #tpu.memory_space<vmem>>, vector<1x1x128xf32>
      %get3A_1018 = vector.shape_cast %get3A_1017 : vector<1x1x128xf32> to vector<1x128xf32>
      %swap3A_1019 = arith.constant 0 : index
      %swap3A_1020 = arith.constant 13 : index
      %swap3A_1021 = arith.constant 0 : index
      %swap3A_1022 = vector.load %arg7[%swap3A_1019, %swap3A_1020, %swap3A_1021] : memref<3x40x128xf32, #tpu.memory_space<vmem>>, vector<1x1x128xf32>
      %swap3A_1023 = vector.shape_cast %swap3A_1022 : vector<1x1x128xf32> to vector<1x128xf32>
      %swap3A_1024 = vector.shape_cast %get3A_1018 : vector<1x128xf32> to vector<1x1x128xf32>
      tpu.vector_store %arg7[%swap3A_1019, %swap3A_1020, %swap3A_1021], %swap3A_1024 {strides = array<i32>} : memref<3x40x128xf32, #tpu.memory_space<vmem>>, vector<1x1x128xf32>,
      %get3A_1025 = arith.constant 6 : index
      %get3A_1026 = arith.constant 1 : index
      %get3A_1027 = arith.constant 0 : index
      %get3A_1028 = vector.load %arg5[%get3A_1025, %get3A_1026, %get3A_1027] : memref<8x5x128xf32, #tpu.memory_space<vmem>>, vector<1x1x128xf32>
      %get3A_1029 = vector.shape_cast %get3A_1028 : vector<1x1x128xf32> to vector<1x128xf32>
      %swap3A_1030 = arith.constant 0 : index
      %swap3A_1031 = arith.constant 14 : index
      %swap3A_1032 = arith.constant 0 : index
      %swap3A_1033 = vector.load %arg7[%swap3A_1030, %swap3A_1031, %swap3A_1032] : memref<3x40x128xf32, #tpu.memory_space<vmem>>, vector<1x1x128xf32>
      %swap3A_1034 = vector.shape_cast %swap3A_1033 : vector<1x1x128xf32> to vector<1x128xf32>
      %swap3A_1035 = vector.shape_cast %get3A_1029 : vector<1x128xf32> to vector<1x1x128xf32>
      tpu.vector_store %arg7[%swap3A_1030, %swap3A_1031, %swap3A_1032], %swap3A_1035 {strides = array<i32>} : memref<3x40x128xf32, #tpu.memory_space<vmem>>, vector<1x1x128xf32>,
      %get3A_1036 = arith.constant 7 : index
      %get3A_1037 = arith.constant 1 : index
      %get3A_1038 = arith.constant 0 : index
      %get3A_1039 = vector.load %arg5[%get3A_1036, %get3A_1037, %get3A_1038] : memref<8x5x128xf32, #tpu.memory_space<vmem>>, vector<1x1x128xf32>
      %get3A_1040 = vector.shape_cast %get3A_1039 : vector<1x1x128xf32> to vector<1x128xf32>
      %swap3A_1041 = arith.constant 0 : index
      %swap3A_1042 = arith.constant 15 : index
      %swap3A_1043 = arith.constant 0 : index
      %swap3A_1044 = vector.load %arg7[%swap3A_1041, %swap3A_1042, %swap3A_1043] : memref<3x40x128xf32, #tpu.memory_space<vmem>>, vector<1x1x128xf32>
      %swap3A_1045 = vector.shape_cast %swap3A_1044 : vector<1x1x128xf32> to vector<1x128xf32>
      %swap3A_1046 = vector.shape_cast %get3A_1040 : vector<1x128xf32> to vector<1x1x128xf32>
      tpu.vector_store %arg7[%swap3A_1041, %swap3A_1042, %swap3A_1043], %swap3A_1046 {strides = array<i32>} : memref<3x40x128xf32, #tpu.memory_space<vmem>>, vector<1x1x128xf32>,
      %get3A_1047 = arith.constant 0 : index
      %get3A_1048 = arith.constant 2 : index
      %get3A_1049 = arith.constant 0 : index
      %get3A_1050 = vector.load %arg5[%get3A_1047, %get3A_1048, %get3A_1049] : memref<8x5x128xf32, #tpu.memory_space<vmem>>, vector<1x1x128xf32>
      %get3A_1051 = vector.shape_cast %get3A_1050 : vector<1x1x128xf32> to vector<1x128xf32>
      %swap3A_1052 = arith.constant 0 : index
      %swap3A_1053 = arith.constant 16 : index
      %swap3A_1054 = arith.constant 0 : index
      %swap3A_1055 = vector.load %arg7[%swap3A_1052, %swap3A_1053, %swap3A_1054] : memref<3x40x128xf32, #tpu.memory_space<vmem>>, vector<1x1x128xf32>
      %swap3A_1056 = vector.shape_cast %swap3A_1055 : vector<1x1x128xf32> to vector<1x128xf32>
      %swap3A_1057 = vector.shape_cast %get3A_1051 : vector<1x128xf32> to vector<1x1x128xf32>
      tpu.vector_store %arg7[%swap3A_1052, %swap3A_1053, %swap3A_1054], %swap3A_1057 {strides = array<i32>} : memref<3x40x128xf32, #tpu.memory_space<vmem>>, vector<1x1x128xf32>,
      %get3A_1058 = arith.constant 1 : index
      %get3A_1059 = arith.constant 2 : index
      %get3A_1060 = arith.constant 0 : index
      %get3A_1061 = vector.load %arg5[%get3A_1058, %get3A_1059, %get3A_1060] : memref<8x5x128xf32, #tpu.memory_space<vmem>>, vector<1x1x128xf32>
      %get3A_1062 = vector.shape_cast %get3A_1061 : vector<1x1x128xf32> to vector<1x128xf32>
      %swap3A_1063 = arith.constant 0 : index
      %swap3A_1064 = arith.constant 17 : index
      %swap3A_1065 = arith.constant 0 : index
      %swap3A_1066 = vector.load %arg7[%swap3A_1063, %swap3A_1064, %swap3A_1065] : memref<3x40x128xf32, #tpu.memory_space<vmem>>, vector<1x1x128xf32>
      %swap3A_1067 = vector.shape_cast %swap3A_1066 : vector<1x1x128xf32> to vector<1x128xf32>
      %swap3A_1068 = vector.shape_cast %get3A_1062 : vector<1x128xf32> to vector<1x1x128xf32>
      tpu.vector_store %arg7[%swap3A_1063, %swap3A_1064, %swap3A_1065], %swap3A_1068 {strides = array<i32>} : memref<3x40x128xf32, #tpu.memory_space<vmem>>, vector<1x1x128xf32>,
      %get3A_1069 = arith.constant 2 : index
      %get3A_1070 = arith.constant 2 : index
      %get3A_1071 = arith.constant 0 : index
      %get3A_1072 = vector.load %arg5[%get3A_1069, %get3A_1070, %get3A_1071] : memref<8x5x128xf32, #tpu.memory_space<vmem>>, vector<1x1x128xf32>
      %get3A_1073 = vector.shape_cast %get3A_1072 : vector<1x1x128xf32> to vector<1x128xf32>
      %swap3A_1074 = arith.constant 0 : index
      %swap3A_1075 = arith.constant 18 : index
      %swap3A_1076 = arith.constant 0 : index
      %swap3A_1077 = vector.load %arg7[%swap3A_1074, %swap3A_1075, %swap3A_1076] : memref<3x40x128xf32, #tpu.memory_space<vmem>>, vector<1x1x128xf32>
      %swap3A_1078 = vector.shape_cast %swap3A_1077 : vector<1x1x128xf32> to vector<1x128xf32>
      %swap3A_1079 = vector.shape_cast %get3A_1073 : vector<1x128xf32> to vector<1x1x128xf32>
      tpu.vector_store %arg7[%swap3A_1074, %swap3A_1075, %swap3A_1076], %swap3A_1079 {strides = array<i32>} : memref<3x40x128xf32, #tpu.memory_space<vmem>>, vector<1x1x128xf32>,
      %get3A_1080 = arith.constant 3 : index
      %get3A_1081 = arith.constant 2 : index
      %get3A_1082 = arith.constant 0 : index
      %get3A_1083 = vector.load %arg5[%get3A_1080, %get3A_1081, %get3A_1082] : memref<8x5x128xf32, #tpu.memory_space<vmem>>, vector<1x1x128xf32>
      %get3A_1084 = vector.shape_cast %get3A_1083 : vector<1x1x128xf32> to vector<1x128xf32>
      %swap3A_1085 = arith.constant 0 : index
      %swap3A_1086 = arith.constant 19 : index
      %swap3A_1087 = arith.constant 0 : index
      %swap3A_1088 = vector.load %arg7[%swap3A_1085, %swap3A_1086, %swap3A_1087] : memref<3x40x128xf32, #tpu.memory_space<vmem>>, vector<1x1x128xf32>
      %swap3A_1089 = vector.shape_cast %swap3A_1088 : vector<1x1x128xf32> to vector<1x128xf32>
      %swap3A_1090 = vector.shape_cast %get3A_1084 : vector<1x128xf32> to vector<1x1x128xf32>
      tpu.vector_store %arg7[%swap3A_1085, %swap3A_1086, %swap3A_1087], %swap3A_1090 {strides = array<i32>} : memref<3x40x128xf32, #tpu.memory_space<vmem>>, vector<1x1x128xf32>,
      %get3A_1091 = arith.constant 4 : index
      %get3A_1092 = arith.constant 2 : index
      %get3A_1093 = arith.constant 0 : index
      %get3A_1094 = vector.load %arg5[%get3A_1091, %get3A_1092, %get3A_1093] : memref<8x5x128xf32, #tpu.memory_space<vmem>>, vector<1x1x128xf32>
      %get3A_1095 = vector.shape_cast %get3A_1094 : vector<1x1x128xf32> to vector<1x128xf32>
      %swap3A_1096 = arith.constant 0 : index
      %swap3A_1097 = arith.constant 20 : index
      %swap3A_1098 = arith.constant 0 : index
      %swap3A_1099 = vector.load %arg7[%swap3A_1096, %swap3A_1097, %swap3A_1098] : memref<3x40x128xf32, #tpu.memory_space<vmem>>, vector<1x1x128xf32>
      %swap3A_1100 = vector.shape_cast %swap3A_1099 : vector<1x1x128xf32> to vector<1x128xf32>
      %swap3A_1101 = vector.shape_cast %get3A_1095 : vector<1x128xf32> to vector<1x1x128xf32>
      tpu.vector_store %arg7[%swap3A_1096, %swap3A_1097, %swap3A_1098], %swap3A_1101 {strides = array<i32>} : memref<3x40x128xf32, #tpu.memory_space<vmem>>, vector<1x1x128xf32>,
      %get3A_1102 = arith.constant 5 : index
      %get3A_1103 = arith.constant 2 : index
      %get3A_1104 = arith.constant 0 : index
      %get3A_1105 = vector.load %arg5[%get3A_1102, %get3A_1103, %get3A_1104] : memref<8x5x128xf32, #tpu.memory_space<vmem>>, vector<1x1x128xf32>
      %get3A_1106 = vector.shape_cast %get3A_1105 : vector<1x1x128xf32> to vector<1x128xf32>
      %swap3A_1107 = arith.constant 0 : index
      %swap3A_1108 = arith.constant 21 : index
      %swap3A_1109 = arith.constant 0 : index
      %swap3A_1110 = vector.load %arg7[%swap3A_1107, %swap3A_1108, %swap3A_1109] : memref<3x40x128xf32, #tpu.memory_space<vmem>>, vector<1x1x128xf32>
      %swap3A_1111 = vector.shape_cast %swap3A_1110 : vector<1x1x128xf32> to vector<1x128xf32>
      %swap3A_1112 = vector.shape_cast %get3A_1106 : vector<1x128xf32> to vector<1x1x128xf32>
      tpu.vector_store %arg7[%swap3A_1107, %swap3A_1108, %swap3A_1109], %swap3A_1112 {strides = array<i32>} : memref<3x40x128xf32, #tpu.memory_space<vmem>>, vector<1x1x128xf32>,
      %get3A_1113 = arith.constant 6 : index
      %get3A_1114 = arith.constant 2 : index
      %get3A_1115 = arith.constant 0 : index
      %get3A_1116 = vector.load %arg5[%get3A_1113, %get3A_1114, %get3A_1115] : memref<8x5x128xf32, #tpu.memory_space<vmem>>, vector<1x1x128xf32>
      %get3A_1117 = vector.shape_cast %get3A_1116 : vector<1x1x128xf32> to vector<1x128xf32>
      %swap3A_1118 = arith.constant 0 : index
      %swap3A_1119 = arith.constant 22 : index
      %swap3A_1120 = arith.constant 0 : index
      %swap3A_1121 = vector.load %arg7[%swap3A_1118, %swap3A_1119, %swap3A_1120] : memref<3x40x128xf32, #tpu.memory_space<vmem>>, vector<1x1x128xf32>
      %swap3A_1122 = vector.shape_cast %swap3A_1121 : vector<1x1x128xf32> to vector<1x128xf32>
      %swap3A_1123 = vector.shape_cast %get3A_1117 : vector<1x128xf32> to vector<1x1x128xf32>
      tpu.vector_store %arg7[%swap3A_1118, %swap3A_1119, %swap3A_1120], %swap3A_1123 {strides = array<i32>} : memref<3x40x128xf32, #tpu.memory_space<vmem>>, vector<1x1x128xf32>,
      %get3A_1124 = arith.constant 7 : index
      %get3A_1125 = arith.constant 2 : index
      %get3A_1126 = arith.constant 0 : index
      %get3A_1127 = vector.load %arg5[%get3A_1124, %get3A_1125, %get3A_1126] : memref<8x5x128xf32, #tpu.memory_space<vmem>>, vector<1x1x128xf32>
      %get3A_1128 = vector.shape_cast %get3A_1127 : vector<1x1x128xf32> to vector<1x128xf32>
      %swap3A_1129 = arith.constant 0 : index
      %swap3A_1130 = arith.constant 23 : index
      %swap3A_1131 = arith.constant 0 : index
      %swap3A_1132 = vector.load %arg7[%swap3A_1129, %swap3A_1130, %swap3A_1131] : memref<3x40x128xf32, #tpu.memory_space<vmem>>, vector<1x1x128xf32>
      %swap3A_1133 = vector.shape_cast %swap3A_1132 : vector<1x1x128xf32> to vector<1x128xf32>
      %swap3A_1134 = vector.shape_cast %get3A_1128 : vector<1x128xf32> to vector<1x1x128xf32>
      tpu.vector_store %arg7[%swap3A_1129, %swap3A_1130, %swap3A_1131], %swap3A_1134 {strides = array<i32>} : memref<3x40x128xf32, #tpu.memory_space<vmem>>, vector<1x1x128xf32>,
      %get3A_1135 = arith.constant 0 : index
      %get3A_1136 = arith.constant 3 : index
      %get3A_1137 = arith.constant 0 : index
      %get3A_1138 = vector.load %arg5[%get3A_1135, %get3A_1136, %get3A_1137] : memref<8x5x128xf32, #tpu.memory_space<vmem>>, vector<1x1x128xf32>
      %get3A_1139 = vector.shape_cast %get3A_1138 : vector<1x1x128xf32> to vector<1x128xf32>
      %swap3A_1140 = arith.constant 0 : index
      %swap3A_1141 = arith.constant 24 : index
      %swap3A_1142 = arith.constant 0 : index
      %swap3A_1143 = vector.load %arg7[%swap3A_1140, %swap3A_1141, %swap3A_1142] : memref<3x40x128xf32, #tpu.memory_space<vmem>>, vector<1x1x128xf32>
      %swap3A_1144 = vector.shape_cast %swap3A_1143 : vector<1x1x128xf32> to vector<1x128xf32>
      %swap3A_1145 = vector.shape_cast %get3A_1139 : vector<1x128xf32> to vector<1x1x128xf32>
      tpu.vector_store %arg7[%swap3A_1140, %swap3A_1141, %swap3A_1142], %swap3A_1145 {strides = array<i32>} : memref<3x40x128xf32, #tpu.memory_space<vmem>>, vector<1x1x128xf32>,
      %get3A_1146 = arith.constant 1 : index
      %get3A_1147 = arith.constant 3 : index
      %get3A_1148 = arith.constant 0 : index
      %get3A_1149 = vector.load %arg5[%get3A_1146, %get3A_1147, %get3A_1148] : memref<8x5x128xf32, #tpu.memory_space<vmem>>, vector<1x1x128xf32>
      %get3A_1150 = vector.shape_cast %get3A_1149 : vector<1x1x128xf32> to vector<1x128xf32>
      %swap3A_1151 = arith.constant 0 : index
      %swap3A_1152 = arith.constant 25 : index
      %swap3A_1153 = arith.constant 0 : index
      %swap3A_1154 = vector.load %arg7[%swap3A_1151, %swap3A_1152, %swap3A_1153] : memref<3x40x128xf32, #tpu.memory_space<vmem>>, vector<1x1x128xf32>
      %swap3A_1155 = vector.shape_cast %swap3A_1154 : vector<1x1x128xf32> to vector<1x128xf32>
      %swap3A_1156 = vector.shape_cast %get3A_1150 : vector<1x128xf32> to vector<1x1x128xf32>
      tpu.vector_store %arg7[%swap3A_1151, %swap3A_1152, %swap3A_1153], %swap3A_1156 {strides = array<i32>} : memref<3x40x128xf32, #tpu.memory_space<vmem>>, vector<1x1x128xf32>,
      %get3A_1157 = arith.constant 2 : index
      %get3A_1158 = arith.constant 3 : index
      %get3A_1159 = arith.constant 0 : index
      %get3A_1160 = vector.load %arg5[%get3A_1157, %get3A_1158, %get3A_1159] : memref<8x5x128xf32, #tpu.memory_space<vmem>>, vector<1x1x128xf32>
      %get3A_1161 = vector.shape_cast %get3A_1160 : vector<1x1x128xf32> to vector<1x128xf32>
      %swap3A_1162 = arith.constant 0 : index
      %swap3A_1163 = arith.constant 26 : index
      %swap3A_1164 = arith.constant 0 : index
      %swap3A_1165 = vector.load %arg7[%swap3A_1162, %swap3A_1163, %swap3A_1164] : memref<3x40x128xf32, #tpu.memory_space<vmem>>, vector<1x1x128xf32>
      %swap3A_1166 = vector.shape_cast %swap3A_1165 : vector<1x1x128xf32> to vector<1x128xf32>
      %swap3A_1167 = vector.shape_cast %get3A_1161 : vector<1x128xf32> to vector<1x1x128xf32>
      tpu.vector_store %arg7[%swap3A_1162, %swap3A_1163, %swap3A_1164], %swap3A_1167 {strides = array<i32>} : memref<3x40x128xf32, #tpu.memory_space<vmem>>, vector<1x1x128xf32>,
      %get3A_1168 = arith.constant 3 : index
      %get3A_1169 = arith.constant 3 : index
      %get3A_1170 = arith.constant 0 : index
      %get3A_1171 = vector.load %arg5[%get3A_1168, %get3A_1169, %get3A_1170] : memref<8x5x128xf32, #tpu.memory_space<vmem>>, vector<1x1x128xf32>
      %get3A_1172 = vector.shape_cast %get3A_1171 : vector<1x1x128xf32> to vector<1x128xf32>
      %swap3A_1173 = arith.constant 0 : index
      %swap3A_1174 = arith.constant 27 : index
      %swap3A_1175 = arith.constant 0 : index
      %swap3A_1176 = vector.load %arg7[%swap3A_1173, %swap3A_1174, %swap3A_1175] : memref<3x40x128xf32, #tpu.memory_space<vmem>>, vector<1x1x128xf32>
      %swap3A_1177 = vector.shape_cast %swap3A_1176 : vector<1x1x128xf32> to vector<1x128xf32>
      %swap3A_1178 = vector.shape_cast %get3A_1172 : vector<1x128xf32> to vector<1x1x128xf32>
      tpu.vector_store %arg7[%swap3A_1173, %swap3A_1174, %swap3A_1175], %swap3A_1178 {strides = array<i32>} : memref<3x40x128xf32, #tpu.memory_space<vmem>>, vector<1x1x128xf32>,
      %get3A_1179 = arith.constant 4 : index
      %get3A_1180 = arith.constant 3 : index
      %get3A_1181 = arith.constant 0 : index
      %get3A_1182 = vector.load %arg5[%get3A_1179, %get3A_1180, %get3A_1181] : memref<8x5x128xf32, #tpu.memory_space<vmem>>, vector<1x1x128xf32>
      %get3A_1183 = vector.shape_cast %get3A_1182 : vector<1x1x128xf32> to vector<1x128xf32>
      %swap3A_1184 = arith.constant 0 : index
      %swap3A_1185 = arith.constant 28 : index
      %swap3A_1186 = arith.constant 0 : index
      %swap3A_1187 = vector.load %arg7[%swap3A_1184, %swap3A_1185, %swap3A_1186] : memref<3x40x128xf32, #tpu.memory_space<vmem>>, vector<1x1x128xf32>
      %swap3A_1188 = vector.shape_cast %swap3A_1187 : vector<1x1x128xf32> to vector<1x128xf32>
      %swap3A_1189 = vector.shape_cast %get3A_1183 : vector<1x128xf32> to vector<1x1x128xf32>
      tpu.vector_store %arg7[%swap3A_1184, %swap3A_1185, %swap3A_1186], %swap3A_1189 {strides = array<i32>} : memref<3x40x128xf32, #tpu.memory_space<vmem>>, vector<1x1x128xf32>,
      %get3A_1190 = arith.constant 5 : index
      %get3A_1191 = arith.constant 3 : index
      %get3A_1192 = arith.constant 0 : index
      %get3A_1193 = vector.load %arg5[%get3A_1190, %get3A_1191, %get3A_1192] : memref<8x5x128xf32, #tpu.memory_space<vmem>>, vector<1x1x128xf32>
      %get3A_1194 = vector.shape_cast %get3A_1193 : vector<1x1x128xf32> to vector<1x128xf32>
      %swap3A_1195 = arith.constant 0 : index
      %swap3A_1196 = arith.constant 29 : index
      %swap3A_1197 = arith.constant 0 : index
      %swap3A_1198 = vector.load %arg7[%swap3A_1195, %swap3A_1196, %swap3A_1197] : memref<3x40x128xf32, #tpu.memory_space<vmem>>, vector<1x1x128xf32>
      %swap3A_1199 = vector.shape_cast %swap3A_1198 : vector<1x1x128xf32> to vector<1x128xf32>
      %swap3A_1200 = vector.shape_cast %get3A_1194 : vector<1x128xf32> to vector<1x1x128xf32>
      tpu.vector_store %arg7[%swap3A_1195, %swap3A_1196, %swap3A_1197], %swap3A_1200 {strides = array<i32>} : memref<3x40x128xf32, #tpu.memory_space<vmem>>, vector<1x1x128xf32>,
      %get3A_1201 = arith.constant 6 : index
      %get3A_1202 = arith.constant 3 : index
      %get3A_1203 = arith.constant 0 : index
      %get3A_1204 = vector.load %arg5[%get3A_1201, %get3A_1202, %get3A_1203] : memref<8x5x128xf32, #tpu.memory_space<vmem>>, vector<1x1x128xf32>
      %get3A_1205 = vector.shape_cast %get3A_1204 : vector<1x1x128xf32> to vector<1x128xf32>
      %swap3A_1206 = arith.constant 0 : index
      %swap3A_1207 = arith.constant 30 : index
      %swap3A_1208 = arith.constant 0 : index
      %swap3A_1209 = vector.load %arg7[%swap3A_1206, %swap3A_1207, %swap3A_1208] : memref<3x40x128xf32, #tpu.memory_space<vmem>>, vector<1x1x128xf32>
      %swap3A_1210 = vector.shape_cast %swap3A_1209 : vector<1x1x128xf32> to vector<1x128xf32>
      %swap3A_1211 = vector.shape_cast %get3A_1205 : vector<1x128xf32> to vector<1x1x128xf32>
      tpu.vector_store %arg7[%swap3A_1206, %swap3A_1207, %swap3A_1208], %swap3A_1211 {strides = array<i32>} : memref<3x40x128xf32, #tpu.memory_space<vmem>>, vector<1x1x128xf32>,
      %get3A_1212 = arith.constant 7 : index
      %get3A_1213 = arith.constant 3 : index
      %get3A_1214 = arith.constant 0 : index
      %get3A_1215 = vector.load %arg5[%get3A_1212, %get3A_1213, %get3A_1214] : memref<8x5x128xf32, #tpu.memory_space<vmem>>, vector<1x1x128xf32>
      %get3A_1216 = vector.shape_cast %get3A_1215 : vector<1x1x128xf32> to vector<1x128xf32>
      %swap3A_1217 = arith.constant 0 : index
      %swap3A_1218 = arith.constant 31 : index
      %swap3A_1219 = arith.constant 0 : index
      %swap3A_1220 = vector.load %arg7[%swap3A_1217, %swap3A_1218, %swap3A_1219] : memref<3x40x128xf32, #tpu.memory_space<vmem>>, vector<1x1x128xf32>
      %swap3A_1221 = vector.shape_cast %swap3A_1220 : vector<1x1x128xf32> to vector<1x128xf32>
      %swap3A_1222 = vector.shape_cast %get3A_1216 : vector<1x128xf32> to vector<1x1x128xf32>
      tpu.vector_store %arg7[%swap3A_1217, %swap3A_1218, %swap3A_1219], %swap3A_1222 {strides = array<i32>} : memref<3x40x128xf32, #tpu.memory_space<vmem>>, vector<1x1x128xf32>,
      %get3A_1223 = arith.constant 0 : index
      %get3A_1224 = arith.constant 4 : index
      %get3A_1225 = arith.constant 0 : index
      %get3A_1226 = vector.load %arg5[%get3A_1223, %get3A_1224, %get3A_1225] : memref<8x5x128xf32, #tpu.memory_space<vmem>>, vector<1x1x128xf32>
      %get3A_1227 = vector.shape_cast %get3A_1226 : vector<1x1x128xf32> to vector<1x128xf32>
      %swap3A_1228 = arith.constant 0 : index
      %swap3A_1229 = arith.constant 32 : index
      %swap3A_1230 = arith.constant 0 : index
      %swap3A_1231 = vector.load %arg7[%swap3A_1228, %swap3A_1229, %swap3A_1230] : memref<3x40x128xf32, #tpu.memory_space<vmem>>, vector<1x1x128xf32>
      %swap3A_1232 = vector.shape_cast %swap3A_1231 : vector<1x1x128xf32> to vector<1x128xf32>
      %swap3A_1233 = vector.shape_cast %get3A_1227 : vector<1x128xf32> to vector<1x1x128xf32>
      tpu.vector_store %arg7[%swap3A_1228, %swap3A_1229, %swap3A_1230], %swap3A_1233 {strides = array<i32>} : memref<3x40x128xf32, #tpu.memory_space<vmem>>, vector<1x1x128xf32>,
      %get3A_1234 = arith.constant 1 : index
      %get3A_1235 = arith.constant 4 : index
      %get3A_1236 = arith.constant 0 : index
      %get3A_1237 = vector.load %arg5[%get3A_1234, %get3A_1235, %get3A_1236] : memref<8x5x128xf32, #tpu.memory_space<vmem>>, vector<1x1x128xf32>
      %get3A_1238 = vector.shape_cast %get3A_1237 : vector<1x1x128xf32> to vector<1x128xf32>
      %swap3A_1239 = arith.constant 0 : index
      %swap3A_1240 = arith.constant 33 : index
      %swap3A_1241 = arith.constant 0 : index
      %swap3A_1242 = vector.load %arg7[%swap3A_1239, %swap3A_1240, %swap3A_1241] : memref<3x40x128xf32, #tpu.memory_space<vmem>>, vector<1x1x128xf32>
      %swap3A_1243 = vector.shape_cast %swap3A_1242 : vector<1x1x128xf32> to vector<1x128xf32>
      %swap3A_1244 = vector.shape_cast %get3A_1238 : vector<1x128xf32> to vector<1x1x128xf32>
      tpu.vector_store %arg7[%swap3A_1239, %swap3A_1240, %swap3A_1241], %swap3A_1244 {strides = array<i32>} : memref<3x40x128xf32, #tpu.memory_space<vmem>>, vector<1x1x128xf32>,
      %get3A_1245 = arith.constant 2 : index
      %get3A_1246 = arith.constant 4 : index
      %get3A_1247 = arith.constant 0 : index
      %get3A_1248 = vector.load %arg5[%get3A_1245, %get3A_1246, %get3A_1247] : memref<8x5x128xf32, #tpu.memory_space<vmem>>, vector<1x1x128xf32>
      %get3A_1249 = vector.shape_cast %get3A_1248 : vector<1x1x128xf32> to vector<1x128xf32>
      %swap3A_1250 = arith.constant 0 : index
      %swap3A_1251 = arith.constant 34 : index
      %swap3A_1252 = arith.constant 0 : index
      %swap3A_1253 = vector.load %arg7[%swap3A_1250, %swap3A_1251, %swap3A_1252] : memref<3x40x128xf32, #tpu.memory_space<vmem>>, vector<1x1x128xf32>
      %swap3A_1254 = vector.shape_cast %swap3A_1253 : vector<1x1x128xf32> to vector<1x128xf32>
      %swap3A_1255 = vector.shape_cast %get3A_1249 : vector<1x128xf32> to vector<1x1x128xf32>
      tpu.vector_store %arg7[%swap3A_1250, %swap3A_1251, %swap3A_1252], %swap3A_1255 {strides = array<i32>} : memref<3x40x128xf32, #tpu.memory_space<vmem>>, vector<1x1x128xf32>,
      %get3A_1256 = arith.constant 3 : index
      %get3A_1257 = arith.constant 4 : index
      %get3A_1258 = arith.constant 0 : index
      %get3A_1259 = vector.load %arg5[%get3A_1256, %get3A_1257, %get3A_1258] : memref<8x5x128xf32, #tpu.memory_space<vmem>>, vector<1x1x128xf32>
      %get3A_1260 = vector.shape_cast %get3A_1259 : vector<1x1x128xf32> to vector<1x128xf32>
      %swap3A_1261 = arith.constant 0 : index
      %swap3A_1262 = arith.constant 35 : index
      %swap3A_1263 = arith.constant 0 : index
      %swap3A_1264 = vector.load %arg7[%swap3A_1261, %swap3A_1262, %swap3A_1263] : memref<3x40x128xf32, #tpu.memory_space<vmem>>, vector<1x1x128xf32>
      %swap3A_1265 = vector.shape_cast %swap3A_1264 : vector<1x1x128xf32> to vector<1x128xf32>
      %swap3A_1266 = vector.shape_cast %get3A_1260 : vector<1x128xf32> to vector<1x1x128xf32>
      tpu.vector_store %arg7[%swap3A_1261, %swap3A_1262, %swap3A_1263], %swap3A_1266 {strides = array<i32>} : memref<3x40x128xf32, #tpu.memory_space<vmem>>, vector<1x1x128xf32>,
      %get3A_1267 = arith.constant 4 : index
      %get3A_1268 = arith.constant 4 : index
      %get3A_1269 = arith.constant 0 : index
      %get3A_1270 = vector.load %arg5[%get3A_1267, %get3A_1268, %get3A_1269] : memref<8x5x128xf32, #tpu.memory_space<vmem>>, vector<1x1x128xf32>
      %get3A_1271 = vector.shape_cast %get3A_1270 : vector<1x1x128xf32> to vector<1x128xf32>
      %swap3A_1272 = arith.constant 0 : index
      %swap3A_1273 = arith.constant 36 : index
      %swap3A_1274 = arith.constant 0 : index
      %swap3A_1275 = vector.load %arg7[%swap3A_1272, %swap3A_1273, %swap3A_1274] : memref<3x40x128xf32, #tpu.memory_space<vmem>>, vector<1x1x128xf32>
      %swap3A_1276 = vector.shape_cast %swap3A_1275 : vector<1x1x128xf32> to vector<1x128xf32>
      %swap3A_1277 = vector.shape_cast %get3A_1271 : vector<1x128xf32> to vector<1x1x128xf32>
      tpu.vector_store %arg7[%swap3A_1272, %swap3A_1273, %swap3A_1274], %swap3A_1277 {strides = array<i32>} : memref<3x40x128xf32, #tpu.memory_space<vmem>>, vector<1x1x128xf32>,
      %get3A_1278 = arith.constant 5 : index
      %get3A_1279 = arith.constant 4 : index
      %get3A_1280 = arith.constant 0 : index
      %get3A_1281 = vector.load %arg5[%get3A_1278, %get3A_1279, %get3A_1280] : memref<8x5x128xf32, #tpu.memory_space<vmem>>, vector<1x1x128xf32>
      %get3A_1282 = vector.shape_cast %get3A_1281 : vector<1x1x128xf32> to vector<1x128xf32>
      %swap3A_1283 = arith.constant 0 : index
      %swap3A_1284 = arith.constant 37 : index
      %swap3A_1285 = arith.constant 0 : index
      %swap3A_1286 = vector.load %arg7[%swap3A_1283, %swap3A_1284, %swap3A_1285] : memref<3x40x128xf32, #tpu.memory_space<vmem>>, vector<1x1x128xf32>
      %swap3A_1287 = vector.shape_cast %swap3A_1286 : vector<1x1x128xf32> to vector<1x128xf32>
      %swap3A_1288 = vector.shape_cast %get3A_1282 : vector<1x128xf32> to vector<1x1x128xf32>
      tpu.vector_store %arg7[%swap3A_1283, %swap3A_1284, %swap3A_1285], %swap3A_1288 {strides = array<i32>} : memref<3x40x128xf32, #tpu.memory_space<vmem>>, vector<1x1x128xf32>,
      %get3A_1289 = arith.constant 6 : index
      %get3A_1290 = arith.constant 4 : index
      %get3A_1291 = arith.constant 0 : index
      %get3A_1292 = vector.load %arg5[%get3A_1289, %get3A_1290, %get3A_1291] : memref<8x5x128xf32, #tpu.memory_space<vmem>>, vector<1x1x128xf32>
      %get3A_1293 = vector.shape_cast %get3A_1292 : vector<1x1x128xf32> to vector<1x128xf32>
      %swap3A_1294 = arith.constant 0 : index
      %swap3A_1295 = arith.constant 38 : index
      %swap3A_1296 = arith.constant 0 : index
      %swap3A_1297 = vector.load %arg7[%swap3A_1294, %swap3A_1295, %swap3A_1296] : memref<3x40x128xf32, #tpu.memory_space<vmem>>, vector<1x1x128xf32>
      %swap3A_1298 = vector.shape_cast %swap3A_1297 : vector<1x1x128xf32> to vector<1x128xf32>
      %swap3A_1299 = vector.shape_cast %get3A_1293 : vector<1x128xf32> to vector<1x1x128xf32>
      tpu.vector_store %arg7[%swap3A_1294, %swap3A_1295, %swap3A_1296], %swap3A_1299 {strides = array<i32>} : memref<3x40x128xf32, #tpu.memory_space<vmem>>, vector<1x1x128xf32>,
      %get3A_1300 = arith.constant 7 : index
      %get3A_1301 = arith.constant 4 : index
      %get3A_1302 = arith.constant 0 : index
      %get3A_1303 = vector.load %arg5[%get3A_1300, %get3A_1301, %get3A_1302] : memref<8x5x128xf32, #tpu.memory_space<vmem>>, vector<1x1x128xf32>
      %get3A_1304 = vector.shape_cast %get3A_1303 : vector<1x1x128xf32> to vector<1x128xf32>
      %swap3A_1305 = arith.constant 0 : index
      %swap3A_1306 = arith.constant 39 : index
      %swap3A_1307 = arith.constant 0 : index
      %swap3A_1308 = vector.load %arg7[%swap3A_1305, %swap3A_1306, %swap3A_1307] : memref<3x40x128xf32, #tpu.memory_space<vmem>>, vector<1x1x128xf32>
      %swap3A_1309 = vector.shape_cast %swap3A_1308 : vector<1x1x128xf32> to vector<1x128xf32>
      %swap3A_1310 = vector.shape_cast %get3A_1304 : vector<1x128xf32> to vector<1x1x128xf32>
      tpu.vector_store %arg7[%swap3A_1305, %swap3A_1306, %swap3A_1307], %swap3A_1310 {strides = array<i32>} : memref<3x40x128xf32, #tpu.memory_space<vmem>>, vector<1x1x128xf32>,
      %slice3A_1311 = vector.extract_strided_slice %convert_element_type3A_870 {offsets = [0, 0], sizes = [8, 1], strides = [1, 1]} : vector<8x10xf32> to vector<8x1xf32>
      %get3A_1312 = arith.constant 0 : index
      %get3A_1313 = arith.constant 8 : index
      %get3A_1314 = arith.constant 0 : index
      %get3A_1315 = vector.load %arg7[%get3A_1312, %get3A_1313, %get3A_1314] : memref<3x40x128xf32, #tpu.memory_space<vmem>>, vector<1x8x128xf32>
      %get3A_1316 = vector.shape_cast %get3A_1315 : vector<1x8x128xf32> to vector<8x128xf32>
      %convert_element_type3A_1317 = arith.truncf %get3A_1316 : vector<8x128xf32> to vector<8x128xbf16>
      %convert_element_type3A_1318 = arith.extf %convert_element_type3A_1317 : vector<8x128xbf16> to vector<8x128xf32>
      %mul3A_1319 = vector.broadcast %slice3A_1311 : vector<8x1xf32> to vector<8x128xf32>
      %mul3A_1320 = arith.mulf %mul3A_1319, %convert_element_type3A_1318 : vector<8x128xf32>
      %slice3A_1321 = vector.extract_strided_slice %convert_element_type3A_870 {offsets = [0, 1], sizes = [8, 1], strides = [1, 1]} : vector<8x10xf32> to vector<8x1xf32>
      %get3A_1322 = arith.constant 0 : index
      %get3A_1323 = arith.constant 16 : index
      %get3A_1324 = arith.constant 0 : index
      %get3A_1325 = vector.load %arg7[%get3A_1322, %get3A_1323, %get3A_1324] : memref<3x40x128xf32, #tpu.memory_space<vmem>>, vector<1x8x128xf32>
      %get3A_1326 = vector.shape_cast %get3A_1325 : vector<1x8x128xf32> to vector<8x128xf32>
      %convert_element_type3A_1327 = arith.truncf %get3A_1326 : vector<8x128xf32> to vector<8x128xbf16>
      %convert_element_type3A_1328 = arith.extf %convert_element_type3A_1327 : vector<8x128xbf16> to vector<8x128xf32>
      %mul3A_1329 = vector.broadcast %slice3A_1321 : vector<8x1xf32> to vector<8x128xf32>
      %mul3A_1330 = arith.mulf %mul3A_1329, %convert_element_type3A_1328 : vector<8x128xf32>
      %add3A_1331 = arith.addf %mul3A_1320, %mul3A_1330 : vector<8x128xf32>
      %slice3A_1332 = vector.extract_strided_slice %convert_element_type3A_870 {offsets = [0, 2], sizes = [8, 1], strides = [1, 1]} : vector<8x10xf32> to vector<8x1xf32>
      %get3A_1333 = arith.constant 0 : index
      %get3A_1334 = arith.constant 24 : index
      %get3A_1335 = arith.constant 0 : index
      %get3A_1336 = vector.load %arg7[%get3A_1333, %get3A_1334, %get3A_1335] : memref<3x40x128xf32, #tpu.memory_space<vmem>>, vector<1x8x128xf32>
      %get3A_1337 = vector.shape_cast %get3A_1336 : vector<1x8x128xf32> to vector<8x128xf32>
      %convert_element_type3A_1338 = arith.truncf %get3A_1337 : vector<8x128xf32> to vector<8x128xbf16>
      %convert_element_type3A_1339 = arith.extf %convert_element_type3A_1338 : vector<8x128xbf16> to vector<8x128xf32>
      %mul3A_1340 = vector.broadcast %slice3A_1332 : vector<8x1xf32> to vector<8x128xf32>
      %mul3A_1341 = arith.mulf %mul3A_1340, %convert_element_type3A_1339 : vector<8x128xf32>
      %add3A_1342 = arith.addf %add3A_1331, %mul3A_1341 : vector<8x128xf32>
      %slice3A_1343 = vector.extract_strided_slice %convert_element_type3A_870 {offsets = [0, 3], sizes = [8, 1], strides = [1, 1]} : vector<8x10xf32> to vector<8x1xf32>
      %get3A_1344 = arith.constant 0 : index
      %get3A_1345 = arith.constant 32 : index
      %get3A_1346 = arith.constant 0 : index
      %get3A_1347 = vector.load %arg7[%get3A_1344, %get3A_1345, %get3A_1346] : memref<3x40x128xf32, #tpu.memory_space<vmem>>, vector<1x8x128xf32>
      %get3A_1348 = vector.shape_cast %get3A_1347 : vector<1x8x128xf32> to vector<8x128xf32>
      %convert_element_type3A_1349 = arith.truncf %get3A_1348 : vector<8x128xf32> to vector<8x128xbf16>
      %convert_element_type3A_1350 = arith.extf %convert_element_type3A_1349 : vector<8x128xbf16> to vector<8x128xf32>
      %mul3A_1351 = vector.broadcast %slice3A_1343 : vector<8x1xf32> to vector<8x128xf32>
      %mul3A_1352 = arith.mulf %mul3A_1351, %convert_element_type3A_1350 : vector<8x128xf32>
      %add3A_1353 = arith.addf %add3A_1342, %mul3A_1352 : vector<8x128xf32>
      %swap3A_1354 = arith.constant 1 : index
      %swap3A_1355 = arith.constant 0 : index
      %swap3A_1356 = arith.constant 0 : index
      %swap3A_1357 = vector.load %arg7[%swap3A_1354, %swap3A_1355, %swap3A_1356] : memref<3x40x128xf32, #tpu.memory_space<vmem>>, vector<1x8x128xf32>
      %swap3A_1358 = vector.shape_cast %swap3A_1357 : vector<1x8x128xf32> to vector<8x128xf32>
      %swap3A_1359 = vector.shape_cast %add3A_1353 : vector<8x128xf32> to vector<1x8x128xf32>
      tpu.vector_store %arg7[%swap3A_1354, %swap3A_1355, %swap3A_1356], %swap3A_1359 {strides = array<i32>} : memref<3x40x128xf32, #tpu.memory_space<vmem>>, vector<1x8x128xf32>,
      %slice3A_1360 = vector.extract_strided_slice %convert_element_type3A_870 {offsets = [0, 0], sizes = [8, 1], strides = [1, 1]} : vector<8x10xf32> to vector<8x1xf32>
      %get3A_1361 = arith.constant 0 : index
      %get3A_1362 = arith.constant 0 : index
      %get3A_1363 = arith.constant 0 : index
      %get3A_1364 = vector.load %arg7[%get3A_1361, %get3A_1362, %get3A_1363] : memref<3x40x128xf32, #tpu.memory_space<vmem>>, vector<1x8x128xf32>
      %get3A_1365 = vector.shape_cast %get3A_1364 : vector<1x8x128xf32> to vector<8x128xf32>
      %convert_element_type3A_1366 = arith.truncf %get3A_1365 : vector<8x128xf32> to vector<8x128xbf16>
      %convert_element_type3A_1367 = arith.extf %convert_element_type3A_1366 : vector<8x128xbf16> to vector<8x128xf32>
      %mul3A_1368 = vector.broadcast %slice3A_1360 : vector<8x1xf32> to vector<8x128xf32>
      %mul3A_1369 = arith.mulf %mul3A_1368, %convert_element_type3A_1367 : vector<8x128xf32>
      %slice3A_1370 = vector.extract_strided_slice %convert_element_type3A_870 {offsets = [0, 4], sizes = [8, 1], strides = [1, 1]} : vector<8x10xf32> to vector<8x1xf32>
      %get3A_1371 = arith.constant 0 : index
      %get3A_1372 = arith.constant 16 : index
      %get3A_1373 = arith.constant 0 : index
      %get3A_1374 = vector.load %arg7[%get3A_1371, %get3A_1372, %get3A_1373] : memref<3x40x128xf32, #tpu.memory_space<vmem>>, vector<1x8x128xf32>
      %get3A_1375 = vector.shape_cast %get3A_1374 : vector<1x8x128xf32> to vector<8x128xf32>
      %convert_element_type3A_1376 = arith.truncf %get3A_1375 : vector<8x128xf32> to vector<8x128xbf16>
      %convert_element_type3A_1377 = arith.extf %convert_element_type3A_1376 : vector<8x128xbf16> to vector<8x128xf32>
      %mul3A_1378 = vector.broadcast %slice3A_1370 : vector<8x1xf32> to vector<8x128xf32>
      %mul3A_1379 = arith.mulf %mul3A_1378, %convert_element_type3A_1377 : vector<8x128xf32>
      %add3A_1380 = arith.addf %mul3A_1369, %mul3A_1379 : vector<8x128xf32>
      %slice3A_1381 = vector.extract_strided_slice %convert_element_type3A_870 {offsets = [0, 5], sizes = [8, 1], strides = [1, 1]} : vector<8x10xf32> to vector<8x1xf32>
      %get3A_1382 = arith.constant 0 : index
      %get3A_1383 = arith.constant 24 : index
      %get3A_1384 = arith.constant 0 : index
      %get3A_1385 = vector.load %arg7[%get3A_1382, %get3A_1383, %get3A_1384] : memref<3x40x128xf32, #tpu.memory_space<vmem>>, vector<1x8x128xf32>
      %get3A_1386 = vector.shape_cast %get3A_1385 : vector<1x8x128xf32> to vector<8x128xf32>
      %convert_element_type3A_1387 = arith.truncf %get3A_1386 : vector<8x128xf32> to vector<8x128xbf16>
      %convert_element_type3A_1388 = arith.extf %convert_element_type3A_1387 : vector<8x128xbf16> to vector<8x128xf32>
      %mul3A_1389 = vector.broadcast %slice3A_1381 : vector<8x1xf32> to vector<8x128xf32>
      %mul3A_1390 = arith.mulf %mul3A_1389, %convert_element_type3A_1388 : vector<8x128xf32>
      %add3A_1391 = arith.addf %add3A_1380, %mul3A_1390 : vector<8x128xf32>
      %slice3A_1392 = vector.extract_strided_slice %convert_element_type3A_870 {offsets = [0, 6], sizes = [8, 1], strides = [1, 1]} : vector<8x10xf32> to vector<8x1xf32>
      %get3A_1393 = arith.constant 0 : index
      %get3A_1394 = arith.constant 32 : index
      %get3A_1395 = arith.constant 0 : index
      %get3A_1396 = vector.load %arg7[%get3A_1393, %get3A_1394, %get3A_1395] : memref<3x40x128xf32, #tpu.memory_space<vmem>>, vector<1x8x128xf32>
      %get3A_1397 = vector.shape_cast %get3A_1396 : vector<1x8x128xf32> to vector<8x128xf32>
      %convert_element_type3A_1398 = arith.truncf %get3A_1397 : vector<8x128xf32> to vector<8x128xbf16>
      %convert_element_type3A_1399 = arith.extf %convert_element_type3A_1398 : vector<8x128xbf16> to vector<8x128xf32>
      %mul3A_1400 = vector.broadcast %slice3A_1392 : vector<8x1xf32> to vector<8x128xf32>
      %mul3A_1401 = arith.mulf %mul3A_1400, %convert_element_type3A_1399 : vector<8x128xf32>
      %add3A_1402 = arith.addf %add3A_1391, %mul3A_1401 : vector<8x128xf32>
      %swap3A_1403 = arith.constant 1 : index
      %swap3A_1404 = arith.constant 8 : index
      %swap3A_1405 = arith.constant 0 : index
      %swap3A_1406 = vector.load %arg7[%swap3A_1403, %swap3A_1404, %swap3A_1405] : memref<3x40x128xf32, #tpu.memory_space<vmem>>, vector<1x8x128xf32>
      %swap3A_1407 = vector.shape_cast %swap3A_1406 : vector<1x8x128xf32> to vector<8x128xf32>
      %swap3A_1408 = vector.shape_cast %add3A_1402 : vector<8x128xf32> to vector<1x8x128xf32>
      tpu.vector_store %arg7[%swap3A_1403, %swap3A_1404, %swap3A_1405], %swap3A_1408 {strides = array<i32>} : memref<3x40x128xf32, #tpu.memory_space<vmem>>, vector<1x8x128xf32>,
      %slice3A_1409 = vector.extract_strided_slice %convert_element_type3A_870 {offsets = [0, 1], sizes = [8, 1], strides = [1, 1]} : vector<8x10xf32> to vector<8x1xf32>
      %get3A_1410 = arith.constant 0 : index
      %get3A_1411 = arith.constant 0 : index
      %get3A_1412 = arith.constant 0 : index
      %get3A_1413 = vector.load %arg7[%get3A_1410, %get3A_1411, %get3A_1412] : memref<3x40x128xf32, #tpu.memory_space<vmem>>, vector<1x8x128xf32>
      %get3A_1414 = vector.shape_cast %get3A_1413 : vector<1x8x128xf32> to vector<8x128xf32>
      %convert_element_type3A_1415 = arith.truncf %get3A_1414 : vector<8x128xf32> to vector<8x128xbf16>
      %convert_element_type3A_1416 = arith.extf %convert_element_type3A_1415 : vector<8x128xbf16> to vector<8x128xf32>
      %mul3A_1417 = vector.broadcast %slice3A_1409 : vector<8x1xf32> to vector<8x128xf32>
      %mul3A_1418 = arith.mulf %mul3A_1417, %convert_element_type3A_1416 : vector<8x128xf32>
      %slice3A_1419 = vector.extract_strided_slice %convert_element_type3A_870 {offsets = [0, 4], sizes = [8, 1], strides = [1, 1]} : vector<8x10xf32> to vector<8x1xf32>
      %get3A_1420 = arith.constant 0 : index
      %get3A_1421 = arith.constant 8 : index
      %get3A_1422 = arith.constant 0 : index
      %get3A_1423 = vector.load %arg7[%get3A_1420, %get3A_1421, %get3A_1422] : memref<3x40x128xf32, #tpu.memory_space<vmem>>, vector<1x8x128xf32>
      %get3A_1424 = vector.shape_cast %get3A_1423 : vector<1x8x128xf32> to vector<8x128xf32>
      %convert_element_type3A_1425 = arith.truncf %get3A_1424 : vector<8x128xf32> to vector<8x128xbf16>
      %convert_element_type3A_1426 = arith.extf %convert_element_type3A_1425 : vector<8x128xbf16> to vector<8x128xf32>
      %mul3A_1427 = vector.broadcast %slice3A_1419 : vector<8x1xf32> to vector<8x128xf32>
      %mul3A_1428 = arith.mulf %mul3A_1427, %convert_element_type3A_1426 : vector<8x128xf32>
      %add3A_1429 = arith.addf %mul3A_1418, %mul3A_1428 : vector<8x128xf32>
      %slice3A_1430 = vector.extract_strided_slice %convert_element_type3A_870 {offsets = [0, 7], sizes = [8, 1], strides = [1, 1]} : vector<8x10xf32> to vector<8x1xf32>
      %get3A_1431 = arith.constant 0 : index
      %get3A_1432 = arith.constant 24 : index
      %get3A_1433 = arith.constant 0 : index
      %get3A_1434 = vector.load %arg7[%get3A_1431, %get3A_1432, %get3A_1433] : memref<3x40x128xf32, #tpu.memory_space<vmem>>, vector<1x8x128xf32>
      %get3A_1435 = vector.shape_cast %get3A_1434 : vector<1x8x128xf32> to vector<8x128xf32>
      %convert_element_type3A_1436 = arith.truncf %get3A_1435 : vector<8x128xf32> to vector<8x128xbf16>
      %convert_element_type3A_1437 = arith.extf %convert_element_type3A_1436 : vector<8x128xbf16> to vector<8x128xf32>
      %mul3A_1438 = vector.broadcast %slice3A_1430 : vector<8x1xf32> to vector<8x128xf32>
      %mul3A_1439 = arith.mulf %mul3A_1438, %convert_element_type3A_1437 : vector<8x128xf32>
      %add3A_1440 = arith.addf %add3A_1429, %mul3A_1439 : vector<8x128xf32>
      %slice3A_1441 = vector.extract_strided_slice %convert_element_type3A_870 {offsets = [0, 8], sizes = [8, 1], strides = [1, 1]} : vector<8x10xf32> to vector<8x1xf32>
      %get3A_1442 = arith.constant 0 : index
      %get3A_1443 = arith.constant 32 : index
      %get3A_1444 = arith.constant 0 : index
      %get3A_1445 = vector.load %arg7[%get3A_1442, %get3A_1443, %get3A_1444] : memref<3x40x128xf32, #tpu.memory_space<vmem>>, vector<1x8x128xf32>
      %get3A_1446 = vector.shape_cast %get3A_1445 : vector<1x8x128xf32> to vector<8x128xf32>
      %convert_element_type3A_1447 = arith.truncf %get3A_1446 : vector<8x128xf32> to vector<8x128xbf16>
      %convert_element_type3A_1448 = arith.extf %convert_element_type3A_1447 : vector<8x128xbf16> to vector<8x128xf32>
      %mul3A_1449 = vector.broadcast %slice3A_1441 : vector<8x1xf32> to vector<8x128xf32>
      %mul3A_1450 = arith.mulf %mul3A_1449, %convert_element_type3A_1448 : vector<8x128xf32>
      %add3A_1451 = arith.addf %add3A_1440, %mul3A_1450 : vector<8x128xf32>
      %swap3A_1452 = arith.constant 1 : index
      %swap3A_1453 = arith.constant 16 : index
      %swap3A_1454 = arith.constant 0 : index
      %swap3A_1455 = vector.load %arg7[%swap3A_1452, %swap3A_1453, %swap3A_1454] : memref<3x40x128xf32, #tpu.memory_space<vmem>>, vector<1x8x128xf32>
      %swap3A_1456 = vector.shape_cast %swap3A_1455 : vector<1x8x128xf32> to vector<8x128xf32>
      %swap3A_1457 = vector.shape_cast %add3A_1451 : vector<8x128xf32> to vector<1x8x128xf32>
      tpu.vector_store %arg7[%swap3A_1452, %swap3A_1453, %swap3A_1454], %swap3A_1457 {strides = array<i32>} : memref<3x40x128xf32, #tpu.memory_space<vmem>>, vector<1x8x128xf32>,
      %slice3A_1458 = vector.extract_strided_slice %convert_element_type3A_870 {offsets = [0, 2], sizes = [8, 1], strides = [1, 1]} : vector<8x10xf32> to vector<8x1xf32>
      %get3A_1459 = arith.constant 0 : index
      %get3A_1460 = arith.constant 0 : index
      %get3A_1461 = arith.constant 0 : index
      %get3A_1462 = vector.load %arg7[%get3A_1459, %get3A_1460, %get3A_1461] : memref<3x40x128xf32, #tpu.memory_space<vmem>>, vector<1x8x128xf32>
      %get3A_1463 = vector.shape_cast %get3A_1462 : vector<1x8x128xf32> to vector<8x128xf32>
      %convert_element_type3A_1464 = arith.truncf %get3A_1463 : vector<8x128xf32> to vector<8x128xbf16>
      %convert_element_type3A_1465 = arith.extf %convert_element_type3A_1464 : vector<8x128xbf16> to vector<8x128xf32>
      %mul3A_1466 = vector.broadcast %slice3A_1458 : vector<8x1xf32> to vector<8x128xf32>
      %mul3A_1467 = arith.mulf %mul3A_1466, %convert_element_type3A_1465 : vector<8x128xf32>
      %slice3A_1468 = vector.extract_strided_slice %convert_element_type3A_870 {offsets = [0, 5], sizes = [8, 1], strides = [1, 1]} : vector<8x10xf32> to vector<8x1xf32>
      %get3A_1469 = arith.constant 0 : index
      %get3A_1470 = arith.constant 8 : index
      %get3A_1471 = arith.constant 0 : index
      %get3A_1472 = vector.load %arg7[%get3A_1469, %get3A_1470, %get3A_1471] : memref<3x40x128xf32, #tpu.memory_space<vmem>>, vector<1x8x128xf32>
      %get3A_1473 = vector.shape_cast %get3A_1472 : vector<1x8x128xf32> to vector<8x128xf32>
      %convert_element_type3A_1474 = arith.truncf %get3A_1473 : vector<8x128xf32> to vector<8x128xbf16>
      %convert_element_type3A_1475 = arith.extf %convert_element_type3A_1474 : vector<8x128xbf16> to vector<8x128xf32>
      %mul3A_1476 = vector.broadcast %slice3A_1468 : vector<8x1xf32> to vector<8x128xf32>
      %mul3A_1477 = arith.mulf %mul3A_1476, %convert_element_type3A_1475 : vector<8x128xf32>
      %add3A_1478 = arith.addf %mul3A_1467, %mul3A_1477 : vector<8x128xf32>
      %slice3A_1479 = vector.extract_strided_slice %convert_element_type3A_870 {offsets = [0, 7], sizes = [8, 1], strides = [1, 1]} : vector<8x10xf32> to vector<8x1xf32>
      %get3A_1480 = arith.constant 0 : index
      %get3A_1481 = arith.constant 16 : index
      %get3A_1482 = arith.constant 0 : index
      %get3A_1483 = vector.load %arg7[%get3A_1480, %get3A_1481, %get3A_1482] : memref<3x40x128xf32, #tpu.memory_space<vmem>>, vector<1x8x128xf32>
      %get3A_1484 = vector.shape_cast %get3A_1483 : vector<1x8x128xf32> to vector<8x128xf32>
      %convert_element_type3A_1485 = arith.truncf %get3A_1484 : vector<8x128xf32> to vector<8x128xbf16>
      %convert_element_type3A_1486 = arith.extf %convert_element_type3A_1485 : vector<8x128xbf16> to vector<8x128xf32>
      %mul3A_1487 = vector.broadcast %slice3A_1479 : vector<8x1xf32> to vector<8x128xf32>
      %mul3A_1488 = arith.mulf %mul3A_1487, %convert_element_type3A_1486 : vector<8x128xf32>
      %add3A_1489 = arith.addf %add3A_1478, %mul3A_1488 : vector<8x128xf32>
      %slice3A_1490 = vector.extract_strided_slice %convert_element_type3A_870 {offsets = [0, 9], sizes = [8, 1], strides = [1, 1]} : vector<8x10xf32> to vector<8x1xf32>
      %get3A_1491 = arith.constant 0 : index
      %get3A_1492 = arith.constant 32 : index
      %get3A_1493 = arith.constant 0 : index
      %get3A_1494 = vector.load %arg7[%get3A_1491, %get3A_1492, %get3A_1493] : memref<3x40x128xf32, #tpu.memory_space<vmem>>, vector<1x8x128xf32>
      %get3A_1495 = vector.shape_cast %get3A_1494 : vector<1x8x128xf32> to vector<8x128xf32>
      %convert_element_type3A_1496 = arith.truncf %get3A_1495 : vector<8x128xf32> to vector<8x128xbf16>
      %convert_element_type3A_1497 = arith.extf %convert_element_type3A_1496 : vector<8x128xbf16> to vector<8x128xf32>
      %mul3A_1498 = vector.broadcast %slice3A_1490 : vector<8x1xf32> to vector<8x128xf32>
      %mul3A_1499 = arith.mulf %mul3A_1498, %convert_element_type3A_1497 : vector<8x128xf32>
      %add3A_1500 = arith.addf %add3A_1489, %mul3A_1499 : vector<8x128xf32>
      %swap3A_1501 = arith.constant 1 : index
      %swap3A_1502 = arith.constant 24 : index
      %swap3A_1503 = arith.constant 0 : index
      %swap3A_1504 = vector.load %arg7[%swap3A_1501, %swap3A_1502, %swap3A_1503] : memref<3x40x128xf32, #tpu.memory_space<vmem>>, vector<1x8x128xf32>
      %swap3A_1505 = vector.shape_cast %swap3A_1504 : vector<1x8x128xf32> to vector<8x128xf32>
      %swap3A_1506 = vector.shape_cast %add3A_1500 : vector<8x128xf32> to vector<1x8x128xf32>
      tpu.vector_store %arg7[%swap3A_1501, %swap3A_1502, %swap3A_1503], %swap3A_1506 {strides = array<i32>} : memref<3x40x128xf32, #tpu.memory_space<vmem>>, vector<1x8x128xf32>,
      %slice3A_1507 = vector.extract_strided_slice %convert_element_type3A_870 {offsets = [0, 3], sizes = [8, 1], strides = [1, 1]} : vector<8x10xf32> to vector<8x1xf32>
      %get3A_1508 = arith.constant 0 : index
      %get3A_1509 = arith.constant 0 : index
      %get3A_1510 = arith.constant 0 : index
      %get3A_1511 = vector.load %arg7[%get3A_1508, %get3A_1509, %get3A_1510] : memref<3x40x128xf32, #tpu.memory_space<vmem>>, vector<1x8x128xf32>
      %get3A_1512 = vector.shape_cast %get3A_1511 : vector<1x8x128xf32> to vector<8x128xf32>
      %convert_element_type3A_1513 = arith.truncf %get3A_1512 : vector<8x128xf32> to vector<8x128xbf16>
      %convert_element_type3A_1514 = arith.extf %convert_element_type3A_1513 : vector<8x128xbf16> to vector<8x128xf32>
      %mul3A_1515 = vector.broadcast %slice3A_1507 : vector<8x1xf32> to vector<8x128xf32>
      %mul3A_1516 = arith.mulf %mul3A_1515, %convert_element_type3A_1514 : vector<8x128xf32>
      %slice3A_1517 = vector.extract_strided_slice %convert_element_type3A_870 {offsets = [0, 6], sizes = [8, 1], strides = [1, 1]} : vector<8x10xf32> to vector<8x1xf32>
      %get3A_1518 = arith.constant 0 : index
      %get3A_1519 = arith.constant 8 : index
      %get3A_1520 = arith.constant 0 : index
      %get3A_1521 = vector.load %arg7[%get3A_1518, %get3A_1519, %get3A_1520] : memref<3x40x128xf32, #tpu.memory_space<vmem>>, vector<1x8x128xf32>
      %get3A_1522 = vector.shape_cast %get3A_1521 : vector<1x8x128xf32> to vector<8x128xf32>
      %convert_element_type3A_1523 = arith.truncf %get3A_1522 : vector<8x128xf32> to vector<8x128xbf16>
      %convert_element_type3A_1524 = arith.extf %convert_element_type3A_1523 : vector<8x128xbf16> to vector<8x128xf32>
      %mul3A_1525 = vector.broadcast %slice3A_1517 : vector<8x1xf32> to vector<8x128xf32>
      %mul3A_1526 = arith.mulf %mul3A_1525, %convert_element_type3A_1524 : vector<8x128xf32>
      %add3A_1527 = arith.addf %mul3A_1516, %mul3A_1526 : vector<8x128xf32>
      %slice3A_1528 = vector.extract_strided_slice %convert_element_type3A_870 {offsets = [0, 8], sizes = [8, 1], strides = [1, 1]} : vector<8x10xf32> to vector<8x1xf32>
      %get3A_1529 = arith.constant 0 : index
      %get3A_1530 = arith.constant 16 : index
      %get3A_1531 = arith.constant 0 : index
      %get3A_1532 = vector.load %arg7[%get3A_1529, %get3A_1530, %get3A_1531] : memref<3x40x128xf32, #tpu.memory_space<vmem>>, vector<1x8x128xf32>
      %get3A_1533 = vector.shape_cast %get3A_1532 : vector<1x8x128xf32> to vector<8x128xf32>
      %convert_element_type3A_1534 = arith.truncf %get3A_1533 : vector<8x128xf32> to vector<8x128xbf16>
      %convert_element_type3A_1535 = arith.extf %convert_element_type3A_1534 : vector<8x128xbf16> to vector<8x128xf32>
      %mul3A_1536 = vector.broadcast %slice3A_1528 : vector<8x1xf32> to vector<8x128xf32>
      %mul3A_1537 = arith.mulf %mul3A_1536, %convert_element_type3A_1535 : vector<8x128xf32>
      %add3A_1538 = arith.addf %add3A_1527, %mul3A_1537 : vector<8x128xf32>
      %slice3A_1539 = vector.extract_strided_slice %convert_element_type3A_870 {offsets = [0, 9], sizes = [8, 1], strides = [1, 1]} : vector<8x10xf32> to vector<8x1xf32>
      %get3A_1540 = arith.constant 0 : index
      %get3A_1541 = arith.constant 24 : index
      %get3A_1542 = arith.constant 0 : index
      %get3A_1543 = vector.load %arg7[%get3A_1540, %get3A_1541, %get3A_1542] : memref<3x40x128xf32, #tpu.memory_space<vmem>>, vector<1x8x128xf32>
      %get3A_1544 = vector.shape_cast %get3A_1543 : vector<1x8x128xf32> to vector<8x128xf32>
      %convert_element_type3A_1545 = arith.truncf %get3A_1544 : vector<8x128xf32> to vector<8x128xbf16>
      %convert_element_type3A_1546 = arith.extf %convert_element_type3A_1545 : vector<8x128xbf16> to vector<8x128xf32>
      %mul3A_1547 = vector.broadcast %slice3A_1539 : vector<8x1xf32> to vector<8x128xf32>
      %mul3A_1548 = arith.mulf %mul3A_1547, %convert_element_type3A_1546 : vector<8x128xf32>
      %add3A_1549 = arith.addf %add3A_1538, %mul3A_1548 : vector<8x128xf32>
      %swap3A_1550 = arith.constant 1 : index
      %swap3A_1551 = arith.constant 32 : index
      %swap3A_1552 = arith.constant 0 : index
      %swap3A_1553 = vector.load %arg7[%swap3A_1550, %swap3A_1551, %swap3A_1552] : memref<3x40x128xf32, #tpu.memory_space<vmem>>, vector<1x8x128xf32>
      %swap3A_1554 = vector.shape_cast %swap3A_1553 : vector<1x8x128xf32> to vector<8x128xf32>
      %swap3A_1555 = vector.shape_cast %add3A_1549 : vector<8x128xf32> to vector<1x8x128xf32>
      tpu.vector_store %arg7[%swap3A_1550, %swap3A_1551, %swap3A_1552], %swap3A_1555 {strides = array<i32>} : memref<3x40x128xf32, #tpu.memory_space<vmem>>, vector<1x8x128xf32>,
      %slice3A_1556 = vector.extract_strided_slice %convert_element_type3A_870 {offsets = [0, 0], sizes = [8, 1], strides = [1, 1]} : vector<8x10xf32> to vector<8x1xf32>
      %get3A_1557 = arith.constant 1 : index
      %get3A_1558 = arith.constant 8 : index
      %get3A_1559 = arith.constant 0 : index
      %get3A_1560 = vector.load %arg7[%get3A_1557, %get3A_1558, %get3A_1559] : memref<3x40x128xf32, #tpu.memory_space<vmem>>, vector<1x8x128xf32>
      %get3A_1561 = vector.shape_cast %get3A_1560 : vector<1x8x128xf32> to vector<8x128xf32>
      %convert_element_type3A_1562 = arith.truncf %get3A_1561 : vector<8x128xf32> to vector<8x128xbf16>
      %convert_element_type3A_1563 = arith.extf %convert_element_type3A_1562 : vector<8x128xbf16> to vector<8x128xf32>
      %mul3A_1564 = vector.broadcast %slice3A_1556 : vector<8x1xf32> to vector<8x128xf32>
      %mul3A_1565 = arith.mulf %mul3A_1564, %convert_element_type3A_1563 : vector<8x128xf32>
      %slice3A_1566 = vector.extract_strided_slice %convert_element_type3A_870 {offsets = [0, 1], sizes = [8, 1], strides = [1, 1]} : vector<8x10xf32> to vector<8x1xf32>
      %get3A_1567 = arith.constant 1 : index
      %get3A_1568 = arith.constant 16 : index
      %get3A_1569 = arith.constant 0 : index
      %get3A_1570 = vector.load %arg7[%get3A_1567, %get3A_1568, %get3A_1569] : memref<3x40x128xf32, #tpu.memory_space<vmem>>, vector<1x8x128xf32>
      %get3A_1571 = vector.shape_cast %get3A_1570 : vector<1x8x128xf32> to vector<8x128xf32>
      %convert_element_type3A_1572 = arith.truncf %get3A_1571 : vector<8x128xf32> to vector<8x128xbf16>
      %convert_element_type3A_1573 = arith.extf %convert_element_type3A_1572 : vector<8x128xbf16> to vector<8x128xf32>
      %mul3A_1574 = vector.broadcast %slice3A_1566 : vector<8x1xf32> to vector<8x128xf32>
      %mul3A_1575 = arith.mulf %mul3A_1574, %convert_element_type3A_1573 : vector<8x128xf32>
      %add3A_1576 = arith.addf %mul3A_1565, %mul3A_1575 : vector<8x128xf32>
      %slice3A_1577 = vector.extract_strided_slice %convert_element_type3A_870 {offsets = [0, 2], sizes = [8, 1], strides = [1, 1]} : vector<8x10xf32> to vector<8x1xf32>
      %get3A_1578 = arith.constant 1 : index
      %get3A_1579 = arith.constant 24 : index
      %get3A_1580 = arith.constant 0 : index
      %get3A_1581 = vector.load %arg7[%get3A_1578, %get3A_1579, %get3A_1580] : memref<3x40x128xf32, #tpu.memory_space<vmem>>, vector<1x8x128xf32>
      %get3A_1582 = vector.shape_cast %get3A_1581 : vector<1x8x128xf32> to vector<8x128xf32>
      %convert_element_type3A_1583 = arith.truncf %get3A_1582 : vector<8x128xf32> to vector<8x128xbf16>
      %convert_element_type3A_1584 = arith.extf %convert_element_type3A_1583 : vector<8x128xbf16> to vector<8x128xf32>
      %mul3A_1585 = vector.broadcast %slice3A_1577 : vector<8x1xf32> to vector<8x128xf32>
      %mul3A_1586 = arith.mulf %mul3A_1585, %convert_element_type3A_1584 : vector<8x128xf32>
      %add3A_1587 = arith.addf %add3A_1576, %mul3A_1586 : vector<8x128xf32>
      %slice3A_1588 = vector.extract_strided_slice %convert_element_type3A_870 {offsets = [0, 3], sizes = [8, 1], strides = [1, 1]} : vector<8x10xf32> to vector<8x1xf32>
      %get3A_1589 = arith.constant 1 : index
      %get3A_1590 = arith.constant 32 : index
      %get3A_1591 = arith.constant 0 : index
      %get3A_1592 = vector.load %arg7[%get3A_1589, %get3A_1590, %get3A_1591] : memref<3x40x128xf32, #tpu.memory_space<vmem>>, vector<1x8x128xf32>
      %get3A_1593 = vector.shape_cast %get3A_1592 : vector<1x8x128xf32> to vector<8x128xf32>
      %convert_element_type3A_1594 = arith.truncf %get3A_1593 : vector<8x128xf32> to vector<8x128xbf16>
      %convert_element_type3A_1595 = arith.extf %convert_element_type3A_1594 : vector<8x128xbf16> to vector<8x128xf32>
      %mul3A_1596 = vector.broadcast %slice3A_1588 : vector<8x1xf32> to vector<8x128xf32>
      %mul3A_1597 = arith.mulf %mul3A_1596, %convert_element_type3A_1595 : vector<8x128xf32>
      %add3A_1598 = arith.addf %add3A_1587, %mul3A_1597 : vector<8x128xf32>
      %swap3A_1599 = arith.constant 2 : index
      %swap3A_1600 = arith.constant 0 : index
      %swap3A_1601 = arith.constant 0 : index
      %swap3A_1602 = vector.load %arg7[%swap3A_1599, %swap3A_1600, %swap3A_1601] : memref<3x40x128xf32, #tpu.memory_space<vmem>>, vector<1x8x128xf32>
      %swap3A_1603 = vector.shape_cast %swap3A_1602 : vector<1x8x128xf32> to vector<8x128xf32>
      %swap3A_1604 = vector.shape_cast %add3A_1598 : vector<8x128xf32> to vector<1x8x128xf32>
      tpu.vector_store %arg7[%swap3A_1599, %swap3A_1600, %swap3A_1601], %swap3A_1604 {strides = array<i32>} : memref<3x40x128xf32, #tpu.memory_space<vmem>>, vector<1x8x128xf32>,
      %slice3A_1605 = vector.extract_strided_slice %convert_element_type3A_870 {offsets = [0, 0], sizes = [8, 1], strides = [1, 1]} : vector<8x10xf32> to vector<8x1xf32>
      %get3A_1606 = arith.constant 1 : index
      %get3A_1607 = arith.constant 0 : index
      %get3A_1608 = arith.constant 0 : index
      %get3A_1609 = vector.load %arg7[%get3A_1606, %get3A_1607, %get3A_1608] : memref<3x40x128xf32, #tpu.memory_space<vmem>>, vector<1x8x128xf32>
      %get3A_1610 = vector.shape_cast %get3A_1609 : vector<1x8x128xf32> to vector<8x128xf32>
      %convert_element_type3A_1611 = arith.truncf %get3A_1610 : vector<8x128xf32> to vector<8x128xbf16>
      %convert_element_type3A_1612 = arith.extf %convert_element_type3A_1611 : vector<8x128xbf16> to vector<8x128xf32>
      %mul3A_1613 = vector.broadcast %slice3A_1605 : vector<8x1xf32> to vector<8x128xf32>
      %mul3A_1614 = arith.mulf %mul3A_1613, %convert_element_type3A_1612 : vector<8x128xf32>
      %slice3A_1615 = vector.extract_strided_slice %convert_element_type3A_870 {offsets = [0, 4], sizes = [8, 1], strides = [1, 1]} : vector<8x10xf32> to vector<8x1xf32>
      %get3A_1616 = arith.constant 1 : index
      %get3A_1617 = arith.constant 16 : index
      %get3A_1618 = arith.constant 0 : index
      %get3A_1619 = vector.load %arg7[%get3A_1616, %get3A_1617, %get3A_1618] : memref<3x40x128xf32, #tpu.memory_space<vmem>>, vector<1x8x128xf32>
      %get3A_1620 = vector.shape_cast %get3A_1619 : vector<1x8x128xf32> to vector<8x128xf32>
      %convert_element_type3A_1621 = arith.truncf %get3A_1620 : vector<8x128xf32> to vector<8x128xbf16>
      %convert_element_type3A_1622 = arith.extf %convert_element_type3A_1621 : vector<8x128xbf16> to vector<8x128xf32>
      %mul3A_1623 = vector.broadcast %slice3A_1615 : vector<8x1xf32> to vector<8x128xf32>
      %mul3A_1624 = arith.mulf %mul3A_1623, %convert_element_type3A_1622 : vector<8x128xf32>
      %add3A_1625 = arith.addf %mul3A_1614, %mul3A_1624 : vector<8x128xf32>
      %slice3A_1626 = vector.extract_strided_slice %convert_element_type3A_870 {offsets = [0, 5], sizes = [8, 1], strides = [1, 1]} : vector<8x10xf32> to vector<8x1xf32>
      %get3A_1627 = arith.constant 1 : index
      %get3A_1628 = arith.constant 24 : index
      %get3A_1629 = arith.constant 0 : index
      %get3A_1630 = vector.load %arg7[%get3A_1627, %get3A_1628, %get3A_1629] : memref<3x40x128xf32, #tpu.memory_space<vmem>>, vector<1x8x128xf32>
      %get3A_1631 = vector.shape_cast %get3A_1630 : vector<1x8x128xf32> to vector<8x128xf32>
      %convert_element_type3A_1632 = arith.truncf %get3A_1631 : vector<8x128xf32> to vector<8x128xbf16>
      %convert_element_type3A_1633 = arith.extf %convert_element_type3A_1632 : vector<8x128xbf16> to vector<8x128xf32>
      %mul3A_1634 = vector.broadcast %slice3A_1626 : vector<8x1xf32> to vector<8x128xf32>
      %mul3A_1635 = arith.mulf %mul3A_1634, %convert_element_type3A_1633 : vector<8x128xf32>
      %add3A_1636 = arith.addf %add3A_1625, %mul3A_1635 : vector<8x128xf32>
      %slice3A_1637 = vector.extract_strided_slice %convert_element_type3A_870 {offsets = [0, 6], sizes = [8, 1], strides = [1, 1]} : vector<8x10xf32> to vector<8x1xf32>
      %get3A_1638 = arith.constant 1 : index
      %get3A_1639 = arith.constant 32 : index
      %get3A_1640 = arith.constant 0 : index
      %get3A_1641 = vector.load %arg7[%get3A_1638, %get3A_1639, %get3A_1640] : memref<3x40x128xf32, #tpu.memory_space<vmem>>, vector<1x8x128xf32>
      %get3A_1642 = vector.shape_cast %get3A_1641 : vector<1x8x128xf32> to vector<8x128xf32>
      %convert_element_type3A_1643 = arith.truncf %get3A_1642 : vector<8x128xf32> to vector<8x128xbf16>
      %convert_element_type3A_1644 = arith.extf %convert_element_type3A_1643 : vector<8x128xbf16> to vector<8x128xf32>
      %mul3A_1645 = vector.broadcast %slice3A_1637 : vector<8x1xf32> to vector<8x128xf32>
      %mul3A_1646 = arith.mulf %mul3A_1645, %convert_element_type3A_1644 : vector<8x128xf32>
      %add3A_1647 = arith.addf %add3A_1636, %mul3A_1646 : vector<8x128xf32>
      %swap3A_1648 = arith.constant 2 : index
      %swap3A_1649 = arith.constant 8 : index
      %swap3A_1650 = arith.constant 0 : index
      %swap3A_1651 = vector.load %arg7[%swap3A_1648, %swap3A_1649, %swap3A_1650] : memref<3x40x128xf32, #tpu.memory_space<vmem>>, vector<1x8x128xf32>
      %swap3A_1652 = vector.shape_cast %swap3A_1651 : vector<1x8x128xf32> to vector<8x128xf32>
      %swap3A_1653 = vector.shape_cast %add3A_1647 : vector<8x128xf32> to vector<1x8x128xf32>
      tpu.vector_store %arg7[%swap3A_1648, %swap3A_1649, %swap3A_1650], %swap3A_1653 {strides = array<i32>} : memref<3x40x128xf32, #tpu.memory_space<vmem>>, vector<1x8x128xf32>,
      %slice3A_1654 = vector.extract_strided_slice %convert_element_type3A_870 {offsets = [0, 1], sizes = [8, 1], strides = [1, 1]} : vector<8x10xf32> to vector<8x1xf32>
      %get3A_1655 = arith.constant 1 : index
      %get3A_1656 = arith.constant 0 : index
      %get3A_1657 = arith.constant 0 : index
      %get3A_1658 = vector.load %arg7[%get3A_1655, %get3A_1656, %get3A_1657] : memref<3x40x128xf32, #tpu.memory_space<vmem>>, vector<1x8x128xf32>
      %get3A_1659 = vector.shape_cast %get3A_1658 : vector<1x8x128xf32> to vector<8x128xf32>
      %convert_element_type3A_1660 = arith.truncf %get3A_1659 : vector<8x128xf32> to vector<8x128xbf16>
      %convert_element_type3A_1661 = arith.extf %convert_element_type3A_1660 : vector<8x128xbf16> to vector<8x128xf32>
      %mul3A_1662 = vector.broadcast %slice3A_1654 : vector<8x1xf32> to vector<8x128xf32>
      %mul3A_1663 = arith.mulf %mul3A_1662, %convert_element_type3A_1661 : vector<8x128xf32>
      %slice3A_1664 = vector.extract_strided_slice %convert_element_type3A_870 {offsets = [0, 4], sizes = [8, 1], strides = [1, 1]} : vector<8x10xf32> to vector<8x1xf32>
      %get3A_1665 = arith.constant 1 : index
      %get3A_1666 = arith.constant 8 : index
      %get3A_1667 = arith.constant 0 : index
      %get3A_1668 = vector.load %arg7[%get3A_1665, %get3A_1666, %get3A_1667] : memref<3x40x128xf32, #tpu.memory_space<vmem>>, vector<1x8x128xf32>
      %get3A_1669 = vector.shape_cast %get3A_1668 : vector<1x8x128xf32> to vector<8x128xf32>
      %convert_element_type3A_1670 = arith.truncf %get3A_1669 : vector<8x128xf32> to vector<8x128xbf16>
      %convert_element_type3A_1671 = arith.extf %convert_element_type3A_1670 : vector<8x128xbf16> to vector<8x128xf32>
      %mul3A_1672 = vector.broadcast %slice3A_1664 : vector<8x1xf32> to vector<8x128xf32>
      %mul3A_1673 = arith.mulf %mul3A_1672, %convert_element_type3A_1671 : vector<8x128xf32>
      %add3A_1674 = arith.addf %mul3A_1663, %mul3A_1673 : vector<8x128xf32>
      %slice3A_1675 = vector.extract_strided_slice %convert_element_type3A_870 {offsets = [0, 7], sizes = [8, 1], strides = [1, 1]} : vector<8x10xf32> to vector<8x1xf32>
      %get3A_1676 = arith.constant 1 : index
      %get3A_1677 = arith.constant 24 : index
      %get3A_1678 = arith.constant 0 : index
      %get3A_1679 = vector.load %arg7[%get3A_1676, %get3A_1677, %get3A_1678] : memref<3x40x128xf32, #tpu.memory_space<vmem>>, vector<1x8x128xf32>
      %get3A_1680 = vector.shape_cast %get3A_1679 : vector<1x8x128xf32> to vector<8x128xf32>
      %convert_element_type3A_1681 = arith.truncf %get3A_1680 : vector<8x128xf32> to vector<8x128xbf16>
      %convert_element_type3A_1682 = arith.extf %convert_element_type3A_1681 : vector<8x128xbf16> to vector<8x128xf32>
      %mul3A_1683 = vector.broadcast %slice3A_1675 : vector<8x1xf32> to vector<8x128xf32>
      %mul3A_1684 = arith.mulf %mul3A_1683, %convert_element_type3A_1682 : vector<8x128xf32>
      %add3A_1685 = arith.addf %add3A_1674, %mul3A_1684 : vector<8x128xf32>
      %slice3A_1686 = vector.extract_strided_slice %convert_element_type3A_870 {offsets = [0, 8], sizes = [8, 1], strides = [1, 1]} : vector<8x10xf32> to vector<8x1xf32>
      %get3A_1687 = arith.constant 1 : index
      %get3A_1688 = arith.constant 32 : index
      %get3A_1689 = arith.constant 0 : index
      %get3A_1690 = vector.load %arg7[%get3A_1687, %get3A_1688, %get3A_1689] : memref<3x40x128xf32, #tpu.memory_space<vmem>>, vector<1x8x128xf32>
      %get3A_1691 = vector.shape_cast %get3A_1690 : vector<1x8x128xf32> to vector<8x128xf32>
      %convert_element_type3A_1692 = arith.truncf %get3A_1691 : vector<8x128xf32> to vector<8x128xbf16>
      %convert_element_type3A_1693 = arith.extf %convert_element_type3A_1692 : vector<8x128xbf16> to vector<8x128xf32>
      %mul3A_1694 = vector.broadcast %slice3A_1686 : vector<8x1xf32> to vector<8x128xf32>
      %mul3A_1695 = arith.mulf %mul3A_1694, %convert_element_type3A_1693 : vector<8x128xf32>
      %add3A_1696 = arith.addf %add3A_1685, %mul3A_1695 : vector<8x128xf32>
      %swap3A_1697 = arith.constant 2 : index
      %swap3A_1698 = arith.constant 16 : index
      %swap3A_1699 = arith.constant 0 : index
      %swap3A_1700 = vector.load %arg7[%swap3A_1697, %swap3A_1698, %swap3A_1699] : memref<3x40x128xf32, #tpu.memory_space<vmem>>, vector<1x8x128xf32>
      %swap3A_1701 = vector.shape_cast %swap3A_1700 : vector<1x8x128xf32> to vector<8x128xf32>
      %swap3A_1702 = vector.shape_cast %add3A_1696 : vector<8x128xf32> to vector<1x8x128xf32>
      tpu.vector_store %arg7[%swap3A_1697, %swap3A_1698, %swap3A_1699], %swap3A_1702 {strides = array<i32>} : memref<3x40x128xf32, #tpu.memory_space<vmem>>, vector<1x8x128xf32>,
      %slice3A_1703 = vector.extract_strided_slice %convert_element_type3A_870 {offsets = [0, 2], sizes = [8, 1], strides = [1, 1]} : vector<8x10xf32> to vector<8x1xf32>
      %get3A_1704 = arith.constant 1 : index
      %get3A_1705 = arith.constant 0 : index
      %get3A_1706 = arith.constant 0 : index
      %get3A_1707 = vector.load %arg7[%get3A_1704, %get3A_1705, %get3A_1706] : memref<3x40x128xf32, #tpu.memory_space<vmem>>, vector<1x8x128xf32>
      %get3A_1708 = vector.shape_cast %get3A_1707 : vector<1x8x128xf32> to vector<8x128xf32>
      %convert_element_type3A_1709 = arith.truncf %get3A_1708 : vector<8x128xf32> to vector<8x128xbf16>
      %convert_element_type3A_1710 = arith.extf %convert_element_type3A_1709 : vector<8x128xbf16> to vector<8x128xf32>
      %mul3A_1711 = vector.broadcast %slice3A_1703 : vector<8x1xf32> to vector<8x128xf32>
      %mul3A_1712 = arith.mulf %mul3A_1711, %convert_element_type3A_1710 : vector<8x128xf32>
      %slice3A_1713 = vector.extract_strided_slice %convert_element_type3A_870 {offsets = [0, 5], sizes = [8, 1], strides = [1, 1]} : vector<8x10xf32> to vector<8x1xf32>
      %get3A_1714 = arith.constant 1 : index
      %get3A_1715 = arith.constant 8 : index
      %get3A_1716 = arith.constant 0 : index
      %get3A_1717 = vector.load %arg7[%get3A_1714, %get3A_1715, %get3A_1716] : memref<3x40x128xf32, #tpu.memory_space<vmem>>, vector<1x8x128xf32>
      %get3A_1718 = vector.shape_cast %get3A_1717 : vector<1x8x128xf32> to vector<8x128xf32>
      %convert_element_type3A_1719 = arith.truncf %get3A_1718 : vector<8x128xf32> to vector<8x128xbf16>
      %convert_element_type3A_1720 = arith.extf %convert_element_type3A_1719 : vector<8x128xbf16> to vector<8x128xf32>
      %mul3A_1721 = vector.broadcast %slice3A_1713 : vector<8x1xf32> to vector<8x128xf32>
      %mul3A_1722 = arith.mulf %mul3A_1721, %convert_element_type3A_1720 : vector<8x128xf32>
      %add3A_1723 = arith.addf %mul3A_1712, %mul3A_1722 : vector<8x128xf32>
      %slice3A_1724 = vector.extract_strided_slice %convert_element_type3A_870 {offsets = [0, 7], sizes = [8, 1], strides = [1, 1]} : vector<8x10xf32> to vector<8x1xf32>
      %get3A_1725 = arith.constant 1 : index
      %get3A_1726 = arith.constant 16 : index
      %get3A_1727 = arith.constant 0 : index
      %get3A_1728 = vector.load %arg7[%get3A_1725, %get3A_1726, %get3A_1727] : memref<3x40x128xf32, #tpu.memory_space<vmem>>, vector<1x8x128xf32>
      %get3A_1729 = vector.shape_cast %get3A_1728 : vector<1x8x128xf32> to vector<8x128xf32>
      %convert_element_type3A_1730 = arith.truncf %get3A_1729 : vector<8x128xf32> to vector<8x128xbf16>
      %convert_element_type3A_1731 = arith.extf %convert_element_type3A_1730 : vector<8x128xbf16> to vector<8x128xf32>
      %mul3A_1732 = vector.broadcast %slice3A_1724 : vector<8x1xf32> to vector<8x128xf32>
      %mul3A_1733 = arith.mulf %mul3A_1732, %convert_element_type3A_1731 : vector<8x128xf32>
      %add3A_1734 = arith.addf %add3A_1723, %mul3A_1733 : vector<8x128xf32>
      %slice3A_1735 = vector.extract_strided_slice %convert_element_type3A_870 {offsets = [0, 9], sizes = [8, 1], strides = [1, 1]} : vector<8x10xf32> to vector<8x1xf32>
      %get3A_1736 = arith.constant 1 : index
      %get3A_1737 = arith.constant 32 : index
      %get3A_1738 = arith.constant 0 : index
      %get3A_1739 = vector.load %arg7[%get3A_1736, %get3A_1737, %get3A_1738] : memref<3x40x128xf32, #tpu.memory_space<vmem>>, vector<1x8x128xf32>
      %get3A_1740 = vector.shape_cast %get3A_1739 : vector<1x8x128xf32> to vector<8x128xf32>
      %convert_element_type3A_1741 = arith.truncf %get3A_1740 : vector<8x128xf32> to vector<8x128xbf16>
      %convert_element_type3A_1742 = arith.extf %convert_element_type3A_1741 : vector<8x128xbf16> to vector<8x128xf32>
      %mul3A_1743 = vector.broadcast %slice3A_1735 : vector<8x1xf32> to vector<8x128xf32>
      %mul3A_1744 = arith.mulf %mul3A_1743, %convert_element_type3A_1742 : vector<8x128xf32>
      %add3A_1745 = arith.addf %add3A_1734, %mul3A_1744 : vector<8x128xf32>
      %swap3A_1746 = arith.constant 2 : index
      %swap3A_1747 = arith.constant 24 : index
      %swap3A_1748 = arith.constant 0 : index
      %swap3A_1749 = vector.load %arg7[%swap3A_1746, %swap3A_1747, %swap3A_1748] : memref<3x40x128xf32, #tpu.memory_space<vmem>>, vector<1x8x128xf32>
      %swap3A_1750 = vector.shape_cast %swap3A_1749 : vector<1x8x128xf32> to vector<8x128xf32>
      %swap3A_1751 = vector.shape_cast %add3A_1745 : vector<8x128xf32> to vector<1x8x128xf32>
      tpu.vector_store %arg7[%swap3A_1746, %swap3A_1747, %swap3A_1748], %swap3A_1751 {strides = array<i32>} : memref<3x40x128xf32, #tpu.memory_space<vmem>>, vector<1x8x128xf32>,
      %slice3A_1752 = vector.extract_strided_slice %convert_element_type3A_870 {offsets = [0, 3], sizes = [8, 1], strides = [1, 1]} : vector<8x10xf32> to vector<8x1xf32>
      %get3A_1753 = arith.constant 1 : index
      %get3A_1754 = arith.constant 0 : index
      %get3A_1755 = arith.constant 0 : index
      %get3A_1756 = vector.load %arg7[%get3A_1753, %get3A_1754, %get3A_1755] : memref<3x40x128xf32, #tpu.memory_space<vmem>>, vector<1x8x128xf32>
      %get3A_1757 = vector.shape_cast %get3A_1756 : vector<1x8x128xf32> to vector<8x128xf32>
      %convert_element_type3A_1758 = arith.truncf %get3A_1757 : vector<8x128xf32> to vector<8x128xbf16>
      %convert_element_type3A_1759 = arith.extf %convert_element_type3A_1758 : vector<8x128xbf16> to vector<8x128xf32>
      %mul3A_1760 = vector.broadcast %slice3A_1752 : vector<8x1xf32> to vector<8x128xf32>
      %mul3A_1761 = arith.mulf %mul3A_1760, %convert_element_type3A_1759 : vector<8x128xf32>
      %slice3A_1762 = vector.extract_strided_slice %convert_element_type3A_870 {offsets = [0, 6], sizes = [8, 1], strides = [1, 1]} : vector<8x10xf32> to vector<8x1xf32>
      %get3A_1763 = arith.constant 1 : index
      %get3A_1764 = arith.constant 8 : index
      %get3A_1765 = arith.constant 0 : index
      %get3A_1766 = vector.load %arg7[%get3A_1763, %get3A_1764, %get3A_1765] : memref<3x40x128xf32, #tpu.memory_space<vmem>>, vector<1x8x128xf32>
      %get3A_1767 = vector.shape_cast %get3A_1766 : vector<1x8x128xf32> to vector<8x128xf32>
      %convert_element_type3A_1768 = arith.truncf %get3A_1767 : vector<8x128xf32> to vector<8x128xbf16>
      %convert_element_type3A_1769 = arith.extf %convert_element_type3A_1768 : vector<8x128xbf16> to vector<8x128xf32>
      %mul3A_1770 = vector.broadcast %slice3A_1762 : vector<8x1xf32> to vector<8x128xf32>
      %mul3A_1771 = arith.mulf %mul3A_1770, %convert_element_type3A_1769 : vector<8x128xf32>
      %add3A_1772 = arith.addf %mul3A_1761, %mul3A_1771 : vector<8x128xf32>
      %slice3A_1773 = vector.extract_strided_slice %convert_element_type3A_870 {offsets = [0, 8], sizes = [8, 1], strides = [1, 1]} : vector<8x10xf32> to vector<8x1xf32>
      %get3A_1774 = arith.constant 1 : index
      %get3A_1775 = arith.constant 16 : index
      %get3A_1776 = arith.constant 0 : index
      %get3A_1777 = vector.load %arg7[%get3A_1774, %get3A_1775, %get3A_1776] : memref<3x40x128xf32, #tpu.memory_space<vmem>>, vector<1x8x128xf32>
      %get3A_1778 = vector.shape_cast %get3A_1777 : vector<1x8x128xf32> to vector<8x128xf32>
      %convert_element_type3A_1779 = arith.truncf %get3A_1778 : vector<8x128xf32> to vector<8x128xbf16>
      %convert_element_type3A_1780 = arith.extf %convert_element_type3A_1779 : vector<8x128xbf16> to vector<8x128xf32>
      %mul3A_1781 = vector.broadcast %slice3A_1773 : vector<8x1xf32> to vector<8x128xf32>
      %mul3A_1782 = arith.mulf %mul3A_1781, %convert_element_type3A_1780 : vector<8x128xf32>
      %add3A_1783 = arith.addf %add3A_1772, %mul3A_1782 : vector<8x128xf32>
      %slice3A_1784 = vector.extract_strided_slice %convert_element_type3A_870 {offsets = [0, 9], sizes = [8, 1], strides = [1, 1]} : vector<8x10xf32> to vector<8x1xf32>
      %get3A_1785 = arith.constant 1 : index
      %get3A_1786 = arith.constant 24 : index
      %get3A_1787 = arith.constant 0 : index
      %get3A_1788 = vector.load %arg7[%get3A_1785, %get3A_1786, %get3A_1787] : memref<3x40x128xf32, #tpu.memory_space<vmem>>, vector<1x8x128xf32>
      %get3A_1789 = vector.shape_cast %get3A_1788 : vector<1x8x128xf32> to vector<8x128xf32>
      %convert_element_type3A_1790 = arith.truncf %get3A_1789 : vector<8x128xf32> to vector<8x128xbf16>
      %convert_element_type3A_1791 = arith.extf %convert_element_type3A_1790 : vector<8x128xbf16> to vector<8x128xf32>
      %mul3A_1792 = vector.broadcast %slice3A_1784 : vector<8x1xf32> to vector<8x128xf32>
      %mul3A_1793 = arith.mulf %mul3A_1792, %convert_element_type3A_1791 : vector<8x128xf32>
      %add3A_1794 = arith.addf %add3A_1783, %mul3A_1793 : vector<8x128xf32>
      %swap3A_1795 = arith.constant 2 : index
      %swap3A_1796 = arith.constant 32 : index
      %swap3A_1797 = arith.constant 0 : index
      %swap3A_1798 = vector.load %arg7[%swap3A_1795, %swap3A_1796, %swap3A_1797] : memref<3x40x128xf32, #tpu.memory_space<vmem>>, vector<1x8x128xf32>
      %swap3A_1799 = vector.shape_cast %swap3A_1798 : vector<1x8x128xf32> to vector<8x128xf32>
      %swap3A_1800 = vector.shape_cast %add3A_1794 : vector<8x128xf32> to vector<1x8x128xf32>
      tpu.vector_store %arg7[%swap3A_1795, %swap3A_1796, %swap3A_1797], %swap3A_1800 {strides = array<i32>} : memref<3x40x128xf32, #tpu.memory_space<vmem>>, vector<1x8x128xf32>,
      %broadcast_in_dim3A_1801 = arith.constant 1.000000e+00 : bf16
      %broadcast_in_dim3A_1802 = vector.broadcast %broadcast_in_dim3A_1801 : bf16 to vector<128x1xbf16>
      %get3A_1803 = arith.constant 0 : index
      %get3A_1804 = arith.constant 0 : index
      %get3A_1805 = arith.constant 0 : index
      %get3A_1806 = vector.load %arg7[%get3A_1803, %get3A_1804, %get3A_1805] : memref<3x40x128xf32, #tpu.memory_space<vmem>>, vector<1x40x128xf32>
      %get3A_1807 = vector.shape_cast %get3A_1806 : vector<1x40x128xf32> to vector<40x128xf32>
      %convert_element_type3A_1808 = arith.truncf %get3A_1807 : vector<40x128xf32> to vector<40x128xbf16>
      %swap3A_1809 = arith.constant 0 : index
      %swap3A_1810 = arith.constant 0 : index
      %swap3A_1811 = arith.constant 0 : index
      %swap3A_1812 = vector.load %arg8[%swap3A_1809, %swap3A_1810, %swap3A_1811] : memref<3x40x128xbf16, #tpu.memory_space<vmem>>, vector<1x40x128xbf16>
      %swap3A_1813 = vector.shape_cast %swap3A_1812 : vector<1x40x128xbf16> to vector<40x128xbf16>
      %swap3A_1814 = vector.shape_cast %convert_element_type3A_1808 : vector<40x128xbf16> to vector<1x40x128xbf16>
      tpu.vector_store %arg8[%swap3A_1809, %swap3A_1810, %swap3A_1811], %swap3A_1814 {strides = array<i32>} : memref<3x40x128xbf16, #tpu.memory_space<vmem>>, vector<1x40x128xbf16>,
      %mul3A_1815 = arith.mulf %get3A_1807, %get3A_1807 : vector<40x128xf32>
      %convert_element_type3A_1816 = arith.truncf %mul3A_1815 : vector<40x128xf32> to vector<40x128xbf16>
      %dot_general3A_1817 = arith.constant dense<0.000000e+00> : vector<40x1xf32>
      %dot_general3A_1818 = tpu.matmul %convert_element_type3A_1816, %broadcast_in_dim3A_1802, %dot_general3A_1817 {dimension_numbers = #tpu.dot_dimension_numbers<[1], [0], [0], [1], [0, 0, 1, 1], [], []>, transpose_lhs_hint = false} : vector<40x128xbf16>, vector<128x1xbf16>, vector<40x1xf32> -> vector<40x1xf32>
      %swap3A_1819 = arith.constant 0 : index
      %swap3A_1820 = arith.constant 0 : index
      %swap3A_1821 = arith.constant 0 : index
      %swap3A_1822 = vector.load %arg9[%swap3A_1819, %swap3A_1820, %swap3A_1821] : memref<3x40x1xf32, #tpu.memory_space<vmem>>, vector<1x40x1xf32>
      %swap3A_1823 = vector.shape_cast %swap3A_1822 : vector<1x40x1xf32> to vector<40x1xf32>
      %swap3A_1824 = vector.shape_cast %dot_general3A_1818 : vector<40x1xf32> to vector<1x40x1xf32>
      tpu.vector_store %arg9[%swap3A_1819, %swap3A_1820, %swap3A_1821], %swap3A_1824 {strides = array<i32>} : memref<3x40x1xf32, #tpu.memory_space<vmem>>, vector<1x40x1xf32>,
      %get3A_1825 = arith.constant 1 : index
      %get3A_1826 = arith.constant 0 : index
      %get3A_1827 = arith.constant 0 : index
      %get3A_1828 = vector.load %arg7[%get3A_1825, %get3A_1826, %get3A_1827] : memref<3x40x128xf32, #tpu.memory_space<vmem>>, vector<1x40x128xf32>
      %get3A_1829 = vector.shape_cast %get3A_1828 : vector<1x40x128xf32> to vector<40x128xf32>
      %convert_element_type3A_1830 = arith.truncf %get3A_1829 : vector<40x128xf32> to vector<40x128xbf16>
      %swap3A_1831 = arith.constant 1 : index
      %swap3A_1832 = arith.constant 0 : index
      %swap3A_1833 = arith.constant 0 : index
      %swap3A_1834 = vector.load %arg8[%swap3A_1831, %swap3A_1832, %swap3A_1833] : memref<3x40x128xbf16, #tpu.memory_space<vmem>>, vector<1x40x128xbf16>
      %swap3A_1835 = vector.shape_cast %swap3A_1834 : vector<1x40x128xbf16> to vector<40x128xbf16>
      %swap3A_1836 = vector.shape_cast %convert_element_type3A_1830 : vector<40x128xbf16> to vector<1x40x128xbf16>
      tpu.vector_store %arg8[%swap3A_1831, %swap3A_1832, %swap3A_1833], %swap3A_1836 {strides = array<i32>} : memref<3x40x128xbf16, #tpu.memory_space<vmem>>, vector<1x40x128xbf16>,
      %mul3A_1837 = arith.mulf %get3A_1829, %get3A_1829 : vector<40x128xf32>
      %convert_element_type3A_1838 = arith.truncf %mul3A_1837 : vector<40x128xf32> to vector<40x128xbf16>
      %dot_general3A_1839 = arith.constant dense<0.000000e+00> : vector<40x1xf32>
      %dot_general3A_1840 = tpu.matmul %convert_element_type3A_1838, %broadcast_in_dim3A_1802, %dot_general3A_1839 {dimension_numbers = #tpu.dot_dimension_numbers<[1], [0], [0], [1], [0, 0, 1, 1], [], []>, transpose_lhs_hint = false} : vector<40x128xbf16>, vector<128x1xbf16>, vector<40x1xf32> -> vector<40x1xf32>
      %swap3A_1841 = arith.constant 1 : index
      %swap3A_1842 = arith.constant 0 : index
      %swap3A_1843 = arith.constant 0 : index
      %swap3A_1844 = vector.load %arg9[%swap3A_1841, %swap3A_1842, %swap3A_1843] : memref<3x40x1xf32, #tpu.memory_space<vmem>>, vector<1x40x1xf32>
      %swap3A_1845 = vector.shape_cast %swap3A_1844 : vector<1x40x1xf32> to vector<40x1xf32>
      %swap3A_1846 = vector.shape_cast %dot_general3A_1840 : vector<40x1xf32> to vector<1x40x1xf32>
      tpu.vector_store %arg9[%swap3A_1841, %swap3A_1842, %swap3A_1843], %swap3A_1846 {strides = array<i32>} : memref<3x40x1xf32, #tpu.memory_space<vmem>>, vector<1x40x1xf32>,
      %get3A_1847 = arith.constant 2 : index
      %get3A_1848 = arith.constant 0 : index
      %get3A_1849 = arith.constant 0 : index
      %get3A_1850 = vector.load %arg7[%get3A_1847, %get3A_1848, %get3A_1849] : memref<3x40x128xf32, #tpu.memory_space<vmem>>, vector<1x40x128xf32>
      %get3A_1851 = vector.shape_cast %get3A_1850 : vector<1x40x128xf32> to vector<40x128xf32>
      %convert_element_type3A_1852 = arith.truncf %get3A_1851 : vector<40x128xf32> to vector<40x128xbf16>
      %swap3A_1853 = arith.constant 2 : index
      %swap3A_1854 = arith.constant 0 : index
      %swap3A_1855 = arith.constant 0 : index
      %swap3A_1856 = vector.load %arg8[%swap3A_1853, %swap3A_1854, %swap3A_1855] : memref<3x40x128xbf16, #tpu.memory_space<vmem>>, vector<1x40x128xbf16>
      %swap3A_1857 = vector.shape_cast %swap3A_1856 : vector<1x40x128xbf16> to vector<40x128xbf16>
      %swap3A_1858 = vector.shape_cast %convert_element_type3A_1852 : vector<40x128xbf16> to vector<1x40x128xbf16>
      tpu.vector_store %arg8[%swap3A_1853, %swap3A_1854, %swap3A_1855], %swap3A_1858 {strides = array<i32>} : memref<3x40x128xbf16, #tpu.memory_space<vmem>>, vector<1x40x128xbf16>,
      %mul3A_1859 = arith.mulf %get3A_1851, %get3A_1851 : vector<40x128xf32>
      %convert_element_type3A_1860 = arith.truncf %mul3A_1859 : vector<40x128xf32> to vector<40x128xbf16>
      %dot_general3A_1861 = arith.constant dense<0.000000e+00> : vector<40x1xf32>
      %dot_general3A_1862 = tpu.matmul %convert_element_type3A_1860, %broadcast_in_dim3A_1802, %dot_general3A_1861 {dimension_numbers = #tpu.dot_dimension_numbers<[1], [0], [0], [1], [0, 0, 1, 1], [], []>, transpose_lhs_hint = false} : vector<40x128xbf16>, vector<128x1xbf16>, vector<40x1xf32> -> vector<40x1xf32>
      %swap3A_1863 = arith.constant 2 : index
      %swap3A_1864 = arith.constant 0 : index
      %swap3A_1865 = arith.constant 0 : index
      %swap3A_1866 = vector.load %arg9[%swap3A_1863, %swap3A_1864, %swap3A_1865] : memref<3x40x1xf32, #tpu.memory_space<vmem>>, vector<1x40x1xf32>
      %swap3A_1867 = vector.shape_cast %swap3A_1866 : vector<1x40x1xf32> to vector<40x1xf32>
      %swap3A_1868 = vector.shape_cast %dot_general3A_1862 : vector<40x1xf32> to vector<1x40x1xf32>
      tpu.vector_store %arg9[%swap3A_1863, %swap3A_1864, %swap3A_1865], %swap3A_1868 {strides = array<i32>} : memref<3x40x1xf32, #tpu.memory_space<vmem>>, vector<1x40x1xf32>,
    } else {
    }
    %get3A = arith.constant 0 : index
    %get3A_2 = arith.constant 0 : index
    %get3A_3 = vector.load %arg3[%get3A, %get3A_2] : memref<512x5xi32, #tpu.memory_space<vmem>>, vector<512x5xi32>
    %lt3A = arith.constant 100000 : i32
    %lt3A_4 = vector.broadcast %lt3A : i32 to vector<512x5xi32>
    %lt3A_5 = arith.cmpi slt, %get3A_3, %lt3A_4 : vector<512x5xi32>
    %convert_element_type3A_6 = arith.extui %lt3A_5 : vector<512x5xi1> to vector<512x5xi32>
    %convert_element_type3A_7 = arith.sitofp %convert_element_type3A_6 : vector<512x5xi32> to vector<512x5xf32>
    %get3A_8 = arith.constant 0 : index
    %get3A_9 = arith.constant 0 : index
    %get3A_10 = arith.constant 0 : index
    %get3A_11 = vector.load %arg1[%get3A_8, %get3A_9, %get3A_10] : memref<5x512x128xf32, #tpu.memory_space<vmem>>, vector<1x512x128xf32>
    %get3A_12 = vector.shape_cast %get3A_11 : vector<1x512x128xf32> to vector<512x128xf32>
    %slice3A = vector.extract_strided_slice %convert_element_type3A_7 {offsets = [0, 0], sizes = [512, 1], strides = [1, 1]} : vector<512x5xf32> to vector<512x1xf32>
    %mul3A = vector.broadcast %slice3A : vector<512x1xf32> to vector<512x128xf32>
    %mul3A_13 = arith.mulf %get3A_12, %mul3A : vector<512x128xf32>
    %get3A_14 = arith.constant 1 : index
    %get3A_15 = arith.constant 0 : index
    %get3A_16 = arith.constant 0 : index
    %get3A_17 = vector.load %arg1[%get3A_14, %get3A_15, %get3A_16] : memref<5x512x128xf32, #tpu.memory_space<vmem>>, vector<1x512x128xf32>
    %get3A_18 = vector.shape_cast %get3A_17 : vector<1x512x128xf32> to vector<512x128xf32>
    %slice3A_19 = vector.extract_strided_slice %convert_element_type3A_7 {offsets = [0, 1], sizes = [512, 1], strides = [1, 1]} : vector<512x5xf32> to vector<512x1xf32>
    %mul3A_20 = vector.broadcast %slice3A_19 : vector<512x1xf32> to vector<512x128xf32>
    %mul3A_21 = arith.mulf %get3A_18, %mul3A_20 : vector<512x128xf32>
    %get3A_22 = arith.constant 2 : index
    %get3A_23 = arith.constant 0 : index
    %get3A_24 = arith.constant 0 : index
    %get3A_25 = vector.load %arg1[%get3A_22, %get3A_23, %get3A_24] : memref<5x512x128xf32, #tpu.memory_space<vmem>>, vector<1x512x128xf32>
    %get3A_26 = vector.shape_cast %get3A_25 : vector<1x512x128xf32> to vector<512x128xf32>
    %slice3A_27 = vector.extract_strided_slice %convert_element_type3A_7 {offsets = [0, 2], sizes = [512, 1], strides = [1, 1]} : vector<512x5xf32> to vector<512x1xf32>
    %mul3A_28 = vector.broadcast %slice3A_27 : vector<512x1xf32> to vector<512x128xf32>
    %mul3A_29 = arith.mulf %get3A_26, %mul3A_28 : vector<512x128xf32>
    %get3A_30 = arith.constant 3 : index
    %get3A_31 = arith.constant 0 : index
    %get3A_32 = arith.constant 0 : index
    %get3A_33 = vector.load %arg1[%get3A_30, %get3A_31, %get3A_32] : memref<5x512x128xf32, #tpu.memory_space<vmem>>, vector<1x512x128xf32>
    %get3A_34 = vector.shape_cast %get3A_33 : vector<1x512x128xf32> to vector<512x128xf32>
    %slice3A_35 = vector.extract_strided_slice %convert_element_type3A_7 {offsets = [0, 3], sizes = [512, 1], strides = [1, 1]} : vector<512x5xf32> to vector<512x1xf32>
    %mul3A_36 = vector.broadcast %slice3A_35 : vector<512x1xf32> to vector<512x128xf32>
    %mul3A_37 = arith.mulf %get3A_34, %mul3A_36 : vector<512x128xf32>
    %get3A_38 = arith.constant 4 : index
    %get3A_39 = arith.constant 0 : index
    %get3A_40 = arith.constant 0 : index
    %get3A_41 = vector.load %arg1[%get3A_38, %get3A_39, %get3A_40] : memref<5x512x128xf32, #tpu.memory_space<vmem>>, vector<1x512x128xf32>
    %get3A_42 = vector.shape_cast %get3A_41 : vector<1x512x128xf32> to vector<512x128xf32>
    %slice3A_43 = vector.extract_strided_slice %convert_element_type3A_7 {offsets = [0, 4], sizes = [512, 1], strides = [1, 1]} : vector<512x5xf32> to vector<512x1xf32>
    %mul3A_44 = vector.broadcast %slice3A_43 : vector<512x1xf32> to vector<512x128xf32>
    %mul3A_45 = arith.mulf %get3A_42, %mul3A_44 : vector<512x128xf32>
    %broadcast_in_dim3A = arith.constant 1.000000e+00 : bf16
    %broadcast_in_dim3A_46 = vector.broadcast %broadcast_in_dim3A : bf16 to vector<1x128xbf16>
    %get3A_47 = arith.constant 0 : index
    %get3A_48 = arith.constant 0 : index
    %get3A_49 = vector.load %arg2[%get3A_47, %get3A_48] : memref<512x25xf32, #tpu.memory_space<vmem>>, vector<512x25xf32>
    %convert_element_type3A_50 = arith.truncf %get3A_49 : vector<512x25xf32> to vector<512x25xbf16>
    %convert_element_type3A_51 = arith.extf %convert_element_type3A_50 : vector<512x25xbf16> to vector<512x25xf32>
    %get3A_52 = arith.constant 0 : index
    %get3A_53 = arith.constant 0 : index
    %get3A_54 = arith.constant 0 : index
    %get3A_55 = vector.load %arg8[%get3A_52, %get3A_53, %get3A_54] : memref<3x40x128xbf16, #tpu.memory_space<vmem>>, vector<1x40x128xbf16>
    %get3A_56 = vector.shape_cast %get3A_55 : vector<1x40x128xbf16> to vector<40x128xbf16>
    %get3A_57 = arith.constant 0 : index
    %get3A_58 = arith.constant 0 : index
    %get3A_59 = arith.constant 0 : index
    %get3A_60 = vector.load %arg9[%get3A_57, %get3A_58, %get3A_59] : memref<3x40x1xf32, #tpu.memory_space<vmem>>, vector<1x40x1xf32>
    %get3A_61 = vector.shape_cast %get3A_60 : vector<1x40x1xf32> to vector<40x1xf32>
    %convert_element_type3A_62 = arith.truncf %mul3A_13 : vector<512x128xf32> to vector<512x128xbf16>
    %dot_general3A = arith.constant dense<0.000000e+00> : vector<40x512xf32>
    %dot_general3A_63 = tpu.matmul %get3A_56, %convert_element_type3A_62, %dot_general3A {dimension_numbers = #tpu.dot_dimension_numbers<[1], [1], [0], [0], [0, 0, 1, 0], [], []>, transpose_lhs_hint = false} : vector<40x128xbf16>, vector<512x128xbf16>, vector<40x512xf32> -> vector<40x512xf32>
    %mul3A_64 = arith.mulf %mul3A_13, %mul3A_13 : vector<512x128xf32>
    %convert_element_type3A_65 = arith.truncf %mul3A_64 : vector<512x128xf32> to vector<512x128xbf16>
    %dot_general3A_66 = arith.constant dense<0.000000e+00> : vector<1x512xf32>
    %dot_general3A_67 = tpu.matmul %broadcast_in_dim3A_46, %convert_element_type3A_65, %dot_general3A_66 {dimension_numbers = #tpu.dot_dimension_numbers<[1], [1], [0], [0], [0, 0, 1, 0], [], []>, transpose_lhs_hint = false} : vector<1x128xbf16>, vector<512x128xbf16>, vector<1x512xf32> -> vector<1x512xf32>
    %add3A = vector.broadcast %dot_general3A_67 : vector<1x512xf32> to vector<40x512xf32>
    %add3A_68 = vector.broadcast %get3A_61 : vector<40x1xf32> to vector<40x512xf32>
    %add3A_69 = arith.addf %add3A, %add3A_68 : vector<40x512xf32>
    %mul3A_70 = arith.constant 2.000000e+00 : f32
    %mul3A_71 = vector.broadcast %mul3A_70 : f32 to vector<40x512xf32>
    %mul3A_72 = arith.mulf %mul3A_71, %dot_general3A_63 : vector<40x512xf32>
    %sub3A = arith.subf %add3A_69, %mul3A_72 : vector<40x512xf32>
    %neg3A = arith.constant 0.000000e+00 : f32
    %neg3A_73 = vector.broadcast %neg3A : f32 to vector<40x512xf32>
    %neg3A_74 = arith.subf %neg3A_73, %sub3A : vector<40x512xf32>
    %div3A = arith.constant 1.280000e+02 : f32
    %div3A_75 = vector.broadcast %div3A : f32 to vector<40x512xf32>
    %div3A_76 = arith.divf %neg3A_74, %div3A_75 : vector<40x512xf32>
    %div3A_77 = arith.constant 5.000000e-02 : f32
    %div3A_78 = vector.broadcast %div3A_77 : f32 to vector<40x512xf32>
    %div3A_79 = arith.divf %div3A_76, %div3A_78 : vector<40x512xf32>
    %exp3A = math.exp %div3A_79 : vector<40x512xf32>
    %convert_element_type3A_80 = arith.truncf %mul3A_21 : vector<512x128xf32> to vector<512x128xbf16>
    %dot_general3A_81 = arith.constant dense<0.000000e+00> : vector<40x512xf32>
    %dot_general3A_82 = tpu.matmul %get3A_56, %convert_element_type3A_80, %dot_general3A_81 {dimension_numbers = #tpu.dot_dimension_numbers<[1], [1], [0], [0], [0, 0, 1, 0], [], []>, transpose_lhs_hint = false} : vector<40x128xbf16>, vector<512x128xbf16>, vector<40x512xf32> -> vector<40x512xf32>
    %mul3A_83 = arith.mulf %mul3A_21, %mul3A_21 : vector<512x128xf32>
    %convert_element_type3A_84 = arith.truncf %mul3A_83 : vector<512x128xf32> to vector<512x128xbf16>
    %dot_general3A_85 = arith.constant dense<0.000000e+00> : vector<1x512xf32>
    %dot_general3A_86 = tpu.matmul %broadcast_in_dim3A_46, %convert_element_type3A_84, %dot_general3A_85 {dimension_numbers = #tpu.dot_dimension_numbers<[1], [1], [0], [0], [0, 0, 1, 0], [], []>, transpose_lhs_hint = false} : vector<1x128xbf16>, vector<512x128xbf16>, vector<1x512xf32> -> vector<1x512xf32>
    %add3A_87 = vector.broadcast %dot_general3A_86 : vector<1x512xf32> to vector<40x512xf32>
    %add3A_88 = vector.broadcast %get3A_61 : vector<40x1xf32> to vector<40x512xf32>
    %add3A_89 = arith.addf %add3A_87, %add3A_88 : vector<40x512xf32>
    %mul3A_90 = arith.constant 2.000000e+00 : f32
    %mul3A_91 = vector.broadcast %mul3A_90 : f32 to vector<40x512xf32>
    %mul3A_92 = arith.mulf %mul3A_91, %dot_general3A_82 : vector<40x512xf32>
    %sub3A_93 = arith.subf %add3A_89, %mul3A_92 : vector<40x512xf32>
    %neg3A_94 = arith.constant 0.000000e+00 : f32
    %neg3A_95 = vector.broadcast %neg3A_94 : f32 to vector<40x512xf32>
    %neg3A_96 = arith.subf %neg3A_95, %sub3A_93 : vector<40x512xf32>
    %div3A_97 = arith.constant 1.280000e+02 : f32
    %div3A_98 = vector.broadcast %div3A_97 : f32 to vector<40x512xf32>
    %div3A_99 = arith.divf %neg3A_96, %div3A_98 : vector<40x512xf32>
    %div3A_100 = arith.constant 5.000000e-02 : f32
    %div3A_101 = vector.broadcast %div3A_100 : f32 to vector<40x512xf32>
    %div3A_102 = arith.divf %div3A_99, %div3A_101 : vector<40x512xf32>
    %exp3A_103 = math.exp %div3A_102 : vector<40x512xf32>
    %convert_element_type3A_104 = arith.truncf %mul3A_29 : vector<512x128xf32> to vector<512x128xbf16>
    %dot_general3A_105 = arith.constant dense<0.000000e+00> : vector<40x512xf32>
    %dot_general3A_106 = tpu.matmul %get3A_56, %convert_element_type3A_104, %dot_general3A_105 {dimension_numbers = #tpu.dot_dimension_numbers<[1], [1], [0], [0], [0, 0, 1, 0], [], []>, transpose_lhs_hint = false} : vector<40x128xbf16>, vector<512x128xbf16>, vector<40x512xf32> -> vector<40x512xf32>
    %mul3A_107 = arith.mulf %mul3A_29, %mul3A_29 : vector<512x128xf32>
    %convert_element_type3A_108 = arith.truncf %mul3A_107 : vector<512x128xf32> to vector<512x128xbf16>
    %dot_general3A_109 = arith.constant dense<0.000000e+00> : vector<1x512xf32>
    %dot_general3A_110 = tpu.matmul %broadcast_in_dim3A_46, %convert_element_type3A_108, %dot_general3A_109 {dimension_numbers = #tpu.dot_dimension_numbers<[1], [1], [0], [0], [0, 0, 1, 0], [], []>, transpose_lhs_hint = false} : vector<1x128xbf16>, vector<512x128xbf16>, vector<1x512xf32> -> vector<1x512xf32>
    %add3A_111 = vector.broadcast %dot_general3A_110 : vector<1x512xf32> to vector<40x512xf32>
    %add3A_112 = vector.broadcast %get3A_61 : vector<40x1xf32> to vector<40x512xf32>
    %add3A_113 = arith.addf %add3A_111, %add3A_112 : vector<40x512xf32>
    %mul3A_114 = arith.constant 2.000000e+00 : f32
    %mul3A_115 = vector.broadcast %mul3A_114 : f32 to vector<40x512xf32>
    %mul3A_116 = arith.mulf %mul3A_115, %dot_general3A_106 : vector<40x512xf32>
    %sub3A_117 = arith.subf %add3A_113, %mul3A_116 : vector<40x512xf32>
    %neg3A_118 = arith.constant 0.000000e+00 : f32
    %neg3A_119 = vector.broadcast %neg3A_118 : f32 to vector<40x512xf32>
    %neg3A_120 = arith.subf %neg3A_119, %sub3A_117 : vector<40x512xf32>
    %div3A_121 = arith.constant 1.280000e+02 : f32
    %div3A_122 = vector.broadcast %div3A_121 : f32 to vector<40x512xf32>
    %div3A_123 = arith.divf %neg3A_120, %div3A_122 : vector<40x512xf32>
    %div3A_124 = arith.constant 5.000000e-02 : f32
    %div3A_125 = vector.broadcast %div3A_124 : f32 to vector<40x512xf32>
    %div3A_126 = arith.divf %div3A_123, %div3A_125 : vector<40x512xf32>
    %exp3A_127 = math.exp %div3A_126 : vector<40x512xf32>
    %convert_element_type3A_128 = arith.truncf %mul3A_37 : vector<512x128xf32> to vector<512x128xbf16>
    %dot_general3A_129 = arith.constant dense<0.000000e+00> : vector<40x512xf32>
    %dot_general3A_130 = tpu.matmul %get3A_56, %convert_element_type3A_128, %dot_general3A_129 {dimension_numbers = #tpu.dot_dimension_numbers<[1], [1], [0], [0], [0, 0, 1, 0], [], []>, transpose_lhs_hint = false} : vector<40x128xbf16>, vector<512x128xbf16>, vector<40x512xf32> -> vector<40x512xf32>
    %mul3A_131 = arith.mulf %mul3A_37, %mul3A_37 : vector<512x128xf32>
    %convert_element_type3A_132 = arith.truncf %mul3A_131 : vector<512x128xf32> to vector<512x128xbf16>
    %dot_general3A_133 = arith.constant dense<0.000000e+00> : vector<1x512xf32>
    %dot_general3A_134 = tpu.matmul %broadcast_in_dim3A_46, %convert_element_type3A_132, %dot_general3A_133 {dimension_numbers = #tpu.dot_dimension_numbers<[1], [1], [0], [0], [0, 0, 1, 0], [], []>, transpose_lhs_hint = false} : vector<1x128xbf16>, vector<512x128xbf16>, vector<1x512xf32> -> vector<1x512xf32>
    %add3A_135 = vector.broadcast %dot_general3A_134 : vector<1x512xf32> to vector<40x512xf32>
    %add3A_136 = vector.broadcast %get3A_61 : vector<40x1xf32> to vector<40x512xf32>
    %add3A_137 = arith.addf %add3A_135, %add3A_136 : vector<40x512xf32>
    %mul3A_138 = arith.constant 2.000000e+00 : f32
    %mul3A_139 = vector.broadcast %mul3A_138 : f32 to vector<40x512xf32>
    %mul3A_140 = arith.mulf %mul3A_139, %dot_general3A_130 : vector<40x512xf32>
    %sub3A_141 = arith.subf %add3A_137, %mul3A_140 : vector<40x512xf32>
    %neg3A_142 = arith.constant 0.000000e+00 : f32
    %neg3A_143 = vector.broadcast %neg3A_142 : f32 to vector<40x512xf32>
    %neg3A_144 = arith.subf %neg3A_143, %sub3A_141 : vector<40x512xf32>
    %div3A_145 = arith.constant 1.280000e+02 : f32
    %div3A_146 = vector.broadcast %div3A_145 : f32 to vector<40x512xf32>
    %div3A_147 = arith.divf %neg3A_144, %div3A_146 : vector<40x512xf32>
    %div3A_148 = arith.constant 5.000000e-02 : f32
    %div3A_149 = vector.broadcast %div3A_148 : f32 to vector<40x512xf32>
    %div3A_150 = arith.divf %div3A_147, %div3A_149 : vector<40x512xf32>
    %exp3A_151 = math.exp %div3A_150 : vector<40x512xf32>
    %convert_element_type3A_152 = arith.truncf %mul3A_45 : vector<512x128xf32> to vector<512x128xbf16>
    %dot_general3A_153 = arith.constant dense<0.000000e+00> : vector<40x512xf32>
    %dot_general3A_154 = tpu.matmul %get3A_56, %convert_element_type3A_152, %dot_general3A_153 {dimension_numbers = #tpu.dot_dimension_numbers<[1], [1], [0], [0], [0, 0, 1, 0], [], []>, transpose_lhs_hint = false} : vector<40x128xbf16>, vector<512x128xbf16>, vector<40x512xf32> -> vector<40x512xf32>
    %mul3A_155 = arith.mulf %mul3A_45, %mul3A_45 : vector<512x128xf32>
    %convert_element_type3A_156 = arith.truncf %mul3A_155 : vector<512x128xf32> to vector<512x128xbf16>
    %dot_general3A_157 = arith.constant dense<0.000000e+00> : vector<1x512xf32>
    %dot_general3A_158 = tpu.matmul %broadcast_in_dim3A_46, %convert_element_type3A_156, %dot_general3A_157 {dimension_numbers = #tpu.dot_dimension_numbers<[1], [1], [0], [0], [0, 0, 1, 0], [], []>, transpose_lhs_hint = false} : vector<1x128xbf16>, vector<512x128xbf16>, vector<1x512xf32> -> vector<1x512xf32>
    %add3A_159 = vector.broadcast %dot_general3A_158 : vector<1x512xf32> to vector<40x512xf32>
    %add3A_160 = vector.broadcast %get3A_61 : vector<40x1xf32> to vector<40x512xf32>
    %add3A_161 = arith.addf %add3A_159, %add3A_160 : vector<40x512xf32>
    %mul3A_162 = arith.constant 2.000000e+00 : f32
    %mul3A_163 = vector.broadcast %mul3A_162 : f32 to vector<40x512xf32>
    %mul3A_164 = arith.mulf %mul3A_163, %dot_general3A_154 : vector<40x512xf32>
    %sub3A_165 = arith.subf %add3A_161, %mul3A_164 : vector<40x512xf32>
    %neg3A_166 = arith.constant 0.000000e+00 : f32
    %neg3A_167 = vector.broadcast %neg3A_166 : f32 to vector<40x512xf32>
    %neg3A_168 = arith.subf %neg3A_167, %sub3A_165 : vector<40x512xf32>
    %div3A_169 = arith.constant 1.280000e+02 : f32
    %div3A_170 = vector.broadcast %div3A_169 : f32 to vector<40x512xf32>
    %div3A_171 = arith.divf %neg3A_168, %div3A_170 : vector<40x512xf32>
    %div3A_172 = arith.constant 5.000000e-02 : f32
    %div3A_173 = vector.broadcast %div3A_172 : f32 to vector<40x512xf32>
    %div3A_174 = arith.divf %div3A_171, %div3A_173 : vector<40x512xf32>
    %exp3A_175 = math.exp %div3A_174 : vector<40x512xf32>
    %convert_element_type3A_176 = arith.truncf %mul3A_13 : vector<512x128xf32> to vector<512x128xbf16>
    %convert_element_type3A_177 = arith.extf %convert_element_type3A_176 : vector<512x128xbf16> to vector<512x128xf32>
    %convert_element_type3A_178 = arith.truncf %mul3A_21 : vector<512x128xf32> to vector<512x128xbf16>
    %convert_element_type3A_179 = arith.extf %convert_element_type3A_178 : vector<512x128xbf16> to vector<512x128xf32>
    %convert_element_type3A_180 = arith.truncf %mul3A_29 : vector<512x128xf32> to vector<512x128xbf16>
    %convert_element_type3A_181 = arith.extf %convert_element_type3A_180 : vector<512x128xbf16> to vector<512x128xf32>
    %convert_element_type3A_182 = arith.truncf %mul3A_37 : vector<512x128xf32> to vector<512x128xbf16>
    %convert_element_type3A_183 = arith.extf %convert_element_type3A_182 : vector<512x128xbf16> to vector<512x128xf32>
    %convert_element_type3A_184 = arith.truncf %mul3A_45 : vector<512x128xf32> to vector<512x128xbf16>
    %convert_element_type3A_185 = arith.extf %convert_element_type3A_184 : vector<512x128xbf16> to vector<512x128xf32>
    %slice3A_186 = vector.extract_strided_slice %convert_element_type3A_51 {offsets = [0, 0], sizes = [512, 1], strides = [1, 1]} : vector<512x25xf32> to vector<512x1xf32>
    %mul3A_187 = vector.broadcast %slice3A_186 : vector<512x1xf32> to vector<512x128xf32>
    %mul3A_188 = arith.mulf %mul3A_187, %convert_element_type3A_177 : vector<512x128xf32>
    %slice3A_189 = vector.extract_strided_slice %convert_element_type3A_51 {offsets = [0, 1], sizes = [512, 1], strides = [1, 1]} : vector<512x25xf32> to vector<512x1xf32>
    %mul3A_190 = vector.broadcast %slice3A_189 : vector<512x1xf32> to vector<512x128xf32>
    %mul3A_191 = arith.mulf %mul3A_190, %convert_element_type3A_179 : vector<512x128xf32>
    %add3A_192 = arith.addf %mul3A_188, %mul3A_191 : vector<512x128xf32>
    %slice3A_193 = vector.extract_strided_slice %convert_element_type3A_51 {offsets = [0, 2], sizes = [512, 1], strides = [1, 1]} : vector<512x25xf32> to vector<512x1xf32>
    %mul3A_194 = vector.broadcast %slice3A_193 : vector<512x1xf32> to vector<512x128xf32>
    %mul3A_195 = arith.mulf %mul3A_194, %convert_element_type3A_181 : vector<512x128xf32>
    %add3A_196 = arith.addf %add3A_192, %mul3A_195 : vector<512x128xf32>
    %slice3A_197 = vector.extract_strided_slice %convert_element_type3A_51 {offsets = [0, 3], sizes = [512, 1], strides = [1, 1]} : vector<512x25xf32> to vector<512x1xf32>
    %mul3A_198 = vector.broadcast %slice3A_197 : vector<512x1xf32> to vector<512x128xf32>
    %mul3A_199 = arith.mulf %mul3A_198, %convert_element_type3A_183 : vector<512x128xf32>
    %add3A_200 = arith.addf %add3A_196, %mul3A_199 : vector<512x128xf32>
    %slice3A_201 = vector.extract_strided_slice %convert_element_type3A_51 {offsets = [0, 4], sizes = [512, 1], strides = [1, 1]} : vector<512x25xf32> to vector<512x1xf32>
    %mul3A_202 = vector.broadcast %slice3A_201 : vector<512x1xf32> to vector<512x128xf32>
    %mul3A_203 = arith.mulf %mul3A_202, %convert_element_type3A_185 : vector<512x128xf32>
    %add3A_204 = arith.addf %add3A_200, %mul3A_203 : vector<512x128xf32>
    %slice3A_205 = vector.extract_strided_slice %convert_element_type3A_51 {offsets = [0, 5], sizes = [512, 1], strides = [1, 1]} : vector<512x25xf32> to vector<512x1xf32>
    %mul3A_206 = vector.broadcast %slice3A_205 : vector<512x1xf32> to vector<512x128xf32>
    %mul3A_207 = arith.mulf %mul3A_206, %convert_element_type3A_177 : vector<512x128xf32>
    %slice3A_208 = vector.extract_strided_slice %convert_element_type3A_51 {offsets = [0, 6], sizes = [512, 1], strides = [1, 1]} : vector<512x25xf32> to vector<512x1xf32>
    %mul3A_209 = vector.broadcast %slice3A_208 : vector<512x1xf32> to vector<512x128xf32>
    %mul3A_210 = arith.mulf %mul3A_209, %convert_element_type3A_179 : vector<512x128xf32>
    %add3A_211 = arith.addf %mul3A_207, %mul3A_210 : vector<512x128xf32>
    %slice3A_212 = vector.extract_strided_slice %convert_element_type3A_51 {offsets = [0, 7], sizes = [512, 1], strides = [1, 1]} : vector<512x25xf32> to vector<512x1xf32>
    %mul3A_213 = vector.broadcast %slice3A_212 : vector<512x1xf32> to vector<512x128xf32>
    %mul3A_214 = arith.mulf %mul3A_213, %convert_element_type3A_181 : vector<512x128xf32>
    %add3A_215 = arith.addf %add3A_211, %mul3A_214 : vector<512x128xf32>
    %slice3A_216 = vector.extract_strided_slice %convert_element_type3A_51 {offsets = [0, 8], sizes = [512, 1], strides = [1, 1]} : vector<512x25xf32> to vector<512x1xf32>
    %mul3A_217 = vector.broadcast %slice3A_216 : vector<512x1xf32> to vector<512x128xf32>
    %mul3A_218 = arith.mulf %mul3A_217, %convert_element_type3A_183 : vector<512x128xf32>
    %add3A_219 = arith.addf %add3A_215, %mul3A_218 : vector<512x128xf32>
    %slice3A_220 = vector.extract_strided_slice %convert_element_type3A_51 {offsets = [0, 9], sizes = [512, 1], strides = [1, 1]} : vector<512x25xf32> to vector<512x1xf32>
    %mul3A_221 = vector.broadcast %slice3A_220 : vector<512x1xf32> to vector<512x128xf32>
    %mul3A_222 = arith.mulf %mul3A_221, %convert_element_type3A_185 : vector<512x128xf32>
    %add3A_223 = arith.addf %add3A_219, %mul3A_222 : vector<512x128xf32>
    %slice3A_224 = vector.extract_strided_slice %convert_element_type3A_51 {offsets = [0, 10], sizes = [512, 1], strides = [1, 1]} : vector<512x25xf32> to vector<512x1xf32>
    %mul3A_225 = vector.broadcast %slice3A_224 : vector<512x1xf32> to vector<512x128xf32>
    %mul3A_226 = arith.mulf %mul3A_225, %convert_element_type3A_177 : vector<512x128xf32>
    %slice3A_227 = vector.extract_strided_slice %convert_element_type3A_51 {offsets = [0, 11], sizes = [512, 1], strides = [1, 1]} : vector<512x25xf32> to vector<512x1xf32>
    %mul3A_228 = vector.broadcast %slice3A_227 : vector<512x1xf32> to vector<512x128xf32>
    %mul3A_229 = arith.mulf %mul3A_228, %convert_element_type3A_179 : vector<512x128xf32>
    %add3A_230 = arith.addf %mul3A_226, %mul3A_229 : vector<512x128xf32>
    %slice3A_231 = vector.extract_strided_slice %convert_element_type3A_51 {offsets = [0, 12], sizes = [512, 1], strides = [1, 1]} : vector<512x25xf32> to vector<512x1xf32>
    %mul3A_232 = vector.broadcast %slice3A_231 : vector<512x1xf32> to vector<512x128xf32>
    %mul3A_233 = arith.mulf %mul3A_232, %convert_element_type3A_181 : vector<512x128xf32>
    %add3A_234 = arith.addf %add3A_230, %mul3A_233 : vector<512x128xf32>
    %slice3A_235 = vector.extract_strided_slice %convert_element_type3A_51 {offsets = [0, 13], sizes = [512, 1], strides = [1, 1]} : vector<512x25xf32> to vector<512x1xf32>
    %mul3A_236 = vector.broadcast %slice3A_235 : vector<512x1xf32> to vector<512x128xf32>
    %mul3A_237 = arith.mulf %mul3A_236, %convert_element_type3A_183 : vector<512x128xf32>
    %add3A_238 = arith.addf %add3A_234, %mul3A_237 : vector<512x128xf32>
    %slice3A_239 = vector.extract_strided_slice %convert_element_type3A_51 {offsets = [0, 14], sizes = [512, 1], strides = [1, 1]} : vector<512x25xf32> to vector<512x1xf32>
    %mul3A_240 = vector.broadcast %slice3A_239 : vector<512x1xf32> to vector<512x128xf32>
    %mul3A_241 = arith.mulf %mul3A_240, %convert_element_type3A_185 : vector<512x128xf32>
    %add3A_242 = arith.addf %add3A_238, %mul3A_241 : vector<512x128xf32>
    %slice3A_243 = vector.extract_strided_slice %convert_element_type3A_51 {offsets = [0, 15], sizes = [512, 1], strides = [1, 1]} : vector<512x25xf32> to vector<512x1xf32>
    %mul3A_244 = vector.broadcast %slice3A_243 : vector<512x1xf32> to vector<512x128xf32>
    %mul3A_245 = arith.mulf %mul3A_244, %convert_element_type3A_177 : vector<512x128xf32>
    %slice3A_246 = vector.extract_strided_slice %convert_element_type3A_51 {offsets = [0, 16], sizes = [512, 1], strides = [1, 1]} : vector<512x25xf32> to vector<512x1xf32>
    %mul3A_247 = vector.broadcast %slice3A_246 : vector<512x1xf32> to vector<512x128xf32>
    %mul3A_248 = arith.mulf %mul3A_247, %convert_element_type3A_179 : vector<512x128xf32>
    %add3A_249 = arith.addf %mul3A_245, %mul3A_248 : vector<512x128xf32>
    %slice3A_250 = vector.extract_strided_slice %convert_element_type3A_51 {offsets = [0, 17], sizes = [512, 1], strides = [1, 1]} : vector<512x25xf32> to vector<512x1xf32>
    %mul3A_251 = vector.broadcast %slice3A_250 : vector<512x1xf32> to vector<512x128xf32>
    %mul3A_252 = arith.mulf %mul3A_251, %convert_element_type3A_181 : vector<512x128xf32>
    %add3A_253 = arith.addf %add3A_249, %mul3A_252 : vector<512x128xf32>
    %slice3A_254 = vector.extract_strided_slice %convert_element_type3A_51 {offsets = [0, 18], sizes = [512, 1], strides = [1, 1]} : vector<512x25xf32> to vector<512x1xf32>
    %mul3A_255 = vector.broadcast %slice3A_254 : vector<512x1xf32> to vector<512x128xf32>
    %mul3A_256 = arith.mulf %mul3A_255, %convert_element_type3A_183 : vector<512x128xf32>
    %add3A_257 = arith.addf %add3A_253, %mul3A_256 : vector<512x128xf32>
    %slice3A_258 = vector.extract_strided_slice %convert_element_type3A_51 {offsets = [0, 19], sizes = [512, 1], strides = [1, 1]} : vector<512x25xf32> to vector<512x1xf32>
    %mul3A_259 = vector.broadcast %slice3A_258 : vector<512x1xf32> to vector<512x128xf32>
    %mul3A_260 = arith.mulf %mul3A_259, %convert_element_type3A_185 : vector<512x128xf32>
    %add3A_261 = arith.addf %add3A_257, %mul3A_260 : vector<512x128xf32>
    %slice3A_262 = vector.extract_strided_slice %convert_element_type3A_51 {offsets = [0, 20], sizes = [512, 1], strides = [1, 1]} : vector<512x25xf32> to vector<512x1xf32>
    %mul3A_263 = vector.broadcast %slice3A_262 : vector<512x1xf32> to vector<512x128xf32>
    %mul3A_264 = arith.mulf %mul3A_263, %convert_element_type3A_177 : vector<512x128xf32>
    %slice3A_265 = vector.extract_strided_slice %convert_element_type3A_51 {offsets = [0, 21], sizes = [512, 1], strides = [1, 1]} : vector<512x25xf32> to vector<512x1xf32>
    %mul3A_266 = vector.broadcast %slice3A_265 : vector<512x1xf32> to vector<512x128xf32>
    %mul3A_267 = arith.mulf %mul3A_266, %convert_element_type3A_179 : vector<512x128xf32>
    %add3A_268 = arith.addf %mul3A_264, %mul3A_267 : vector<512x128xf32>
    %slice3A_269 = vector.extract_strided_slice %convert_element_type3A_51 {offsets = [0, 22], sizes = [512, 1], strides = [1, 1]} : vector<512x25xf32> to vector<512x1xf32>
    %mul3A_270 = vector.broadcast %slice3A_269 : vector<512x1xf32> to vector<512x128xf32>
    %mul3A_271 = arith.mulf %mul3A_270, %convert_element_type3A_181 : vector<512x128xf32>
    %add3A_272 = arith.addf %add3A_268, %mul3A_271 : vector<512x128xf32>
    %slice3A_273 = vector.extract_strided_slice %convert_element_type3A_51 {offsets = [0, 23], sizes = [512, 1], strides = [1, 1]} : vector<512x25xf32> to vector<512x1xf32>
    %mul3A_274 = vector.broadcast %slice3A_273 : vector<512x1xf32> to vector<512x128xf32>
    %mul3A_275 = arith.mulf %mul3A_274, %convert_element_type3A_183 : vector<512x128xf32>
    %add3A_276 = arith.addf %add3A_272, %mul3A_275 : vector<512x128xf32>
    %slice3A_277 = vector.extract_strided_slice %convert_element_type3A_51 {offsets = [0, 24], sizes = [512, 1], strides = [1, 1]} : vector<512x25xf32> to vector<512x1xf32>
    %mul3A_278 = vector.broadcast %slice3A_277 : vector<512x1xf32> to vector<512x128xf32>
    %mul3A_279 = arith.mulf %mul3A_278, %convert_element_type3A_185 : vector<512x128xf32>
    %add3A_280 = arith.addf %add3A_276, %mul3A_279 : vector<512x128xf32>
    %get3A_281 = arith.constant 1 : index
    %get3A_282 = arith.constant 0 : index
    %get3A_283 = arith.constant 0 : index
    %get3A_284 = vector.load %arg8[%get3A_281, %get3A_282, %get3A_283] : memref<3x40x128xbf16, #tpu.memory_space<vmem>>, vector<1x40x128xbf16>
    %get3A_285 = vector.shape_cast %get3A_284 : vector<1x40x128xbf16> to vector<40x128xbf16>
    %get3A_286 = arith.constant 1 : index
    %get3A_287 = arith.constant 0 : index
    %get3A_288 = arith.constant 0 : index
    %get3A_289 = vector.load %arg9[%get3A_286, %get3A_287, %get3A_288] : memref<3x40x1xf32, #tpu.memory_space<vmem>>, vector<1x40x1xf32>
    %get3A_290 = vector.shape_cast %get3A_289 : vector<1x40x1xf32> to vector<40x1xf32>
    %convert_element_type3A_291 = arith.truncf %add3A_204 : vector<512x128xf32> to vector<512x128xbf16>
    %dot_general3A_292 = arith.constant dense<0.000000e+00> : vector<40x512xf32>
    %dot_general3A_293 = tpu.matmul %get3A_285, %convert_element_type3A_291, %dot_general3A_292 {dimension_numbers = #tpu.dot_dimension_numbers<[1], [1], [0], [0], [0, 0, 1, 0], [], []>, transpose_lhs_hint = false} : vector<40x128xbf16>, vector<512x128xbf16>, vector<40x512xf32> -> vector<40x512xf32>
    %mul3A_294 = arith.mulf %add3A_204, %add3A_204 : vector<512x128xf32>
    %convert_element_type3A_295 = arith.truncf %mul3A_294 : vector<512x128xf32> to vector<512x128xbf16>
    %dot_general3A_296 = arith.constant dense<0.000000e+00> : vector<1x512xf32>
    %dot_general3A_297 = tpu.matmul %broadcast_in_dim3A_46, %convert_element_type3A_295, %dot_general3A_296 {dimension_numbers = #tpu.dot_dimension_numbers<[1], [1], [0], [0], [0, 0, 1, 0], [], []>, transpose_lhs_hint = false} : vector<1x128xbf16>, vector<512x128xbf16>, vector<1x512xf32> -> vector<1x512xf32>
    %add3A_298 = vector.broadcast %dot_general3A_297 : vector<1x512xf32> to vector<40x512xf32>
    %add3A_299 = vector.broadcast %get3A_290 : vector<40x1xf32> to vector<40x512xf32>
    %add3A_300 = arith.addf %add3A_298, %add3A_299 : vector<40x512xf32>
    %mul3A_301 = arith.constant 2.000000e+00 : f32
    %mul3A_302 = vector.broadcast %mul3A_301 : f32 to vector<40x512xf32>
    %mul3A_303 = arith.mulf %mul3A_302, %dot_general3A_293 : vector<40x512xf32>
    %sub3A_304 = arith.subf %add3A_300, %mul3A_303 : vector<40x512xf32>
    %neg3A_305 = arith.constant 0.000000e+00 : f32
    %neg3A_306 = vector.broadcast %neg3A_305 : f32 to vector<40x512xf32>
    %neg3A_307 = arith.subf %neg3A_306, %sub3A_304 : vector<40x512xf32>
    %div3A_308 = arith.constant 1.280000e+02 : f32
    %div3A_309 = vector.broadcast %div3A_308 : f32 to vector<40x512xf32>
    %div3A_310 = arith.divf %neg3A_307, %div3A_309 : vector<40x512xf32>
    %div3A_311 = arith.constant 5.000000e-02 : f32
    %div3A_312 = vector.broadcast %div3A_311 : f32 to vector<40x512xf32>
    %div3A_313 = arith.divf %div3A_310, %div3A_312 : vector<40x512xf32>
    %exp3A_314 = math.exp %div3A_313 : vector<40x512xf32>
    %add3A_315 = arith.addf %exp3A, %exp3A_314 : vector<40x512xf32>
    %convert_element_type3A_316 = arith.truncf %add3A_223 : vector<512x128xf32> to vector<512x128xbf16>
    %dot_general3A_317 = arith.constant dense<0.000000e+00> : vector<40x512xf32>
    %dot_general3A_318 = tpu.matmul %get3A_285, %convert_element_type3A_316, %dot_general3A_317 {dimension_numbers = #tpu.dot_dimension_numbers<[1], [1], [0], [0], [0, 0, 1, 0], [], []>, transpose_lhs_hint = false} : vector<40x128xbf16>, vector<512x128xbf16>, vector<40x512xf32> -> vector<40x512xf32>
    %mul3A_319 = arith.mulf %add3A_223, %add3A_223 : vector<512x128xf32>
    %convert_element_type3A_320 = arith.truncf %mul3A_319 : vector<512x128xf32> to vector<512x128xbf16>
    %dot_general3A_321 = arith.constant dense<0.000000e+00> : vector<1x512xf32>
    %dot_general3A_322 = tpu.matmul %broadcast_in_dim3A_46, %convert_element_type3A_320, %dot_general3A_321 {dimension_numbers = #tpu.dot_dimension_numbers<[1], [1], [0], [0], [0, 0, 1, 0], [], []>, transpose_lhs_hint = false} : vector<1x128xbf16>, vector<512x128xbf16>, vector<1x512xf32> -> vector<1x512xf32>
    %add3A_323 = vector.broadcast %dot_general3A_322 : vector<1x512xf32> to vector<40x512xf32>
    %add3A_324 = vector.broadcast %get3A_290 : vector<40x1xf32> to vector<40x512xf32>
    %add3A_325 = arith.addf %add3A_323, %add3A_324 : vector<40x512xf32>
    %mul3A_326 = arith.constant 2.000000e+00 : f32
    %mul3A_327 = vector.broadcast %mul3A_326 : f32 to vector<40x512xf32>
    %mul3A_328 = arith.mulf %mul3A_327, %dot_general3A_318 : vector<40x512xf32>
    %sub3A_329 = arith.subf %add3A_325, %mul3A_328 : vector<40x512xf32>
    %neg3A_330 = arith.constant 0.000000e+00 : f32
    %neg3A_331 = vector.broadcast %neg3A_330 : f32 to vector<40x512xf32>
    %neg3A_332 = arith.subf %neg3A_331, %sub3A_329 : vector<40x512xf32>
    %div3A_333 = arith.constant 1.280000e+02 : f32
    %div3A_334 = vector.broadcast %div3A_333 : f32 to vector<40x512xf32>
    %div3A_335 = arith.divf %neg3A_332, %div3A_334 : vector<40x512xf32>
    %div3A_336 = arith.constant 5.000000e-02 : f32
    %div3A_337 = vector.broadcast %div3A_336 : f32 to vector<40x512xf32>
    %div3A_338 = arith.divf %div3A_335, %div3A_337 : vector<40x512xf32>
    %exp3A_339 = math.exp %div3A_338 : vector<40x512xf32>
    %add3A_340 = arith.addf %exp3A_103, %exp3A_339 : vector<40x512xf32>
    %convert_element_type3A_341 = arith.truncf %add3A_242 : vector<512x128xf32> to vector<512x128xbf16>
    %dot_general3A_342 = arith.constant dense<0.000000e+00> : vector<40x512xf32>
    %dot_general3A_343 = tpu.matmul %get3A_285, %convert_element_type3A_341, %dot_general3A_342 {dimension_numbers = #tpu.dot_dimension_numbers<[1], [1], [0], [0], [0, 0, 1, 0], [], []>, transpose_lhs_hint = false} : vector<40x128xbf16>, vector<512x128xbf16>, vector<40x512xf32> -> vector<40x512xf32>
    %mul3A_344 = arith.mulf %add3A_242, %add3A_242 : vector<512x128xf32>
    %convert_element_type3A_345 = arith.truncf %mul3A_344 : vector<512x128xf32> to vector<512x128xbf16>
    %dot_general3A_346 = arith.constant dense<0.000000e+00> : vector<1x512xf32>
    %dot_general3A_347 = tpu.matmul %broadcast_in_dim3A_46, %convert_element_type3A_345, %dot_general3A_346 {dimension_numbers = #tpu.dot_dimension_numbers<[1], [1], [0], [0], [0, 0, 1, 0], [], []>, transpose_lhs_hint = false} : vector<1x128xbf16>, vector<512x128xbf16>, vector<1x512xf32> -> vector<1x512xf32>
    %add3A_348 = vector.broadcast %dot_general3A_347 : vector<1x512xf32> to vector<40x512xf32>
    %add3A_349 = vector.broadcast %get3A_290 : vector<40x1xf32> to vector<40x512xf32>
    %add3A_350 = arith.addf %add3A_348, %add3A_349 : vector<40x512xf32>
    %mul3A_351 = arith.constant 2.000000e+00 : f32
    %mul3A_352 = vector.broadcast %mul3A_351 : f32 to vector<40x512xf32>
    %mul3A_353 = arith.mulf %mul3A_352, %dot_general3A_343 : vector<40x512xf32>
    %sub3A_354 = arith.subf %add3A_350, %mul3A_353 : vector<40x512xf32>
    %neg3A_355 = arith.constant 0.000000e+00 : f32
    %neg3A_356 = vector.broadcast %neg3A_355 : f32 to vector<40x512xf32>
    %neg3A_357 = arith.subf %neg3A_356, %sub3A_354 : vector<40x512xf32>
    %div3A_358 = arith.constant 1.280000e+02 : f32
    %div3A_359 = vector.broadcast %div3A_358 : f32 to vector<40x512xf32>
    %div3A_360 = arith.divf %neg3A_357, %div3A_359 : vector<40x512xf32>
    %div3A_361 = arith.constant 5.000000e-02 : f32
    %div3A_362 = vector.broadcast %div3A_361 : f32 to vector<40x512xf32>
    %div3A_363 = arith.divf %div3A_360, %div3A_362 : vector<40x512xf32>
    %exp3A_364 = math.exp %div3A_363 : vector<40x512xf32>
    %add3A_365 = arith.addf %exp3A_127, %exp3A_364 : vector<40x512xf32>
    %convert_element_type3A_366 = arith.truncf %add3A_261 : vector<512x128xf32> to vector<512x128xbf16>
    %dot_general3A_367 = arith.constant dense<0.000000e+00> : vector<40x512xf32>
    %dot_general3A_368 = tpu.matmul %get3A_285, %convert_element_type3A_366, %dot_general3A_367 {dimension_numbers = #tpu.dot_dimension_numbers<[1], [1], [0], [0], [0, 0, 1, 0], [], []>, transpose_lhs_hint = false} : vector<40x128xbf16>, vector<512x128xbf16>, vector<40x512xf32> -> vector<40x512xf32>
    %mul3A_369 = arith.mulf %add3A_261, %add3A_261 : vector<512x128xf32>
    %convert_element_type3A_370 = arith.truncf %mul3A_369 : vector<512x128xf32> to vector<512x128xbf16>
    %dot_general3A_371 = arith.constant dense<0.000000e+00> : vector<1x512xf32>
    %dot_general3A_372 = tpu.matmul %broadcast_in_dim3A_46, %convert_element_type3A_370, %dot_general3A_371 {dimension_numbers = #tpu.dot_dimension_numbers<[1], [1], [0], [0], [0, 0, 1, 0], [], []>, transpose_lhs_hint = false} : vector<1x128xbf16>, vector<512x128xbf16>, vector<1x512xf32> -> vector<1x512xf32>
    %add3A_373 = vector.broadcast %dot_general3A_372 : vector<1x512xf32> to vector<40x512xf32>
    %add3A_374 = vector.broadcast %get3A_290 : vector<40x1xf32> to vector<40x512xf32>
    %add3A_375 = arith.addf %add3A_373, %add3A_374 : vector<40x512xf32>
    %mul3A_376 = arith.constant 2.000000e+00 : f32
    %mul3A_377 = vector.broadcast %mul3A_376 : f32 to vector<40x512xf32>
    %mul3A_378 = arith.mulf %mul3A_377, %dot_general3A_368 : vector<40x512xf32>
    %sub3A_379 = arith.subf %add3A_375, %mul3A_378 : vector<40x512xf32>
    %neg3A_380 = arith.constant 0.000000e+00 : f32
    %neg3A_381 = vector.broadcast %neg3A_380 : f32 to vector<40x512xf32>
    %neg3A_382 = arith.subf %neg3A_381, %sub3A_379 : vector<40x512xf32>
    %div3A_383 = arith.constant 1.280000e+02 : f32
    %div3A_384 = vector.broadcast %div3A_383 : f32 to vector<40x512xf32>
    %div3A_385 = arith.divf %neg3A_382, %div3A_384 : vector<40x512xf32>
    %div3A_386 = arith.constant 5.000000e-02 : f32
    %div3A_387 = vector.broadcast %div3A_386 : f32 to vector<40x512xf32>
    %div3A_388 = arith.divf %div3A_385, %div3A_387 : vector<40x512xf32>
    %exp3A_389 = math.exp %div3A_388 : vector<40x512xf32>
    %add3A_390 = arith.addf %exp3A_151, %exp3A_389 : vector<40x512xf32>
    %convert_element_type3A_391 = arith.truncf %add3A_280 : vector<512x128xf32> to vector<512x128xbf16>
    %dot_general3A_392 = arith.constant dense<0.000000e+00> : vector<40x512xf32>
    %dot_general3A_393 = tpu.matmul %get3A_285, %convert_element_type3A_391, %dot_general3A_392 {dimension_numbers = #tpu.dot_dimension_numbers<[1], [1], [0], [0], [0, 0, 1, 0], [], []>, transpose_lhs_hint = false} : vector<40x128xbf16>, vector<512x128xbf16>, vector<40x512xf32> -> vector<40x512xf32>
    %mul3A_394 = arith.mulf %add3A_280, %add3A_280 : vector<512x128xf32>
    %convert_element_type3A_395 = arith.truncf %mul3A_394 : vector<512x128xf32> to vector<512x128xbf16>
    %dot_general3A_396 = arith.constant dense<0.000000e+00> : vector<1x512xf32>
    %dot_general3A_397 = tpu.matmul %broadcast_in_dim3A_46, %convert_element_type3A_395, %dot_general3A_396 {dimension_numbers = #tpu.dot_dimension_numbers<[1], [1], [0], [0], [0, 0, 1, 0], [], []>, transpose_lhs_hint = false} : vector<1x128xbf16>, vector<512x128xbf16>, vector<1x512xf32> -> vector<1x512xf32>
    %add3A_398 = vector.broadcast %dot_general3A_397 : vector<1x512xf32> to vector<40x512xf32>
    %add3A_399 = vector.broadcast %get3A_290 : vector<40x1xf32> to vector<40x512xf32>
    %add3A_400 = arith.addf %add3A_398, %add3A_399 : vector<40x512xf32>
    %mul3A_401 = arith.constant 2.000000e+00 : f32
    %mul3A_402 = vector.broadcast %mul3A_401 : f32 to vector<40x512xf32>
    %mul3A_403 = arith.mulf %mul3A_402, %dot_general3A_393 : vector<40x512xf32>
    %sub3A_404 = arith.subf %add3A_400, %mul3A_403 : vector<40x512xf32>
    %neg3A_405 = arith.constant 0.000000e+00 : f32
    %neg3A_406 = vector.broadcast %neg3A_405 : f32 to vector<40x512xf32>
    %neg3A_407 = arith.subf %neg3A_406, %sub3A_404 : vector<40x512xf32>
    %div3A_408 = arith.constant 1.280000e+02 : f32
    %div3A_409 = vector.broadcast %div3A_408 : f32 to vector<40x512xf32>
    %div3A_410 = arith.divf %neg3A_407, %div3A_409 : vector<40x512xf32>
    %div3A_411 = arith.constant 5.000000e-02 : f32
    %div3A_412 = vector.broadcast %div3A_411 : f32 to vector<40x512xf32>
    %div3A_413 = arith.divf %div3A_410, %div3A_412 : vector<40x512xf32>
    %exp3A_414 = math.exp %div3A_413 : vector<40x512xf32>
    %add3A_415 = arith.addf %exp3A_175, %exp3A_414 : vector<40x512xf32>
    %convert_element_type3A_416 = arith.truncf %add3A_204 : vector<512x128xf32> to vector<512x128xbf16>
    %convert_element_type3A_417 = arith.extf %convert_element_type3A_416 : vector<512x128xbf16> to vector<512x128xf32>
    %convert_element_type3A_418 = arith.truncf %add3A_223 : vector<512x128xf32> to vector<512x128xbf16>
    %convert_element_type3A_419 = arith.extf %convert_element_type3A_418 : vector<512x128xbf16> to vector<512x128xf32>
    %convert_element_type3A_420 = arith.truncf %add3A_242 : vector<512x128xf32> to vector<512x128xbf16>
    %convert_element_type3A_421 = arith.extf %convert_element_type3A_420 : vector<512x128xbf16> to vector<512x128xf32>
    %convert_element_type3A_422 = arith.truncf %add3A_261 : vector<512x128xf32> to vector<512x128xbf16>
    %convert_element_type3A_423 = arith.extf %convert_element_type3A_422 : vector<512x128xbf16> to vector<512x128xf32>
    %convert_element_type3A_424 = arith.truncf %add3A_280 : vector<512x128xf32> to vector<512x128xbf16>
    %convert_element_type3A_425 = arith.extf %convert_element_type3A_424 : vector<512x128xbf16> to vector<512x128xf32>
    %slice3A_426 = vector.extract_strided_slice %convert_element_type3A_51 {offsets = [0, 0], sizes = [512, 1], strides = [1, 1]} : vector<512x25xf32> to vector<512x1xf32>
    %mul3A_427 = vector.broadcast %slice3A_426 : vector<512x1xf32> to vector<512x128xf32>
    %mul3A_428 = arith.mulf %mul3A_427, %convert_element_type3A_417 : vector<512x128xf32>
    %slice3A_429 = vector.extract_strided_slice %convert_element_type3A_51 {offsets = [0, 1], sizes = [512, 1], strides = [1, 1]} : vector<512x25xf32> to vector<512x1xf32>
    %mul3A_430 = vector.broadcast %slice3A_429 : vector<512x1xf32> to vector<512x128xf32>
    %mul3A_431 = arith.mulf %mul3A_430, %convert_element_type3A_419 : vector<512x128xf32>
    %add3A_432 = arith.addf %mul3A_428, %mul3A_431 : vector<512x128xf32>
    %slice3A_433 = vector.extract_strided_slice %convert_element_type3A_51 {offsets = [0, 2], sizes = [512, 1], strides = [1, 1]} : vector<512x25xf32> to vector<512x1xf32>
    %mul3A_434 = vector.broadcast %slice3A_433 : vector<512x1xf32> to vector<512x128xf32>
    %mul3A_435 = arith.mulf %mul3A_434, %convert_element_type3A_421 : vector<512x128xf32>
    %add3A_436 = arith.addf %add3A_432, %mul3A_435 : vector<512x128xf32>
    %slice3A_437 = vector.extract_strided_slice %convert_element_type3A_51 {offsets = [0, 3], sizes = [512, 1], strides = [1, 1]} : vector<512x25xf32> to vector<512x1xf32>
    %mul3A_438 = vector.broadcast %slice3A_437 : vector<512x1xf32> to vector<512x128xf32>
    %mul3A_439 = arith.mulf %mul3A_438, %convert_element_type3A_423 : vector<512x128xf32>
    %add3A_440 = arith.addf %add3A_436, %mul3A_439 : vector<512x128xf32>
    %slice3A_441 = vector.extract_strided_slice %convert_element_type3A_51 {offsets = [0, 4], sizes = [512, 1], strides = [1, 1]} : vector<512x25xf32> to vector<512x1xf32>
    %mul3A_442 = vector.broadcast %slice3A_441 : vector<512x1xf32> to vector<512x128xf32>
    %mul3A_443 = arith.mulf %mul3A_442, %convert_element_type3A_425 : vector<512x128xf32>
    %add3A_444 = arith.addf %add3A_440, %mul3A_443 : vector<512x128xf32>
    %slice3A_445 = vector.extract_strided_slice %convert_element_type3A_51 {offsets = [0, 5], sizes = [512, 1], strides = [1, 1]} : vector<512x25xf32> to vector<512x1xf32>
    %mul3A_446 = vector.broadcast %slice3A_445 : vector<512x1xf32> to vector<512x128xf32>
    %mul3A_447 = arith.mulf %mul3A_446, %convert_element_type3A_417 : vector<512x128xf32>
    %slice3A_448 = vector.extract_strided_slice %convert_element_type3A_51 {offsets = [0, 6], sizes = [512, 1], strides = [1, 1]} : vector<512x25xf32> to vector<512x1xf32>
    %mul3A_449 = vector.broadcast %slice3A_448 : vector<512x1xf32> to vector<512x128xf32>
    %mul3A_450 = arith.mulf %mul3A_449, %convert_element_type3A_419 : vector<512x128xf32>
    %add3A_451 = arith.addf %mul3A_447, %mul3A_450 : vector<512x128xf32>
    %slice3A_452 = vector.extract_strided_slice %convert_element_type3A_51 {offsets = [0, 7], sizes = [512, 1], strides = [1, 1]} : vector<512x25xf32> to vector<512x1xf32>
    %mul3A_453 = vector.broadcast %slice3A_452 : vector<512x1xf32> to vector<512x128xf32>
    %mul3A_454 = arith.mulf %mul3A_453, %convert_element_type3A_421 : vector<512x128xf32>
    %add3A_455 = arith.addf %add3A_451, %mul3A_454 : vector<512x128xf32>
    %slice3A_456 = vector.extract_strided_slice %convert_element_type3A_51 {offsets = [0, 8], sizes = [512, 1], strides = [1, 1]} : vector<512x25xf32> to vector<512x1xf32>
    %mul3A_457 = vector.broadcast %slice3A_456 : vector<512x1xf32> to vector<512x128xf32>
    %mul3A_458 = arith.mulf %mul3A_457, %convert_element_type3A_423 : vector<512x128xf32>
    %add3A_459 = arith.addf %add3A_455, %mul3A_458 : vector<512x128xf32>
    %slice3A_460 = vector.extract_strided_slice %convert_element_type3A_51 {offsets = [0, 9], sizes = [512, 1], strides = [1, 1]} : vector<512x25xf32> to vector<512x1xf32>
    %mul3A_461 = vector.broadcast %slice3A_460 : vector<512x1xf32> to vector<512x128xf32>
    %mul3A_462 = arith.mulf %mul3A_461, %convert_element_type3A_425 : vector<512x128xf32>
    %add3A_463 = arith.addf %add3A_459, %mul3A_462 : vector<512x128xf32>
    %slice3A_464 = vector.extract_strided_slice %convert_element_type3A_51 {offsets = [0, 10], sizes = [512, 1], strides = [1, 1]} : vector<512x25xf32> to vector<512x1xf32>
    %mul3A_465 = vector.broadcast %slice3A_464 : vector<512x1xf32> to vector<512x128xf32>
    %mul3A_466 = arith.mulf %mul3A_465, %convert_element_type3A_417 : vector<512x128xf32>
    %slice3A_467 = vector.extract_strided_slice %convert_element_type3A_51 {offsets = [0, 11], sizes = [512, 1], strides = [1, 1]} : vector<512x25xf32> to vector<512x1xf32>
    %mul3A_468 = vector.broadcast %slice3A_467 : vector<512x1xf32> to vector<512x128xf32>
    %mul3A_469 = arith.mulf %mul3A_468, %convert_element_type3A_419 : vector<512x128xf32>
    %add3A_470 = arith.addf %mul3A_466, %mul3A_469 : vector<512x128xf32>
    %slice3A_471 = vector.extract_strided_slice %convert_element_type3A_51 {offsets = [0, 12], sizes = [512, 1], strides = [1, 1]} : vector<512x25xf32> to vector<512x1xf32>
    %mul3A_472 = vector.broadcast %slice3A_471 : vector<512x1xf32> to vector<512x128xf32>
    %mul3A_473 = arith.mulf %mul3A_472, %convert_element_type3A_421 : vector<512x128xf32>
    %add3A_474 = arith.addf %add3A_470, %mul3A_473 : vector<512x128xf32>
    %slice3A_475 = vector.extract_strided_slice %convert_element_type3A_51 {offsets = [0, 13], sizes = [512, 1], strides = [1, 1]} : vector<512x25xf32> to vector<512x1xf32>
    %mul3A_476 = vector.broadcast %slice3A_475 : vector<512x1xf32> to vector<512x128xf32>
    %mul3A_477 = arith.mulf %mul3A_476, %convert_element_type3A_423 : vector<512x128xf32>
    %add3A_478 = arith.addf %add3A_474, %mul3A_477 : vector<512x128xf32>
    %slice3A_479 = vector.extract_strided_slice %convert_element_type3A_51 {offsets = [0, 14], sizes = [512, 1], strides = [1, 1]} : vector<512x25xf32> to vector<512x1xf32>
    %mul3A_480 = vector.broadcast %slice3A_479 : vector<512x1xf32> to vector<512x128xf32>
    %mul3A_481 = arith.mulf %mul3A_480, %convert_element_type3A_425 : vector<512x128xf32>
    %add3A_482 = arith.addf %add3A_478, %mul3A_481 : vector<512x128xf32>
    %slice3A_483 = vector.extract_strided_slice %convert_element_type3A_51 {offsets = [0, 15], sizes = [512, 1], strides = [1, 1]} : vector<512x25xf32> to vector<512x1xf32>
    %mul3A_484 = vector.broadcast %slice3A_483 : vector<512x1xf32> to vector<512x128xf32>
    %mul3A_485 = arith.mulf %mul3A_484, %convert_element_type3A_417 : vector<512x128xf32>
    %slice3A_486 = vector.extract_strided_slice %convert_element_type3A_51 {offsets = [0, 16], sizes = [512, 1], strides = [1, 1]} : vector<512x25xf32> to vector<512x1xf32>
    %mul3A_487 = vector.broadcast %slice3A_486 : vector<512x1xf32> to vector<512x128xf32>
    %mul3A_488 = arith.mulf %mul3A_487, %convert_element_type3A_419 : vector<512x128xf32>
    %add3A_489 = arith.addf %mul3A_485, %mul3A_488 : vector<512x128xf32>
    %slice3A_490 = vector.extract_strided_slice %convert_element_type3A_51 {offsets = [0, 17], sizes = [512, 1], strides = [1, 1]} : vector<512x25xf32> to vector<512x1xf32>
    %mul3A_491 = vector.broadcast %slice3A_490 : vector<512x1xf32> to vector<512x128xf32>
    %mul3A_492 = arith.mulf %mul3A_491, %convert_element_type3A_421 : vector<512x128xf32>
    %add3A_493 = arith.addf %add3A_489, %mul3A_492 : vector<512x128xf32>
    %slice3A_494 = vector.extract_strided_slice %convert_element_type3A_51 {offsets = [0, 18], sizes = [512, 1], strides = [1, 1]} : vector<512x25xf32> to vector<512x1xf32>
    %mul3A_495 = vector.broadcast %slice3A_494 : vector<512x1xf32> to vector<512x128xf32>
    %mul3A_496 = arith.mulf %mul3A_495, %convert_element_type3A_423 : vector<512x128xf32>
    %add3A_497 = arith.addf %add3A_493, %mul3A_496 : vector<512x128xf32>
    %slice3A_498 = vector.extract_strided_slice %convert_element_type3A_51 {offsets = [0, 19], sizes = [512, 1], strides = [1, 1]} : vector<512x25xf32> to vector<512x1xf32>
    %mul3A_499 = vector.broadcast %slice3A_498 : vector<512x1xf32> to vector<512x128xf32>
    %mul3A_500 = arith.mulf %mul3A_499, %convert_element_type3A_425 : vector<512x128xf32>
    %add3A_501 = arith.addf %add3A_497, %mul3A_500 : vector<512x128xf32>
    %slice3A_502 = vector.extract_strided_slice %convert_element_type3A_51 {offsets = [0, 20], sizes = [512, 1], strides = [1, 1]} : vector<512x25xf32> to vector<512x1xf32>
    %mul3A_503 = vector.broadcast %slice3A_502 : vector<512x1xf32> to vector<512x128xf32>
    %mul3A_504 = arith.mulf %mul3A_503, %convert_element_type3A_417 : vector<512x128xf32>
    %slice3A_505 = vector.extract_strided_slice %convert_element_type3A_51 {offsets = [0, 21], sizes = [512, 1], strides = [1, 1]} : vector<512x25xf32> to vector<512x1xf32>
    %mul3A_506 = vector.broadcast %slice3A_505 : vector<512x1xf32> to vector<512x128xf32>
    %mul3A_507 = arith.mulf %mul3A_506, %convert_element_type3A_419 : vector<512x128xf32>
    %add3A_508 = arith.addf %mul3A_504, %mul3A_507 : vector<512x128xf32>
    %slice3A_509 = vector.extract_strided_slice %convert_element_type3A_51 {offsets = [0, 22], sizes = [512, 1], strides = [1, 1]} : vector<512x25xf32> to vector<512x1xf32>
    %mul3A_510 = vector.broadcast %slice3A_509 : vector<512x1xf32> to vector<512x128xf32>
    %mul3A_511 = arith.mulf %mul3A_510, %convert_element_type3A_421 : vector<512x128xf32>
    %add3A_512 = arith.addf %add3A_508, %mul3A_511 : vector<512x128xf32>
    %slice3A_513 = vector.extract_strided_slice %convert_element_type3A_51 {offsets = [0, 23], sizes = [512, 1], strides = [1, 1]} : vector<512x25xf32> to vector<512x1xf32>
    %mul3A_514 = vector.broadcast %slice3A_513 : vector<512x1xf32> to vector<512x128xf32>
    %mul3A_515 = arith.mulf %mul3A_514, %convert_element_type3A_423 : vector<512x128xf32>
    %add3A_516 = arith.addf %add3A_512, %mul3A_515 : vector<512x128xf32>
    %slice3A_517 = vector.extract_strided_slice %convert_element_type3A_51 {offsets = [0, 24], sizes = [512, 1], strides = [1, 1]} : vector<512x25xf32> to vector<512x1xf32>
    %mul3A_518 = vector.broadcast %slice3A_517 : vector<512x1xf32> to vector<512x128xf32>
    %mul3A_519 = arith.mulf %mul3A_518, %convert_element_type3A_425 : vector<512x128xf32>
    %add3A_520 = arith.addf %add3A_516, %mul3A_519 : vector<512x128xf32>
    %get3A_521 = arith.constant 2 : index
    %get3A_522 = arith.constant 0 : index
    %get3A_523 = arith.constant 0 : index
    %get3A_524 = vector.load %arg8[%get3A_521, %get3A_522, %get3A_523] : memref<3x40x128xbf16, #tpu.memory_space<vmem>>, vector<1x40x128xbf16>
    %get3A_525 = vector.shape_cast %get3A_524 : vector<1x40x128xbf16> to vector<40x128xbf16>
    %get3A_526 = arith.constant 2 : index
    %get3A_527 = arith.constant 0 : index
    %get3A_528 = arith.constant 0 : index
    %get3A_529 = vector.load %arg9[%get3A_526, %get3A_527, %get3A_528] : memref<3x40x1xf32, #tpu.memory_space<vmem>>, vector<1x40x1xf32>
    %get3A_530 = vector.shape_cast %get3A_529 : vector<1x40x1xf32> to vector<40x1xf32>
    %convert_element_type3A_531 = arith.truncf %add3A_444 : vector<512x128xf32> to vector<512x128xbf16>
    %dot_general3A_532 = arith.constant dense<0.000000e+00> : vector<40x512xf32>
    %dot_general3A_533 = tpu.matmul %get3A_525, %convert_element_type3A_531, %dot_general3A_532 {dimension_numbers = #tpu.dot_dimension_numbers<[1], [1], [0], [0], [0, 0, 1, 0], [], []>, transpose_lhs_hint = false} : vector<40x128xbf16>, vector<512x128xbf16>, vector<40x512xf32> -> vector<40x512xf32>
    %mul3A_534 = arith.mulf %add3A_444, %add3A_444 : vector<512x128xf32>
    %convert_element_type3A_535 = arith.truncf %mul3A_534 : vector<512x128xf32> to vector<512x128xbf16>
    %dot_general3A_536 = arith.constant dense<0.000000e+00> : vector<1x512xf32>
    %dot_general3A_537 = tpu.matmul %broadcast_in_dim3A_46, %convert_element_type3A_535, %dot_general3A_536 {dimension_numbers = #tpu.dot_dimension_numbers<[1], [1], [0], [0], [0, 0, 1, 0], [], []>, transpose_lhs_hint = false} : vector<1x128xbf16>, vector<512x128xbf16>, vector<1x512xf32> -> vector<1x512xf32>
    %add3A_538 = vector.broadcast %dot_general3A_537 : vector<1x512xf32> to vector<40x512xf32>
    %add3A_539 = vector.broadcast %get3A_530 : vector<40x1xf32> to vector<40x512xf32>
    %add3A_540 = arith.addf %add3A_538, %add3A_539 : vector<40x512xf32>
    %mul3A_541 = arith.constant 2.000000e+00 : f32
    %mul3A_542 = vector.broadcast %mul3A_541 : f32 to vector<40x512xf32>
    %mul3A_543 = arith.mulf %mul3A_542, %dot_general3A_533 : vector<40x512xf32>
    %sub3A_544 = arith.subf %add3A_540, %mul3A_543 : vector<40x512xf32>
    %neg3A_545 = arith.constant 0.000000e+00 : f32
    %neg3A_546 = vector.broadcast %neg3A_545 : f32 to vector<40x512xf32>
    %neg3A_547 = arith.subf %neg3A_546, %sub3A_544 : vector<40x512xf32>
    %div3A_548 = arith.constant 1.280000e+02 : f32
    %div3A_549 = vector.broadcast %div3A_548 : f32 to vector<40x512xf32>
    %div3A_550 = arith.divf %neg3A_547, %div3A_549 : vector<40x512xf32>
    %div3A_551 = arith.constant 5.000000e-02 : f32
    %div3A_552 = vector.broadcast %div3A_551 : f32 to vector<40x512xf32>
    %div3A_553 = arith.divf %div3A_550, %div3A_552 : vector<40x512xf32>
    %exp3A_554 = math.exp %div3A_553 : vector<40x512xf32>
    %add3A_555 = arith.addf %add3A_315, %exp3A_554 : vector<40x512xf32>
    %convert_element_type3A_556 = arith.truncf %add3A_463 : vector<512x128xf32> to vector<512x128xbf16>
    %dot_general3A_557 = arith.constant dense<0.000000e+00> : vector<40x512xf32>
    %dot_general3A_558 = tpu.matmul %get3A_525, %convert_element_type3A_556, %dot_general3A_557 {dimension_numbers = #tpu.dot_dimension_numbers<[1], [1], [0], [0], [0, 0, 1, 0], [], []>, transpose_lhs_hint = false} : vector<40x128xbf16>, vector<512x128xbf16>, vector<40x512xf32> -> vector<40x512xf32>
    %mul3A_559 = arith.mulf %add3A_463, %add3A_463 : vector<512x128xf32>
    %convert_element_type3A_560 = arith.truncf %mul3A_559 : vector<512x128xf32> to vector<512x128xbf16>
    %dot_general3A_561 = arith.constant dense<0.000000e+00> : vector<1x512xf32>
    %dot_general3A_562 = tpu.matmul %broadcast_in_dim3A_46, %convert_element_type3A_560, %dot_general3A_561 {dimension_numbers = #tpu.dot_dimension_numbers<[1], [1], [0], [0], [0, 0, 1, 0], [], []>, transpose_lhs_hint = false} : vector<1x128xbf16>, vector<512x128xbf16>, vector<1x512xf32> -> vector<1x512xf32>
    %add3A_563 = vector.broadcast %dot_general3A_562 : vector<1x512xf32> to vector<40x512xf32>
    %add3A_564 = vector.broadcast %get3A_530 : vector<40x1xf32> to vector<40x512xf32>
    %add3A_565 = arith.addf %add3A_563, %add3A_564 : vector<40x512xf32>
    %mul3A_566 = arith.constant 2.000000e+00 : f32
    %mul3A_567 = vector.broadcast %mul3A_566 : f32 to vector<40x512xf32>
    %mul3A_568 = arith.mulf %mul3A_567, %dot_general3A_558 : vector<40x512xf32>
    %sub3A_569 = arith.subf %add3A_565, %mul3A_568 : vector<40x512xf32>
    %neg3A_570 = arith.constant 0.000000e+00 : f32
    %neg3A_571 = vector.broadcast %neg3A_570 : f32 to vector<40x512xf32>
    %neg3A_572 = arith.subf %neg3A_571, %sub3A_569 : vector<40x512xf32>
    %div3A_573 = arith.constant 1.280000e+02 : f32
    %div3A_574 = vector.broadcast %div3A_573 : f32 to vector<40x512xf32>
    %div3A_575 = arith.divf %neg3A_572, %div3A_574 : vector<40x512xf32>
    %div3A_576 = arith.constant 5.000000e-02 : f32
    %div3A_577 = vector.broadcast %div3A_576 : f32 to vector<40x512xf32>
    %div3A_578 = arith.divf %div3A_575, %div3A_577 : vector<40x512xf32>
    %exp3A_579 = math.exp %div3A_578 : vector<40x512xf32>
    %add3A_580 = arith.addf %add3A_340, %exp3A_579 : vector<40x512xf32>
    %convert_element_type3A_581 = arith.truncf %add3A_482 : vector<512x128xf32> to vector<512x128xbf16>
    %dot_general3A_582 = arith.constant dense<0.000000e+00> : vector<40x512xf32>
    %dot_general3A_583 = tpu.matmul %get3A_525, %convert_element_type3A_581, %dot_general3A_582 {dimension_numbers = #tpu.dot_dimension_numbers<[1], [1], [0], [0], [0, 0, 1, 0], [], []>, transpose_lhs_hint = false} : vector<40x128xbf16>, vector<512x128xbf16>, vector<40x512xf32> -> vector<40x512xf32>
    %mul3A_584 = arith.mulf %add3A_482, %add3A_482 : vector<512x128xf32>
    %convert_element_type3A_585 = arith.truncf %mul3A_584 : vector<512x128xf32> to vector<512x128xbf16>
    %dot_general3A_586 = arith.constant dense<0.000000e+00> : vector<1x512xf32>
    %dot_general3A_587 = tpu.matmul %broadcast_in_dim3A_46, %convert_element_type3A_585, %dot_general3A_586 {dimension_numbers = #tpu.dot_dimension_numbers<[1], [1], [0], [0], [0, 0, 1, 0], [], []>, transpose_lhs_hint = false} : vector<1x128xbf16>, vector<512x128xbf16>, vector<1x512xf32> -> vector<1x512xf32>
    %add3A_588 = vector.broadcast %dot_general3A_587 : vector<1x512xf32> to vector<40x512xf32>
    %add3A_589 = vector.broadcast %get3A_530 : vector<40x1xf32> to vector<40x512xf32>
    %add3A_590 = arith.addf %add3A_588, %add3A_589 : vector<40x512xf32>
    %mul3A_591 = arith.constant 2.000000e+00 : f32
    %mul3A_592 = vector.broadcast %mul3A_591 : f32 to vector<40x512xf32>
    %mul3A_593 = arith.mulf %mul3A_592, %dot_general3A_583 : vector<40x512xf32>
    %sub3A_594 = arith.subf %add3A_590, %mul3A_593 : vector<40x512xf32>
    %neg3A_595 = arith.constant 0.000000e+00 : f32
    %neg3A_596 = vector.broadcast %neg3A_595 : f32 to vector<40x512xf32>
    %neg3A_597 = arith.subf %neg3A_596, %sub3A_594 : vector<40x512xf32>
    %div3A_598 = arith.constant 1.280000e+02 : f32
    %div3A_599 = vector.broadcast %div3A_598 : f32 to vector<40x512xf32>
    %div3A_600 = arith.divf %neg3A_597, %div3A_599 : vector<40x512xf32>
    %div3A_601 = arith.constant 5.000000e-02 : f32
    %div3A_602 = vector.broadcast %div3A_601 : f32 to vector<40x512xf32>
    %div3A_603 = arith.divf %div3A_600, %div3A_602 : vector<40x512xf32>
    %exp3A_604 = math.exp %div3A_603 : vector<40x512xf32>
    %add3A_605 = arith.addf %add3A_365, %exp3A_604 : vector<40x512xf32>
    %convert_element_type3A_606 = arith.truncf %add3A_501 : vector<512x128xf32> to vector<512x128xbf16>
    %dot_general3A_607 = arith.constant dense<0.000000e+00> : vector<40x512xf32>
    %dot_general3A_608 = tpu.matmul %get3A_525, %convert_element_type3A_606, %dot_general3A_607 {dimension_numbers = #tpu.dot_dimension_numbers<[1], [1], [0], [0], [0, 0, 1, 0], [], []>, transpose_lhs_hint = false} : vector<40x128xbf16>, vector<512x128xbf16>, vector<40x512xf32> -> vector<40x512xf32>
    %mul3A_609 = arith.mulf %add3A_501, %add3A_501 : vector<512x128xf32>
    %convert_element_type3A_610 = arith.truncf %mul3A_609 : vector<512x128xf32> to vector<512x128xbf16>
    %dot_general3A_611 = arith.constant dense<0.000000e+00> : vector<1x512xf32>
    %dot_general3A_612 = tpu.matmul %broadcast_in_dim3A_46, %convert_element_type3A_610, %dot_general3A_611 {dimension_numbers = #tpu.dot_dimension_numbers<[1], [1], [0], [0], [0, 0, 1, 0], [], []>, transpose_lhs_hint = false} : vector<1x128xbf16>, vector<512x128xbf16>, vector<1x512xf32> -> vector<1x512xf32>
    %add3A_613 = vector.broadcast %dot_general3A_612 : vector<1x512xf32> to vector<40x512xf32>
    %add3A_614 = vector.broadcast %get3A_530 : vector<40x1xf32> to vector<40x512xf32>
    %add3A_615 = arith.addf %add3A_613, %add3A_614 : vector<40x512xf32>
    %mul3A_616 = arith.constant 2.000000e+00 : f32
    %mul3A_617 = vector.broadcast %mul3A_616 : f32 to vector<40x512xf32>
    %mul3A_618 = arith.mulf %mul3A_617, %dot_general3A_608 : vector<40x512xf32>
    %sub3A_619 = arith.subf %add3A_615, %mul3A_618 : vector<40x512xf32>
    %neg3A_620 = arith.constant 0.000000e+00 : f32
    %neg3A_621 = vector.broadcast %neg3A_620 : f32 to vector<40x512xf32>
    %neg3A_622 = arith.subf %neg3A_621, %sub3A_619 : vector<40x512xf32>
    %div3A_623 = arith.constant 1.280000e+02 : f32
    %div3A_624 = vector.broadcast %div3A_623 : f32 to vector<40x512xf32>
    %div3A_625 = arith.divf %neg3A_622, %div3A_624 : vector<40x512xf32>
    %div3A_626 = arith.constant 5.000000e-02 : f32
    %div3A_627 = vector.broadcast %div3A_626 : f32 to vector<40x512xf32>
    %div3A_628 = arith.divf %div3A_625, %div3A_627 : vector<40x512xf32>
    %exp3A_629 = math.exp %div3A_628 : vector<40x512xf32>
    %add3A_630 = arith.addf %add3A_390, %exp3A_629 : vector<40x512xf32>
    %convert_element_type3A_631 = arith.truncf %add3A_520 : vector<512x128xf32> to vector<512x128xbf16>
    %dot_general3A_632 = arith.constant dense<0.000000e+00> : vector<40x512xf32>
    %dot_general3A_633 = tpu.matmul %get3A_525, %convert_element_type3A_631, %dot_general3A_632 {dimension_numbers = #tpu.dot_dimension_numbers<[1], [1], [0], [0], [0, 0, 1, 0], [], []>, transpose_lhs_hint = false} : vector<40x128xbf16>, vector<512x128xbf16>, vector<40x512xf32> -> vector<40x512xf32>
    %mul3A_634 = arith.mulf %add3A_520, %add3A_520 : vector<512x128xf32>
    %convert_element_type3A_635 = arith.truncf %mul3A_634 : vector<512x128xf32> to vector<512x128xbf16>
    %dot_general3A_636 = arith.constant dense<0.000000e+00> : vector<1x512xf32>
    %dot_general3A_637 = tpu.matmul %broadcast_in_dim3A_46, %convert_element_type3A_635, %dot_general3A_636 {dimension_numbers = #tpu.dot_dimension_numbers<[1], [1], [0], [0], [0, 0, 1, 0], [], []>, transpose_lhs_hint = false} : vector<1x128xbf16>, vector<512x128xbf16>, vector<1x512xf32> -> vector<1x512xf32>
    %add3A_638 = vector.broadcast %dot_general3A_637 : vector<1x512xf32> to vector<40x512xf32>
    %add3A_639 = vector.broadcast %get3A_530 : vector<40x1xf32> to vector<40x512xf32>
    %add3A_640 = arith.addf %add3A_638, %add3A_639 : vector<40x512xf32>
    %mul3A_641 = arith.constant 2.000000e+00 : f32
    %mul3A_642 = vector.broadcast %mul3A_641 : f32 to vector<40x512xf32>
    %mul3A_643 = arith.mulf %mul3A_642, %dot_general3A_633 : vector<40x512xf32>
    %sub3A_644 = arith.subf %add3A_640, %mul3A_643 : vector<40x512xf32>
    %neg3A_645 = arith.constant 0.000000e+00 : f32
    %neg3A_646 = vector.broadcast %neg3A_645 : f32 to vector<40x512xf32>
    %neg3A_647 = arith.subf %neg3A_646, %sub3A_644 : vector<40x512xf32>
    %div3A_648 = arith.constant 1.280000e+02 : f32
    %div3A_649 = vector.broadcast %div3A_648 : f32 to vector<40x512xf32>
    %div3A_650 = arith.divf %neg3A_647, %div3A_649 : vector<40x512xf32>
    %div3A_651 = arith.constant 5.000000e-02 : f32
    %div3A_652 = vector.broadcast %div3A_651 : f32 to vector<40x512xf32>
    %div3A_653 = arith.divf %div3A_650, %div3A_652 : vector<40x512xf32>
    %exp3A_654 = math.exp %div3A_653 : vector<40x512xf32>
    %add3A_655 = arith.addf %add3A_415, %exp3A_654 : vector<40x512xf32>
    %slice3A_656 = vector.extract_strided_slice %add3A_555 {offsets = [0, 0], sizes = [8, 512], strides = [1, 1]} : vector<40x512xf32> to vector<8x512xf32>
    %broadcast_in_dim3A_657 = arith.constant true
    %broadcast_in_dim3A_658 = vector.broadcast %broadcast_in_dim3A_657 : i1 to vector<8x512xi1>
    %broadcast_in_dim3A_659 = arith.constant false
    %broadcast_in_dim3A_660 = vector.broadcast %broadcast_in_dim3A_659 : i1 to vector<8x512xi1>
    %broadcast_in_dim3A_661 = arith.constant false
    %broadcast_in_dim3A_662 = vector.broadcast %broadcast_in_dim3A_661 : i1 to vector<8x512xi1>
    %broadcast_in_dim3A_663 = arith.constant false
    %broadcast_in_dim3A_664 = vector.broadcast %broadcast_in_dim3A_663 : i1 to vector<8x512xi1>
    %broadcast_in_dim3A_665 = arith.constant false
    %broadcast_in_dim3A_666 = vector.broadcast %broadcast_in_dim3A_665 : i1 to vector<8x512xi1>
    %slice3A_667 = vector.extract_strided_slice %add3A_580 {offsets = [0, 0], sizes = [8, 512], strides = [1, 1]} : vector<40x512xf32> to vector<8x512xf32>
    %jit3A = arith.constant -1.000000e+00 : f32
    %broadcast_in_dim3A_668 = vector.broadcast %jit3A : f32 to vector<8x512xf32>
    %select_n3A = arith.select %broadcast_in_dim3A_658, %broadcast_in_dim3A_668, %slice3A_667 : vector<8x512xi1>, vector<8x512xf32>
    %slice3A_669 = vector.extract_strided_slice %add3A_580 {offsets = [8, 0], sizes = [8, 512], strides = [1, 1]} : vector<40x512xf32> to vector<8x512xf32>
    %jit3A_670 = arith.constant -1.000000e+00 : f32
    %broadcast_in_dim3A_671 = vector.broadcast %jit3A_670 : f32 to vector<8x512xf32>
    %select_n3A_672 = arith.select %broadcast_in_dim3A_660, %broadcast_in_dim3A_671, %slice3A_669 : vector<8x512xi1>, vector<8x512xf32>
    %slice3A_673 = vector.extract_strided_slice %add3A_580 {offsets = [16, 0], sizes = [8, 512], strides = [1, 1]} : vector<40x512xf32> to vector<8x512xf32>
    %jit3A_674 = arith.constant -1.000000e+00 : f32
    %broadcast_in_dim3A_675 = vector.broadcast %jit3A_674 : f32 to vector<8x512xf32>
    %select_n3A_676 = arith.select %broadcast_in_dim3A_662, %broadcast_in_dim3A_675, %slice3A_673 : vector<8x512xi1>, vector<8x512xf32>
    %slice3A_677 = vector.extract_strided_slice %add3A_580 {offsets = [24, 0], sizes = [8, 512], strides = [1, 1]} : vector<40x512xf32> to vector<8x512xf32>
    %jit3A_678 = arith.constant -1.000000e+00 : f32
    %broadcast_in_dim3A_679 = vector.broadcast %jit3A_678 : f32 to vector<8x512xf32>
    %select_n3A_680 = arith.select %broadcast_in_dim3A_664, %broadcast_in_dim3A_679, %slice3A_677 : vector<8x512xi1>, vector<8x512xf32>
    %slice3A_681 = vector.extract_strided_slice %add3A_580 {offsets = [32, 0], sizes = [8, 512], strides = [1, 1]} : vector<40x512xf32> to vector<8x512xf32>
    %jit3A_682 = arith.constant -1.000000e+00 : f32
    %broadcast_in_dim3A_683 = vector.broadcast %jit3A_682 : f32 to vector<8x512xf32>
    %select_n3A_684 = arith.select %broadcast_in_dim3A_666, %broadcast_in_dim3A_683, %slice3A_681 : vector<8x512xi1>, vector<8x512xf32>
    %max3A = arith.maximumf %select_n3A, %select_n3A_672 : vector<8x512xf32>
    %max3A_685 = arith.maximumf %max3A, %select_n3A_676 : vector<8x512xf32>
    %max3A_686 = arith.maximumf %max3A_685, %select_n3A_680 : vector<8x512xf32>
    %max3A_687 = arith.maximumf %max3A_686, %select_n3A_684 : vector<8x512xf32>
    %add3A_688 = arith.addf %slice3A_656, %max3A_687 : vector<8x512xf32>
    %broadcast_in_dim3A_689 = arith.constant false
    %broadcast_in_dim3A_690 = vector.broadcast %broadcast_in_dim3A_689 : i1 to vector<8x512xi1>
    %eq3A_691 = arith.cmpf oeq, %select_n3A, %max3A_687 : vector<8x512xf32>
    %not3A = arith.constant dense<true> : vector<8x512xi1>
    %not3A_692 = arith.xori %broadcast_in_dim3A_690, %not3A : vector<8x512xi1>
    %and3A = arith.andi %eq3A_691, %not3A_692 : vector<8x512xi1>
    %or3A = arith.ori %broadcast_in_dim3A_658, %and3A : vector<8x512xi1>
    %or3A_693 = arith.ori %broadcast_in_dim3A_690, %and3A : vector<8x512xi1>
    %eq3A_694 = arith.cmpf oeq, %select_n3A_672, %max3A_687 : vector<8x512xf32>
    %not3A_695 = arith.constant dense<true> : vector<8x512xi1>
    %not3A_696 = arith.xori %or3A_693, %not3A_695 : vector<8x512xi1>
    %and3A_697 = arith.andi %eq3A_694, %not3A_696 : vector<8x512xi1>
    %or3A_698 = arith.ori %broadcast_in_dim3A_660, %and3A_697 : vector<8x512xi1>
    %or3A_699 = arith.ori %or3A_693, %and3A_697 : vector<8x512xi1>
    %eq3A_700 = arith.cmpf oeq, %select_n3A_676, %max3A_687 : vector<8x512xf32>
    %not3A_701 = arith.constant dense<true> : vector<8x512xi1>
    %not3A_702 = arith.xori %or3A_699, %not3A_701 : vector<8x512xi1>
    %and3A_703 = arith.andi %eq3A_700, %not3A_702 : vector<8x512xi1>
    %or3A_704 = arith.ori %broadcast_in_dim3A_662, %and3A_703 : vector<8x512xi1>
    %or3A_705 = arith.ori %or3A_699, %and3A_703 : vector<8x512xi1>
    %eq3A_706 = arith.cmpf oeq, %select_n3A_680, %max3A_687 : vector<8x512xf32>
    %not3A_707 = arith.constant dense<true> : vector<8x512xi1>
    %not3A_708 = arith.xori %or3A_705, %not3A_707 : vector<8x512xi1>
    %and3A_709 = arith.andi %eq3A_706, %not3A_708 : vector<8x512xi1>
    %or3A_710 = arith.ori %broadcast_in_dim3A_664, %and3A_709 : vector<8x512xi1>
    %or3A_711 = arith.ori %or3A_705, %and3A_709 : vector<8x512xi1>
    %eq3A_712 = arith.cmpf oeq, %select_n3A_684, %max3A_687 : vector<8x512xf32>
    %not3A_713 = arith.constant dense<true> : vector<8x512xi1>
    %not3A_714 = arith.xori %or3A_711, %not3A_713 : vector<8x512xi1>
    %and3A_715 = arith.andi %eq3A_712, %not3A_714 : vector<8x512xi1>
    %or3A_716 = arith.ori %broadcast_in_dim3A_666, %and3A_715 : vector<8x512xi1>
    %slice3A_717 = vector.extract_strided_slice %add3A_605 {offsets = [0, 0], sizes = [8, 512], strides = [1, 1]} : vector<40x512xf32> to vector<8x512xf32>
    %jit3A_718 = arith.constant -1.000000e+00 : f32
    %broadcast_in_dim3A_719 = vector.broadcast %jit3A_718 : f32 to vector<8x512xf32>
    %select_n3A_720 = arith.select %or3A, %broadcast_in_dim3A_719, %slice3A_717 : vector<8x512xi1>, vector<8x512xf32>
    %slice3A_721 = vector.extract_strided_slice %add3A_605 {offsets = [8, 0], sizes = [8, 512], strides = [1, 1]} : vector<40x512xf32> to vector<8x512xf32>
    %jit3A_722 = arith.constant -1.000000e+00 : f32
    %broadcast_in_dim3A_723 = vector.broadcast %jit3A_722 : f32 to vector<8x512xf32>
    %select_n3A_724 = arith.select %or3A_698, %broadcast_in_dim3A_723, %slice3A_721 : vector<8x512xi1>, vector<8x512xf32>
    %slice3A_725 = vector.extract_strided_slice %add3A_605 {offsets = [16, 0], sizes = [8, 512], strides = [1, 1]} : vector<40x512xf32> to vector<8x512xf32>
    %jit3A_726 = arith.constant -1.000000e+00 : f32
    %broadcast_in_dim3A_727 = vector.broadcast %jit3A_726 : f32 to vector<8x512xf32>
    %select_n3A_728 = arith.select %or3A_704, %broadcast_in_dim3A_727, %slice3A_725 : vector<8x512xi1>, vector<8x512xf32>
    %slice3A_729 = vector.extract_strided_slice %add3A_605 {offsets = [24, 0], sizes = [8, 512], strides = [1, 1]} : vector<40x512xf32> to vector<8x512xf32>
    %jit3A_730 = arith.constant -1.000000e+00 : f32
    %broadcast_in_dim3A_731 = vector.broadcast %jit3A_730 : f32 to vector<8x512xf32>
    %select_n3A_732 = arith.select %or3A_710, %broadcast_in_dim3A_731, %slice3A_729 : vector<8x512xi1>, vector<8x512xf32>
    %slice3A_733 = vector.extract_strided_slice %add3A_605 {offsets = [32, 0], sizes = [8, 512], strides = [1, 1]} : vector<40x512xf32> to vector<8x512xf32>
    %jit3A_734 = arith.constant -1.000000e+00 : f32
    %broadcast_in_dim3A_735 = vector.broadcast %jit3A_734 : f32 to vector<8x512xf32>
    %select_n3A_736 = arith.select %or3A_716, %broadcast_in_dim3A_735, %slice3A_733 : vector<8x512xi1>, vector<8x512xf32>
    %max3A_737 = arith.maximumf %select_n3A_720, %select_n3A_724 : vector<8x512xf32>
    %max3A_738 = arith.maximumf %max3A_737, %select_n3A_728 : vector<8x512xf32>
    %max3A_739 = arith.maximumf %max3A_738, %select_n3A_732 : vector<8x512xf32>
    %max3A_740 = arith.maximumf %max3A_739, %select_n3A_736 : vector<8x512xf32>
    %add3A_741 = arith.addf %add3A_688, %max3A_740 : vector<8x512xf32>
    %broadcast_in_dim3A_742 = arith.constant false
    %broadcast_in_dim3A_743 = vector.broadcast %broadcast_in_dim3A_742 : i1 to vector<8x512xi1>
    %eq3A_744 = arith.cmpf oeq, %select_n3A_720, %max3A_740 : vector<8x512xf32>
    %not3A_745 = arith.constant dense<true> : vector<8x512xi1>
    %not3A_746 = arith.xori %broadcast_in_dim3A_743, %not3A_745 : vector<8x512xi1>
    %and3A_747 = arith.andi %eq3A_744, %not3A_746 : vector<8x512xi1>
    %or3A_748 = arith.ori %or3A, %and3A_747 : vector<8x512xi1>
    %or3A_749 = arith.ori %broadcast_in_dim3A_743, %and3A_747 : vector<8x512xi1>
    %eq3A_750 = arith.cmpf oeq, %select_n3A_724, %max3A_740 : vector<8x512xf32>
    %not3A_751 = arith.constant dense<true> : vector<8x512xi1>
    %not3A_752 = arith.xori %or3A_749, %not3A_751 : vector<8x512xi1>
    %and3A_753 = arith.andi %eq3A_750, %not3A_752 : vector<8x512xi1>
    %or3A_754 = arith.ori %or3A_698, %and3A_753 : vector<8x512xi1>
    %or3A_755 = arith.ori %or3A_749, %and3A_753 : vector<8x512xi1>
    %eq3A_756 = arith.cmpf oeq, %select_n3A_728, %max3A_740 : vector<8x512xf32>
    %not3A_757 = arith.constant dense<true> : vector<8x512xi1>
    %not3A_758 = arith.xori %or3A_755, %not3A_757 : vector<8x512xi1>
    %and3A_759 = arith.andi %eq3A_756, %not3A_758 : vector<8x512xi1>
    %or3A_760 = arith.ori %or3A_704, %and3A_759 : vector<8x512xi1>
    %or3A_761 = arith.ori %or3A_755, %and3A_759 : vector<8x512xi1>
    %eq3A_762 = arith.cmpf oeq, %select_n3A_732, %max3A_740 : vector<8x512xf32>
    %not3A_763 = arith.constant dense<true> : vector<8x512xi1>
    %not3A_764 = arith.xori %or3A_761, %not3A_763 : vector<8x512xi1>
    %and3A_765 = arith.andi %eq3A_762, %not3A_764 : vector<8x512xi1>
    %or3A_766 = arith.ori %or3A_710, %and3A_765 : vector<8x512xi1>
    %or3A_767 = arith.ori %or3A_761, %and3A_765 : vector<8x512xi1>
    %eq3A_768 = arith.cmpf oeq, %select_n3A_736, %max3A_740 : vector<8x512xf32>
    %not3A_769 = arith.constant dense<true> : vector<8x512xi1>
    %not3A_770 = arith.xori %or3A_767, %not3A_769 : vector<8x512xi1>
    %and3A_771 = arith.andi %eq3A_768, %not3A_770 : vector<8x512xi1>
    %or3A_772 = arith.ori %or3A_716, %and3A_771 : vector<8x512xi1>
    %slice3A_773 = vector.extract_strided_slice %add3A_630 {offsets = [0, 0], sizes = [8, 512], strides = [1, 1]} : vector<40x512xf32> to vector<8x512xf32>
    %jit3A_774 = arith.constant -1.000000e+00 : f32
    %broadcast_in_dim3A_775 = vector.broadcast %jit3A_774 : f32 to vector<8x512xf32>
    %select_n3A_776 = arith.select %or3A_748, %broadcast_in_dim3A_775, %slice3A_773 : vector<8x512xi1>, vector<8x512xf32>
    %slice3A_777 = vector.extract_strided_slice %add3A_630 {offsets = [8, 0], sizes = [8, 512], strides = [1, 1]} : vector<40x512xf32> to vector<8x512xf32>
    %jit3A_778 = arith.constant -1.000000e+00 : f32
    %broadcast_in_dim3A_779 = vector.broadcast %jit3A_778 : f32 to vector<8x512xf32>
    %select_n3A_780 = arith.select %or3A_754, %broadcast_in_dim3A_779, %slice3A_777 : vector<8x512xi1>, vector<8x512xf32>
    %slice3A_781 = vector.extract_strided_slice %add3A_630 {offsets = [16, 0], sizes = [8, 512], strides = [1, 1]} : vector<40x512xf32> to vector<8x512xf32>
    %jit3A_782 = arith.constant -1.000000e+00 : f32
    %broadcast_in_dim3A_783 = vector.broadcast %jit3A_782 : f32 to vector<8x512xf32>
    %select_n3A_784 = arith.select %or3A_760, %broadcast_in_dim3A_783, %slice3A_781 : vector<8x512xi1>, vector<8x512xf32>
    %slice3A_785 = vector.extract_strided_slice %add3A_630 {offsets = [24, 0], sizes = [8, 512], strides = [1, 1]} : vector<40x512xf32> to vector<8x512xf32>
    %jit3A_786 = arith.constant -1.000000e+00 : f32
    %broadcast_in_dim3A_787 = vector.broadcast %jit3A_786 : f32 to vector<8x512xf32>
    %select_n3A_788 = arith.select %or3A_766, %broadcast_in_dim3A_787, %slice3A_785 : vector<8x512xi1>, vector<8x512xf32>
    %slice3A_789 = vector.extract_strided_slice %add3A_630 {offsets = [32, 0], sizes = [8, 512], strides = [1, 1]} : vector<40x512xf32> to vector<8x512xf32>
    %jit3A_790 = arith.constant -1.000000e+00 : f32
    %broadcast_in_dim3A_791 = vector.broadcast %jit3A_790 : f32 to vector<8x512xf32>
    %select_n3A_792 = arith.select %or3A_772, %broadcast_in_dim3A_791, %slice3A_789 : vector<8x512xi1>, vector<8x512xf32>
    %max3A_793 = arith.maximumf %select_n3A_776, %select_n3A_780 : vector<8x512xf32>
    %max3A_794 = arith.maximumf %max3A_793, %select_n3A_784 : vector<8x512xf32>
    %max3A_795 = arith.maximumf %max3A_794, %select_n3A_788 : vector<8x512xf32>
    %max3A_796 = arith.maximumf %max3A_795, %select_n3A_792 : vector<8x512xf32>
    %add3A_797 = arith.addf %add3A_741, %max3A_796 : vector<8x512xf32>
    %broadcast_in_dim3A_798 = arith.constant false
    %broadcast_in_dim3A_799 = vector.broadcast %broadcast_in_dim3A_798 : i1 to vector<8x512xi1>
    %eq3A_800 = arith.cmpf oeq, %select_n3A_776, %max3A_796 : vector<8x512xf32>
    %not3A_801 = arith.constant dense<true> : vector<8x512xi1>
    %not3A_802 = arith.xori %broadcast_in_dim3A_799, %not3A_801 : vector<8x512xi1>
    %and3A_803 = arith.andi %eq3A_800, %not3A_802 : vector<8x512xi1>
    %or3A_804 = arith.ori %or3A_748, %and3A_803 : vector<8x512xi1>
    %or3A_805 = arith.ori %broadcast_in_dim3A_799, %and3A_803 : vector<8x512xi1>
    %eq3A_806 = arith.cmpf oeq, %select_n3A_780, %max3A_796 : vector<8x512xf32>
    %not3A_807 = arith.constant dense<true> : vector<8x512xi1>
    %not3A_808 = arith.xori %or3A_805, %not3A_807 : vector<8x512xi1>
    %and3A_809 = arith.andi %eq3A_806, %not3A_808 : vector<8x512xi1>
    %or3A_810 = arith.ori %or3A_754, %and3A_809 : vector<8x512xi1>
    %or3A_811 = arith.ori %or3A_805, %and3A_809 : vector<8x512xi1>
    %eq3A_812 = arith.cmpf oeq, %select_n3A_784, %max3A_796 : vector<8x512xf32>
    %not3A_813 = arith.constant dense<true> : vector<8x512xi1>
    %not3A_814 = arith.xori %or3A_811, %not3A_813 : vector<8x512xi1>
    %and3A_815 = arith.andi %eq3A_812, %not3A_814 : vector<8x512xi1>
    %or3A_816 = arith.ori %or3A_760, %and3A_815 : vector<8x512xi1>
    %or3A_817 = arith.ori %or3A_811, %and3A_815 : vector<8x512xi1>
    %eq3A_818 = arith.cmpf oeq, %select_n3A_788, %max3A_796 : vector<8x512xf32>
    %not3A_819 = arith.constant dense<true> : vector<8x512xi1>
    %not3A_820 = arith.xori %or3A_817, %not3A_819 : vector<8x512xi1>
    %and3A_821 = arith.andi %eq3A_818, %not3A_820 : vector<8x512xi1>
    %or3A_822 = arith.ori %or3A_766, %and3A_821 : vector<8x512xi1>
    %or3A_823 = arith.ori %or3A_817, %and3A_821 : vector<8x512xi1>
    %eq3A_824 = arith.cmpf oeq, %select_n3A_792, %max3A_796 : vector<8x512xf32>
    %not3A_825 = arith.constant dense<true> : vector<8x512xi1>
    %not3A_826 = arith.xori %or3A_823, %not3A_825 : vector<8x512xi1>
    %and3A_827 = arith.andi %eq3A_824, %not3A_826 : vector<8x512xi1>
    %or3A_828 = arith.ori %or3A_772, %and3A_827 : vector<8x512xi1>
    %slice3A_829 = vector.extract_strided_slice %add3A_655 {offsets = [0, 0], sizes = [8, 512], strides = [1, 1]} : vector<40x512xf32> to vector<8x512xf32>
    %jit3A_830 = arith.constant -1.000000e+00 : f32
    %broadcast_in_dim3A_831 = vector.broadcast %jit3A_830 : f32 to vector<8x512xf32>
    %select_n3A_832 = arith.select %or3A_804, %broadcast_in_dim3A_831, %slice3A_829 : vector<8x512xi1>, vector<8x512xf32>
    %slice3A_833 = vector.extract_strided_slice %add3A_655 {offsets = [8, 0], sizes = [8, 512], strides = [1, 1]} : vector<40x512xf32> to vector<8x512xf32>
    %jit3A_834 = arith.constant -1.000000e+00 : f32
    %broadcast_in_dim3A_835 = vector.broadcast %jit3A_834 : f32 to vector<8x512xf32>
    %select_n3A_836 = arith.select %or3A_810, %broadcast_in_dim3A_835, %slice3A_833 : vector<8x512xi1>, vector<8x512xf32>
    %slice3A_837 = vector.extract_strided_slice %add3A_655 {offsets = [16, 0], sizes = [8, 512], strides = [1, 1]} : vector<40x512xf32> to vector<8x512xf32>
    %jit3A_838 = arith.constant -1.000000e+00 : f32
    %broadcast_in_dim3A_839 = vector.broadcast %jit3A_838 : f32 to vector<8x512xf32>
    %select_n3A_840 = arith.select %or3A_816, %broadcast_in_dim3A_839, %slice3A_837 : vector<8x512xi1>, vector<8x512xf32>
    %slice3A_841 = vector.extract_strided_slice %add3A_655 {offsets = [24, 0], sizes = [8, 512], strides = [1, 1]} : vector<40x512xf32> to vector<8x512xf32>
    %jit3A_842 = arith.constant -1.000000e+00 : f32
    %broadcast_in_dim3A_843 = vector.broadcast %jit3A_842 : f32 to vector<8x512xf32>
    %select_n3A_844 = arith.select %or3A_822, %broadcast_in_dim3A_843, %slice3A_841 : vector<8x512xi1>, vector<8x512xf32>
    %slice3A_845 = vector.extract_strided_slice %add3A_655 {offsets = [32, 0], sizes = [8, 512], strides = [1, 1]} : vector<40x512xf32> to vector<8x512xf32>
    %jit3A_846 = arith.constant -1.000000e+00 : f32
    %broadcast_in_dim3A_847 = vector.broadcast %jit3A_846 : f32 to vector<8x512xf32>
    %select_n3A_848 = arith.select %or3A_828, %broadcast_in_dim3A_847, %slice3A_845 : vector<8x512xi1>, vector<8x512xf32>
    %max3A_849 = arith.maximumf %select_n3A_832, %select_n3A_836 : vector<8x512xf32>
    %max3A_850 = arith.maximumf %max3A_849, %select_n3A_840 : vector<8x512xf32>
    %max3A_851 = arith.maximumf %max3A_850, %select_n3A_844 : vector<8x512xf32>
    %max3A_852 = arith.maximumf %max3A_851, %select_n3A_848 : vector<8x512xf32>
    %add3A_853 = arith.addf %add3A_797, %max3A_852 : vector<8x512xf32>
    %swap3A = arith.constant 0 : index
    %swap3A_854 = arith.constant 0 : index
    %swap3A_855 = vector.load %arg6[%swap3A, %swap3A_854] : memref<8x512xf32, #tpu.memory_space<vmem>>, vector<8x512xf32>
    tpu.vector_store %arg6[%swap3A, %swap3A_854], %add3A_853 {strides = array<i32>} : memref<8x512xf32, #tpu.memory_space<vmem>>, vector<8x512xf32>,
    return
  }
  func.func @transform_0(%arg0: i32) -> (i32, i32, i32) {
    %c0_i32 = arith.constant 0 : i32
    %c0_i32_0 = arith.constant 0 : i32
    %c0_i32_1 = arith.constant 0 : i32
    return %c0_i32, %arg0, %c0_i32_0 : i32, i32, i32
  }
  func.func @transform_1(%arg0: i32) -> (i32, i32) {
    %add3A = arith.constant 0 : i32
    %add3A_0 = arith.addi %add3A, %arg0 : i32
    %c0_i32 = arith.constant 0 : i32
    %c0_i32_1 = arith.constant 0 : i32
    return %add3A_0, %c0_i32 : i32, i32
  }
  func.func @transform_2(%arg0: i32) -> (i32, i32) {
    %add3A = arith.constant 0 : i32
    %add3A_0 = arith.addi %add3A, %arg0 : i32
    %c0_i32 = arith.constant 0 : i32
    %c0_i32_1 = arith.constant 0 : i32
    return %add3A_0, %c0_i32 : i32, i32
  }
  func.func @transform_3(%arg0: i32) -> (i32, i32) {
    %c0_i32 = arith.constant 0 : i32
    %c0_i32_0 = arith.constant 0 : i32
    %c0_i32_1 = arith.constant 0 : i32
    return %c0_i32, %c0_i32_0 : i32, i32
  }
  func.func @transform_4(%arg0: i32) -> (i32, i32, i32) {
    %c0_i32 = arith.constant 0 : i32
    %c0_i32_0 = arith.constant 0 : i32
    %c0_i32_1 = arith.constant 0 : i32
    %c0_i32_2 = arith.constant 0 : i32
    return %c0_i32, %c0_i32_0, %c0_i32_1 : i32, i32, i32
  }
  func.func @transform_5(%arg0: i32) -> (i32, i32) {
    %c0_i32 = arith.constant 0 : i32
    %c0_i32_0 = arith.constant 0 : i32
    return %c0_i32, %arg0 : i32, i32
  }
}

</mosaic_0001>

<sc_bundles>
// kernel: kernel.6.cloned.1.call-start
scs
__scs_entry_jumppad:
0x0: {  	(pc) =	sbr.rel $0x88, $3  }
0x1: {  	(tag) =	ssettag $0x0;
	lr =	simm.s32 $0x1  }
0x2: {  	[smem:$0x3F9C] =	sst lr;
	_ =	strace $0xD0000000  }
0x3: {  	_ = 	snop  }
0x4: {  	_ = 	snop  }
0x5: {  	_ = 	snop  }
0x6: {  	_ = 	snop  }
0x7: {  	_ = 	snop  }
__scs_overlays_trampoline_lowered:
0x8: {  	[smem:$0x3FAB] =	sst s0  }
0x9: {  	[smem:$0x3FAC] =	sst s1  }
0xa: {  	[smem:$0x3FAD] =	sst s2  }
0xb: {  	[smem:$0x3FAE] =	sst s3  }
0xc: {  	[smem:$0x3FAF] =	sst s4  }
0xd: {  	[smem:$0x3FB0] =	sst s5  }
0xe: {  	[smem:$0x3FB1] =	sst s6  }
0xf: {  	[smem:$0x3FB2] =	sst s7  }
0x10: {  	[smem:$0x3FB3] =	sst s8  }
0x11: {  	[smem:$0x3FB4] =	sst s9;
	s0 =	simm.s32 @!p0 $0x0  }
0x12: {  	s1 =	sld [smem:$0x3F9A];
	s0 =	simm.s32 @p0 $0x1  }
0x13: {  	[smem:$0x3FB5] =	sst s0;
	s0 =	simm.s32 @!p1 $0x0  }
0x14: {  	s2 =	sld [smem:$0x3F99];
	s0 =	simm.s32 @p1 $0x1  }
0x15: {  	[smem:$0x3FB6] =	sst s0;
	s0 =	simm.s32 @!p2 $0x0  }
0x16: {  	s3 =	sld [smem:$0x3FDB];
	s0 =	simm.s32 @p2 $0x1  }
0x17: {  	s4 =	simm.s32 $0x1BF5;
	[smem:$0x3FB8] =	sst s0  }
0x18: {  	s0 =	sld [smem:$0x3F9B];
	_ =	swait.ge [sflag:s4], $0x0  }
0x19: {  	s7 =	sld [smem:$0x3F9C]  }
0x1a: {  	s8 =	sadd.s32 $0xFFFFE003, lr  }
0x1b: {  	s9 =	sadd.s32 $0xFFFFFEF7, lr;
	s5 =	simm.s32 $0xFFFFFFFF;
	p2 =	slt.u32 s8, $0xFFFFF086  }
0x1c: {  	p1 =	slt.u32 s9, $0xF7A;
	s5 =	simm.s32 @!p2 $0x0  }
0x1d: {  	s5 =	simm.s32 @p1 $0x1;
	p0 =	seq.s32 s7, s2  }
0x1e: {  	s7 =	smul.u32 @!p0 $0xF7A, s2;
	p2 =	seq.s32 @!p0 s5, $0x0  }
0x1f: {  	s9 =	smul.u32 $0xF7A, s1;
	s8 =	simm.s32 @!p0 $0x1BF5;
	p2 =	por !p2, p0  }
0x20: {  	[sflag:s8] =	ssyncset.s32 @!p0 $0xFFFFF086;
	s6 =	sadd.s32 @!p0 s3, s7;
	s7 =	simm.s32 @!p0 $0x108  }
0x21: {  	s3 =	sadd.s32 s3, s9;
	s6 =	sadd.s32 @!p0 $0x88, s6;
	s7 =	simm.s32 @p2 $0x1082  }
0x22: {  	[simem:s7], [sflag:s8] =	dma.local @!p0 [hbm:s6], $0xF7A  }
0x23: {  	s9 =	sor.u32 $0xD0000000, s2;
	s6 =	simm.s32 $0x108;
	_ =	swait.ge @!p0 [sflag:s8], $0x0  }
0x24: {  	s3 =	sadd.s32 $0x88, s3;
	s6 =	simm.s32 @!p1 $0x1082;
	[sflag:s4] =	ssyncset.s32 $0xFFFFF086  }
0x25: {  	[simem:s6], [sflag:s4] =	dma.local [hbm:s3], $0xF7A  }
0x26: {  	[smem:$0x3F9C] =	sst s1;
	(tag) =	ssettag s2;
	_ =	strace s9  }
0x27: {  	s1 =	sld [smem:$0x3FAC]  }
0x28: {  	s2 =	sld [smem:$0x3FAD]  }
0x29: {  	s4 =	sld [smem:$0x3FAF]  }
0x2a: {  	p0 =	seq.s32 s5, $0x0;
	s5 =	sld [smem:$0x3FB0]  }
0x2b: {  	s6 =	sld [smem:$0x3FB1]  }
0x2c: {  	s7 =	sld [smem:$0x3FB2]  }
0x2d: {  	s3 =	simm.s32 $0x108;
	s8 =	sld [smem:$0x3FB3]  }
0x2e: {  	s3 =	simm.s32 @!p0 $0x1082;
	s9 =	sld [smem:$0x3FB4]  }
0x2f: {  	lr =	sadd.s32 s0, s3;
	s0 =	sld [smem:$0x3FAB]  }
0x30: {  	s3 =	sld [smem:$0x3FAE]  }
0x31: {  	[smem:$0x3FB7] =	sst s10  }
0x32: {  	s10 =	sld [smem:$0x3FB5];
	_ =	sdelay $0x3  }
0x33: {  	p0 =	seq.s32 s10, $0x1;
	s10 =	sld [smem:$0x3FB7];
	_ =	sdelay $0x3  }
0x34: {  	[smem:$0x3FB7] =	sst s10  }
0x35: {  	s10 =	sld [smem:$0x3FB6];
	_ =	sdelay $0x3  }
0x36: {  	p1 =	seq.s32 s10, $0x1;
	s10 =	sld [smem:$0x3FB7];
	_ =	sdelay $0x3  }
0x37: {  	[smem:$0x3FB7] =	sst s10  }
0x38: {  	s10 =	sld [smem:$0x3FB8]  }
0x39: {  	_ = 	snop;
	(pc) =	sbr.ind lr, $3  }
0x3a: {  	_ = 	snop  }
0x3b: {  	_ = 	snop  }
0x3c: {  	p2 =	seq.s32 s10, $0x1;
	s10 =	sld [smem:$0x3FB7]  }
0x3d: {  	_ =	shalt  }
0x3e: {  	_ =	shalt  }
0x3f: {  	_ =	shalt  }
0x40: {  	_ =	shalt  }
0x41: {  	_ =	shalt  }
0x42: {  	_ =	shalt  }
0x43: {  	_ =	shalt  }
0x44: {  	_ =	shalt  }
0x45: {  	_ =	shalt  }
0x46: {  	_ =	shalt  }
0x47: {  	_ =	shalt  }
0x48: {  	_ =	shalt  }
0x49: {  	_ =	shalt  }
0x4a: {  	_ =	shalt  }
0x4b: {  	_ =	shalt  }
0x4c: {  	_ =	shalt  }
0x4d: {  	_ =	shalt  }
0x4e: {  	_ =	shalt  }
0x4f: {  	_ =	shalt  }
0x50: {  	_ =	shalt  }
0x51: {  	_ =	shalt  }
0x52: {  	_ =	shalt  }
0x53: {  	_ =	shalt  }
0x54: {  	_ =	shalt  }
0x55: {  	_ =	shalt  }
0x56: {  	_ =	shalt  }
0x57: {  	_ =	shalt  }
0x58: {  	_ =	shalt  }
0x59: {  	_ =	shalt  }
0x5a: {  	_ =	shalt  }
0x5b: {  	_ =	shalt  }
0x5c: {  	_ =	shalt  }
0x5d: {  	_ =	shalt  }
0x5e: {  	_ =	shalt  }
0x5f: {  	_ =	shalt  }
0x60: {  	_ =	shalt  }
0x61: {  	_ =	shalt  }
0x62: {  	_ =	shalt  }
0x63: {  	_ =	shalt  }
0x64: {  	_ =	shalt  }
0x65: {  	_ =	shalt  }
0x66: {  	_ =	shalt  }
0x67: {  	_ =	shalt  }
0x68: {  	_ =	shalt  }
0x69: {  	_ =	shalt  }
0x6a: {  	_ =	shalt  }
0x6b: {  	_ =	shalt  }
0x6c: {  	_ =	shalt  }
0x6d: {  	_ =	shalt  }
0x6e: {  	_ =	shalt  }
0x6f: {  	_ =	shalt  }
0x70: {  	_ =	shalt  }
0x71: {  	_ =	shalt  }
0x72: {  	_ =	shalt  }
0x73: {  	_ =	shalt  }
0x74: {  	_ =	shalt  }
0x75: {  	_ =	shalt  }
0x76: {  	_ =	shalt  }
0x77: {  	_ =	shalt  }
0x78: {  	_ =	shalt  }
0x79: {  	_ =	shalt  }
0x7a: {  	_ =	shalt  }
0x7b: {  	_ =	shalt  }
0x7c: {  	_ =	shalt  }
0x7d: {  	_ =	shalt  }
0x7e: {  	_ =	shalt  }
0x7f: {  	_ =	shalt  }
0x80: {  	_ =	shalt  }
0x81: {  	_ =	shalt  }
0x82: {  	_ =	shalt  }
0x83: {  	_ =	shalt  }
0x84: {  	_ =	shalt  }
0x85: {  	_ =	shalt  }
0x86: {  	_ =	shalt  }
0x87: {  	_ =	shalt  }
.Lfunc_end0:
.L_simem_size_0:
called_computation_lowered:
.L_overlay_start_0:
0x88: {  	s2 =	sld [smem:$0x3FD9]  }
0x89: {  	s3 =	sld [smem:$0x3FFE];
	_ =	sdelay $0x1  }
0x8a: {  	s1 =	srdreg.scid  }
0x8b: {  	s0 =	sand.u32 $0x1, s1  }
0x8c: {  	s17 =	sshll.u32 s0, $0xA;
	s2 =	sadd.s32 s3, s2  }
0x8d: {  	s2 =	sadd.s32 s2, s17  }
0x8e: {  	[smem:$0x3FC3] =	sst s2  }
0x8f: {  	_ = 	snop  }
0x90: {  	s18 =	sld [smem:$0x3FC8]  }
0x91: {  	s4 =	sld [smem:$0x3FD0];
	(tm) =	ssettm $0x1  }
0x92: {  	s19 =	sld [smem:$0x3FFB];
	_ =	sdelay $0x3  }
0x93: {  	_ =	strace s19  }
0x94: {  	s2 =	sld [smem:$0x3FFC];
	_ =	sdelay $0x3  }
0x95: {  	_ =	strace s2  }
0x96: {  	s2 =	sld [smem:$0x3FFD];
	_ =	sdelay $0x3  }
0x97: {  	_ =	strace s2  }
0x98: {  	_ =	strace $0x8FFFFFFF  }
0x99: {  	s20 =	sld [smem:$0x3FDB];
	_ =	sdelay $0x1  }
0x9a: {  	s5 =	simm.s32 $_scs_section_size  }
0x9b: {  	s6 =	simm.s32 $_size__tile_overlayer_lowered;
	s7 =	simm.s32 $_tile_overlayer_lowered  }
0x9c: {  	s8 =	simm.s32 $0x1BFF;
	s21 =	sshll.u32 s7, $0x1;
	s5 =	sadd.s32 s5, s20  }
0x9d: {  	s22 =	simm.s32 $0x0;
	s6 =	sshll.u32 s6, $0x1;
	s7 =	sadd.s32 s21, s5  }
0x9e: {  	[timem:s22], [sflag:s8] =	dma.local [hbm:s7], s6  }
0x9f: {  	_ =	swait.ge [sflag:s8], s6  }
0xa0: {  	s6 =	ssub.s32 $0x0, s6;
	[sflag:s8] =	ssyncset.done $0x0  }
0xa1: {  	[sflag:s8] =	ssyncadd.s32 s6;
	_ =	sdelay $0x1  }
0xa2: {  	s23 =	simm.s32 $0x1B8B  }
0xa3: {  	_ =	swait.ge [sflag:s23], $0x1  }
0xa4: {  	[sflag:s23] =	ssyncset.done $0x0  }
0xa5: {  	[sflag:s23] =	ssyncadd.s32 $0xFFFFFFFF  }
0xa6: {  	s6 =	sld [smem:$0x0]  }
0xa7: {  	s7 =	sand.u32 $0xFFFFFFFE, s1  }
0xa8: {  	p0 =	sne.s32 s1, s7  }
0xa9: {  	s7 =	sshll.u32 @p0 s7, $0xE  }
0xaa: {  	s7 =	sadd.s32 @p0 $0x11B8D, s7;
	s8 =	sshll.u32 @p0 s6, $0x11  }
0xab: {  	s7 =	sor.u32 @p0 s8, s7  }
0xac: {  	[sflag:s7] =	ssyncadd.remote.s32 @p0 $0x1;
	_ =	sdelay $0x1  }
0xad: {  	s7 =	simm.s32 @p0 $0x1B8D  }
0xae: {  	_ =	swait.eq @p0 [sflag:s7], $0x1  }
0xaf: {  	[sflag:s7] =	ssyncadd.s32 @p0 $0xFFFFFFFF  }
0xb0: {  	s8 =	sshll.u32 @!p0 s1, $0xE  }
0xb1: {  	s8 =	sor.u32 @!p0 $0x4000, s8;
	s7 =	simm.s32 @!p0 $0x1B8D  }
0xb2: {  	s6 =	sshll.u32 @!p0 s6, $0x11;
	s8 =	sadd.s32 @!p0 $0x11B8D, s8;
	_ =	swait.eq @!p0 [sflag:s7], $0x1  }
0xb3: {  	s6 =	sor.u32 @!p0 s6, s8;
	[sflag:s7] =	ssyncadd.s32 @!p0 $0xFFFFFFFF  }
0xb4: {  	s25 =	simm.s32 $0x1B8E;
	s24 =	sld [smem:$0x3FFE];
	[sflag:s6] =	ssyncadd.remote.s32 @!p0 $0x1  }
0xb5: {  	s26 =	simm.s32 $execute0_lowered;
	[smem:$0x3FD2] =	sst s25  }
0xb6: {  	s7 =	sshll.u32 s26, $0x1;
	_ =	strace $0x80000049;
	[dreg:$0x1] =	wrdreg $0xFFFFFFFF  }
0xb7: {  	s28 =	simm.s32 $_size_execute0_lowered;
	s5 =	sadd.s32 s5, s7;
	[dreg:$0x0] =	wrdreg $0x0  }
0xb8: {  	s7 =	sshll.u32 s28, $0x1;
	[dreg:$0x2] =	wrdreg s5  }
0xb9: {  	[dreg:$0x3] =	wrdreg s7  }
0xba: {  	[dreg:$0x4] =	wrdreg $0xC0  }
0xbb: {  	_ =	task [dreg:s22], $0x5FFFF  }
0xbc: {  	[dreg:$0x1] =	wrdreg $0xFFFFFFFF  }
0xbd: {  	[dreg:$0x0] =	wrdreg $0x60  }
0xbe: {  	[dreg:$0x2] =	wrdreg s18  }
0xbf: {  	[dreg:$0x3] =	wrdreg s4  }
0xc0: {  	[dreg:$0x4] =	wrdreg s24  }
0xc1: {  	[dreg:$0x5] =	wrdreg $0x9  }
0xc2: {  	_ =	task.clear_ibuf [dreg:s22], $0x6FFFF;
	_ =	strace $0x90000049  }
0xc3: {  	s29 =	simm.s32 $0x9;
	_ =	strace $0x8000004B  }
0xc4: {  	_ =	swait.ge [sflag:s29], $0x1  }
0xc5: {  	[sflag:s29] =	ssyncadd.s32 $0xFFFFFFFF  }
0xc6: {  	_ =	strace $0x9000004B  }
0xc7: {  	_ =	sfence  }
0xc8: {  	s30 =	sld [smem:$0x0];
	_ =	sdelay $0x2  }
0xc9: {  	s31 =	sshll.u32 s1, $0xD;
	s1 =	sshrl.u32 s1, $0x2  }
0xca: {  	s4 =	sand.u32 $0x4000, s31;
	s1 =	sadd.s32 s1, s30  }
0xcb: {  	s0 =	sor.u32 s4, s0;
	s1 =	sshll.u32 s1, $0x11  }
0xcc: {  	s0 =	sor.u32 s1, s0  }
0xcd: {  	s0 =	sadd.s32 $0x8F2B, s0  }
0xce: {  	[sflag:s0] =	ssyncadd.remote.s32 $0x1  }
0xcf: {  	_ =	sfence.sel $0xFFFF  }
0xd0: {  	[dreg:$0x0] =	wrdreg $0xFFFFFFFF;
	(pc) =	sbr.abs _section_cstart, $3  }
0xd1: {  	[dreg:$0x1] =	wrdreg $0xFFFFFFFF  }
0xd2: {  	_ =	task.clear_ibuf [dreg:s22], $0x2FFFF;
	_ =	strace $0x9FFFFFFF  }
0xd3: {  	(tm) =	ssettm $0x7FFFFFFF  }
tec
execute0_lowered:
.L_overlay_start_1:
0x0: {  	(tag) =	ssettag $0x1  }
0x1: {  	s1 =	rddreg [dreg:$0x0]  }
0x2: {  	s3 =	rddreg [dreg:$0x1]  }
0x3: {  	s6 =	rddreg [dreg:$0x2];
	s5 =	srdreg.scid  }
0x4: {  	s2 =	stileid.u32;
	s4 =	simm.s32 $0x0;
	s16 =	simm.s32 $0x400  }
0x5: {  	s17 =	simm.s32 $0x5;
	s18 =	simm.s32 $0x800;
	s19 =	simm.s32 $0x200  }
0x6: {  	s20 =	simm.s32 $0x600;
	s21 =	simm.s32 $0xCC00;
	s22 =	simm.s32 $0x1  }
0x7: {  	s23 =	simm.s32 $0x3;
	s9 =	sand.u32 $0x1, s5;
	s25 =	smul.u32 $0x1EA00, s2  }
0x8: {  	s24 =	sshll.u32 s2, $0x1;
	[smem:$0x7FF] =	sst s4;
	s29 =	smul.u32 $0x1EA0, s2  }
0x9: {  	s5 =	sadd.s32 $0x1EF200, s6;
	s13 =	sadd.s32 $0x1F3000, s6;
	s14 =	smul.u32 $0xF50, s9  }
0xa: {  	s7 =	sor.u32 s9, s24;
	s8 =	ssub.s32 $0x2, s9;
	s15 =	smul.u32 $0xF500, s9  }
0xb: {  	_ =	strace $0x8000004A;
	s10 =	smul.u32 $0xF50, s7;
	s11 =	sshrl.u32 s8, $0x1  }
0xc: {  	s24 =	simm.s32 $0x2;
	s12 =	smul.u32 $0xF500, s7;
	s8 =	ssub.s32 s8, s11  }
0xd: {  	s11 =	sadd.s32 s25, s13;
	s30 =	sadd.s32 s14, s29;
	s25 =	simm.s32 $0x4  }
0xe: {  	s26 =	sshrl.u32 s10, $0x3;
	s28 =	sadd.s32 $0x188, s10;
	s8 =	smax.u32 s8, $0x1  }
0xf: {  	s12 =	sadd.s32 s13, s12;
	s11 =	sadd.s32 s15, s11;
	s14 =	sadd.s32 $0x498, s30  }
0x10: {  	s13 =	sadd.s32 $0x310, s30;
	s15 =	simm.s32 $0x188;
	s6 =	sadd.s32 s5, s26  }
0x11: {  	s7 =	sshrl.u32 s28, $0x3;
	s9 =	sadd.s32 $0xC400, s12;
	s10 =	sadd.s32 $0xDC80, s12  }
0x12: {  	s11 =	sadd.s32 $0x1880, s11;
	s31 =	sshrl.u32 s14, $0x3;
	s14 =	simm.s32 $0x6  }
0x13: {  	s26 =	simm.s32 $0x0;
	s7 =	sadd.s32 s5, s7;
	s12 =	sadd.s32 s31, s5  }
.LBB2_1:
0x14: {  	[tilespmem:s4], [sflag:$0x6] =	stream.linear.gather [hbm4b:s6+s4], $0x188, $0x38;
	[tilespmem:$0x19000] =	vst v63  }
0x15: {  	_ =	swait.ge [sflag:s14], $0x188  }
0x16: {  	[sflag:s14] =	ssyncset.done $0x0  }
0x17: {  	[sflag:s14] =	ssyncadd.s32 $0xFFFFFE78  }
0x18: {  	[tilespmem:s16], [sflag:$0x5] =	stream.indirect.gather [hbm4b:s3+s15], $0x1, s4, s15, $0xb8;
	[tilespmem:$0x19000] =	vst v63  }
0x19: {  	_ =	swait.ge [sflag:s17], $0x188  }
0x1a: {  	[sflag:s17] =	ssyncset.done $0x0  }
0x1b: {  	[sflag:s17] =	ssyncadd.s32 $0xFFFFFE78  }
0x1c: {  	[tilespmem:s18], [sflag:$0x1] =	stream.indirect.gather [hbm4b:s1+s15], $0x80, s16, s15, $0xb8;
	[tilespmem:$0x19000] =	vst v63  }
0x1d: {  	_ = 	snop  }
0x1e: {  	[tilespmem:s19], [sflag:$0x6] =	stream.linear.gather [hbm4b:s7+s4], $0x188, $0x38;
	[tilespmem:$0x19000] =	vst v63  }
0x1f: {  	_ =	swait.ge [sflag:s14], $0x188  }
0x20: {  	[sflag:s14] =	ssyncset.done $0x0  }
0x21: {  	[sflag:s14] =	ssyncadd.s32 $0xFFFFFE78  }
0x22: {  	[tilespmem:s20], [sflag:$0x5] =	stream.indirect.gather [hbm4b:s3+s15], $0x1, s19, s15, $0xb8;
	[tilespmem:$0x19000] =	vst v63  }
0x23: {  	_ =	swait.ge [sflag:s17], $0x188  }
0x24: {  	[sflag:s17] =	ssyncset.done $0x0  }
0x25: {  	[sflag:s17] =	ssyncadd.s32 $0xFFFFFE78  }
0x26: {  	[tilespmem:s21], [sflag:$0x2] =	stream.indirect.gather [hbm4b:s1+s15], $0x80, s20, s15, $0xb8;
	[tilespmem:$0x19000] =	vst v63  }
0x27: {  	_ =	swait.ge [sflag:s22], $0xC400  }
0x28: {  	[sflag:s22] =	ssyncset.done $0x0  }
0x29: {  	s28 =	sadd.s32 $0xFFFFE780, s11;
	[sflag:s22] =	ssyncadd.s32 $0xFFFF3C00  }
0x2a: {  	[hbm4b:s28+s4] =	stream.linear.scatter [tilespmem:s18], [sflag:$0x3], $0xC400, $0x38;
	[tilespmem:$0x19000] =	vst v63  }
0x2b: {  	_ =	swait.ge [sflag:s23], $0xC400  }
0x2c: {  	s28 =	sshrl.u32 s13, $0x3;
	[sflag:s23] =	ssyncset.done $0x0  }
0x2d: {  	s28 =	sadd.s32 s5, s28;
	[sflag:s23] =	ssyncadd.s32 $0xFFFF3C00  }
0x2e: {  	[tilespmem:s4], [sflag:$0x6] =	stream.linear.gather [hbm4b:s28+s4], $0x188, $0x38;
	[tilespmem:$0x19000] =	vst v63  }
0x2f: {  	_ =	swait.ge [sflag:s14], $0x188  }
0x30: {  	[sflag:s14] =	ssyncset.done $0x0  }
0x31: {  	[sflag:s14] =	ssyncadd.s32 $0xFFFFFE78  }
0x32: {  	[tilespmem:s16], [sflag:$0x5] =	stream.indirect.gather [hbm4b:s3+s15], $0x1, s4, s15, $0xb8;
	[tilespmem:$0x19000] =	vst v63  }
0x33: {  	_ =	swait.ge [sflag:s17], $0x188  }
0x34: {  	[sflag:s17] =	ssyncset.done $0x0  }
0x35: {  	[sflag:s17] =	ssyncadd.s32 $0xFFFFFE78  }
0x36: {  	[tilespmem:s18], [sflag:$0x1] =	stream.indirect.gather [hbm4b:s1+s15], $0x80, s16, s15, $0xb8;
	[tilespmem:$0x19000] =	vst v63  }
0x37: {  	_ =	swait.ge [sflag:s24], $0xC400  }
0x38: {  	[sflag:s24] =	ssyncset.done $0x0  }
0x39: {  	[sflag:s24] =	ssyncadd.s32 $0xFFFF3C00  }
0x3a: {  	[hbm4b:s11+s4] =	stream.linear.scatter [tilespmem:s21], [sflag:$0x4], $0xC400, $0x38;
	[tilespmem:$0x19000] =	vst v63  }
0x3b: {  	_ =	swait.ge [sflag:s25], $0xC400  }
0x3c: {  	[sflag:s25] =	ssyncset.done $0x0  }
0x3d: {  	s28 =	sadd.s32 $0x0, s12;
	[sflag:s25] =	ssyncadd.s32 $0xFFFF3C00  }
0x3e: {  	[tilespmem:s19], [sflag:$0x6] =	stream.linear.gather [hbm4b:s28+s4], $0x188, $0x38;
	[tilespmem:$0x19000] =	vst v63  }
0x3f: {  	_ =	swait.ge [sflag:s14], $0x188  }
0x40: {  	[sflag:s14] =	ssyncset.done $0x0  }
0x41: {  	[sflag:s14] =	ssyncadd.s32 $0xFFFFFE78  }
0x42: {  	[tilespmem:s20], [sflag:$0x5] =	stream.indirect.gather [hbm4b:s3+s15], $0x1, s19, s15, $0xb8;
	[tilespmem:$0x19000] =	vst v63  }
0x43: {  	_ =	swait.ge [sflag:s17], $0x188  }
0x44: {  	s29 =	sadd.s32 $0x3100, s11;
	[sflag:s17] =	ssyncset.done $0x0  }
0x45: {  	s30 =	sadd.s32 $0x310, s13;
	s28 =	simm.s32 $0x62;
	[sflag:s17] =	ssyncadd.s32 $0xFFFFFE78  }
.LBB2_2:
0x46: {  	[tilespmem:s21], [sflag:$0x2] =	stream.indirect.gather [hbm4b:s1+s15], $0x80, s20, s15, $0xb8;
	[tilespmem:$0x19000] =	vst v63  }
0x47: {  	s31 =	smov.u32 s28  }
0x48: {  	p0 =	sne.s32 s28, $0x126;
	s28 =	sadd.s32 $0x62, s28;
	_ =	swait.ge [sflag:s22], $0xC400  }
0x49: {  	[sflag:s22] =	ssyncset.done $0x0  }
0x4a: {  	s0 =	sadd.s32 $0xFFFFE780, s29;
	[sflag:s22] =	ssyncadd.s32 $0xFFFF3C00  }
0x4b: {  	[hbm4b:s0+s4] =	stream.linear.scatter [tilespmem:s18], [sflag:$0x3], $0xC400, $0x38;
	[tilespmem:$0x19000] =	vst v63  }
0x4c: {  	_ =	swait.ge [sflag:s23], $0xC400  }
0x4d: {  	s0 =	sshrl.u32 s30, $0x3;
	[sflag:s23] =	ssyncset.done $0x0  }
0x4e: {  	s0 =	sadd.s32 s5, s0;
	[sflag:s23] =	ssyncadd.s32 $0xFFFF3C00  }
0x4f: {  	[tilespmem:s4], [sflag:$0x6] =	stream.linear.gather [hbm4b:s0+s4], $0x188, $0x38;
	[tilespmem:$0x19000] =	vst v63  }
0x50: {  	_ =	swait.ge [sflag:s14], $0x188  }
0x51: {  	[sflag:s14] =	ssyncset.done $0x0  }
0x52: {  	[sflag:s14] =	ssyncadd.s32 $0xFFFFFE78  }
0x53: {  	[tilespmem:s16], [sflag:$0x5] =	stream.indirect.gather [hbm4b:s3+s15], $0x1, s4, s15, $0xb8;
	[tilespmem:$0x19000] =	vst v63  }
0x54: {  	_ =	swait.ge [sflag:s17], $0x188  }
0x55: {  	[sflag:s17] =	ssyncset.done $0x0  }
0x56: {  	[sflag:s17] =	ssyncadd.s32 $0xFFFFFE78  }
0x57: {  	[tilespmem:s18], [sflag:$0x1] =	stream.indirect.gather [hbm4b:s1+s15], $0x80, s16, s15, $0xb8;
	[tilespmem:$0x19000] =	vst v63  }
0x58: {  	_ =	swait.ge [sflag:s24], $0xC400  }
0x59: {  	[sflag:s24] =	ssyncset.done $0x0  }
0x5a: {  	[sflag:s24] =	ssyncadd.s32 $0xFFFF3C00  }
0x5b: {  	[hbm4b:s29+s4] =	stream.linear.scatter [tilespmem:s21], [sflag:$0x4], $0xC400, $0x38;
	[tilespmem:$0x19000] =	vst v63  }
0x5c: {  	_ =	swait.ge [sflag:s25], $0xC400  }
0x5d: {  	[sflag:s25] =	ssyncset.done $0x0  }
0x5e: {  	s0 =	sadd.s32 s31, s12;
	[sflag:s25] =	ssyncadd.s32 $0xFFFF3C00  }
0x5f: {  	[tilespmem:s19], [sflag:$0x6] =	stream.linear.gather [hbm4b:s0+s4], $0x188, $0x38;
	[tilespmem:$0x19000] =	vst v63  }
0x60: {  	_ =	swait.ge [sflag:s14], $0x188  }
0x61: {  	[sflag:s14] =	ssyncset.done $0x0  }
.Ltmp0:
0x62: {  	[sflag:s14] =	ssyncadd.s32 $0xFFFFFE78;
	(pc) =	sbr.rel @p0 .LBB2_2-.Ltmp0, $4  }
0x63: {  	[tilespmem:s20], [sflag:$0x5] =	stream.indirect.gather [hbm4b:s3+s15], $0x1, s19, s15, $0xb8;
	[tilespmem:$0x19000] =	vst v63  }
0x64: {  	_ =	swait.ge [sflag:s17], $0x188  }
0x65: {  	[sflag:s17] =	ssyncset.done $0x0  }
0x66: {  	s30 =	sadd.s32 $0x310, s30;
	s29 =	sadd.s32 $0x3100, s29;
	[sflag:s17] =	ssyncadd.s32 $0xFFFFFE78  }
0x67: {  	[tilespmem:s21], [sflag:$0x2] =	stream.indirect.gather [hbm4b:s1+s15], $0x80, s20, s15, $0xb8;
	[tilespmem:$0x19000] =	vst v63  }
0x68: {  	_ =	swait.ge [sflag:s22], $0xC400  }
0x69: {  	[sflag:s22] =	ssyncset.done $0x0  }
0x6a: {  	[sflag:s22] =	ssyncadd.s32 $0xFFFF3C00  }
0x6b: {  	[hbm4b:s9+s4] =	stream.linear.scatter [tilespmem:s18], [sflag:$0x3], $0xC400, $0x38;
	[tilespmem:$0x19000] =	vst v63  }
0x6c: {  	_ =	swait.ge [sflag:s24], $0xC400  }
0x6d: {  	[sflag:s24] =	ssyncset.done $0x0  }
0x6e: {  	s26 =	sadd.s32 $0x1, s26;
	[sflag:s24] =	ssyncadd.s32 $0xFFFF3C00  }
0x6f: {  	[hbm4b:s10+s4] =	stream.linear.scatter [tilespmem:s21], [sflag:$0x4], $0xC400, $0x38;
	[tilespmem:$0x19000] =	vst v63  }
0x70: {  	p0 =	sne.s32 s26, s8;
	_ =	swait.ge [sflag:s23], $0xC400  }
.Ltmp1:
0x71: {  	[sflag:s23] =	ssyncset.done $0x0;
	(pc) =	sbr.rel @p0 .LBB2_1-.Ltmp1, $4  }
0x72: {  	[sflag:s23] =	ssyncadd.s32 $0xFFFF3C00  }
0x73: {  	_ =	swait.ge [sflag:s25], $0xC400  }
0x74: {  	[sflag:s25] =	ssyncset.done $0x0  }
0x75: {  	[sflag:s25] =	ssyncadd.s32 $0xFFFF3C00  }
0x76: {  	_ =	sfence.sel $0x180000  }
0x77: {  	[bflag:$0x0] =	sbarrier.arrive $0xFFFF  }
0x78: {  	_ =	strace $0x9000004A  }
0x79: {  	[bflag:$0x2] =	sbarrier.arrive $0xFFFF  }
0x7a: {  	p0 =	sne.s32 s2, $0x0;
	s0 =	rddreg [dreg:$0x3]  }
0x7b: {  	s0 =	sadd.s32 @!p0 $0x100000, s0  }
0x7c: {  	[sflag:s0] =	ssyncadd.tile.s32 @!p0 $0x1;
	_ =	shalt  }
.Lfunc_end2:
_tile_overlayer_lowered:
.L_overlay_start_2:
0x7d: {  	(tag) =	ssettag $0x2  }
0x7e: {  	s0 =	rddreg [dreg:$0x0];
	s2 =	stileid.u32  }
0x7f: {  	s1 =	rddreg [dreg:$0x1];
	p0 =	sne.s32 s2, $0x0  }
0x80: {  	s3 =	rddreg [dreg:$0x2];
	[bflag:$0x3] =	sbarrier.arrive $0xFFFF;
	s2 =	simm.s32 @!p0 $0x1C06  }
0x81: {  	[timem:s3], [sflag:s2] =	dma.local @!p0 [hbm:s0], s1  }
0x82: {  	s0 =	simm.s32 @!p0 $0x6  }
0x83: {  	_ =	swait.ge @!p0 [sflag:s0], s1  }
0x84: {  	s1 =	ssub.s32 @!p0 $0x0, s1;
	[sflag:s0] =	ssyncset.done @!p0 $0x0  }
0x85: {  	[sflag:s0] =	ssyncadd.s32 @!p0 s1  }
0x86: {  	[bflag:$0x3] =	sbarrier.arrive $0xFFFF  }
0x87: {  	_ =	shalt  }

// kernel: kernel.9.cloned.1.call-start
scs
__scs_entry_jumppad:
0x0: {  	(pc) =	sbr.rel $0x88, $3  }
0x1: {  	(tag) =	ssettag $0x0;
	lr =	simm.s32 $0x1  }
0x2: {  	[smem:$0x3F9C] =	sst lr;
	_ =	strace $0xD0000000  }
0x3: {  	_ = 	snop  }
0x4: {  	_ = 	snop  }
0x5: {  	_ = 	snop  }
0x6: {  	_ = 	snop  }
0x7: {  	_ = 	snop  }
__scs_overlays_trampoline_lowered:
0x8: {  	[smem:$0x3FAB] =	sst s0  }
0x9: {  	[smem:$0x3FAC] =	sst s1  }
0xa: {  	[smem:$0x3FAD] =	sst s2  }
0xb: {  	[smem:$0x3FAE] =	sst s3  }
0xc: {  	[smem:$0x3FAF] =	sst s4  }
0xd: {  	[smem:$0x3FB0] =	sst s5  }
0xe: {  	[smem:$0x3FB1] =	sst s6  }
0xf: {  	[smem:$0x3FB2] =	sst s7  }
0x10: {  	[smem:$0x3FB3] =	sst s8  }
0x11: {  	[smem:$0x3FB4] =	sst s9;
	s0 =	simm.s32 @!p0 $0x0  }
0x12: {  	s1 =	sld [smem:$0x3F9A];
	s0 =	simm.s32 @p0 $0x1  }
0x13: {  	[smem:$0x3FB5] =	sst s0;
	s0 =	simm.s32 @!p1 $0x0  }
0x14: {  	s2 =	sld [smem:$0x3F99];
	s0 =	simm.s32 @p1 $0x1  }
0x15: {  	[smem:$0x3FB6] =	sst s0;
	s0 =	simm.s32 @!p2 $0x0  }
0x16: {  	s3 =	sld [smem:$0x3FDB];
	s0 =	simm.s32 @p2 $0x1  }
0x17: {  	s4 =	simm.s32 $0x1BF5;
	[smem:$0x3FB8] =	sst s0  }
0x18: {  	s0 =	sld [smem:$0x3F9B];
	_ =	swait.ge [sflag:s4], $0x0  }
0x19: {  	s7 =	sld [smem:$0x3F9C]  }
0x1a: {  	s8 =	sadd.s32 $0xFFFFE003, lr  }
0x1b: {  	s9 =	sadd.s32 $0xFFFFFEF7, lr;
	s5 =	simm.s32 $0xFFFFFFFF;
	p2 =	slt.u32 s8, $0xFFFFF086  }
0x1c: {  	p1 =	slt.u32 s9, $0xF7A;
	s5 =	simm.s32 @!p2 $0x0  }
0x1d: {  	s5 =	simm.s32 @p1 $0x1;
	p0 =	seq.s32 s7, s2  }
0x1e: {  	s7 =	smul.u32 @!p0 $0xF7A, s2;
	p2 =	seq.s32 @!p0 s5, $0x0  }
0x1f: {  	s9 =	smul.u32 $0xF7A, s1;
	s8 =	simm.s32 @!p0 $0x1BF5;
	p2 =	por !p2, p0  }
0x20: {  	[sflag:s8] =	ssyncset.s32 @!p0 $0xFFFFF086;
	s6 =	sadd.s32 @!p0 s3, s7;
	s7 =	simm.s32 @!p0 $0x108  }
0x21: {  	s3 =	sadd.s32 s3, s9;
	s6 =	sadd.s32 @!p0 $0x88, s6;
	s7 =	simm.s32 @p2 $0x1082  }
0x22: {  	[simem:s7], [sflag:s8] =	dma.local @!p0 [hbm:s6], $0xF7A  }
0x23: {  	s9 =	sor.u32 $0xD0000000, s2;
	s6 =	simm.s32 $0x108;
	_ =	swait.ge @!p0 [sflag:s8], $0x0  }
0x24: {  	s3 =	sadd.s32 $0x88, s3;
	s6 =	simm.s32 @!p1 $0x1082;
	[sflag:s4] =	ssyncset.s32 $0xFFFFF086  }
0x25: {  	[simem:s6], [sflag:s4] =	dma.local [hbm:s3], $0xF7A  }
0x26: {  	[smem:$0x3F9C] =	sst s1;
	(tag) =	ssettag s2;
	_ =	strace s9  }
0x27: {  	s1 =	sld [smem:$0x3FAC]  }
0x28: {  	s2 =	sld [smem:$0x3FAD]  }
0x29: {  	s4 =	sld [smem:$0x3FAF]  }
0x2a: {  	p0 =	seq.s32 s5, $0x0;
	s5 =	sld [smem:$0x3FB0]  }
0x2b: {  	s6 =	sld [smem:$0x3FB1]  }
0x2c: {  	s7 =	sld [smem:$0x3FB2]  }
0x2d: {  	s3 =	simm.s32 $0x108;
	s8 =	sld [smem:$0x3FB3]  }
0x2e: {  	s3 =	simm.s32 @!p0 $0x1082;
	s9 =	sld [smem:$0x3FB4]  }
0x2f: {  	lr =	sadd.s32 s0, s3;
	s0 =	sld [smem:$0x3FAB]  }
0x30: {  	s3 =	sld [smem:$0x3FAE]  }
0x31: {  	[smem:$0x3FB7] =	sst s10  }
0x32: {  	s10 =	sld [smem:$0x3FB5];
	_ =	sdelay $0x3  }
0x33: {  	p0 =	seq.s32 s10, $0x1;
	s10 =	sld [smem:$0x3FB7];
	_ =	sdelay $0x3  }
0x34: {  	[smem:$0x3FB7] =	sst s10  }
0x35: {  	s10 =	sld [smem:$0x3FB6];
	_ =	sdelay $0x3  }
0x36: {  	p1 =	seq.s32 s10, $0x1;
	s10 =	sld [smem:$0x3FB7];
	_ =	sdelay $0x3  }
0x37: {  	[smem:$0x3FB7] =	sst s10  }
0x38: {  	s10 =	sld [smem:$0x3FB8]  }
0x39: {  	_ = 	snop;
	(pc) =	sbr.ind lr, $3  }
0x3a: {  	_ = 	snop  }
0x3b: {  	_ = 	snop  }
0x3c: {  	p2 =	seq.s32 s10, $0x1;
	s10 =	sld [smem:$0x3FB7]  }
0x3d: {  	_ =	shalt  }
0x3e: {  	_ =	shalt  }
0x3f: {  	_ =	shalt  }
0x40: {  	_ =	shalt  }
0x41: {  	_ =	shalt  }
0x42: {  	_ =	shalt  }
0x43: {  	_ =	shalt  }
0x44: {  	_ =	shalt  }
0x45: {  	_ =	shalt  }
0x46: {  	_ =	shalt  }
0x47: {  	_ =	shalt  }
0x48: {  	_ =	shalt  }
0x49: {  	_ =	shalt  }
0x4a: {  	_ =	shalt  }
0x4b: {  	_ =	shalt  }
0x4c: {  	_ =	shalt  }
0x4d: {  	_ =	shalt  }
0x4e: {  	_ =	shalt  }
0x4f: {  	_ =	shalt  }
0x50: {  	_ =	shalt  }
0x51: {  	_ =	shalt  }
0x52: {  	_ =	shalt  }
0x53: {  	_ =	shalt  }
0x54: {  	_ =	shalt  }
0x55: {  	_ =	shalt  }
0x56: {  	_ =	shalt  }
0x57: {  	_ =	shalt  }
0x58: {  	_ =	shalt  }
0x59: {  	_ =	shalt  }
0x5a: {  	_ =	shalt  }
0x5b: {  	_ =	shalt  }
0x5c: {  	_ =	shalt  }
0x5d: {  	_ =	shalt  }
0x5e: {  	_ =	shalt  }
0x5f: {  	_ =	shalt  }
0x60: {  	_ =	shalt  }
0x61: {  	_ =	shalt  }
0x62: {  	_ =	shalt  }
0x63: {  	_ =	shalt  }
0x64: {  	_ =	shalt  }
0x65: {  	_ =	shalt  }
0x66: {  	_ =	shalt  }
0x67: {  	_ =	shalt  }
0x68: {  	_ =	shalt  }
0x69: {  	_ =	shalt  }
0x6a: {  	_ =	shalt  }
0x6b: {  	_ =	shalt  }
0x6c: {  	_ =	shalt  }
0x6d: {  	_ =	shalt  }
0x6e: {  	_ =	shalt  }
0x6f: {  	_ =	shalt  }
0x70: {  	_ =	shalt  }
0x71: {  	_ =	shalt  }
0x72: {  	_ =	shalt  }
0x73: {  	_ =	shalt  }
0x74: {  	_ =	shalt  }
0x75: {  	_ =	shalt  }
0x76: {  	_ =	shalt  }
0x77: {  	_ =	shalt  }
0x78: {  	_ =	shalt  }
0x79: {  	_ =	shalt  }
0x7a: {  	_ =	shalt  }
0x7b: {  	_ =	shalt  }
0x7c: {  	_ =	shalt  }
0x7d: {  	_ =	shalt  }
0x7e: {  	_ =	shalt  }
0x7f: {  	_ =	shalt  }
0x80: {  	_ =	shalt  }
0x81: {  	_ =	shalt  }
0x82: {  	_ =	shalt  }
0x83: {  	_ =	shalt  }
0x84: {  	_ =	shalt  }
0x85: {  	_ =	shalt  }
0x86: {  	_ =	shalt  }
0x87: {  	_ =	shalt  }
.Lfunc_end0:
.L_simem_size_0:
called_computation.1_lowered:
.L_overlay_start_0:
0x88: {  	s2 =	sld [smem:$0x3FD9]  }
0x89: {  	s3 =	sld [smem:$0x3FFE];
	_ =	sdelay $0x1  }
0x8a: {  	s1 =	srdreg.scid  }
0x8b: {  	s0 =	sand.u32 $0x1, s1  }
0x8c: {  	s17 =	sshll.u32 s0, $0xA;
	s2 =	sadd.s32 s3, s2  }
0x8d: {  	s2 =	sadd.s32 s2, s17  }
0x8e: {  	[smem:$0x3FC3] =	sst s2  }
0x8f: {  	_ = 	snop  }
0x90: {  	s2 =	sld [smem:$0x3FC8]  }
0x91: {  	s18 =	sld [smem:$0x3FD0];
	(tm) =	ssettm $0x1  }
0x92: {  	s4 =	sld [smem:$0x3FFB];
	_ =	sdelay $0x3  }
0x93: {  	_ =	strace s4  }
0x94: {  	s4 =	sld [smem:$0x3FFC];
	_ =	sdelay $0x3  }
0x95: {  	_ =	strace s4  }
0x96: {  	s4 =	sld [smem:$0x3FFD];
	_ =	sdelay $0x3  }
0x97: {  	_ =	strace s4  }
0x98: {  	_ =	strace $0x8FFFFFFF  }
0x99: {  	s19 =	sld [smem:$0x3FDB];
	_ =	sdelay $0x1  }
0x9a: {  	s5 =	simm.s32 $_scs_section_size  }
0x9b: {  	s6 =	simm.s32 $_size__tile_overlayer_lowered;
	s7 =	simm.s32 $_tile_overlayer_lowered  }
0x9c: {  	s22 =	simm.s32 $0x1BFF;
	s21 =	sshll.u32 s7, $0x1;
	s4 =	sadd.s32 s5, s19  }
0x9d: {  	s8 =	simm.s32 $0x0;
	s20 =	sshll.u32 s6, $0x1;
	s6 =	sadd.s32 s21, s4  }
0x9e: {  	[timem:s8], [sflag:s22] =	dma.local [hbm:s6], s20  }
0x9f: {  	_ =	swait.ge [sflag:s22], s20  }
0xa0: {  	s5 =	ssub.s32 $0x0, s20;
	[sflag:s22] =	ssyncset.done $0x0  }
0xa1: {  	[sflag:s22] =	ssyncadd.s32 s5;
	_ =	sdelay $0x1  }
0xa2: {  	s23 =	simm.s32 $0x1B8B  }
0xa3: {  	_ =	swait.ge [sflag:s23], $0x1  }
0xa4: {  	[sflag:s23] =	ssyncset.done $0x0  }
0xa5: {  	s25 =	simm.s32 $0x1B8E;
	s24 =	sld [smem:$0x3FFE];
	[sflag:s23] =	ssyncadd.s32 $0xFFFFFFFF  }
0xa6: {  	s26 =	simm.s32 $execute0_lowered;
	[smem:$0x3FD2] =	sst s25  }
0xa7: {  	s6 =	sshll.u32 s26, $0x1;
	_ =	strace $0x80000046;
	[dreg:$0x1] =	wrdreg $0xFFFFFFFF  }
0xa8: {  	s28 =	simm.s32 $_size_execute0_lowered;
	s4 =	sadd.s32 s4, s6;
	[dreg:$0x0] =	wrdreg $0x0  }
0xa9: {  	s6 =	sshll.u32 s28, $0x1;
	[dreg:$0x2] =	wrdreg s4  }
0xaa: {  	[dreg:$0x3] =	wrdreg s6  }
0xab: {  	[dreg:$0x4] =	wrdreg $0xC0  }
0xac: {  	_ =	task [dreg:s8], $0x5FFFF  }
0xad: {  	[dreg:$0x1] =	wrdreg $0xFFFFFFFF  }
0xae: {  	[dreg:$0x0] =	wrdreg $0x60  }
0xaf: {  	[dreg:$0x2] =	wrdreg s2  }
0xb0: {  	[dreg:$0x3] =	wrdreg s18  }
0xb1: {  	[dreg:$0x4] =	wrdreg s24  }
0xb2: {  	[dreg:$0x5] =	wrdreg $0xA  }
0xb3: {  	_ =	task.clear_ibuf [dreg:s8], $0x6FFFF;
	_ =	strace $0x90000046  }
0xb4: {  	s29 =	simm.s32 $0xA;
	_ =	strace $0x80000048  }
0xb5: {  	_ =	swait.ge [sflag:s29], $0x1  }
0xb6: {  	[sflag:s29] =	ssyncadd.s32 $0xFFFFFFFF  }
0xb7: {  	_ =	strace $0x90000048  }
0xb8: {  	_ =	sfence  }
0xb9: {  	s30 =	sld [smem:$0x0];
	_ =	sdelay $0x2  }
0xba: {  	s31 =	sshll.u32 s1, $0xD;
	s1 =	sshrl.u32 s1, $0x2  }
0xbb: {  	s3 =	sand.u32 $0x4000, s31;
	s1 =	sadd.s32 s1, s30  }
0xbc: {  	s0 =	sor.u32 s3, s0;
	s1 =	sshll.u32 s1, $0x11  }
0xbd: {  	s0 =	sor.u32 s1, s0  }
0xbe: {  	s0 =	sadd.s32 $0x8F2B, s0  }
0xbf: {  	[sflag:s0] =	ssyncadd.remote.s32 $0x1  }
0xc0: {  	_ =	sfence.sel $0xFFFF  }
0xc1: {  	[dreg:$0x0] =	wrdreg $0xFFFFFFFF;
	(pc) =	sbr.abs _section_cstart, $3  }
0xc2: {  	[dreg:$0x1] =	wrdreg $0xFFFFFFFF  }
0xc3: {  	_ =	task.clear_ibuf [dreg:s8], $0x2FFFF;
	_ =	strace $0x9FFFFFFF  }
0xc4: {  	(tm) =	ssettm $0x7FFFFFFF  }
0xc5: {  	_ =	shalt  }
tec
execute0_lowered:
.L_overlay_start_1:
0x0: {  	(tag) =	ssettag $0x1  }
0x1: {  	s1 =	rddreg [dreg:$0x0]  }
0x2: {  	s3 =	rddreg [dreg:$0x1]  }
0x3: {  	s6 =	rddreg [dreg:$0x2];
	s5 =	srdreg.scid  }
0x4: {  	s2 =	stileid.u32;
	s4 =	simm.s32 $0x0;
	s16 =	simm.s32 $0x400  }
0x5: {  	s17 =	simm.s32 $0x5;
	s18 =	simm.s32 $0x800;
	s19 =	simm.s32 $0x200  }
0x6: {  	s20 =	simm.s32 $0x600;
	s21 =	simm.s32 $0xCC00;
	s22 =	simm.s32 $0x1  }
0x7: {  	s23 =	simm.s32 $0x3;
	s9 =	sand.u32 $0x1, s5;
	s25 =	smul.u32 $0x1EA00, s2  }
0x8: {  	s24 =	sshll.u32 s2, $0x1;
	[smem:$0x7FF] =	sst s4;
	s29 =	smul.u32 $0x1EA0, s2  }
0x9: {  	s5 =	sadd.s32 $0x1400, s6;
	s13 =	sadd.s32 $0x5200, s6;
	s14 =	smul.u32 $0xF50, s9  }
0xa: {  	s7 =	sor.u32 s9, s24;
	s8 =	ssub.s32 $0x2, s9;
	s15 =	smul.u32 $0xF500, s9  }
0xb: {  	_ =	strace $0x80000047;
	s10 =	smul.u32 $0xF50, s7;
	s11 =	sshrl.u32 s8, $0x1  }
0xc: {  	s24 =	simm.s32 $0x2;
	s12 =	smul.u32 $0xF500, s7;
	s8 =	ssub.s32 s8, s11  }
0xd: {  	s11 =	sadd.s32 s25, s13;
	s30 =	sadd.s32 s14, s29;
	s25 =	simm.s32 $0x4  }
0xe: {  	s26 =	sshrl.u32 s10, $0x3;
	s28 =	sadd.s32 $0x188, s10;
	s8 =	smax.u32 s8, $0x1  }
0xf: {  	s12 =	sadd.s32 s13, s12;
	s11 =	sadd.s32 s15, s11;
	s14 =	sadd.s32 $0x498, s30  }
0x10: {  	s13 =	sadd.s32 $0x310, s30;
	s15 =	simm.s32 $0x188;
	s6 =	sadd.s32 s5, s26  }
0x11: {  	s7 =	sshrl.u32 s28, $0x3;
	s9 =	sadd.s32 $0xC400, s12;
	s10 =	sadd.s32 $0xDC80, s12  }
0x12: {  	s11 =	sadd.s32 $0x1880, s11;
	s31 =	sshrl.u32 s14, $0x3;
	s14 =	simm.s32 $0x6  }
0x13: {  	s26 =	simm.s32 $0x0;
	s7 =	sadd.s32 s5, s7;
	s12 =	sadd.s32 s31, s5  }
.LBB2_1:
0x14: {  	[tilespmem:s4], [sflag:$0x6] =	stream.linear.gather [hbm4b:s6+s4], $0x188, $0x38;
	[tilespmem:$0x19000] =	vst v63  }
0x15: {  	_ =	swait.ge [sflag:s14], $0x188  }
0x16: {  	[sflag:s14] =	ssyncset.done $0x0  }
0x17: {  	[sflag:s14] =	ssyncadd.s32 $0xFFFFFE78  }
0x18: {  	[tilespmem:s16], [sflag:$0x5] =	stream.indirect.gather [hbm4b:s3+s15], $0x1, s4, s15, $0xb8;
	[tilespmem:$0x19000] =	vst v63  }
0x19: {  	_ =	swait.ge [sflag:s17], $0x188  }
0x1a: {  	[sflag:s17] =	ssyncset.done $0x0  }
0x1b: {  	[sflag:s17] =	ssyncadd.s32 $0xFFFFFE78  }
0x1c: {  	[tilespmem:s18], [sflag:$0x1] =	stream.indirect.gather [hbm4b:s1+s15], $0x80, s16, s15, $0xb8;
	[tilespmem:$0x19000] =	vst v63  }
0x1d: {  	_ = 	snop  }
0x1e: {  	[tilespmem:s19], [sflag:$0x6] =	stream.linear.gather [hbm4b:s7+s4], $0x188, $0x38;
	[tilespmem:$0x19000] =	vst v63  }
0x1f: {  	_ =	swait.ge [sflag:s14], $0x188  }
0x20: {  	[sflag:s14] =	ssyncset.done $0x0  }
0x21: {  	[sflag:s14] =	ssyncadd.s32 $0xFFFFFE78  }
0x22: {  	[tilespmem:s20], [sflag:$0x5] =	stream.indirect.gather [hbm4b:s3+s15], $0x1, s19, s15, $0xb8;
	[tilespmem:$0x19000] =	vst v63  }
0x23: {  	_ =	swait.ge [sflag:s17], $0x188  }
0x24: {  	[sflag:s17] =	ssyncset.done $0x0  }
0x25: {  	[sflag:s17] =	ssyncadd.s32 $0xFFFFFE78  }
0x26: {  	[tilespmem:s21], [sflag:$0x2] =	stream.indirect.gather [hbm4b:s1+s15], $0x80, s20, s15, $0xb8;
	[tilespmem:$0x19000] =	vst v63  }
0x27: {  	_ =	swait.ge [sflag:s22], $0xC400  }
0x28: {  	[sflag:s22] =	ssyncset.done $0x0  }
0x29: {  	s28 =	sadd.s32 $0xFFFFE780, s11;
	[sflag:s22] =	ssyncadd.s32 $0xFFFF3C00  }
0x2a: {  	[hbm4b:s28+s4] =	stream.linear.scatter [tilespmem:s18], [sflag:$0x3], $0xC400, $0x38;
	[tilespmem:$0x19000] =	vst v63  }
0x2b: {  	_ =	swait.ge [sflag:s23], $0xC400  }
0x2c: {  	s28 =	sshrl.u32 s13, $0x3;
	[sflag:s23] =	ssyncset.done $0x0  }
0x2d: {  	s28 =	sadd.s32 s5, s28;
	[sflag:s23] =	ssyncadd.s32 $0xFFFF3C00  }
0x2e: {  	[tilespmem:s4], [sflag:$0x6] =	stream.linear.gather [hbm4b:s28+s4], $0x188, $0x38;
	[tilespmem:$0x19000] =	vst v63  }
0x2f: {  	_ =	swait.ge [sflag:s14], $0x188  }
0x30: {  	[sflag:s14] =	ssyncset.done $0x0  }
0x31: {  	[sflag:s14] =	ssyncadd.s32 $0xFFFFFE78  }
0x32: {  	[tilespmem:s16], [sflag:$0x5] =	stream.indirect.gather [hbm4b:s3+s15], $0x1, s4, s15, $0xb8;
	[tilespmem:$0x19000] =	vst v63  }
0x33: {  	_ =	swait.ge [sflag:s17], $0x188  }
0x34: {  	[sflag:s17] =	ssyncset.done $0x0  }
0x35: {  	[sflag:s17] =	ssyncadd.s32 $0xFFFFFE78  }
0x36: {  	[tilespmem:s18], [sflag:$0x1] =	stream.indirect.gather [hbm4b:s1+s15], $0x80, s16, s15, $0xb8;
	[tilespmem:$0x19000] =	vst v63  }
0x37: {  	_ =	swait.ge [sflag:s24], $0xC400  }
0x38: {  	[sflag:s24] =	ssyncset.done $0x0  }
0x39: {  	[sflag:s24] =	ssyncadd.s32 $0xFFFF3C00  }
0x3a: {  	[hbm4b:s11+s4] =	stream.linear.scatter [tilespmem:s21], [sflag:$0x4], $0xC400, $0x38;
	[tilespmem:$0x19000] =	vst v63  }
0x3b: {  	_ =	swait.ge [sflag:s25], $0xC400  }
0x3c: {  	[sflag:s25] =	ssyncset.done $0x0  }
0x3d: {  	s28 =	sadd.s32 $0x0, s12;
	[sflag:s25] =	ssyncadd.s32 $0xFFFF3C00  }
0x3e: {  	[tilespmem:s19], [sflag:$0x6] =	stream.linear.gather [hbm4b:s28+s4], $0x188, $0x38;
	[tilespmem:$0x19000] =	vst v63  }
0x3f: {  	_ =	swait.ge [sflag:s14], $0x188  }
0x40: {  	[sflag:s14] =	ssyncset.done $0x0  }
0x41: {  	[sflag:s14] =	ssyncadd.s32 $0xFFFFFE78  }
0x42: {  	[tilespmem:s20], [sflag:$0x5] =	stream.indirect.gather [hbm4b:s3+s15], $0x1, s19, s15, $0xb8;
	[tilespmem:$0x19000] =	vst v63  }
0x43: {  	_ =	swait.ge [sflag:s17], $0x188  }
0x44: {  	s29 =	sadd.s32 $0x3100, s11;
	[sflag:s17] =	ssyncset.done $0x0  }
0x45: {  	s30 =	sadd.s32 $0x310, s13;
	s28 =	simm.s32 $0x62;
	[sflag:s17] =	ssyncadd.s32 $0xFFFFFE78  }
.LBB2_2:
0x46: {  	[tilespmem:s21], [sflag:$0x2] =	stream.indirect.gather [hbm4b:s1+s15], $0x80, s20, s15, $0xb8;
	[tilespmem:$0x19000] =	vst v63  }
0x47: {  	s31 =	smov.u32 s28  }
0x48: {  	p0 =	sne.s32 s28, $0x126;
	s28 =	sadd.s32 $0x62, s28;
	_ =	swait.ge [sflag:s22], $0xC400  }
0x49: {  	[sflag:s22] =	ssyncset.done $0x0  }
0x4a: {  	s0 =	sadd.s32 $0xFFFFE780, s29;
	[sflag:s22] =	ssyncadd.s32 $0xFFFF3C00  }
0x4b: {  	[hbm4b:s0+s4] =	stream.linear.scatter [tilespmem:s18], [sflag:$0x3], $0xC400, $0x38;
	[tilespmem:$0x19000] =	vst v63  }
0x4c: {  	_ =	swait.ge [sflag:s23], $0xC400  }
0x4d: {  	s0 =	sshrl.u32 s30, $0x3;
	[sflag:s23] =	ssyncset.done $0x0  }
0x4e: {  	s0 =	sadd.s32 s5, s0;
	[sflag:s23] =	ssyncadd.s32 $0xFFFF3C00  }
0x4f: {  	[tilespmem:s4], [sflag:$0x6] =	stream.linear.gather [hbm4b:s0+s4], $0x188, $0x38;
	[tilespmem:$0x19000] =	vst v63  }
0x50: {  	_ =	swait.ge [sflag:s14], $0x188  }
0x51: {  	[sflag:s14] =	ssyncset.done $0x0  }
0x52: {  	[sflag:s14] =	ssyncadd.s32 $0xFFFFFE78  }
0x53: {  	[tilespmem:s16], [sflag:$0x5] =	stream.indirect.gather [hbm4b:s3+s15], $0x1, s4, s15, $0xb8;
	[tilespmem:$0x19000] =	vst v63  }
0x54: {  	_ =	swait.ge [sflag:s17], $0x188  }
0x55: {  	[sflag:s17] =	ssyncset.done $0x0  }
0x56: {  	[sflag:s17] =	ssyncadd.s32 $0xFFFFFE78  }
0x57: {  	[tilespmem:s18], [sflag:$0x1] =	stream.indirect.gather [hbm4b:s1+s15], $0x80, s16, s15, $0xb8;
	[tilespmem:$0x19000] =	vst v63  }
0x58: {  	_ =	swait.ge [sflag:s24], $0xC400  }
0x59: {  	[sflag:s24] =	ssyncset.done $0x0  }
0x5a: {  	[sflag:s24] =	ssyncadd.s32 $0xFFFF3C00  }
0x5b: {  	[hbm4b:s29+s4] =	stream.linear.scatter [tilespmem:s21], [sflag:$0x4], $0xC400, $0x38;
	[tilespmem:$0x19000] =	vst v63  }
0x5c: {  	_ =	swait.ge [sflag:s25], $0xC400  }
0x5d: {  	[sflag:s25] =	ssyncset.done $0x0  }
0x5e: {  	s0 =	sadd.s32 s31, s12;
	[sflag:s25] =	ssyncadd.s32 $0xFFFF3C00  }
0x5f: {  	[tilespmem:s19], [sflag:$0x6] =	stream.linear.gather [hbm4b:s0+s4], $0x188, $0x38;
	[tilespmem:$0x19000] =	vst v63  }
0x60: {  	_ =	swait.ge [sflag:s14], $0x188  }
0x61: {  	[sflag:s14] =	ssyncset.done $0x0  }
.Ltmp0:
0x62: {  	[sflag:s14] =	ssyncadd.s32 $0xFFFFFE78;
	(pc) =	sbr.rel @p0 .LBB2_2-.Ltmp0, $4  }
0x63: {  	[tilespmem:s20], [sflag:$0x5] =	stream.indirect.gather [hbm4b:s3+s15], $0x1, s19, s15, $0xb8;
	[tilespmem:$0x19000] =	vst v63  }
0x64: {  	_ =	swait.ge [sflag:s17], $0x188  }
0x65: {  	[sflag:s17] =	ssyncset.done $0x0  }
0x66: {  	s30 =	sadd.s32 $0x310, s30;
	s29 =	sadd.s32 $0x3100, s29;
	[sflag:s17] =	ssyncadd.s32 $0xFFFFFE78  }
0x67: {  	[tilespmem:s21], [sflag:$0x2] =	stream.indirect.gather [hbm4b:s1+s15], $0x80, s20, s15, $0xb8;
	[tilespmem:$0x19000] =	vst v63  }
0x68: {  	_ =	swait.ge [sflag:s22], $0xC400  }
0x69: {  	[sflag:s22] =	ssyncset.done $0x0  }
0x6a: {  	[sflag:s22] =	ssyncadd.s32 $0xFFFF3C00  }
0x6b: {  	[hbm4b:s9+s4] =	stream.linear.scatter [tilespmem:s18], [sflag:$0x3], $0xC400, $0x38;
	[tilespmem:$0x19000] =	vst v63  }
0x6c: {  	_ =	swait.ge [sflag:s24], $0xC400  }
0x6d: {  	[sflag:s24] =	ssyncset.done $0x0  }
0x6e: {  	s26 =	sadd.s32 $0x1, s26;
	[sflag:s24] =	ssyncadd.s32 $0xFFFF3C00  }
0x6f: {  	[hbm4b:s10+s4] =	stream.linear.scatter [tilespmem:s21], [sflag:$0x4], $0xC400, $0x38;
	[tilespmem:$0x19000] =	vst v63  }
0x70: {  	p0 =	sne.s32 s26, s8;
	_ =	swait.ge [sflag:s23], $0xC400  }
.Ltmp1:
0x71: {  	[sflag:s23] =	ssyncset.done $0x0;
	(pc) =	sbr.rel @p0 .LBB2_1-.Ltmp1, $4  }
0x72: {  	[sflag:s23] =	ssyncadd.s32 $0xFFFF3C00  }
0x73: {  	_ =	swait.ge [sflag:s25], $0xC400  }
0x74: {  	[sflag:s25] =	ssyncset.done $0x0  }
0x75: {  	[sflag:s25] =	ssyncadd.s32 $0xFFFF3C00  }
0x76: {  	_ =	sfence.sel $0x180000  }
0x77: {  	[bflag:$0x0] =	sbarrier.arrive $0xFFFF  }
0x78: {  	_ =	strace $0x90000047  }
0x79: {  	[bflag:$0x2] =	sbarrier.arrive $0xFFFF  }
0x7a: {  	p0 =	sne.s32 s2, $0x0;
	s0 =	rddreg [dreg:$0x3]  }
0x7b: {  	s0 =	sadd.s32 @!p0 $0x100000, s0  }
0x7c: {  	[sflag:s0] =	ssyncadd.tile.s32 @!p0 $0x1;
	_ =	shalt  }
.Lfunc_end2:
_tile_overlayer_lowered:
.L_overlay_start_2:
0x7d: {  	(tag) =	ssettag $0x2  }
0x7e: {  	s0 =	rddreg [dreg:$0x0];
	s2 =	stileid.u32  }
0x7f: {  	s1 =	rddreg [dreg:$0x1];
	p0 =	sne.s32 s2, $0x0  }
0x80: {  	s3 =	rddreg [dreg:$0x2];
	[bflag:$0x3] =	sbarrier.arrive $0xFFFF;
	s2 =	simm.s32 @!p0 $0x1C06  }
0x81: {  	[timem:s3], [sflag:s2] =	dma.local @!p0 [hbm:s0], s1  }
0x82: {  	s0 =	simm.s32 @!p0 $0x6  }
0x83: {  	_ =	swait.ge @!p0 [sflag:s0], s1  }
0x84: {  	s1 =	ssub.s32 @!p0 $0x0, s1;
	[sflag:s0] =	ssyncset.done @!p0 $0x0  }
0x85: {  	[sflag:s0] =	ssyncadd.s32 @!p0 s1  }
0x86: {  	[bflag:$0x3] =	sbarrier.arrive $0xFFFF  }
0x87: {  	_ =	shalt  }

</sc_bundles>
